<compile_context>
chip_gen: v7x
topology: tpu7x:2x2x1
jax: 0.10.2.dev20260603
libtpu: 0.0.44.dev20260713+nightly
codegen_flags: <defaults>
</compile_context>

<pallas_src>
import jax
import jax.numpy as jnp
from jax import lax
from jax.experimental import pallas as pl
from jax.experimental.pallas import tpu as pltpu
from jax.experimental.pallas import tpu_sc as plsc

N_CUR = 10000
D = 128
DH = D // 2
NP = 320000
NC, NS = 2, 16
NW = NC * NS
CH = 128
NCHUNK = NP // CH
KB = NCHUNK // NS
EXTRA = NCHUNK - KB * NS
KMAX = KB + 1
ZR = 632
ACC_ROWS = ZR * NS
ZRP = 656
HB = 2


def _sc_body(feat_hbm, idxf_hbm, seg_hbm, out_hbm, cnt_hbm,
             idxf_v, seg_v, rows0, rows1, rows2, rows3, cnt_v, hbuf, hacc,
             acc, gs0, gs1, gs2, gs3, ss0, ss1, ss2, ss3):
    c = lax.axis_index("c")
    s = lax.axis_index("s")
    g = c * NS + s
    has_extra = s < EXTRA

    pltpu.sync_copy(idxf_hbm.at[pl.ds(s * KB, KB)], idxf_v.at[pl.ds(0, KB)])
    pltpu.sync_copy(seg_hbm.at[pl.ds(s * KB, KB)], seg_v.at[pl.ds(0, KB)])

    @pl.when(has_extra)
    def _():
        pltpu.sync_copy(idxf_hbm.at[NS * KB + s], idxf_v.at[KB])
        pltpu.sync_copy(seg_hbm.at[NS * KB + s], seg_v.at[KB])

    def xform_body(i, _):
        for d in range(CH // 16):
            v = idxf_v[i, pl.ds(d * 16, 16)]
            idxf_v[i, pl.ds(d * 16, 16)] = v * 2 + c
        return 0

    lax.fori_loop(0, KMAX, xform_body, 0)

    zero16 = jnp.zeros((16,), jnp.float32)
    ones16 = jnp.ones((16,), jnp.float32)

    def zrows_body(i, _):
        for d in range(DH // 16):
            rows0[i, pl.ds(d * 16, 16)] = zero16
        return 0

    lax.fori_loop(0, CH, zrows_body, 0)

    def zcnt_body(i, _):
        cnt_v[pl.ds(i * 16, 16)] = zero16
        return 0

    lax.fori_loop(0, ACC_ROWS // 16, zcnt_body, 0)

    base = s * ZR
    for k in range(ZR // CH):
        pltpu.sync_copy(rows0, acc.at[pl.ds(base + k * CH, CH)])
    rem = ZR % CH
    if rem:
        off = base + (ZR // CH) * CH
        pltpu.sync_copy(rows0.at[pl.ds(0, rem)], acc.at[pl.ds(off, rem)])

    plsc.subcore_barrier()

    def fire(j, buf, sem):
        pltpu.async_copy(feat_hbm.at[idxf_v.at[j]], buf, sem)

    def drain(j, buf, sem):
        pltpu.make_async_copy(feat_hbm.at[idxf_v.at[j]], buf, sem).wait()

    def fire_s(j, buf, sem):
        pltpu.async_copy(buf, acc.at[seg_v.at[j]], sem, add=True)

    def wait_s(j, buf, sem):
        pltpu.make_async_copy(buf, acc.at[seg_v.at[j]], sem).wait()

    def count(j):
        for l in range(CH // 16):
            sv = seg_v[j, pl.ds(l * 16, 16)]
            plsc.addupdate_scatter(cnt_v, [sv], ones16)

    bufs = (rows0, rows1, rows2, rows3)
    sems = (gs0, gs1, gs2, gs3)
    ssems = (ss0, ss1, ss2, ss3)
    NB = len(bufs)

    SL = 1

    def slot(j, b, do_wait=True, fire_next=True):
        drain(j, bufs[b], sems[b])
        fire_s(j, bufs[b], ssems[b])
        count(j)
        bp = (b - SL) % NB
        if do_wait:
            wait_s(j - SL, bufs[bp], ssems[bp])
        if fire_next:
            fire(j + NB - SL, bufs[bp], sems[bp])

    for b in range(NB - SL):
        fire(b, bufs[b], sems[b])
    for j in range(NB):
        slot(j, j, do_wait=(j >= SL))

    NQ_LO, NQ_HI = 1, (KB - 2 * NB + SL) // NB

    def quad_body(q, _):
        j0 = NB * q
        for b in range(NB):
            slot(j0 + b, b)
        return 0

    lax.fori_loop(NQ_LO, NQ_HI + 1, quad_body, 0)
    for j in range(NB * (NQ_HI + 1), KB):
        slot(j, j % NB, fire_next=(j + NB - SL < KB))
    for j in range(KB - SL, KB):
        wait_s(j, bufs[j % NB], ssems[j % NB])

    @pl.when(has_extra)
    def _():
        fire(KB, rows0, gs0)
        drain(KB, rows0, gs0)
        fire_s(KB, rows0, ss0)
        count(KB)
        wait_s(KB, rows0, ss0)

    pltpu.sync_copy(cnt_v, cnt_hbm.at[g])
    plsc.subcore_barrier()

    def zh_body(i, _):
        hacc[pl.ds(i * 16, 16)] = zero16
        for t in range(HB):
            hbuf[t, pl.ds(i * 16, 16)] = zero16
        return 0

    lax.fori_loop(0, ZRP // 16, zh_body, 0)

    for t4 in range(NS // HB):
        pltpu.sync_copy(
            cnt_hbm.at[pl.ds(c * NS + t4 * HB, HB), pl.ds(base, ZR)],
            hbuf.at[pl.ds(0, HB), pl.ds(0, ZR)])

        def hadd_body(i, _):
            v = hacc[pl.ds(i * 16, 16)]
            for t in range(HB):
                v = v + hbuf[t, pl.ds(i * 16, 16)]
            hacc[pl.ds(i * 16, 16)] = v
            return 0

        lax.fori_loop(0, ZRP // 16, hadd_body, 0)

    def hinv_body(i, _):
        v = hacc[pl.ds(i * 16, 16)]
        hacc[pl.ds(i * 16, 16)] = 1.0 / jnp.maximum(v, 1.0)
        return 0

    lax.fori_loop(0, ZRP // 16, hinv_body, 0)

    def do_block(r0, n):
        pltpu.sync_copy(acc.at[pl.ds(base + r0, n)], rows0.at[pl.ds(0, n)])

        def mrow(i, _):
            iv = hacc[pl.ds(r0 + i, 16)][0]
            for d in range(DH // 16):
                rows0[i, pl.ds(d * 16, 16)] = rows0[i, pl.ds(d * 16, 16)] * iv
            return 0

        lax.fori_loop(0, n, mrow, 0)

        @pl.when(c == 0)
        def _():
            pltpu.sync_copy(rows0.at[pl.ds(0, n)],
                            out_hbm.at[pl.ds(base + r0, n), pl.ds(0, DH)])

        @pl.when(c == 1)
        def _():
            pltpu.sync_copy(rows0.at[pl.ds(0, n)],
                            out_hbm.at[pl.ds(base + r0, n), pl.ds(DH, DH)])

    for k in range(ZR // CH):
        do_block(k * CH, CH)

    @pl.when(s < NS - 1)
    def _():
        do_block((ZR // CH) * CH, ZR % CH)

    @pl.when(s == NS - 1)
    def _():
        do_block((ZR // CH) * CH, N_CUR - (NS - 1) * ZR - (ZR // CH) * CH)


_sc_call = pl.kernel(
    _sc_body,
    out_type=[
        jax.ShapeDtypeStruct((N_CUR, D), jnp.float32),
        jax.ShapeDtypeStruct((NW, ACC_ROWS), jnp.float32),
    ],
    mesh=plsc.VectorSubcoreMesh(
        core_axis_name="c", subcore_axis_name="s",
        num_cores=NC, num_subcores=NS),
    compiler_params=pltpu.CompilerParams(
        use_tc_tiling_on_sc=False, needs_layout_passes=False),
    scratch_types=[
        pltpu.VMEM((KMAX, CH), jnp.int32),
        pltpu.VMEM((KMAX, CH), jnp.int32),
        pltpu.VMEM((CH, DH), jnp.float32),
        pltpu.VMEM((CH, DH), jnp.float32),
        pltpu.VMEM((CH, DH), jnp.float32),
        pltpu.VMEM((CH, DH), jnp.float32),
        pltpu.VMEM((ACC_ROWS,), jnp.float32),
        pltpu.VMEM((HB, ZRP), jnp.float32),
        pltpu.VMEM((ZRP,), jnp.float32),
        pltpu.VMEM_SHARED((ACC_ROWS, DH), jnp.float32),
        pltpu.SemaphoreType.DMA,
        pltpu.SemaphoreType.DMA,
        pltpu.SemaphoreType.DMA,
        pltpu.SemaphoreType.DMA,
        pltpu.SemaphoreType.DMA,
        pltpu.SemaphoreType.DMA,
        pltpu.SemaphoreType.DMA,
        pltpu.SemaphoreType.DMA,
    ],
)


@jax.jit
def kernel(features, coors_inv_last, coors_inv, coors):
    del coors
    feat_h = features.reshape(-1, DH)
    idxf = coors_inv_last.astype(jnp.int32).reshape(NCHUNK, CH)
    seg = coors_inv.astype(jnp.int32).reshape(NCHUNK, CH)
    out, _ = _sc_call(feat_h, idxf, seg)
    return out

# --- scband reference (transcript-rebuilt; emitter-appended) ---
"""Pipeline reference for scband-pool-56676388438709 (READ-ONLY COPY).

The authoritative reference and input builder live on the scoring server;
editing this copy changes nothing except your own understanding.
"""

import jax, jax.numpy as jnp
import numpy as np

N_LAST = 50000   # voxels at last (finer) scale
N_PTS = 320000   # points
N_CUR = 10000    # voxels at current (coarser) scale
D = 128

def setup_inputs(seed: int = 0) -> dict:
    key = jax.random.key(seed)
    k1, k2, k3, k4 = jax.random.split(key, 4)
    features = jax.random.normal(k1, (N_LAST, D), dtype=jnp.float32)
    coors_inv_last = jax.random.randint(k2, (N_PTS,), 0, N_LAST, dtype=jnp.int32)
    coors_inv = jnp.sort(jax.random.randint(k3, (N_PTS,), 0, N_CUR, dtype=jnp.int32))
    coors = jax.random.randint(k4, (N_CUR, 4), 0, 8, dtype=jnp.int32)
    return {"features": features, "coors_inv_last": coors_inv_last, "coors_inv": coors_inv, "coors": coors}

def reference(features, coors_inv_last, coors_inv, coors):
    # out.features[coors_inv_last] -> gather fine-voxel features to points
    gathered = jnp.take(features, coors_inv_last, axis=0)
    # torch_scatter.scatter_mean(gathered, coors_inv, dim=0)
    sums = jax.ops.segment_sum(gathered, coors_inv, num_segments=N_CUR)
    ones = jnp.ones((coors_inv.shape[0], 1), dtype=features.dtype)
    counts = jax.ops.segment_sum(ones, coors_inv, num_segments=N_CUR)
    v_fea = sums / jnp.clip(counts, 1.0)
    # SparseConvTensor(features=v_fea, indices=coors, ...): return pooled features
    return v_fea

if __name__ == "__main__":
    import jax
    _d = setup_inputs()
    print(jax.jit(kernel)(*tuple(_d.values())))

</pallas_src>

<mosaic_0001>
#map = affine_map<(d0, d1) -> (0, 0)>
module attributes {stable_mosaic.version = 14 : i64} {
  func.func @_sc_body(%arg0: i32, %arg1: i32, %arg2: memref<100000x64xf32, #tpu.memory_space<hbm>>, %arg3: memref<2500x128xi32, #tpu.memory_space<hbm>>, %arg4: memref<2500x128xi32, #tpu.memory_space<hbm>>, %arg5: memref<10000x128xf32, #tpu.memory_space<hbm>>, %arg6: memref<32x10112xf32, #tpu.memory_space<hbm>>, %arg7: memref<157x128xi32, #tpu.memory_space<vmem>>, %arg8: memref<157x128xi32, #tpu.memory_space<vmem>>, %arg9: memref<128x64xf32, #tpu.memory_space<vmem>>, %arg10: memref<128x64xf32, #tpu.memory_space<vmem>>, %arg11: memref<128x64xf32, #tpu.memory_space<vmem>>, %arg12: memref<128x64xf32, #tpu.memory_space<vmem>>, %arg13: memref<10112xf32, #tpu.memory_space<vmem>>, %arg14: memref<2x656xf32, #tpu.memory_space<vmem>>, %arg15: memref<656xf32, #tpu.memory_space<vmem>>, %arg16: memref<10112x64xf32, #tpu.memory_space<vmem_shared>>, %arg17: memref<!tpu.dma_semaphore, #tpu.memory_space<semaphore_mem>>, %arg18: memref<!tpu.dma_semaphore, #tpu.memory_space<semaphore_mem>>, %arg19: memref<!tpu.dma_semaphore, #tpu.memory_space<semaphore_mem>>, %arg20: memref<!tpu.dma_semaphore, #tpu.memory_space<semaphore_mem>>, %arg21: memref<!tpu.dma_semaphore, #tpu.memory_space<semaphore_mem>>, %arg22: memref<!tpu.dma_semaphore, #tpu.memory_space<semaphore_mem>>, %arg23: memref<!tpu.dma_semaphore, #tpu.memory_space<semaphore_mem>>, %arg24: memref<!tpu.dma_semaphore, #tpu.memory_space<semaphore_mem>>) attributes {dimension_semantics = [#tpu.dimension_semantics<core_parallel>, #tpu.dimension_semantics<subcore_parallel>], iteration_bounds = array<i64: 2, 16>, scalar_prefetch = 0 : i64, scratch_operands = 18 : i64, tpu.core_type = #tpu.core_type<sc_vector_subcore>, window_params = [{transform_indices = #map}, {transform_indices = #map}, {transform_indices = #map}, {transform_indices = #map}, {transform_indices = #map}]} {
    %mul3A = arith.constant 16 : i32
    %mul3A_0 = arith.muli %arg0, %mul3A : i32
    %add3A = arith.addi %mul3A_0, %arg1 : i32
    %lt3A = arith.constant 4 : i32
    %lt3A_1 = arith.cmpi slt, %arg1, %lt3A : i32
    %mul3A_2 = arith.constant 156 : i32
    %mul3A_3 = arith.muli %arg1, %mul3A_2 : i32
    "tpu.region"() ({
      %run_scoped3A = tpu.sem_alloc : memref<!tpu.dma_semaphore, #tpu.memory_space<semaphore_mem>>
      %dma_start3A_717 = arith.constant 0 : i32
      %dma_start3A_718 = arith.constant 0 : i32
      %dma_start3A_719 = tpu.memref_slice %arg7[%dma_start3A_717, %dma_start3A_718] : memref<157x128xi32, #tpu.memory_space<vmem>> -> memref<156x128xi32, #tpu.memory_space<vmem>>
      %dma_start3A_720 = arith.constant 0 : i32
      %dma_start3A_721 = tpu.memref_slice %arg3[%mul3A_3, %dma_start3A_720] : memref<2500x128xi32, #tpu.memory_space<hbm>> -> memref<156x128xi32, #tpu.memory_space<hbm>>
      %dma_start3A_722 = arith.constant 0 : i32
      %dma_start3A_723 = arith.constant 0 : i32
      %dma_start3A_724 = tpu.memref_slice %arg7[%dma_start3A_722, %dma_start3A_723] : memref<157x128xi32, #tpu.memory_space<vmem>> -> memref<156x128xi32, #tpu.memory_space<vmem>>
      %dma_start3A_725 = arith.constant 0 : i32
      %dma_start3A_726 = tpu.memref_slice %arg3[%mul3A_3, %dma_start3A_725] : memref<2500x128xi32, #tpu.memory_space<hbm>> -> memref<156x128xi32, #tpu.memory_space<hbm>>
      tpu.enqueue_dma source(%dma_start3A_726 : memref<156x128xi32, #tpu.memory_space<hbm>>) target(%dma_start3A_724 : memref<156x128xi32, #tpu.memory_space<vmem>>) target_semaphore(%run_scoped3A : memref<!tpu.dma_semaphore, #tpu.memory_space<semaphore_mem>>)
      %dma_wait3A_727 = arith.constant 0 : i32
      %dma_wait3A_728 = arith.constant 0 : i32
      %dma_wait3A_729 = tpu.memref_slice %arg7[%dma_wait3A_727, %dma_wait3A_728] : memref<157x128xi32, #tpu.memory_space<vmem>> -> memref<156x128xi32, #tpu.memory_space<vmem>>
      %dma_wait3A_730 = arith.constant 0 : i32
      %dma_wait3A_731 = tpu.memref_slice %arg3[%mul3A_3, %dma_wait3A_730] : memref<2500x128xi32, #tpu.memory_space<hbm>> -> memref<156x128xi32, #tpu.memory_space<hbm>>
      %dma_wait3A_732 = arith.constant 0 : i32
      %dma_wait3A_733 = arith.constant 0 : i32
      %dma_wait3A_734 = tpu.memref_slice %arg7[%dma_wait3A_732, %dma_wait3A_733] : memref<157x128xi32, #tpu.memory_space<vmem>> -> memref<156x128xi32, #tpu.memory_space<vmem>>
      %dma_wait3A_735 = arith.constant 0 : i32
      %dma_wait3A_736 = tpu.memref_slice %arg3[%mul3A_3, %dma_wait3A_735] : memref<2500x128xi32, #tpu.memory_space<hbm>> -> memref<156x128xi32, #tpu.memory_space<hbm>>
      tpu.wait_dma2 semaphore(%run_scoped3A : memref<!tpu.dma_semaphore, #tpu.memory_space<semaphore_mem>>) src(%dma_wait3A_736 : memref<156x128xi32, #tpu.memory_space<hbm>>) dst(%dma_wait3A_734 : memref<156x128xi32, #tpu.memory_space<vmem>>)
      tpu.yield
    }) : () -> ()
    %mul3A_4 = arith.constant 156 : i32
    %mul3A_5 = arith.muli %arg1, %mul3A_4 : i32
    "tpu.region"() ({
      %run_scoped3A = tpu.sem_alloc : memref<!tpu.dma_semaphore, #tpu.memory_space<semaphore_mem>>
      %dma_start3A_717 = arith.constant 0 : i32
      %dma_start3A_718 = arith.constant 0 : i32
      %dma_start3A_719 = tpu.memref_slice %arg8[%dma_start3A_717, %dma_start3A_718] : memref<157x128xi32, #tpu.memory_space<vmem>> -> memref<156x128xi32, #tpu.memory_space<vmem>>
      %dma_start3A_720 = arith.constant 0 : i32
      %dma_start3A_721 = tpu.memref_slice %arg4[%mul3A_5, %dma_start3A_720] : memref<2500x128xi32, #tpu.memory_space<hbm>> -> memref<156x128xi32, #tpu.memory_space<hbm>>
      %dma_start3A_722 = arith.constant 0 : i32
      %dma_start3A_723 = arith.constant 0 : i32
      %dma_start3A_724 = tpu.memref_slice %arg8[%dma_start3A_722, %dma_start3A_723] : memref<157x128xi32, #tpu.memory_space<vmem>> -> memref<156x128xi32, #tpu.memory_space<vmem>>
      %dma_start3A_725 = arith.constant 0 : i32
      %dma_start3A_726 = tpu.memref_slice %arg4[%mul3A_5, %dma_start3A_725] : memref<2500x128xi32, #tpu.memory_space<hbm>> -> memref<156x128xi32, #tpu.memory_space<hbm>>
      tpu.enqueue_dma source(%dma_start3A_726 : memref<156x128xi32, #tpu.memory_space<hbm>>) target(%dma_start3A_724 : memref<156x128xi32, #tpu.memory_space<vmem>>) target_semaphore(%run_scoped3A : memref<!tpu.dma_semaphore, #tpu.memory_space<semaphore_mem>>)
      %dma_wait3A_727 = arith.constant 0 : i32
      %dma_wait3A_728 = arith.constant 0 : i32
      %dma_wait3A_729 = tpu.memref_slice %arg8[%dma_wait3A_727, %dma_wait3A_728] : memref<157x128xi32, #tpu.memory_space<vmem>> -> memref<156x128xi32, #tpu.memory_space<vmem>>
      %dma_wait3A_730 = arith.constant 0 : i32
      %dma_wait3A_731 = tpu.memref_slice %arg4[%mul3A_5, %dma_wait3A_730] : memref<2500x128xi32, #tpu.memory_space<hbm>> -> memref<156x128xi32, #tpu.memory_space<hbm>>
      %dma_wait3A_732 = arith.constant 0 : i32
      %dma_wait3A_733 = arith.constant 0 : i32
      %dma_wait3A_734 = tpu.memref_slice %arg8[%dma_wait3A_732, %dma_wait3A_733] : memref<157x128xi32, #tpu.memory_space<vmem>> -> memref<156x128xi32, #tpu.memory_space<vmem>>
      %dma_wait3A_735 = arith.constant 0 : i32
      %dma_wait3A_736 = tpu.memref_slice %arg4[%mul3A_5, %dma_wait3A_735] : memref<2500x128xi32, #tpu.memory_space<hbm>> -> memref<156x128xi32, #tpu.memory_space<hbm>>
      tpu.wait_dma2 semaphore(%run_scoped3A : memref<!tpu.dma_semaphore, #tpu.memory_space<semaphore_mem>>) src(%dma_wait3A_736 : memref<156x128xi32, #tpu.memory_space<hbm>>) dst(%dma_wait3A_734 : memref<156x128xi32, #tpu.memory_space<vmem>>)
      tpu.yield
    }) : () -> ()
    %convert_element_type3A = arith.extui %lt3A_1 : i1 to i32
    %cond3A = arith.constant 0 : i32
    %cond3A_6 = arith.cmpi ne, %convert_element_type3A, %cond3A : i32
    scf.if %cond3A_6 {
      %add3A_717 = arith.constant 2496 : i32
      %add3A_718 = arith.addi %add3A_717, %arg1 : i32
      %run_scoped3A = arith.constant 156 : i32
      "tpu.region"() ({
        %run_scoped3A_722 = tpu.sem_alloc : memref<!tpu.dma_semaphore, #tpu.memory_space<semaphore_mem>>
        %dma_start3A_723 = arith.constant 0 : i32
        %dma_start3A_724 = tpu.memref_slice %arg7[%run_scoped3A, %dma_start3A_723] : memref<157x128xi32, #tpu.memory_space<vmem>> -> memref<1x128xi32, #tpu.memory_space<vmem>>
        %dma_start3A_725 = tpu.memref_squeeze %dma_start3A_724 : memref<1x128xi32, #tpu.memory_space<vmem>> -> memref<128xi32, #tpu.memory_space<vmem>>
        %dma_start3A_726 = arith.constant 0 : i32
        %dma_start3A_727 = tpu.memref_slice %arg3[%add3A_718, %dma_start3A_726] : memref<2500x128xi32, #tpu.memory_space<hbm>> -> memref<1x128xi32, #tpu.memory_space<hbm>>
        %dma_start3A_728 = tpu.memref_squeeze %dma_start3A_727 : memref<1x128xi32, #tpu.memory_space<hbm>> -> memref<128xi32, #tpu.memory_space<hbm>>
        %dma_start3A_729 = arith.constant 0 : i32
        %dma_start3A_730 = tpu.memref_slice %arg7[%run_scoped3A, %dma_start3A_729] : memref<157x128xi32, #tpu.memory_space<vmem>> -> memref<1x128xi32, #tpu.memory_space<vmem>>
        %dma_start3A_731 = tpu.memref_squeeze %dma_start3A_730 : memref<1x128xi32, #tpu.memory_space<vmem>> -> memref<128xi32, #tpu.memory_space<vmem>>
        %dma_start3A_732 = arith.constant 0 : i32
        %dma_start3A_733 = tpu.memref_slice %arg3[%add3A_718, %dma_start3A_732] : memref<2500x128xi32, #tpu.memory_space<hbm>> -> memref<1x128xi32, #tpu.memory_space<hbm>>
        %dma_start3A_734 = tpu.memref_squeeze %dma_start3A_733 : memref<1x128xi32, #tpu.memory_space<hbm>> -> memref<128xi32, #tpu.memory_space<hbm>>
        tpu.enqueue_dma source(%dma_start3A_734 : memref<128xi32, #tpu.memory_space<hbm>>) target(%dma_start3A_731 : memref<128xi32, #tpu.memory_space<vmem>>) target_semaphore(%run_scoped3A_722 : memref<!tpu.dma_semaphore, #tpu.memory_space<semaphore_mem>>)
        %dma_wait3A_735 = arith.constant 0 : i32
        %dma_wait3A_736 = tpu.memref_slice %arg7[%run_scoped3A, %dma_wait3A_735] : memref<157x128xi32, #tpu.memory_space<vmem>> -> memref<1x128xi32, #tpu.memory_space<vmem>>
        %dma_wait3A_737 = tpu.memref_squeeze %dma_wait3A_736 : memref<1x128xi32, #tpu.memory_space<vmem>> -> memref<128xi32, #tpu.memory_space<vmem>>
        %dma_wait3A_738 = arith.constant 0 : i32
        %dma_wait3A_739 = tpu.memref_slice %arg3[%add3A_718, %dma_wait3A_738] : memref<2500x128xi32, #tpu.memory_space<hbm>> -> memref<1x128xi32, #tpu.memory_space<hbm>>
        %dma_wait3A_740 = tpu.memref_squeeze %dma_wait3A_739 : memref<1x128xi32, #tpu.memory_space<hbm>> -> memref<128xi32, #tpu.memory_space<hbm>>
        %dma_wait3A_741 = arith.constant 0 : i32
        %dma_wait3A_742 = tpu.memref_slice %arg7[%run_scoped3A, %dma_wait3A_741] : memref<157x128xi32, #tpu.memory_space<vmem>> -> memref<1x128xi32, #tpu.memory_space<vmem>>
        %dma_wait3A_743 = tpu.memref_squeeze %dma_wait3A_742 : memref<1x128xi32, #tpu.memory_space<vmem>> -> memref<128xi32, #tpu.memory_space<vmem>>
        %dma_wait3A_744 = arith.constant 0 : i32
        %dma_wait3A_745 = tpu.memref_slice %arg3[%add3A_718, %dma_wait3A_744] : memref<2500x128xi32, #tpu.memory_space<hbm>> -> memref<1x128xi32, #tpu.memory_space<hbm>>
        %dma_wait3A_746 = tpu.memref_squeeze %dma_wait3A_745 : memref<1x128xi32, #tpu.memory_space<hbm>> -> memref<128xi32, #tpu.memory_space<hbm>>
        tpu.wait_dma2 semaphore(%run_scoped3A_722 : memref<!tpu.dma_semaphore, #tpu.memory_space<semaphore_mem>>) src(%dma_wait3A_746 : memref<128xi32, #tpu.memory_space<hbm>>) dst(%dma_wait3A_743 : memref<128xi32, #tpu.memory_space<vmem>>)
        tpu.yield
      }) : () -> ()
      %add3A_719 = arith.constant 2496 : i32
      %add3A_720 = arith.addi %add3A_719, %arg1 : i32
      %run_scoped3A_721 = arith.constant 156 : i32
      "tpu.region"() ({
        %run_scoped3A_722 = tpu.sem_alloc : memref<!tpu.dma_semaphore, #tpu.memory_space<semaphore_mem>>
        %dma_start3A_723 = arith.constant 0 : i32
        %dma_start3A_724 = tpu.memref_slice %arg8[%run_scoped3A_721, %dma_start3A_723] : memref<157x128xi32, #tpu.memory_space<vmem>> -> memref<1x128xi32, #tpu.memory_space<vmem>>
        %dma_start3A_725 = tpu.memref_squeeze %dma_start3A_724 : memref<1x128xi32, #tpu.memory_space<vmem>> -> memref<128xi32, #tpu.memory_space<vmem>>
        %dma_start3A_726 = arith.constant 0 : i32
        %dma_start3A_727 = tpu.memref_slice %arg4[%add3A_720, %dma_start3A_726] : memref<2500x128xi32, #tpu.memory_space<hbm>> -> memref<1x128xi32, #tpu.memory_space<hbm>>
        %dma_start3A_728 = tpu.memref_squeeze %dma_start3A_727 : memref<1x128xi32, #tpu.memory_space<hbm>> -> memref<128xi32, #tpu.memory_space<hbm>>
        %dma_start3A_729 = arith.constant 0 : i32
        %dma_start3A_730 = tpu.memref_slice %arg8[%run_scoped3A_721, %dma_start3A_729] : memref<157x128xi32, #tpu.memory_space<vmem>> -> memref<1x128xi32, #tpu.memory_space<vmem>>
        %dma_start3A_731 = tpu.memref_squeeze %dma_start3A_730 : memref<1x128xi32, #tpu.memory_space<vmem>> -> memref<128xi32, #tpu.memory_space<vmem>>
        %dma_start3A_732 = arith.constant 0 : i32
        %dma_start3A_733 = tpu.memref_slice %arg4[%add3A_720, %dma_start3A_732] : memref<2500x128xi32, #tpu.memory_space<hbm>> -> memref<1x128xi32, #tpu.memory_space<hbm>>
        %dma_start3A_734 = tpu.memref_squeeze %dma_start3A_733 : memref<1x128xi32, #tpu.memory_space<hbm>> -> memref<128xi32, #tpu.memory_space<hbm>>
        tpu.enqueue_dma source(%dma_start3A_734 : memref<128xi32, #tpu.memory_space<hbm>>) target(%dma_start3A_731 : memref<128xi32, #tpu.memory_space<vmem>>) target_semaphore(%run_scoped3A_722 : memref<!tpu.dma_semaphore, #tpu.memory_space<semaphore_mem>>)
        %dma_wait3A_735 = arith.constant 0 : i32
        %dma_wait3A_736 = tpu.memref_slice %arg8[%run_scoped3A_721, %dma_wait3A_735] : memref<157x128xi32, #tpu.memory_space<vmem>> -> memref<1x128xi32, #tpu.memory_space<vmem>>
        %dma_wait3A_737 = tpu.memref_squeeze %dma_wait3A_736 : memref<1x128xi32, #tpu.memory_space<vmem>> -> memref<128xi32, #tpu.memory_space<vmem>>
        %dma_wait3A_738 = arith.constant 0 : i32
        %dma_wait3A_739 = tpu.memref_slice %arg4[%add3A_720, %dma_wait3A_738] : memref<2500x128xi32, #tpu.memory_space<hbm>> -> memref<1x128xi32, #tpu.memory_space<hbm>>
        %dma_wait3A_740 = tpu.memref_squeeze %dma_wait3A_739 : memref<1x128xi32, #tpu.memory_space<hbm>> -> memref<128xi32, #tpu.memory_space<hbm>>
        %dma_wait3A_741 = arith.constant 0 : i32
        %dma_wait3A_742 = tpu.memref_slice %arg8[%run_scoped3A_721, %dma_wait3A_741] : memref<157x128xi32, #tpu.memory_space<vmem>> -> memref<1x128xi32, #tpu.memory_space<vmem>>
        %dma_wait3A_743 = tpu.memref_squeeze %dma_wait3A_742 : memref<1x128xi32, #tpu.memory_space<vmem>> -> memref<128xi32, #tpu.memory_space<vmem>>
        %dma_wait3A_744 = arith.constant 0 : i32
        %dma_wait3A_745 = tpu.memref_slice %arg4[%add3A_720, %dma_wait3A_744] : memref<2500x128xi32, #tpu.memory_space<hbm>> -> memref<1x128xi32, #tpu.memory_space<hbm>>
        %dma_wait3A_746 = tpu.memref_squeeze %dma_wait3A_745 : memref<1x128xi32, #tpu.memory_space<hbm>> -> memref<128xi32, #tpu.memory_space<hbm>>
        tpu.wait_dma2 semaphore(%run_scoped3A_722 : memref<!tpu.dma_semaphore, #tpu.memory_space<semaphore_mem>>) src(%dma_wait3A_746 : memref<128xi32, #tpu.memory_space<hbm>>) dst(%dma_wait3A_743 : memref<128xi32, #tpu.memory_space<vmem>>)
        tpu.yield
      }) : () -> ()
    } else {
    }
    %scan3A = arith.constant 0 : i32
    %scan3A_7 = arith.constant 0 : i32
    %scan3A_8 = arith.constant 157 : i32
    %scan3A_9 = arith.addi %scan3A_7, %scan3A_8 : i32
    %scan3A_10 = arith.constant 1 : i32
    %scan3A_11 = scf.for %scan3A_717 = %scan3A_7 to %scan3A_9 step %scan3A_10 iter_args(%scan3A_718 = %scan3A) -> (i32)  : i32 {
      %get3A_719 = arith.index_cast %scan3A_717 : i32 to index
      %get3A_720 = arith.constant 0 : index
      %get3A_721 = tpu.vector_load %arg7[%get3A_719, %get3A_720] {strides = array<i32>} : memref<157x128xi32, #tpu.memory_space<vmem>>, vector<16xi32>,
      %mul3A_722 = arith.constant 2 : i32
      %mul3A_723 = vector.broadcast %mul3A_722 : i32 to vector<16xi32>
      %mul3A_724 = arith.muli %get3A_721, %mul3A_723 : vector<16xi32>
      %add3A_725 = vector.broadcast %arg0 : i32 to vector<16xi32>
      %add3A_726 = arith.addi %mul3A_724, %add3A_725 : vector<16xi32>
      %swap3A = arith.index_cast %scan3A_717 : i32 to index
      %swap3A_727 = arith.constant 0 : index
      %swap3A_728 = tpu.vector_load %arg7[%swap3A, %swap3A_727] {strides = array<i32>} : memref<157x128xi32, #tpu.memory_space<vmem>>, vector<16xi32>,
      tpu.vector_store %arg7[%swap3A, %swap3A_727], %add3A_726 {strides = array<i32>} : memref<157x128xi32, #tpu.memory_space<vmem>>, vector<16xi32>,
      %get3A_729 = arith.index_cast %scan3A_717 : i32 to index
      %get3A_730 = arith.constant 16 : index
      %get3A_731 = tpu.vector_load %arg7[%get3A_729, %get3A_730] {strides = array<i32>} : memref<157x128xi32, #tpu.memory_space<vmem>>, vector<16xi32>,
      %mul3A_732 = arith.constant 2 : i32
      %mul3A_733 = vector.broadcast %mul3A_732 : i32 to vector<16xi32>
      %mul3A_734 = arith.muli %get3A_731, %mul3A_733 : vector<16xi32>
      %add3A_735 = vector.broadcast %arg0 : i32 to vector<16xi32>
      %add3A_736 = arith.addi %mul3A_734, %add3A_735 : vector<16xi32>
      %swap3A_737 = arith.index_cast %scan3A_717 : i32 to index
      %swap3A_738 = arith.constant 16 : index
      %swap3A_739 = tpu.vector_load %arg7[%swap3A_737, %swap3A_738] {strides = array<i32>} : memref<157x128xi32, #tpu.memory_space<vmem>>, vector<16xi32>,
      tpu.vector_store %arg7[%swap3A_737, %swap3A_738], %add3A_736 {strides = array<i32>} : memref<157x128xi32, #tpu.memory_space<vmem>>, vector<16xi32>,
      %get3A_740 = arith.index_cast %scan3A_717 : i32 to index
      %get3A_741 = arith.constant 32 : index
      %get3A_742 = tpu.vector_load %arg7[%get3A_740, %get3A_741] {strides = array<i32>} : memref<157x128xi32, #tpu.memory_space<vmem>>, vector<16xi32>,
      %mul3A_743 = arith.constant 2 : i32
      %mul3A_744 = vector.broadcast %mul3A_743 : i32 to vector<16xi32>
      %mul3A_745 = arith.muli %get3A_742, %mul3A_744 : vector<16xi32>
      %add3A_746 = vector.broadcast %arg0 : i32 to vector<16xi32>
      %add3A_747 = arith.addi %mul3A_745, %add3A_746 : vector<16xi32>
      %swap3A_748 = arith.index_cast %scan3A_717 : i32 to index
      %swap3A_749 = arith.constant 32 : index
      %swap3A_750 = tpu.vector_load %arg7[%swap3A_748, %swap3A_749] {strides = array<i32>} : memref<157x128xi32, #tpu.memory_space<vmem>>, vector<16xi32>,
      tpu.vector_store %arg7[%swap3A_748, %swap3A_749], %add3A_747 {strides = array<i32>} : memref<157x128xi32, #tpu.memory_space<vmem>>, vector<16xi32>,
      %get3A_751 = arith.index_cast %scan3A_717 : i32 to index
      %get3A_752 = arith.constant 48 : index
      %get3A_753 = tpu.vector_load %arg7[%get3A_751, %get3A_752] {strides = array<i32>} : memref<157x128xi32, #tpu.memory_space<vmem>>, vector<16xi32>,
      %mul3A_754 = arith.constant 2 : i32
      %mul3A_755 = vector.broadcast %mul3A_754 : i32 to vector<16xi32>
      %mul3A_756 = arith.muli %get3A_753, %mul3A_755 : vector<16xi32>
      %add3A_757 = vector.broadcast %arg0 : i32 to vector<16xi32>
      %add3A_758 = arith.addi %mul3A_756, %add3A_757 : vector<16xi32>
      %swap3A_759 = arith.index_cast %scan3A_717 : i32 to index
      %swap3A_760 = arith.constant 48 : index
      %swap3A_761 = tpu.vector_load %arg7[%swap3A_759, %swap3A_760] {strides = array<i32>} : memref<157x128xi32, #tpu.memory_space<vmem>>, vector<16xi32>,
      tpu.vector_store %arg7[%swap3A_759, %swap3A_760], %add3A_758 {strides = array<i32>} : memref<157x128xi32, #tpu.memory_space<vmem>>, vector<16xi32>,
      %get3A_762 = arith.index_cast %scan3A_717 : i32 to index
      %get3A_763 = arith.constant 64 : index
      %get3A_764 = tpu.vector_load %arg7[%get3A_762, %get3A_763] {strides = array<i32>} : memref<157x128xi32, #tpu.memory_space<vmem>>, vector<16xi32>,
      %mul3A_765 = arith.constant 2 : i32
      %mul3A_766 = vector.broadcast %mul3A_765 : i32 to vector<16xi32>
      %mul3A_767 = arith.muli %get3A_764, %mul3A_766 : vector<16xi32>
      %add3A_768 = vector.broadcast %arg0 : i32 to vector<16xi32>
      %add3A_769 = arith.addi %mul3A_767, %add3A_768 : vector<16xi32>
      %swap3A_770 = arith.index_cast %scan3A_717 : i32 to index
      %swap3A_771 = arith.constant 64 : index
      %swap3A_772 = tpu.vector_load %arg7[%swap3A_770, %swap3A_771] {strides = array<i32>} : memref<157x128xi32, #tpu.memory_space<vmem>>, vector<16xi32>,
      tpu.vector_store %arg7[%swap3A_770, %swap3A_771], %add3A_769 {strides = array<i32>} : memref<157x128xi32, #tpu.memory_space<vmem>>, vector<16xi32>,
      %get3A_773 = arith.index_cast %scan3A_717 : i32 to index
      %get3A_774 = arith.constant 80 : index
      %get3A_775 = tpu.vector_load %arg7[%get3A_773, %get3A_774] {strides = array<i32>} : memref<157x128xi32, #tpu.memory_space<vmem>>, vector<16xi32>,
      %mul3A_776 = arith.constant 2 : i32
      %mul3A_777 = vector.broadcast %mul3A_776 : i32 to vector<16xi32>
      %mul3A_778 = arith.muli %get3A_775, %mul3A_777 : vector<16xi32>
      %add3A_779 = vector.broadcast %arg0 : i32 to vector<16xi32>
      %add3A_780 = arith.addi %mul3A_778, %add3A_779 : vector<16xi32>
      %swap3A_781 = arith.index_cast %scan3A_717 : i32 to index
      %swap3A_782 = arith.constant 80 : index
      %swap3A_783 = tpu.vector_load %arg7[%swap3A_781, %swap3A_782] {strides = array<i32>} : memref<157x128xi32, #tpu.memory_space<vmem>>, vector<16xi32>,
      tpu.vector_store %arg7[%swap3A_781, %swap3A_782], %add3A_780 {strides = array<i32>} : memref<157x128xi32, #tpu.memory_space<vmem>>, vector<16xi32>,
      %get3A_784 = arith.index_cast %scan3A_717 : i32 to index
      %get3A_785 = arith.constant 96 : index
      %get3A_786 = tpu.vector_load %arg7[%get3A_784, %get3A_785] {strides = array<i32>} : memref<157x128xi32, #tpu.memory_space<vmem>>, vector<16xi32>,
      %mul3A_787 = arith.constant 2 : i32
      %mul3A_788 = vector.broadcast %mul3A_787 : i32 to vector<16xi32>
      %mul3A_789 = arith.muli %get3A_786, %mul3A_788 : vector<16xi32>
      %add3A_790 = vector.broadcast %arg0 : i32 to vector<16xi32>
      %add3A_791 = arith.addi %mul3A_789, %add3A_790 : vector<16xi32>
      %swap3A_792 = arith.index_cast %scan3A_717 : i32 to index
      %swap3A_793 = arith.constant 96 : index
      %swap3A_794 = tpu.vector_load %arg7[%swap3A_792, %swap3A_793] {strides = array<i32>} : memref<157x128xi32, #tpu.memory_space<vmem>>, vector<16xi32>,
      tpu.vector_store %arg7[%swap3A_792, %swap3A_793], %add3A_791 {strides = array<i32>} : memref<157x128xi32, #tpu.memory_space<vmem>>, vector<16xi32>,
      %get3A_795 = arith.index_cast %scan3A_717 : i32 to index
      %get3A_796 = arith.constant 112 : index
      %get3A_797 = tpu.vector_load %arg7[%get3A_795, %get3A_796] {strides = array<i32>} : memref<157x128xi32, #tpu.memory_space<vmem>>, vector<16xi32>,
      %mul3A_798 = arith.constant 2 : i32
      %mul3A_799 = vector.broadcast %mul3A_798 : i32 to vector<16xi32>
      %mul3A_800 = arith.muli %get3A_797, %mul3A_799 : vector<16xi32>
      %add3A_801 = vector.broadcast %arg0 : i32 to vector<16xi32>
      %add3A_802 = arith.addi %mul3A_800, %add3A_801 : vector<16xi32>
      %swap3A_803 = arith.index_cast %scan3A_717 : i32 to index
      %swap3A_804 = arith.constant 112 : index
      %swap3A_805 = tpu.vector_load %arg7[%swap3A_803, %swap3A_804] {strides = array<i32>} : memref<157x128xi32, #tpu.memory_space<vmem>>, vector<16xi32>,
      tpu.vector_store %arg7[%swap3A_803, %swap3A_804], %add3A_802 {strides = array<i32>} : memref<157x128xi32, #tpu.memory_space<vmem>>, vector<16xi32>,
      %scan3A_806 = arith.constant 0 : i32
      scf.yield %scan3A_806 : i32
    }
    %scan3A_12 = arith.constant 157 : i32
    %broadcast_in_dim3A = arith.constant 0.000000e+00 : f32
    %broadcast_in_dim3A_13 = vector.broadcast %broadcast_in_dim3A : f32 to vector<16xf32>
    %broadcast_in_dim3A_14 = arith.constant 1.000000e+00 : f32
    %broadcast_in_dim3A_15 = vector.broadcast %broadcast_in_dim3A_14 : f32 to vector<16xf32>
    %scan3A_16 = arith.constant 0 : i32
    %scan3A_17 = arith.constant 0 : i32
    %scan3A_18 = arith.constant 128 : i32
    %scan3A_19 = arith.addi %scan3A_17, %scan3A_18 : i32
    %scan3A_20 = arith.constant 1 : i32
    %scan3A_21 = scf.for %scan3A_717 = %scan3A_17 to %scan3A_19 step %scan3A_20 iter_args(%scan3A_718 = %scan3A_16) -> (i32)  : i32 {
      %swap3A = arith.index_cast %scan3A_717 : i32 to index
      %swap3A_719 = arith.constant 0 : index
      %swap3A_720 = tpu.vector_load %arg9[%swap3A, %swap3A_719] {strides = array<i32>} : memref<128x64xf32, #tpu.memory_space<vmem>>, vector<16xf32>,
      tpu.vector_store %arg9[%swap3A, %swap3A_719], %broadcast_in_dim3A_13 {strides = array<i32>} : memref<128x64xf32, #tpu.memory_space<vmem>>, vector<16xf32>,
      %swap3A_721 = arith.index_cast %scan3A_717 : i32 to index
      %swap3A_722 = arith.constant 16 : index
      %swap3A_723 = tpu.vector_load %arg9[%swap3A_721, %swap3A_722] {strides = array<i32>} : memref<128x64xf32, #tpu.memory_space<vmem>>, vector<16xf32>,
      tpu.vector_store %arg9[%swap3A_721, %swap3A_722], %broadcast_in_dim3A_13 {strides = array<i32>} : memref<128x64xf32, #tpu.memory_space<vmem>>, vector<16xf32>,
      %swap3A_724 = arith.index_cast %scan3A_717 : i32 to index
      %swap3A_725 = arith.constant 32 : index
      %swap3A_726 = tpu.vector_load %arg9[%swap3A_724, %swap3A_725] {strides = array<i32>} : memref<128x64xf32, #tpu.memory_space<vmem>>, vector<16xf32>,
      tpu.vector_store %arg9[%swap3A_724, %swap3A_725], %broadcast_in_dim3A_13 {strides = array<i32>} : memref<128x64xf32, #tpu.memory_space<vmem>>, vector<16xf32>,
      %swap3A_727 = arith.index_cast %scan3A_717 : i32 to index
      %swap3A_728 = arith.constant 48 : index
      %swap3A_729 = tpu.vector_load %arg9[%swap3A_727, %swap3A_728] {strides = array<i32>} : memref<128x64xf32, #tpu.memory_space<vmem>>, vector<16xf32>,
      tpu.vector_store %arg9[%swap3A_727, %swap3A_728], %broadcast_in_dim3A_13 {strides = array<i32>} : memref<128x64xf32, #tpu.memory_space<vmem>>, vector<16xf32>,
      %scan3A_730 = arith.constant 0 : i32
      scf.yield %scan3A_730 : i32
    }
    %scan3A_22 = arith.constant 128 : i32
    %scan3A_23 = arith.constant 0 : i32
    %scan3A_24 = arith.constant 0 : i32
    %scan3A_25 = arith.constant 632 : i32
    %scan3A_26 = arith.addi %scan3A_24, %scan3A_25 : i32
    %scan3A_27 = arith.constant 1 : i32
    %scan3A_28 = scf.for %scan3A_717 = %scan3A_24 to %scan3A_26 step %scan3A_27 iter_args(%scan3A_718 = %scan3A_23) -> (i32)  : i32 {
      %mul3A_719 = arith.constant 16 : i32
      %mul3A_720 = arith.muli %scan3A_717, %mul3A_719 : i32
      %swap3A = arith.index_cast %mul3A_720 : i32 to index
      %swap3A_721 = tpu.vector_load %arg13[%swap3A] {strides = array<i32>} : memref<10112xf32, #tpu.memory_space<vmem>>, vector<16xf32>,
      tpu.vector_store %arg13[%swap3A], %broadcast_in_dim3A_13 {strides = array<i32>} : memref<10112xf32, #tpu.memory_space<vmem>>, vector<16xf32>,
      %scan3A_722 = arith.constant 0 : i32
      scf.yield %scan3A_722 : i32
    }
    %scan3A_29 = arith.constant 632 : i32
    %mul3A_30 = arith.constant 632 : i32
    %mul3A_31 = arith.muli %arg1, %mul3A_30 : i32
    %add3A_32 = arith.constant 0 : i32
    %add3A_33 = arith.addi %mul3A_31, %add3A_32 : i32
    "tpu.region"() ({
      %run_scoped3A = tpu.sem_alloc : memref<!tpu.dma_semaphore, #tpu.memory_space<semaphore_mem>>
      %dma_start3A_717 = arith.constant 0 : i32
      %dma_start3A_718 = tpu.memref_slice %arg16[%add3A_33, %dma_start3A_717] : memref<10112x64xf32, #tpu.memory_space<vmem_shared>> -> memref<128x64xf32, #tpu.memory_space<vmem_shared>>
      %dma_start3A_719 = arith.constant 0 : i32
      %dma_start3A_720 = tpu.memref_slice %arg16[%add3A_33, %dma_start3A_719] : memref<10112x64xf32, #tpu.memory_space<vmem_shared>> -> memref<128x64xf32, #tpu.memory_space<vmem_shared>>
      tpu.enqueue_dma source(%arg9 : memref<128x64xf32, #tpu.memory_space<vmem>>) target(%dma_start3A_720 : memref<128x64xf32, #tpu.memory_space<vmem_shared>>) target_semaphore(%run_scoped3A : memref<!tpu.dma_semaphore, #tpu.memory_space<semaphore_mem>>)
      %dma_wait3A_721 = arith.constant 0 : i32
      %dma_wait3A_722 = tpu.memref_slice %arg16[%add3A_33, %dma_wait3A_721] : memref<10112x64xf32, #tpu.memory_space<vmem_shared>> -> memref<128x64xf32, #tpu.memory_space<vmem_shared>>
      %dma_wait3A_723 = arith.constant 0 : i32
      %dma_wait3A_724 = tpu.memref_slice %arg16[%add3A_33, %dma_wait3A_723] : memref<10112x64xf32, #tpu.memory_space<vmem_shared>> -> memref<128x64xf32, #tpu.memory_space<vmem_shared>>
      tpu.wait_dma2 semaphore(%run_scoped3A : memref<!tpu.dma_semaphore, #tpu.memory_space<semaphore_mem>>) src(%arg9 : memref<128x64xf32, #tpu.memory_space<vmem>>) dst(%dma_wait3A_724 : memref<128x64xf32, #tpu.memory_space<vmem_shared>>)
      tpu.yield
    }) : () -> ()
    %add3A_34 = arith.constant 128 : i32
    %add3A_35 = arith.addi %mul3A_31, %add3A_34 : i32
    "tpu.region"() ({
      %run_scoped3A = tpu.sem_alloc : memref<!tpu.dma_semaphore, #tpu.memory_space<semaphore_mem>>
      %dma_start3A_717 = arith.constant 0 : i32
      %dma_start3A_718 = tpu.memref_slice %arg16[%add3A_35, %dma_start3A_717] : memref<10112x64xf32, #tpu.memory_space<vmem_shared>> -> memref<128x64xf32, #tpu.memory_space<vmem_shared>>
      %dma_start3A_719 = arith.constant 0 : i32
      %dma_start3A_720 = tpu.memref_slice %arg16[%add3A_35, %dma_start3A_719] : memref<10112x64xf32, #tpu.memory_space<vmem_shared>> -> memref<128x64xf32, #tpu.memory_space<vmem_shared>>
      tpu.enqueue_dma source(%arg9 : memref<128x64xf32, #tpu.memory_space<vmem>>) target(%dma_start3A_720 : memref<128x64xf32, #tpu.memory_space<vmem_shared>>) target_semaphore(%run_scoped3A : memref<!tpu.dma_semaphore, #tpu.memory_space<semaphore_mem>>)
      %dma_wait3A_721 = arith.constant 0 : i32
      %dma_wait3A_722 = tpu.memref_slice %arg16[%add3A_35, %dma_wait3A_721] : memref<10112x64xf32, #tpu.memory_space<vmem_shared>> -> memref<128x64xf32, #tpu.memory_space<vmem_shared>>
      %dma_wait3A_723 = arith.constant 0 : i32
      %dma_wait3A_724 = tpu.memref_slice %arg16[%add3A_35, %dma_wait3A_723] : memref<10112x64xf32, #tpu.memory_space<vmem_shared>> -> memref<128x64xf32, #tpu.memory_space<vmem_shared>>
      tpu.wait_dma2 semaphore(%run_scoped3A : memref<!tpu.dma_semaphore, #tpu.memory_space<semaphore_mem>>) src(%arg9 : memref<128x64xf32, #tpu.memory_space<vmem>>) dst(%dma_wait3A_724 : memref<128x64xf32, #tpu.memory_space<vmem_shared>>)
      tpu.yield
    }) : () -> ()
    %add3A_36 = arith.constant 256 : i32
    %add3A_37 = arith.addi %mul3A_31, %add3A_36 : i32
    "tpu.region"() ({
      %run_scoped3A = tpu.sem_alloc : memref<!tpu.dma_semaphore, #tpu.memory_space<semaphore_mem>>
      %dma_start3A_717 = arith.constant 0 : i32
      %dma_start3A_718 = tpu.memref_slice %arg16[%add3A_37, %dma_start3A_717] : memref<10112x64xf32, #tpu.memory_space<vmem_shared>> -> memref<128x64xf32, #tpu.memory_space<vmem_shared>>
      %dma_start3A_719 = arith.constant 0 : i32
      %dma_start3A_720 = tpu.memref_slice %arg16[%add3A_37, %dma_start3A_719] : memref<10112x64xf32, #tpu.memory_space<vmem_shared>> -> memref<128x64xf32, #tpu.memory_space<vmem_shared>>
      tpu.enqueue_dma source(%arg9 : memref<128x64xf32, #tpu.memory_space<vmem>>) target(%dma_start3A_720 : memref<128x64xf32, #tpu.memory_space<vmem_shared>>) target_semaphore(%run_scoped3A : memref<!tpu.dma_semaphore, #tpu.memory_space<semaphore_mem>>)
      %dma_wait3A_721 = arith.constant 0 : i32
      %dma_wait3A_722 = tpu.memref_slice %arg16[%add3A_37, %dma_wait3A_721] : memref<10112x64xf32, #tpu.memory_space<vmem_shared>> -> memref<128x64xf32, #tpu.memory_space<vmem_shared>>
      %dma_wait3A_723 = arith.constant 0 : i32
      %dma_wait3A_724 = tpu.memref_slice %arg16[%add3A_37, %dma_wait3A_723] : memref<10112x64xf32, #tpu.memory_space<vmem_shared>> -> memref<128x64xf32, #tpu.memory_space<vmem_shared>>
      tpu.wait_dma2 semaphore(%run_scoped3A : memref<!tpu.dma_semaphore, #tpu.memory_space<semaphore_mem>>) src(%arg9 : memref<128x64xf32, #tpu.memory_space<vmem>>) dst(%dma_wait3A_724 : memref<128x64xf32, #tpu.memory_space<vmem_shared>>)
      tpu.yield
    }) : () -> ()
    %add3A_38 = arith.constant 384 : i32
    %add3A_39 = arith.addi %mul3A_31, %add3A_38 : i32
    "tpu.region"() ({
      %run_scoped3A = tpu.sem_alloc : memref<!tpu.dma_semaphore, #tpu.memory_space<semaphore_mem>>
      %dma_start3A_717 = arith.constant 0 : i32
      %dma_start3A_718 = tpu.memref_slice %arg16[%add3A_39, %dma_start3A_717] : memref<10112x64xf32, #tpu.memory_space<vmem_shared>> -> memref<128x64xf32, #tpu.memory_space<vmem_shared>>
      %dma_start3A_719 = arith.constant 0 : i32
      %dma_start3A_720 = tpu.memref_slice %arg16[%add3A_39, %dma_start3A_719] : memref<10112x64xf32, #tpu.memory_space<vmem_shared>> -> memref<128x64xf32, #tpu.memory_space<vmem_shared>>
      tpu.enqueue_dma source(%arg9 : memref<128x64xf32, #tpu.memory_space<vmem>>) target(%dma_start3A_720 : memref<128x64xf32, #tpu.memory_space<vmem_shared>>) target_semaphore(%run_scoped3A : memref<!tpu.dma_semaphore, #tpu.memory_space<semaphore_mem>>)
      %dma_wait3A_721 = arith.constant 0 : i32
      %dma_wait3A_722 = tpu.memref_slice %arg16[%add3A_39, %dma_wait3A_721] : memref<10112x64xf32, #tpu.memory_space<vmem_shared>> -> memref<128x64xf32, #tpu.memory_space<vmem_shared>>
      %dma_wait3A_723 = arith.constant 0 : i32
      %dma_wait3A_724 = tpu.memref_slice %arg16[%add3A_39, %dma_wait3A_723] : memref<10112x64xf32, #tpu.memory_space<vmem_shared>> -> memref<128x64xf32, #tpu.memory_space<vmem_shared>>
      tpu.wait_dma2 semaphore(%run_scoped3A : memref<!tpu.dma_semaphore, #tpu.memory_space<semaphore_mem>>) src(%arg9 : memref<128x64xf32, #tpu.memory_space<vmem>>) dst(%dma_wait3A_724 : memref<128x64xf32, #tpu.memory_space<vmem_shared>>)
      tpu.yield
    }) : () -> ()
    %add3A_40 = arith.constant 512 : i32
    %add3A_41 = arith.addi %mul3A_31, %add3A_40 : i32
    "tpu.region"() ({
      %run_scoped3A = tpu.sem_alloc : memref<!tpu.dma_semaphore, #tpu.memory_space<semaphore_mem>>
      %dma_start3A_717 = arith.constant 0 : i32
      %dma_start3A_718 = arith.constant 0 : i32
      %dma_start3A_719 = tpu.memref_slice %arg9[%dma_start3A_717, %dma_start3A_718] : memref<128x64xf32, #tpu.memory_space<vmem>> -> memref<120x64xf32, #tpu.memory_space<vmem>>
      %dma_start3A_720 = arith.constant 0 : i32
      %dma_start3A_721 = tpu.memref_slice %arg16[%add3A_41, %dma_start3A_720] : memref<10112x64xf32, #tpu.memory_space<vmem_shared>> -> memref<120x64xf32, #tpu.memory_space<vmem_shared>>
      %dma_start3A_722 = arith.constant 0 : i32
      %dma_start3A_723 = tpu.memref_slice %arg16[%add3A_41, %dma_start3A_722] : memref<10112x64xf32, #tpu.memory_space<vmem_shared>> -> memref<120x64xf32, #tpu.memory_space<vmem_shared>>
      %dma_start3A_724 = arith.constant 0 : i32
      %dma_start3A_725 = arith.constant 0 : i32
      %dma_start3A_726 = tpu.memref_slice %arg9[%dma_start3A_724, %dma_start3A_725] : memref<128x64xf32, #tpu.memory_space<vmem>> -> memref<120x64xf32, #tpu.memory_space<vmem>>
      tpu.enqueue_dma source(%dma_start3A_726 : memref<120x64xf32, #tpu.memory_space<vmem>>) target(%dma_start3A_723 : memref<120x64xf32, #tpu.memory_space<vmem_shared>>) target_semaphore(%run_scoped3A : memref<!tpu.dma_semaphore, #tpu.memory_space<semaphore_mem>>)
      %dma_wait3A_727 = arith.constant 0 : i32
      %dma_wait3A_728 = arith.constant 0 : i32
      %dma_wait3A_729 = tpu.memref_slice %arg9[%dma_wait3A_727, %dma_wait3A_728] : memref<128x64xf32, #tpu.memory_space<vmem>> -> memref<120x64xf32, #tpu.memory_space<vmem>>
      %dma_wait3A_730 = arith.constant 0 : i32
      %dma_wait3A_731 = tpu.memref_slice %arg16[%add3A_41, %dma_wait3A_730] : memref<10112x64xf32, #tpu.memory_space<vmem_shared>> -> memref<120x64xf32, #tpu.memory_space<vmem_shared>>
      %dma_wait3A_732 = arith.constant 0 : i32
      %dma_wait3A_733 = tpu.memref_slice %arg16[%add3A_41, %dma_wait3A_732] : memref<10112x64xf32, #tpu.memory_space<vmem_shared>> -> memref<120x64xf32, #tpu.memory_space<vmem_shared>>
      %dma_wait3A_734 = arith.constant 0 : i32
      %dma_wait3A_735 = arith.constant 0 : i32
      %dma_wait3A_736 = tpu.memref_slice %arg9[%dma_wait3A_734, %dma_wait3A_735] : memref<128x64xf32, #tpu.memory_space<vmem>> -> memref<120x64xf32, #tpu.memory_space<vmem>>
      tpu.wait_dma2 semaphore(%run_scoped3A : memref<!tpu.dma_semaphore, #tpu.memory_space<semaphore_mem>>) src(%dma_wait3A_736 : memref<120x64xf32, #tpu.memory_space<vmem>>) dst(%dma_wait3A_733 : memref<120x64xf32, #tpu.memory_space<vmem_shared>>)
      tpu.yield
    }) : () -> ()
    %barrier3A = arith.constant 0 : index
    tpu.barrier barrier_id(%barrier3A)
    %dma_start3A = arith.constant 0 : i32
    %dma_start3A_42 = arith.constant 0 : i32
    %dma_start3A_43 = tpu.memref_slice %arg7[%dma_start3A, %dma_start3A_42] : memref<157x128xi32, #tpu.memory_space<vmem>> -> memref<1x128xi32, #tpu.memory_space<vmem>>
    %dma_start3A_44 = tpu.memref_squeeze %dma_start3A_43 : memref<1x128xi32, #tpu.memory_space<vmem>> -> memref<128xi32, #tpu.memory_space<vmem>>
    %dma_start3A_45 = arith.constant 0 : i32
    %dma_start3A_46 = arith.constant 0 : i32
    %dma_start3A_47 = tpu.memref_slice %arg2[%dma_start3A_45, %dma_start3A_46] : memref<100000x64xf32, #tpu.memory_space<hbm>> -> memref<100000x64xf32, #tpu.memory_space<hbm>>
    tpu.enqueue_indirect_dma source(%dma_start3A_47 : memref<100000x64xf32, #tpu.memory_space<hbm>>) target(%arg9 : memref<128x64xf32, #tpu.memory_space<vmem>>) offsets(%dma_start3A_44 : memref<128xi32, #tpu.memory_space<vmem>>) semaphore(%arg17 : memref<!tpu.dma_semaphore, #tpu.memory_space<semaphore_mem>>)
    %dma_start3A_48 = arith.constant 1 : i32
    %dma_start3A_49 = arith.constant 0 : i32
    %dma_start3A_50 = tpu.memref_slice %arg7[%dma_start3A_48, %dma_start3A_49] : memref<157x128xi32, #tpu.memory_space<vmem>> -> memref<1x128xi32, #tpu.memory_space<vmem>>
    %dma_start3A_51 = tpu.memref_squeeze %dma_start3A_50 : memref<1x128xi32, #tpu.memory_space<vmem>> -> memref<128xi32, #tpu.memory_space<vmem>>
    %dma_start3A_52 = arith.constant 0 : i32
    %dma_start3A_53 = arith.constant 0 : i32
    %dma_start3A_54 = tpu.memref_slice %arg2[%dma_start3A_52, %dma_start3A_53] : memref<100000x64xf32, #tpu.memory_space<hbm>> -> memref<100000x64xf32, #tpu.memory_space<hbm>>
    tpu.enqueue_indirect_dma source(%dma_start3A_54 : memref<100000x64xf32, #tpu.memory_space<hbm>>) target(%arg10 : memref<128x64xf32, #tpu.memory_space<vmem>>) offsets(%dma_start3A_51 : memref<128xi32, #tpu.memory_space<vmem>>) semaphore(%arg18 : memref<!tpu.dma_semaphore, #tpu.memory_space<semaphore_mem>>)
    %dma_start3A_55 = arith.constant 2 : i32
    %dma_start3A_56 = arith.constant 0 : i32
    %dma_start3A_57 = tpu.memref_slice %arg7[%dma_start3A_55, %dma_start3A_56] : memref<157x128xi32, #tpu.memory_space<vmem>> -> memref<1x128xi32, #tpu.memory_space<vmem>>
    %dma_start3A_58 = tpu.memref_squeeze %dma_start3A_57 : memref<1x128xi32, #tpu.memory_space<vmem>> -> memref<128xi32, #tpu.memory_space<vmem>>
    %dma_start3A_59 = arith.constant 0 : i32
    %dma_start3A_60 = arith.constant 0 : i32
    %dma_start3A_61 = tpu.memref_slice %arg2[%dma_start3A_59, %dma_start3A_60] : memref<100000x64xf32, #tpu.memory_space<hbm>> -> memref<100000x64xf32, #tpu.memory_space<hbm>>
    tpu.enqueue_indirect_dma source(%dma_start3A_61 : memref<100000x64xf32, #tpu.memory_space<hbm>>) target(%arg11 : memref<128x64xf32, #tpu.memory_space<vmem>>) offsets(%dma_start3A_58 : memref<128xi32, #tpu.memory_space<vmem>>) semaphore(%arg19 : memref<!tpu.dma_semaphore, #tpu.memory_space<semaphore_mem>>)
    %dma_wait3A = arith.constant 0 : i32
    %dma_wait3A_62 = arith.constant 0 : i32
    %dma_wait3A_63 = tpu.memref_slice %arg7[%dma_wait3A, %dma_wait3A_62] : memref<157x128xi32, #tpu.memory_space<vmem>> -> memref<1x128xi32, #tpu.memory_space<vmem>>
    %dma_wait3A_64 = tpu.memref_squeeze %dma_wait3A_63 : memref<1x128xi32, #tpu.memory_space<vmem>> -> memref<128xi32, #tpu.memory_space<vmem>>
    %dma_wait3A_65 = arith.constant 0 : i32
    %dma_wait3A_66 = arith.constant 0 : i32
    %dma_wait3A_67 = tpu.memref_slice %arg2[%dma_wait3A_65, %dma_wait3A_66] : memref<100000x64xf32, #tpu.memory_space<hbm>> -> memref<100000x64xf32, #tpu.memory_space<hbm>>
    tpu.wait_indirect_dma semaphore(%arg17 : memref<!tpu.dma_semaphore, #tpu.memory_space<semaphore_mem>>) src(%dma_wait3A_67 : memref<100000x64xf32, #tpu.memory_space<hbm>>) dst(%arg9 : memref<128x64xf32, #tpu.memory_space<vmem>>)
    %dma_start3A_68 = arith.constant 0 : i32
    %dma_start3A_69 = arith.constant 0 : i32
    %dma_start3A_70 = tpu.memref_slice %arg8[%dma_start3A_68, %dma_start3A_69] : memref<157x128xi32, #tpu.memory_space<vmem>> -> memref<1x128xi32, #tpu.memory_space<vmem>>
    %dma_start3A_71 = tpu.memref_squeeze %dma_start3A_70 : memref<1x128xi32, #tpu.memory_space<vmem>> -> memref<128xi32, #tpu.memory_space<vmem>>
    %dma_start3A_72 = arith.constant 0 : i32
    %dma_start3A_73 = arith.constant 0 : i32
    %dma_start3A_74 = tpu.memref_slice %arg16[%dma_start3A_72, %dma_start3A_73] : memref<10112x64xf32, #tpu.memory_space<vmem_shared>> -> memref<10112x64xf32, #tpu.memory_space<vmem_shared>>
    tpu.enqueue_indirect_dma source(%arg9 : memref<128x64xf32, #tpu.memory_space<vmem>>) target(%dma_start3A_74 : memref<10112x64xf32, #tpu.memory_space<vmem_shared>>) offsets(%dma_start3A_71 : memref<128xi32, #tpu.memory_space<vmem>>) semaphore(%arg21 : memref<!tpu.dma_semaphore, #tpu.memory_space<semaphore_mem>>) {add = true}
    %get3A = arith.constant 0 : i32
    %get3A_75 = arith.index_cast %get3A : i32 to index
    %get3A_76 = arith.constant 0 : index
    %get3A_77 = tpu.vector_load %arg8[%get3A_75, %get3A_76] {strides = array<i32>} : memref<157x128xi32, #tpu.memory_space<vmem>>, vector<16xi32>,
    tpu.vector_store_idx %arg13[%get3A_77], %broadcast_in_dim3A_15 {add = true} : memref<10112xf32, #tpu.memory_space<vmem>>[vector<16xi32>], vector<16xf32>,
    %get3A_78 = arith.constant 0 : i32
    %get3A_79 = arith.index_cast %get3A_78 : i32 to index
    %get3A_80 = arith.constant 16 : index
    %get3A_81 = tpu.vector_load %arg8[%get3A_79, %get3A_80] {strides = array<i32>} : memref<157x128xi32, #tpu.memory_space<vmem>>, vector<16xi32>,
    tpu.vector_store_idx %arg13[%get3A_81], %broadcast_in_dim3A_15 {add = true} : memref<10112xf32, #tpu.memory_space<vmem>>[vector<16xi32>], vector<16xf32>,
    %get3A_82 = arith.constant 0 : i32
    %get3A_83 = arith.index_cast %get3A_82 : i32 to index
    %get3A_84 = arith.constant 32 : index
    %get3A_85 = tpu.vector_load %arg8[%get3A_83, %get3A_84] {strides = array<i32>} : memref<157x128xi32, #tpu.memory_space<vmem>>, vector<16xi32>,
    tpu.vector_store_idx %arg13[%get3A_85], %broadcast_in_dim3A_15 {add = true} : memref<10112xf32, #tpu.memory_space<vmem>>[vector<16xi32>], vector<16xf32>,
    %get3A_86 = arith.constant 0 : i32
    %get3A_87 = arith.index_cast %get3A_86 : i32 to index
    %get3A_88 = arith.constant 48 : index
    %get3A_89 = tpu.vector_load %arg8[%get3A_87, %get3A_88] {strides = array<i32>} : memref<157x128xi32, #tpu.memory_space<vmem>>, vector<16xi32>,
    tpu.vector_store_idx %arg13[%get3A_89], %broadcast_in_dim3A_15 {add = true} : memref<10112xf32, #tpu.memory_space<vmem>>[vector<16xi32>], vector<16xf32>,
    %get3A_90 = arith.constant 0 : i32
    %get3A_91 = arith.index_cast %get3A_90 : i32 to index
    %get3A_92 = arith.constant 64 : index
    %get3A_93 = tpu.vector_load %arg8[%get3A_91, %get3A_92] {strides = array<i32>} : memref<157x128xi32, #tpu.memory_space<vmem>>, vector<16xi32>,
    tpu.vector_store_idx %arg13[%get3A_93], %broadcast_in_dim3A_15 {add = true} : memref<10112xf32, #tpu.memory_space<vmem>>[vector<16xi32>], vector<16xf32>,
    %get3A_94 = arith.constant 0 : i32
    %get3A_95 = arith.index_cast %get3A_94 : i32 to index
    %get3A_96 = arith.constant 80 : index
    %get3A_97 = tpu.vector_load %arg8[%get3A_95, %get3A_96] {strides = array<i32>} : memref<157x128xi32, #tpu.memory_space<vmem>>, vector<16xi32>,
    tpu.vector_store_idx %arg13[%get3A_97], %broadcast_in_dim3A_15 {add = true} : memref<10112xf32, #tpu.memory_space<vmem>>[vector<16xi32>], vector<16xf32>,
    %get3A_98 = arith.constant 0 : i32
    %get3A_99 = arith.index_cast %get3A_98 : i32 to index
    %get3A_100 = arith.constant 96 : index
    %get3A_101 = tpu.vector_load %arg8[%get3A_99, %get3A_100] {strides = array<i32>} : memref<157x128xi32, #tpu.memory_space<vmem>>, vector<16xi32>,
    tpu.vector_store_idx %arg13[%get3A_101], %broadcast_in_dim3A_15 {add = true} : memref<10112xf32, #tpu.memory_space<vmem>>[vector<16xi32>], vector<16xf32>,
    %get3A_102 = arith.constant 0 : i32
    %get3A_103 = arith.index_cast %get3A_102 : i32 to index
    %get3A_104 = arith.constant 112 : index
    %get3A_105 = tpu.vector_load %arg8[%get3A_103, %get3A_104] {strides = array<i32>} : memref<157x128xi32, #tpu.memory_space<vmem>>, vector<16xi32>,
    tpu.vector_store_idx %arg13[%get3A_105], %broadcast_in_dim3A_15 {add = true} : memref<10112xf32, #tpu.memory_space<vmem>>[vector<16xi32>], vector<16xf32>,
    %dma_start3A_106 = arith.constant 3 : i32
    %dma_start3A_107 = arith.constant 0 : i32
    %dma_start3A_108 = tpu.memref_slice %arg7[%dma_start3A_106, %dma_start3A_107] : memref<157x128xi32, #tpu.memory_space<vmem>> -> memref<1x128xi32, #tpu.memory_space<vmem>>
    %dma_start3A_109 = tpu.memref_squeeze %dma_start3A_108 : memref<1x128xi32, #tpu.memory_space<vmem>> -> memref<128xi32, #tpu.memory_space<vmem>>
    %dma_start3A_110 = arith.constant 0 : i32
    %dma_start3A_111 = arith.constant 0 : i32
    %dma_start3A_112 = tpu.memref_slice %arg2[%dma_start3A_110, %dma_start3A_111] : memref<100000x64xf32, #tpu.memory_space<hbm>> -> memref<100000x64xf32, #tpu.memory_space<hbm>>
    tpu.enqueue_indirect_dma source(%dma_start3A_112 : memref<100000x64xf32, #tpu.memory_space<hbm>>) target(%arg12 : memref<128x64xf32, #tpu.memory_space<vmem>>) offsets(%dma_start3A_109 : memref<128xi32, #tpu.memory_space<vmem>>) semaphore(%arg20 : memref<!tpu.dma_semaphore, #tpu.memory_space<semaphore_mem>>)
    %dma_wait3A_113 = arith.constant 1 : i32
    %dma_wait3A_114 = arith.constant 0 : i32
    %dma_wait3A_115 = tpu.memref_slice %arg7[%dma_wait3A_113, %dma_wait3A_114] : memref<157x128xi32, #tpu.memory_space<vmem>> -> memref<1x128xi32, #tpu.memory_space<vmem>>
    %dma_wait3A_116 = tpu.memref_squeeze %dma_wait3A_115 : memref<1x128xi32, #tpu.memory_space<vmem>> -> memref<128xi32, #tpu.memory_space<vmem>>
    %dma_wait3A_117 = arith.constant 0 : i32
    %dma_wait3A_118 = arith.constant 0 : i32
    %dma_wait3A_119 = tpu.memref_slice %arg2[%dma_wait3A_117, %dma_wait3A_118] : memref<100000x64xf32, #tpu.memory_space<hbm>> -> memref<100000x64xf32, #tpu.memory_space<hbm>>
    tpu.wait_indirect_dma semaphore(%arg18 : memref<!tpu.dma_semaphore, #tpu.memory_space<semaphore_mem>>) src(%dma_wait3A_119 : memref<100000x64xf32, #tpu.memory_space<hbm>>) dst(%arg10 : memref<128x64xf32, #tpu.memory_space<vmem>>)
    %dma_start3A_120 = arith.constant 1 : i32
    %dma_start3A_121 = arith.constant 0 : i32
    %dma_start3A_122 = tpu.memref_slice %arg8[%dma_start3A_120, %dma_start3A_121] : memref<157x128xi32, #tpu.memory_space<vmem>> -> memref<1x128xi32, #tpu.memory_space<vmem>>
    %dma_start3A_123 = tpu.memref_squeeze %dma_start3A_122 : memref<1x128xi32, #tpu.memory_space<vmem>> -> memref<128xi32, #tpu.memory_space<vmem>>
    %dma_start3A_124 = arith.constant 0 : i32
    %dma_start3A_125 = arith.constant 0 : i32
    %dma_start3A_126 = tpu.memref_slice %arg16[%dma_start3A_124, %dma_start3A_125] : memref<10112x64xf32, #tpu.memory_space<vmem_shared>> -> memref<10112x64xf32, #tpu.memory_space<vmem_shared>>
    tpu.enqueue_indirect_dma source(%arg10 : memref<128x64xf32, #tpu.memory_space<vmem>>) target(%dma_start3A_126 : memref<10112x64xf32, #tpu.memory_space<vmem_shared>>) offsets(%dma_start3A_123 : memref<128xi32, #tpu.memory_space<vmem>>) semaphore(%arg22 : memref<!tpu.dma_semaphore, #tpu.memory_space<semaphore_mem>>) {add = true}
    %get3A_127 = arith.constant 1 : i32
    %get3A_128 = arith.index_cast %get3A_127 : i32 to index
    %get3A_129 = arith.constant 0 : index
    %get3A_130 = tpu.vector_load %arg8[%get3A_128, %get3A_129] {strides = array<i32>} : memref<157x128xi32, #tpu.memory_space<vmem>>, vector<16xi32>,
    tpu.vector_store_idx %arg13[%get3A_130], %broadcast_in_dim3A_15 {add = true} : memref<10112xf32, #tpu.memory_space<vmem>>[vector<16xi32>], vector<16xf32>,
    %get3A_131 = arith.constant 1 : i32
    %get3A_132 = arith.index_cast %get3A_131 : i32 to index
    %get3A_133 = arith.constant 16 : index
    %get3A_134 = tpu.vector_load %arg8[%get3A_132, %get3A_133] {strides = array<i32>} : memref<157x128xi32, #tpu.memory_space<vmem>>, vector<16xi32>,
    tpu.vector_store_idx %arg13[%get3A_134], %broadcast_in_dim3A_15 {add = true} : memref<10112xf32, #tpu.memory_space<vmem>>[vector<16xi32>], vector<16xf32>,
    %get3A_135 = arith.constant 1 : i32
    %get3A_136 = arith.index_cast %get3A_135 : i32 to index
    %get3A_137 = arith.constant 32 : index
    %get3A_138 = tpu.vector_load %arg8[%get3A_136, %get3A_137] {strides = array<i32>} : memref<157x128xi32, #tpu.memory_space<vmem>>, vector<16xi32>,
    tpu.vector_store_idx %arg13[%get3A_138], %broadcast_in_dim3A_15 {add = true} : memref<10112xf32, #tpu.memory_space<vmem>>[vector<16xi32>], vector<16xf32>,
    %get3A_139 = arith.constant 1 : i32
    %get3A_140 = arith.index_cast %get3A_139 : i32 to index
    %get3A_141 = arith.constant 48 : index
    %get3A_142 = tpu.vector_load %arg8[%get3A_140, %get3A_141] {strides = array<i32>} : memref<157x128xi32, #tpu.memory_space<vmem>>, vector<16xi32>,
    tpu.vector_store_idx %arg13[%get3A_142], %broadcast_in_dim3A_15 {add = true} : memref<10112xf32, #tpu.memory_space<vmem>>[vector<16xi32>], vector<16xf32>,
    %get3A_143 = arith.constant 1 : i32
    %get3A_144 = arith.index_cast %get3A_143 : i32 to index
    %get3A_145 = arith.constant 64 : index
    %get3A_146 = tpu.vector_load %arg8[%get3A_144, %get3A_145] {strides = array<i32>} : memref<157x128xi32, #tpu.memory_space<vmem>>, vector<16xi32>,
    tpu.vector_store_idx %arg13[%get3A_146], %broadcast_in_dim3A_15 {add = true} : memref<10112xf32, #tpu.memory_space<vmem>>[vector<16xi32>], vector<16xf32>,
    %get3A_147 = arith.constant 1 : i32
    %get3A_148 = arith.index_cast %get3A_147 : i32 to index
    %get3A_149 = arith.constant 80 : index
    %get3A_150 = tpu.vector_load %arg8[%get3A_148, %get3A_149] {strides = array<i32>} : memref<157x128xi32, #tpu.memory_space<vmem>>, vector<16xi32>,
    tpu.vector_store_idx %arg13[%get3A_150], %broadcast_in_dim3A_15 {add = true} : memref<10112xf32, #tpu.memory_space<vmem>>[vector<16xi32>], vector<16xf32>,
    %get3A_151 = arith.constant 1 : i32
    %get3A_152 = arith.index_cast %get3A_151 : i32 to index
    %get3A_153 = arith.constant 96 : index
    %get3A_154 = tpu.vector_load %arg8[%get3A_152, %get3A_153] {strides = array<i32>} : memref<157x128xi32, #tpu.memory_space<vmem>>, vector<16xi32>,
    tpu.vector_store_idx %arg13[%get3A_154], %broadcast_in_dim3A_15 {add = true} : memref<10112xf32, #tpu.memory_space<vmem>>[vector<16xi32>], vector<16xf32>,
    %get3A_155 = arith.constant 1 : i32
    %get3A_156 = arith.index_cast %get3A_155 : i32 to index
    %get3A_157 = arith.constant 112 : index
    %get3A_158 = tpu.vector_load %arg8[%get3A_156, %get3A_157] {strides = array<i32>} : memref<157x128xi32, #tpu.memory_space<vmem>>, vector<16xi32>,
    tpu.vector_store_idx %arg13[%get3A_158], %broadcast_in_dim3A_15 {add = true} : memref<10112xf32, #tpu.memory_space<vmem>>[vector<16xi32>], vector<16xf32>,
    %dma_wait3A_159 = arith.constant 0 : i32
    %dma_wait3A_160 = arith.constant 0 : i32
    %dma_wait3A_161 = tpu.memref_slice %arg8[%dma_wait3A_159, %dma_wait3A_160] : memref<157x128xi32, #tpu.memory_space<vmem>> -> memref<1x128xi32, #tpu.memory_space<vmem>>
    %dma_wait3A_162 = tpu.memref_squeeze %dma_wait3A_161 : memref<1x128xi32, #tpu.memory_space<vmem>> -> memref<128xi32, #tpu.memory_space<vmem>>
    %dma_wait3A_163 = arith.constant 0 : i32
    %dma_wait3A_164 = arith.constant 0 : i32
    %dma_wait3A_165 = tpu.memref_slice %arg16[%dma_wait3A_163, %dma_wait3A_164] : memref<10112x64xf32, #tpu.memory_space<vmem_shared>> -> memref<10112x64xf32, #tpu.memory_space<vmem_shared>>
    tpu.wait_indirect_dma semaphore(%arg21 : memref<!tpu.dma_semaphore, #tpu.memory_space<semaphore_mem>>) src(%arg9 : memref<128x64xf32, #tpu.memory_space<vmem>>) dst(%dma_wait3A_165 : memref<10112x64xf32, #tpu.memory_space<vmem_shared>>)
    %dma_start3A_166 = arith.constant 4 : i32
    %dma_start3A_167 = arith.constant 0 : i32
    %dma_start3A_168 = tpu.memref_slice %arg7[%dma_start3A_166, %dma_start3A_167] : memref<157x128xi32, #tpu.memory_space<vmem>> -> memref<1x128xi32, #tpu.memory_space<vmem>>
    %dma_start3A_169 = tpu.memref_squeeze %dma_start3A_168 : memref<1x128xi32, #tpu.memory_space<vmem>> -> memref<128xi32, #tpu.memory_space<vmem>>
    %dma_start3A_170 = arith.constant 0 : i32
    %dma_start3A_171 = arith.constant 0 : i32
    %dma_start3A_172 = tpu.memref_slice %arg2[%dma_start3A_170, %dma_start3A_171] : memref<100000x64xf32, #tpu.memory_space<hbm>> -> memref<100000x64xf32, #tpu.memory_space<hbm>>
    tpu.enqueue_indirect_dma source(%dma_start3A_172 : memref<100000x64xf32, #tpu.memory_space<hbm>>) target(%arg9 : memref<128x64xf32, #tpu.memory_space<vmem>>) offsets(%dma_start3A_169 : memref<128xi32, #tpu.memory_space<vmem>>) semaphore(%arg17 : memref<!tpu.dma_semaphore, #tpu.memory_space<semaphore_mem>>)
    %dma_wait3A_173 = arith.constant 2 : i32
    %dma_wait3A_174 = arith.constant 0 : i32
    %dma_wait3A_175 = tpu.memref_slice %arg7[%dma_wait3A_173, %dma_wait3A_174] : memref<157x128xi32, #tpu.memory_space<vmem>> -> memref<1x128xi32, #tpu.memory_space<vmem>>
    %dma_wait3A_176 = tpu.memref_squeeze %dma_wait3A_175 : memref<1x128xi32, #tpu.memory_space<vmem>> -> memref<128xi32, #tpu.memory_space<vmem>>
    %dma_wait3A_177 = arith.constant 0 : i32
    %dma_wait3A_178 = arith.constant 0 : i32
    %dma_wait3A_179 = tpu.memref_slice %arg2[%dma_wait3A_177, %dma_wait3A_178] : memref<100000x64xf32, #tpu.memory_space<hbm>> -> memref<100000x64xf32, #tpu.memory_space<hbm>>
    tpu.wait_indirect_dma semaphore(%arg19 : memref<!tpu.dma_semaphore, #tpu.memory_space<semaphore_mem>>) src(%dma_wait3A_179 : memref<100000x64xf32, #tpu.memory_space<hbm>>) dst(%arg11 : memref<128x64xf32, #tpu.memory_space<vmem>>)
    %dma_start3A_180 = arith.constant 2 : i32
    %dma_start3A_181 = arith.constant 0 : i32
    %dma_start3A_182 = tpu.memref_slice %arg8[%dma_start3A_180, %dma_start3A_181] : memref<157x128xi32, #tpu.memory_space<vmem>> -> memref<1x128xi32, #tpu.memory_space<vmem>>
    %dma_start3A_183 = tpu.memref_squeeze %dma_start3A_182 : memref<1x128xi32, #tpu.memory_space<vmem>> -> memref<128xi32, #tpu.memory_space<vmem>>
    %dma_start3A_184 = arith.constant 0 : i32
    %dma_start3A_185 = arith.constant 0 : i32
    %dma_start3A_186 = tpu.memref_slice %arg16[%dma_start3A_184, %dma_start3A_185] : memref<10112x64xf32, #tpu.memory_space<vmem_shared>> -> memref<10112x64xf32, #tpu.memory_space<vmem_shared>>
    tpu.enqueue_indirect_dma source(%arg11 : memref<128x64xf32, #tpu.memory_space<vmem>>) target(%dma_start3A_186 : memref<10112x64xf32, #tpu.memory_space<vmem_shared>>) offsets(%dma_start3A_183 : memref<128xi32, #tpu.memory_space<vmem>>) semaphore(%arg23 : memref<!tpu.dma_semaphore, #tpu.memory_space<semaphore_mem>>) {add = true}
    %get3A_187 = arith.constant 2 : i32
    %get3A_188 = arith.index_cast %get3A_187 : i32 to index
    %get3A_189 = arith.constant 0 : index
    %get3A_190 = tpu.vector_load %arg8[%get3A_188, %get3A_189] {strides = array<i32>} : memref<157x128xi32, #tpu.memory_space<vmem>>, vector<16xi32>,
    tpu.vector_store_idx %arg13[%get3A_190], %broadcast_in_dim3A_15 {add = true} : memref<10112xf32, #tpu.memory_space<vmem>>[vector<16xi32>], vector<16xf32>,
    %get3A_191 = arith.constant 2 : i32
    %get3A_192 = arith.index_cast %get3A_191 : i32 to index
    %get3A_193 = arith.constant 16 : index
    %get3A_194 = tpu.vector_load %arg8[%get3A_192, %get3A_193] {strides = array<i32>} : memref<157x128xi32, #tpu.memory_space<vmem>>, vector<16xi32>,
    tpu.vector_store_idx %arg13[%get3A_194], %broadcast_in_dim3A_15 {add = true} : memref<10112xf32, #tpu.memory_space<vmem>>[vector<16xi32>], vector<16xf32>,
    %get3A_195 = arith.constant 2 : i32
    %get3A_196 = arith.index_cast %get3A_195 : i32 to index
    %get3A_197 = arith.constant 32 : index
    %get3A_198 = tpu.vector_load %arg8[%get3A_196, %get3A_197] {strides = array<i32>} : memref<157x128xi32, #tpu.memory_space<vmem>>, vector<16xi32>,
    tpu.vector_store_idx %arg13[%get3A_198], %broadcast_in_dim3A_15 {add = true} : memref<10112xf32, #tpu.memory_space<vmem>>[vector<16xi32>], vector<16xf32>,
    %get3A_199 = arith.constant 2 : i32
    %get3A_200 = arith.index_cast %get3A_199 : i32 to index
    %get3A_201 = arith.constant 48 : index
    %get3A_202 = tpu.vector_load %arg8[%get3A_200, %get3A_201] {strides = array<i32>} : memref<157x128xi32, #tpu.memory_space<vmem>>, vector<16xi32>,
    tpu.vector_store_idx %arg13[%get3A_202], %broadcast_in_dim3A_15 {add = true} : memref<10112xf32, #tpu.memory_space<vmem>>[vector<16xi32>], vector<16xf32>,
    %get3A_203 = arith.constant 2 : i32
    %get3A_204 = arith.index_cast %get3A_203 : i32 to index
    %get3A_205 = arith.constant 64 : index
    %get3A_206 = tpu.vector_load %arg8[%get3A_204, %get3A_205] {strides = array<i32>} : memref<157x128xi32, #tpu.memory_space<vmem>>, vector<16xi32>,
    tpu.vector_store_idx %arg13[%get3A_206], %broadcast_in_dim3A_15 {add = true} : memref<10112xf32, #tpu.memory_space<vmem>>[vector<16xi32>], vector<16xf32>,
    %get3A_207 = arith.constant 2 : i32
    %get3A_208 = arith.index_cast %get3A_207 : i32 to index
    %get3A_209 = arith.constant 80 : index
    %get3A_210 = tpu.vector_load %arg8[%get3A_208, %get3A_209] {strides = array<i32>} : memref<157x128xi32, #tpu.memory_space<vmem>>, vector<16xi32>,
    tpu.vector_store_idx %arg13[%get3A_210], %broadcast_in_dim3A_15 {add = true} : memref<10112xf32, #tpu.memory_space<vmem>>[vector<16xi32>], vector<16xf32>,
    %get3A_211 = arith.constant 2 : i32
    %get3A_212 = arith.index_cast %get3A_211 : i32 to index
    %get3A_213 = arith.constant 96 : index
    %get3A_214 = tpu.vector_load %arg8[%get3A_212, %get3A_213] {strides = array<i32>} : memref<157x128xi32, #tpu.memory_space<vmem>>, vector<16xi32>,
    tpu.vector_store_idx %arg13[%get3A_214], %broadcast_in_dim3A_15 {add = true} : memref<10112xf32, #tpu.memory_space<vmem>>[vector<16xi32>], vector<16xf32>,
    %get3A_215 = arith.constant 2 : i32
    %get3A_216 = arith.index_cast %get3A_215 : i32 to index
    %get3A_217 = arith.constant 112 : index
    %get3A_218 = tpu.vector_load %arg8[%get3A_216, %get3A_217] {strides = array<i32>} : memref<157x128xi32, #tpu.memory_space<vmem>>, vector<16xi32>,
    tpu.vector_store_idx %arg13[%get3A_218], %broadcast_in_dim3A_15 {add = true} : memref<10112xf32, #tpu.memory_space<vmem>>[vector<16xi32>], vector<16xf32>,
    %dma_wait3A_219 = arith.constant 1 : i32
    %dma_wait3A_220 = arith.constant 0 : i32
    %dma_wait3A_221 = tpu.memref_slice %arg8[%dma_wait3A_219, %dma_wait3A_220] : memref<157x128xi32, #tpu.memory_space<vmem>> -> memref<1x128xi32, #tpu.memory_space<vmem>>
    %dma_wait3A_222 = tpu.memref_squeeze %dma_wait3A_221 : memref<1x128xi32, #tpu.memory_space<vmem>> -> memref<128xi32, #tpu.memory_space<vmem>>
    %dma_wait3A_223 = arith.constant 0 : i32
    %dma_wait3A_224 = arith.constant 0 : i32
    %dma_wait3A_225 = tpu.memref_slice %arg16[%dma_wait3A_223, %dma_wait3A_224] : memref<10112x64xf32, #tpu.memory_space<vmem_shared>> -> memref<10112x64xf32, #tpu.memory_space<vmem_shared>>
    tpu.wait_indirect_dma semaphore(%arg22 : memref<!tpu.dma_semaphore, #tpu.memory_space<semaphore_mem>>) src(%arg10 : memref<128x64xf32, #tpu.memory_space<vmem>>) dst(%dma_wait3A_225 : memref<10112x64xf32, #tpu.memory_space<vmem_shared>>)
    %dma_start3A_226 = arith.constant 5 : i32
    %dma_start3A_227 = arith.constant 0 : i32
    %dma_start3A_228 = tpu.memref_slice %arg7[%dma_start3A_226, %dma_start3A_227] : memref<157x128xi32, #tpu.memory_space<vmem>> -> memref<1x128xi32, #tpu.memory_space<vmem>>
    %dma_start3A_229 = tpu.memref_squeeze %dma_start3A_228 : memref<1x128xi32, #tpu.memory_space<vmem>> -> memref<128xi32, #tpu.memory_space<vmem>>
    %dma_start3A_230 = arith.constant 0 : i32
    %dma_start3A_231 = arith.constant 0 : i32
    %dma_start3A_232 = tpu.memref_slice %arg2[%dma_start3A_230, %dma_start3A_231] : memref<100000x64xf32, #tpu.memory_space<hbm>> -> memref<100000x64xf32, #tpu.memory_space<hbm>>
    tpu.enqueue_indirect_dma source(%dma_start3A_232 : memref<100000x64xf32, #tpu.memory_space<hbm>>) target(%arg10 : memref<128x64xf32, #tpu.memory_space<vmem>>) offsets(%dma_start3A_229 : memref<128xi32, #tpu.memory_space<vmem>>) semaphore(%arg18 : memref<!tpu.dma_semaphore, #tpu.memory_space<semaphore_mem>>)
    %dma_wait3A_233 = arith.constant 3 : i32
    %dma_wait3A_234 = arith.constant 0 : i32
    %dma_wait3A_235 = tpu.memref_slice %arg7[%dma_wait3A_233, %dma_wait3A_234] : memref<157x128xi32, #tpu.memory_space<vmem>> -> memref<1x128xi32, #tpu.memory_space<vmem>>
    %dma_wait3A_236 = tpu.memref_squeeze %dma_wait3A_235 : memref<1x128xi32, #tpu.memory_space<vmem>> -> memref<128xi32, #tpu.memory_space<vmem>>
    %dma_wait3A_237 = arith.constant 0 : i32
    %dma_wait3A_238 = arith.constant 0 : i32
    %dma_wait3A_239 = tpu.memref_slice %arg2[%dma_wait3A_237, %dma_wait3A_238] : memref<100000x64xf32, #tpu.memory_space<hbm>> -> memref<100000x64xf32, #tpu.memory_space<hbm>>
    tpu.wait_indirect_dma semaphore(%arg20 : memref<!tpu.dma_semaphore, #tpu.memory_space<semaphore_mem>>) src(%dma_wait3A_239 : memref<100000x64xf32, #tpu.memory_space<hbm>>) dst(%arg12 : memref<128x64xf32, #tpu.memory_space<vmem>>)
    %dma_start3A_240 = arith.constant 3 : i32
    %dma_start3A_241 = arith.constant 0 : i32
    %dma_start3A_242 = tpu.memref_slice %arg8[%dma_start3A_240, %dma_start3A_241] : memref<157x128xi32, #tpu.memory_space<vmem>> -> memref<1x128xi32, #tpu.memory_space<vmem>>
    %dma_start3A_243 = tpu.memref_squeeze %dma_start3A_242 : memref<1x128xi32, #tpu.memory_space<vmem>> -> memref<128xi32, #tpu.memory_space<vmem>>
    %dma_start3A_244 = arith.constant 0 : i32
    %dma_start3A_245 = arith.constant 0 : i32
    %dma_start3A_246 = tpu.memref_slice %arg16[%dma_start3A_244, %dma_start3A_245] : memref<10112x64xf32, #tpu.memory_space<vmem_shared>> -> memref<10112x64xf32, #tpu.memory_space<vmem_shared>>
    tpu.enqueue_indirect_dma source(%arg12 : memref<128x64xf32, #tpu.memory_space<vmem>>) target(%dma_start3A_246 : memref<10112x64xf32, #tpu.memory_space<vmem_shared>>) offsets(%dma_start3A_243 : memref<128xi32, #tpu.memory_space<vmem>>) semaphore(%arg24 : memref<!tpu.dma_semaphore, #tpu.memory_space<semaphore_mem>>) {add = true}
    %get3A_247 = arith.constant 3 : i32
    %get3A_248 = arith.index_cast %get3A_247 : i32 to index
    %get3A_249 = arith.constant 0 : index
    %get3A_250 = tpu.vector_load %arg8[%get3A_248, %get3A_249] {strides = array<i32>} : memref<157x128xi32, #tpu.memory_space<vmem>>, vector<16xi32>,
    tpu.vector_store_idx %arg13[%get3A_250], %broadcast_in_dim3A_15 {add = true} : memref<10112xf32, #tpu.memory_space<vmem>>[vector<16xi32>], vector<16xf32>,
    %get3A_251 = arith.constant 3 : i32
    %get3A_252 = arith.index_cast %get3A_251 : i32 to index
    %get3A_253 = arith.constant 16 : index
    %get3A_254 = tpu.vector_load %arg8[%get3A_252, %get3A_253] {strides = array<i32>} : memref<157x128xi32, #tpu.memory_space<vmem>>, vector<16xi32>,
    tpu.vector_store_idx %arg13[%get3A_254], %broadcast_in_dim3A_15 {add = true} : memref<10112xf32, #tpu.memory_space<vmem>>[vector<16xi32>], vector<16xf32>,
    %get3A_255 = arith.constant 3 : i32
    %get3A_256 = arith.index_cast %get3A_255 : i32 to index
    %get3A_257 = arith.constant 32 : index
    %get3A_258 = tpu.vector_load %arg8[%get3A_256, %get3A_257] {strides = array<i32>} : memref<157x128xi32, #tpu.memory_space<vmem>>, vector<16xi32>,
    tpu.vector_store_idx %arg13[%get3A_258], %broadcast_in_dim3A_15 {add = true} : memref<10112xf32, #tpu.memory_space<vmem>>[vector<16xi32>], vector<16xf32>,
    %get3A_259 = arith.constant 3 : i32
    %get3A_260 = arith.index_cast %get3A_259 : i32 to index
    %get3A_261 = arith.constant 48 : index
    %get3A_262 = tpu.vector_load %arg8[%get3A_260, %get3A_261] {strides = array<i32>} : memref<157x128xi32, #tpu.memory_space<vmem>>, vector<16xi32>,
    tpu.vector_store_idx %arg13[%get3A_262], %broadcast_in_dim3A_15 {add = true} : memref<10112xf32, #tpu.memory_space<vmem>>[vector<16xi32>], vector<16xf32>,
    %get3A_263 = arith.constant 3 : i32
    %get3A_264 = arith.index_cast %get3A_263 : i32 to index
    %get3A_265 = arith.constant 64 : index
    %get3A_266 = tpu.vector_load %arg8[%get3A_264, %get3A_265] {strides = array<i32>} : memref<157x128xi32, #tpu.memory_space<vmem>>, vector<16xi32>,
    tpu.vector_store_idx %arg13[%get3A_266], %broadcast_in_dim3A_15 {add = true} : memref<10112xf32, #tpu.memory_space<vmem>>[vector<16xi32>], vector<16xf32>,
    %get3A_267 = arith.constant 3 : i32
    %get3A_268 = arith.index_cast %get3A_267 : i32 to index
    %get3A_269 = arith.constant 80 : index
    %get3A_270 = tpu.vector_load %arg8[%get3A_268, %get3A_269] {strides = array<i32>} : memref<157x128xi32, #tpu.memory_space<vmem>>, vector<16xi32>,
    tpu.vector_store_idx %arg13[%get3A_270], %broadcast_in_dim3A_15 {add = true} : memref<10112xf32, #tpu.memory_space<vmem>>[vector<16xi32>], vector<16xf32>,
    %get3A_271 = arith.constant 3 : i32
    %get3A_272 = arith.index_cast %get3A_271 : i32 to index
    %get3A_273 = arith.constant 96 : index
    %get3A_274 = tpu.vector_load %arg8[%get3A_272, %get3A_273] {strides = array<i32>} : memref<157x128xi32, #tpu.memory_space<vmem>>, vector<16xi32>,
    tpu.vector_store_idx %arg13[%get3A_274], %broadcast_in_dim3A_15 {add = true} : memref<10112xf32, #tpu.memory_space<vmem>>[vector<16xi32>], vector<16xf32>,
    %get3A_275 = arith.constant 3 : i32
    %get3A_276 = arith.index_cast %get3A_275 : i32 to index
    %get3A_277 = arith.constant 112 : index
    %get3A_278 = tpu.vector_load %arg8[%get3A_276, %get3A_277] {strides = array<i32>} : memref<157x128xi32, #tpu.memory_space<vmem>>, vector<16xi32>,
    tpu.vector_store_idx %arg13[%get3A_278], %broadcast_in_dim3A_15 {add = true} : memref<10112xf32, #tpu.memory_space<vmem>>[vector<16xi32>], vector<16xf32>,
    %dma_wait3A_279 = arith.constant 2 : i32
    %dma_wait3A_280 = arith.constant 0 : i32
    %dma_wait3A_281 = tpu.memref_slice %arg8[%dma_wait3A_279, %dma_wait3A_280] : memref<157x128xi32, #tpu.memory_space<vmem>> -> memref<1x128xi32, #tpu.memory_space<vmem>>
    %dma_wait3A_282 = tpu.memref_squeeze %dma_wait3A_281 : memref<1x128xi32, #tpu.memory_space<vmem>> -> memref<128xi32, #tpu.memory_space<vmem>>
    %dma_wait3A_283 = arith.constant 0 : i32
    %dma_wait3A_284 = arith.constant 0 : i32
    %dma_wait3A_285 = tpu.memref_slice %arg16[%dma_wait3A_283, %dma_wait3A_284] : memref<10112x64xf32, #tpu.memory_space<vmem_shared>> -> memref<10112x64xf32, #tpu.memory_space<vmem_shared>>
    tpu.wait_indirect_dma semaphore(%arg23 : memref<!tpu.dma_semaphore, #tpu.memory_space<semaphore_mem>>) src(%arg11 : memref<128x64xf32, #tpu.memory_space<vmem>>) dst(%dma_wait3A_285 : memref<10112x64xf32, #tpu.memory_space<vmem_shared>>)
    %dma_start3A_286 = arith.constant 6 : i32
    %dma_start3A_287 = arith.constant 0 : i32
    %dma_start3A_288 = tpu.memref_slice %arg7[%dma_start3A_286, %dma_start3A_287] : memref<157x128xi32, #tpu.memory_space<vmem>> -> memref<1x128xi32, #tpu.memory_space<vmem>>
    %dma_start3A_289 = tpu.memref_squeeze %dma_start3A_288 : memref<1x128xi32, #tpu.memory_space<vmem>> -> memref<128xi32, #tpu.memory_space<vmem>>
    %dma_start3A_290 = arith.constant 0 : i32
    %dma_start3A_291 = arith.constant 0 : i32
    %dma_start3A_292 = tpu.memref_slice %arg2[%dma_start3A_290, %dma_start3A_291] : memref<100000x64xf32, #tpu.memory_space<hbm>> -> memref<100000x64xf32, #tpu.memory_space<hbm>>
    tpu.enqueue_indirect_dma source(%dma_start3A_292 : memref<100000x64xf32, #tpu.memory_space<hbm>>) target(%arg11 : memref<128x64xf32, #tpu.memory_space<vmem>>) offsets(%dma_start3A_289 : memref<128xi32, #tpu.memory_space<vmem>>) semaphore(%arg19 : memref<!tpu.dma_semaphore, #tpu.memory_space<semaphore_mem>>)
    %scan3A_293 = arith.constant 0 : i32
    %scan3A_294 = arith.constant 1 : i32
    %scan3A_295 = arith.constant 37 : i32
    %scan3A_296 = arith.addi %scan3A_294, %scan3A_295 : i32
    %scan3A_297 = arith.constant 1 : i32
    %scan3A_298 = scf.for %scan3A_717 = %scan3A_294 to %scan3A_296 step %scan3A_297 iter_args(%scan3A_718 = %scan3A_293) -> (i32)  : i32 {
      %mul3A_719 = arith.constant 4 : i32
      %mul3A_720 = arith.muli %mul3A_719, %scan3A_717 : i32
      %add3A_721 = arith.constant 0 : i32
      %add3A_722 = arith.addi %mul3A_720, %add3A_721 : i32
      %dma_wait3A_723 = arith.constant 0 : i32
      %dma_wait3A_724 = tpu.memref_slice %arg7[%add3A_722, %dma_wait3A_723] : memref<157x128xi32, #tpu.memory_space<vmem>> -> memref<1x128xi32, #tpu.memory_space<vmem>>
      %dma_wait3A_725 = tpu.memref_squeeze %dma_wait3A_724 : memref<1x128xi32, #tpu.memory_space<vmem>> -> memref<128xi32, #tpu.memory_space<vmem>>
      %dma_wait3A_726 = arith.constant 0 : i32
      %dma_wait3A_727 = arith.constant 0 : i32
      %dma_wait3A_728 = tpu.memref_slice %arg2[%dma_wait3A_726, %dma_wait3A_727] : memref<100000x64xf32, #tpu.memory_space<hbm>> -> memref<100000x64xf32, #tpu.memory_space<hbm>>
      tpu.wait_indirect_dma semaphore(%arg17 : memref<!tpu.dma_semaphore, #tpu.memory_space<semaphore_mem>>) src(%dma_wait3A_728 : memref<100000x64xf32, #tpu.memory_space<hbm>>) dst(%arg9 : memref<128x64xf32, #tpu.memory_space<vmem>>)
      %dma_start3A_729 = arith.constant 0 : i32
      %dma_start3A_730 = tpu.memref_slice %arg8[%add3A_722, %dma_start3A_729] : memref<157x128xi32, #tpu.memory_space<vmem>> -> memref<1x128xi32, #tpu.memory_space<vmem>>
      %dma_start3A_731 = tpu.memref_squeeze %dma_start3A_730 : memref<1x128xi32, #tpu.memory_space<vmem>> -> memref<128xi32, #tpu.memory_space<vmem>>
      %dma_start3A_732 = arith.constant 0 : i32
      %dma_start3A_733 = arith.constant 0 : i32
      %dma_start3A_734 = tpu.memref_slice %arg16[%dma_start3A_732, %dma_start3A_733] : memref<10112x64xf32, #tpu.memory_space<vmem_shared>> -> memref<10112x64xf32, #tpu.memory_space<vmem_shared>>
      tpu.enqueue_indirect_dma source(%arg9 : memref<128x64xf32, #tpu.memory_space<vmem>>) target(%dma_start3A_734 : memref<10112x64xf32, #tpu.memory_space<vmem_shared>>) offsets(%dma_start3A_731 : memref<128xi32, #tpu.memory_space<vmem>>) semaphore(%arg21 : memref<!tpu.dma_semaphore, #tpu.memory_space<semaphore_mem>>) {add = true}
      %get3A_735 = arith.index_cast %add3A_722 : i32 to index
      %get3A_736 = arith.constant 0 : index
      %get3A_737 = tpu.vector_load %arg8[%get3A_735, %get3A_736] {strides = array<i32>} : memref<157x128xi32, #tpu.memory_space<vmem>>, vector<16xi32>,
      tpu.vector_store_idx %arg13[%get3A_737], %broadcast_in_dim3A_15 {add = true} : memref<10112xf32, #tpu.memory_space<vmem>>[vector<16xi32>], vector<16xf32>,
      %get3A_738 = arith.index_cast %add3A_722 : i32 to index
      %get3A_739 = arith.constant 16 : index
      %get3A_740 = tpu.vector_load %arg8[%get3A_738, %get3A_739] {strides = array<i32>} : memref<157x128xi32, #tpu.memory_space<vmem>>, vector<16xi32>,
      tpu.vector_store_idx %arg13[%get3A_740], %broadcast_in_dim3A_15 {add = true} : memref<10112xf32, #tpu.memory_space<vmem>>[vector<16xi32>], vector<16xf32>,
      %get3A_741 = arith.index_cast %add3A_722 : i32 to index
      %get3A_742 = arith.constant 32 : index
      %get3A_743 = tpu.vector_load %arg8[%get3A_741, %get3A_742] {strides = array<i32>} : memref<157x128xi32, #tpu.memory_space<vmem>>, vector<16xi32>,
      tpu.vector_store_idx %arg13[%get3A_743], %broadcast_in_dim3A_15 {add = true} : memref<10112xf32, #tpu.memory_space<vmem>>[vector<16xi32>], vector<16xf32>,
      %get3A_744 = arith.index_cast %add3A_722 : i32 to index
      %get3A_745 = arith.constant 48 : index
      %get3A_746 = tpu.vector_load %arg8[%get3A_744, %get3A_745] {strides = array<i32>} : memref<157x128xi32, #tpu.memory_space<vmem>>, vector<16xi32>,
      tpu.vector_store_idx %arg13[%get3A_746], %broadcast_in_dim3A_15 {add = true} : memref<10112xf32, #tpu.memory_space<vmem>>[vector<16xi32>], vector<16xf32>,
      %get3A_747 = arith.index_cast %add3A_722 : i32 to index
      %get3A_748 = arith.constant 64 : index
      %get3A_749 = tpu.vector_load %arg8[%get3A_747, %get3A_748] {strides = array<i32>} : memref<157x128xi32, #tpu.memory_space<vmem>>, vector<16xi32>,
      tpu.vector_store_idx %arg13[%get3A_749], %broadcast_in_dim3A_15 {add = true} : memref<10112xf32, #tpu.memory_space<vmem>>[vector<16xi32>], vector<16xf32>,
      %get3A_750 = arith.index_cast %add3A_722 : i32 to index
      %get3A_751 = arith.constant 80 : index
      %get3A_752 = tpu.vector_load %arg8[%get3A_750, %get3A_751] {strides = array<i32>} : memref<157x128xi32, #tpu.memory_space<vmem>>, vector<16xi32>,
      tpu.vector_store_idx %arg13[%get3A_752], %broadcast_in_dim3A_15 {add = true} : memref<10112xf32, #tpu.memory_space<vmem>>[vector<16xi32>], vector<16xf32>,
      %get3A_753 = arith.index_cast %add3A_722 : i32 to index
      %get3A_754 = arith.constant 96 : index
      %get3A_755 = tpu.vector_load %arg8[%get3A_753, %get3A_754] {strides = array<i32>} : memref<157x128xi32, #tpu.memory_space<vmem>>, vector<16xi32>,
      tpu.vector_store_idx %arg13[%get3A_755], %broadcast_in_dim3A_15 {add = true} : memref<10112xf32, #tpu.memory_space<vmem>>[vector<16xi32>], vector<16xf32>,
      %get3A_756 = arith.index_cast %add3A_722 : i32 to index
      %get3A_757 = arith.constant 112 : index
      %get3A_758 = tpu.vector_load %arg8[%get3A_756, %get3A_757] {strides = array<i32>} : memref<157x128xi32, #tpu.memory_space<vmem>>, vector<16xi32>,
      tpu.vector_store_idx %arg13[%get3A_758], %broadcast_in_dim3A_15 {add = true} : memref<10112xf32, #tpu.memory_space<vmem>>[vector<16xi32>], vector<16xf32>,
      %sub3A = arith.constant 1 : i32
      %sub3A_759 = arith.subi %add3A_722, %sub3A : i32
      %dma_wait3A_760 = arith.constant 0 : i32
      %dma_wait3A_761 = tpu.memref_slice %arg8[%sub3A_759, %dma_wait3A_760] : memref<157x128xi32, #tpu.memory_space<vmem>> -> memref<1x128xi32, #tpu.memory_space<vmem>>
      %dma_wait3A_762 = tpu.memref_squeeze %dma_wait3A_761 : memref<1x128xi32, #tpu.memory_space<vmem>> -> memref<128xi32, #tpu.memory_space<vmem>>
      %dma_wait3A_763 = arith.constant 0 : i32
      %dma_wait3A_764 = arith.constant 0 : i32
      %dma_wait3A_765 = tpu.memref_slice %arg16[%dma_wait3A_763, %dma_wait3A_764] : memref<10112x64xf32, #tpu.memory_space<vmem_shared>> -> memref<10112x64xf32, #tpu.memory_space<vmem_shared>>
      tpu.wait_indirect_dma semaphore(%arg24 : memref<!tpu.dma_semaphore, #tpu.memory_space<semaphore_mem>>) src(%arg12 : memref<128x64xf32, #tpu.memory_space<vmem>>) dst(%dma_wait3A_765 : memref<10112x64xf32, #tpu.memory_space<vmem_shared>>)
      %add3A_766 = arith.constant 4 : i32
      %add3A_767 = arith.addi %add3A_722, %add3A_766 : i32
      %sub3A_768 = arith.constant 1 : i32
      %sub3A_769 = arith.subi %add3A_767, %sub3A_768 : i32
      %dma_start3A_770 = arith.constant 0 : i32
      %dma_start3A_771 = tpu.memref_slice %arg7[%sub3A_769, %dma_start3A_770] : memref<157x128xi32, #tpu.memory_space<vmem>> -> memref<1x128xi32, #tpu.memory_space<vmem>>
      %dma_start3A_772 = tpu.memref_squeeze %dma_start3A_771 : memref<1x128xi32, #tpu.memory_space<vmem>> -> memref<128xi32, #tpu.memory_space<vmem>>
      %dma_start3A_773 = arith.constant 0 : i32
      %dma_start3A_774 = arith.constant 0 : i32
      %dma_start3A_775 = tpu.memref_slice %arg2[%dma_start3A_773, %dma_start3A_774] : memref<100000x64xf32, #tpu.memory_space<hbm>> -> memref<100000x64xf32, #tpu.memory_space<hbm>>
      tpu.enqueue_indirect_dma source(%dma_start3A_775 : memref<100000x64xf32, #tpu.memory_space<hbm>>) target(%arg12 : memref<128x64xf32, #tpu.memory_space<vmem>>) offsets(%dma_start3A_772 : memref<128xi32, #tpu.memory_space<vmem>>) semaphore(%arg20 : memref<!tpu.dma_semaphore, #tpu.memory_space<semaphore_mem>>)
      %add3A_776 = arith.constant 1 : i32
      %add3A_777 = arith.addi %mul3A_720, %add3A_776 : i32
      %dma_wait3A_778 = arith.constant 0 : i32
      %dma_wait3A_779 = tpu.memref_slice %arg7[%add3A_777, %dma_wait3A_778] : memref<157x128xi32, #tpu.memory_space<vmem>> -> memref<1x128xi32, #tpu.memory_space<vmem>>
      %dma_wait3A_780 = tpu.memref_squeeze %dma_wait3A_779 : memref<1x128xi32, #tpu.memory_space<vmem>> -> memref<128xi32, #tpu.memory_space<vmem>>
      %dma_wait3A_781 = arith.constant 0 : i32
      %dma_wait3A_782 = arith.constant 0 : i32
      %dma_wait3A_783 = tpu.memref_slice %arg2[%dma_wait3A_781, %dma_wait3A_782] : memref<100000x64xf32, #tpu.memory_space<hbm>> -> memref<100000x64xf32, #tpu.memory_space<hbm>>
      tpu.wait_indirect_dma semaphore(%arg18 : memref<!tpu.dma_semaphore, #tpu.memory_space<semaphore_mem>>) src(%dma_wait3A_783 : memref<100000x64xf32, #tpu.memory_space<hbm>>) dst(%arg10 : memref<128x64xf32, #tpu.memory_space<vmem>>)
      %dma_start3A_784 = arith.constant 0 : i32
      %dma_start3A_785 = tpu.memref_slice %arg8[%add3A_777, %dma_start3A_784] : memref<157x128xi32, #tpu.memory_space<vmem>> -> memref<1x128xi32, #tpu.memory_space<vmem>>
      %dma_start3A_786 = tpu.memref_squeeze %dma_start3A_785 : memref<1x128xi32, #tpu.memory_space<vmem>> -> memref<128xi32, #tpu.memory_space<vmem>>
      %dma_start3A_787 = arith.constant 0 : i32
      %dma_start3A_788 = arith.constant 0 : i32
      %dma_start3A_789 = tpu.memref_slice %arg16[%dma_start3A_787, %dma_start3A_788] : memref<10112x64xf32, #tpu.memory_space<vmem_shared>> -> memref<10112x64xf32, #tpu.memory_space<vmem_shared>>
      tpu.enqueue_indirect_dma source(%arg10 : memref<128x64xf32, #tpu.memory_space<vmem>>) target(%dma_start3A_789 : memref<10112x64xf32, #tpu.memory_space<vmem_shared>>) offsets(%dma_start3A_786 : memref<128xi32, #tpu.memory_space<vmem>>) semaphore(%arg22 : memref<!tpu.dma_semaphore, #tpu.memory_space<semaphore_mem>>) {add = true}
      %get3A_790 = arith.index_cast %add3A_777 : i32 to index
      %get3A_791 = arith.constant 0 : index
      %get3A_792 = tpu.vector_load %arg8[%get3A_790, %get3A_791] {strides = array<i32>} : memref<157x128xi32, #tpu.memory_space<vmem>>, vector<16xi32>,
      tpu.vector_store_idx %arg13[%get3A_792], %broadcast_in_dim3A_15 {add = true} : memref<10112xf32, #tpu.memory_space<vmem>>[vector<16xi32>], vector<16xf32>,
      %get3A_793 = arith.index_cast %add3A_777 : i32 to index
      %get3A_794 = arith.constant 16 : index
      %get3A_795 = tpu.vector_load %arg8[%get3A_793, %get3A_794] {strides = array<i32>} : memref<157x128xi32, #tpu.memory_space<vmem>>, vector<16xi32>,
      tpu.vector_store_idx %arg13[%get3A_795], %broadcast_in_dim3A_15 {add = true} : memref<10112xf32, #tpu.memory_space<vmem>>[vector<16xi32>], vector<16xf32>,
      %get3A_796 = arith.index_cast %add3A_777 : i32 to index
      %get3A_797 = arith.constant 32 : index
      %get3A_798 = tpu.vector_load %arg8[%get3A_796, %get3A_797] {strides = array<i32>} : memref<157x128xi32, #tpu.memory_space<vmem>>, vector<16xi32>,
      tpu.vector_store_idx %arg13[%get3A_798], %broadcast_in_dim3A_15 {add = true} : memref<10112xf32, #tpu.memory_space<vmem>>[vector<16xi32>], vector<16xf32>,
      %get3A_799 = arith.index_cast %add3A_777 : i32 to index
      %get3A_800 = arith.constant 48 : index
      %get3A_801 = tpu.vector_load %arg8[%get3A_799, %get3A_800] {strides = array<i32>} : memref<157x128xi32, #tpu.memory_space<vmem>>, vector<16xi32>,
      tpu.vector_store_idx %arg13[%get3A_801], %broadcast_in_dim3A_15 {add = true} : memref<10112xf32, #tpu.memory_space<vmem>>[vector<16xi32>], vector<16xf32>,
      %get3A_802 = arith.index_cast %add3A_777 : i32 to index
      %get3A_803 = arith.constant 64 : index
      %get3A_804 = tpu.vector_load %arg8[%get3A_802, %get3A_803] {strides = array<i32>} : memref<157x128xi32, #tpu.memory_space<vmem>>, vector<16xi32>,
      tpu.vector_store_idx %arg13[%get3A_804], %broadcast_in_dim3A_15 {add = true} : memref<10112xf32, #tpu.memory_space<vmem>>[vector<16xi32>], vector<16xf32>,
      %get3A_805 = arith.index_cast %add3A_777 : i32 to index
      %get3A_806 = arith.constant 80 : index
      %get3A_807 = tpu.vector_load %arg8[%get3A_805, %get3A_806] {strides = array<i32>} : memref<157x128xi32, #tpu.memory_space<vmem>>, vector<16xi32>,
      tpu.vector_store_idx %arg13[%get3A_807], %broadcast_in_dim3A_15 {add = true} : memref<10112xf32, #tpu.memory_space<vmem>>[vector<16xi32>], vector<16xf32>,
      %get3A_808 = arith.index_cast %add3A_777 : i32 to index
      %get3A_809 = arith.constant 96 : index
      %get3A_810 = tpu.vector_load %arg8[%get3A_808, %get3A_809] {strides = array<i32>} : memref<157x128xi32, #tpu.memory_space<vmem>>, vector<16xi32>,
      tpu.vector_store_idx %arg13[%get3A_810], %broadcast_in_dim3A_15 {add = true} : memref<10112xf32, #tpu.memory_space<vmem>>[vector<16xi32>], vector<16xf32>,
      %get3A_811 = arith.index_cast %add3A_777 : i32 to index
      %get3A_812 = arith.constant 112 : index
      %get3A_813 = tpu.vector_load %arg8[%get3A_811, %get3A_812] {strides = array<i32>} : memref<157x128xi32, #tpu.memory_space<vmem>>, vector<16xi32>,
      tpu.vector_store_idx %arg13[%get3A_813], %broadcast_in_dim3A_15 {add = true} : memref<10112xf32, #tpu.memory_space<vmem>>[vector<16xi32>], vector<16xf32>,
      %sub3A_814 = arith.constant 1 : i32
      %sub3A_815 = arith.subi %add3A_777, %sub3A_814 : i32
      %dma_wait3A_816 = arith.constant 0 : i32
      %dma_wait3A_817 = tpu.memref_slice %arg8[%sub3A_815, %dma_wait3A_816] : memref<157x128xi32, #tpu.memory_space<vmem>> -> memref<1x128xi32, #tpu.memory_space<vmem>>
      %dma_wait3A_818 = tpu.memref_squeeze %dma_wait3A_817 : memref<1x128xi32, #tpu.memory_space<vmem>> -> memref<128xi32, #tpu.memory_space<vmem>>
      %dma_wait3A_819 = arith.constant 0 : i32
      %dma_wait3A_820 = arith.constant 0 : i32
      %dma_wait3A_821 = tpu.memref_slice %arg16[%dma_wait3A_819, %dma_wait3A_820] : memref<10112x64xf32, #tpu.memory_space<vmem_shared>> -> memref<10112x64xf32, #tpu.memory_space<vmem_shared>>
      tpu.wait_indirect_dma semaphore(%arg21 : memref<!tpu.dma_semaphore, #tpu.memory_space<semaphore_mem>>) src(%arg9 : memref<128x64xf32, #tpu.memory_space<vmem>>) dst(%dma_wait3A_821 : memref<10112x64xf32, #tpu.memory_space<vmem_shared>>)
      %add3A_822 = arith.constant 4 : i32
      %add3A_823 = arith.addi %add3A_777, %add3A_822 : i32
      %sub3A_824 = arith.constant 1 : i32
      %sub3A_825 = arith.subi %add3A_823, %sub3A_824 : i32
      %dma_start3A_826 = arith.constant 0 : i32
      %dma_start3A_827 = tpu.memref_slice %arg7[%sub3A_825, %dma_start3A_826] : memref<157x128xi32, #tpu.memory_space<vmem>> -> memref<1x128xi32, #tpu.memory_space<vmem>>
      %dma_start3A_828 = tpu.memref_squeeze %dma_start3A_827 : memref<1x128xi32, #tpu.memory_space<vmem>> -> memref<128xi32, #tpu.memory_space<vmem>>
      %dma_start3A_829 = arith.constant 0 : i32
      %dma_start3A_830 = arith.constant 0 : i32
      %dma_start3A_831 = tpu.memref_slice %arg2[%dma_start3A_829, %dma_start3A_830] : memref<100000x64xf32, #tpu.memory_space<hbm>> -> memref<100000x64xf32, #tpu.memory_space<hbm>>
      tpu.enqueue_indirect_dma source(%dma_start3A_831 : memref<100000x64xf32, #tpu.memory_space<hbm>>) target(%arg9 : memref<128x64xf32, #tpu.memory_space<vmem>>) offsets(%dma_start3A_828 : memref<128xi32, #tpu.memory_space<vmem>>) semaphore(%arg17 : memref<!tpu.dma_semaphore, #tpu.memory_space<semaphore_mem>>)
      %add3A_832 = arith.constant 2 : i32
      %add3A_833 = arith.addi %mul3A_720, %add3A_832 : i32
      %dma_wait3A_834 = arith.constant 0 : i32
      %dma_wait3A_835 = tpu.memref_slice %arg7[%add3A_833, %dma_wait3A_834] : memref<157x128xi32, #tpu.memory_space<vmem>> -> memref<1x128xi32, #tpu.memory_space<vmem>>
      %dma_wait3A_836 = tpu.memref_squeeze %dma_wait3A_835 : memref<1x128xi32, #tpu.memory_space<vmem>> -> memref<128xi32, #tpu.memory_space<vmem>>
      %dma_wait3A_837 = arith.constant 0 : i32
      %dma_wait3A_838 = arith.constant 0 : i32
      %dma_wait3A_839 = tpu.memref_slice %arg2[%dma_wait3A_837, %dma_wait3A_838] : memref<100000x64xf32, #tpu.memory_space<hbm>> -> memref<100000x64xf32, #tpu.memory_space<hbm>>
      tpu.wait_indirect_dma semaphore(%arg19 : memref<!tpu.dma_semaphore, #tpu.memory_space<semaphore_mem>>) src(%dma_wait3A_839 : memref<100000x64xf32, #tpu.memory_space<hbm>>) dst(%arg11 : memref<128x64xf32, #tpu.memory_space<vmem>>)
      %dma_start3A_840 = arith.constant 0 : i32
      %dma_start3A_841 = tpu.memref_slice %arg8[%add3A_833, %dma_start3A_840] : memref<157x128xi32, #tpu.memory_space<vmem>> -> memref<1x128xi32, #tpu.memory_space<vmem>>
      %dma_start3A_842 = tpu.memref_squeeze %dma_start3A_841 : memref<1x128xi32, #tpu.memory_space<vmem>> -> memref<128xi32, #tpu.memory_space<vmem>>
      %dma_start3A_843 = arith.constant 0 : i32
      %dma_start3A_844 = arith.constant 0 : i32
      %dma_start3A_845 = tpu.memref_slice %arg16[%dma_start3A_843, %dma_start3A_844] : memref<10112x64xf32, #tpu.memory_space<vmem_shared>> -> memref<10112x64xf32, #tpu.memory_space<vmem_shared>>
      tpu.enqueue_indirect_dma source(%arg11 : memref<128x64xf32, #tpu.memory_space<vmem>>) target(%dma_start3A_845 : memref<10112x64xf32, #tpu.memory_space<vmem_shared>>) offsets(%dma_start3A_842 : memref<128xi32, #tpu.memory_space<vmem>>) semaphore(%arg23 : memref<!tpu.dma_semaphore, #tpu.memory_space<semaphore_mem>>) {add = true}
      %get3A_846 = arith.index_cast %add3A_833 : i32 to index
      %get3A_847 = arith.constant 0 : index
      %get3A_848 = tpu.vector_load %arg8[%get3A_846, %get3A_847] {strides = array<i32>} : memref<157x128xi32, #tpu.memory_space<vmem>>, vector<16xi32>,
      tpu.vector_store_idx %arg13[%get3A_848], %broadcast_in_dim3A_15 {add = true} : memref<10112xf32, #tpu.memory_space<vmem>>[vector<16xi32>], vector<16xf32>,
      %get3A_849 = arith.index_cast %add3A_833 : i32 to index
      %get3A_850 = arith.constant 16 : index
      %get3A_851 = tpu.vector_load %arg8[%get3A_849, %get3A_850] {strides = array<i32>} : memref<157x128xi32, #tpu.memory_space<vmem>>, vector<16xi32>,
      tpu.vector_store_idx %arg13[%get3A_851], %broadcast_in_dim3A_15 {add = true} : memref<10112xf32, #tpu.memory_space<vmem>>[vector<16xi32>], vector<16xf32>,
      %get3A_852 = arith.index_cast %add3A_833 : i32 to index
      %get3A_853 = arith.constant 32 : index
      %get3A_854 = tpu.vector_load %arg8[%get3A_852, %get3A_853] {strides = array<i32>} : memref<157x128xi32, #tpu.memory_space<vmem>>, vector<16xi32>,
      tpu.vector_store_idx %arg13[%get3A_854], %broadcast_in_dim3A_15 {add = true} : memref<10112xf32, #tpu.memory_space<vmem>>[vector<16xi32>], vector<16xf32>,
      %get3A_855 = arith.index_cast %add3A_833 : i32 to index
      %get3A_856 = arith.constant 48 : index
      %get3A_857 = tpu.vector_load %arg8[%get3A_855, %get3A_856] {strides = array<i32>} : memref<157x128xi32, #tpu.memory_space<vmem>>, vector<16xi32>,
      tpu.vector_store_idx %arg13[%get3A_857], %broadcast_in_dim3A_15 {add = true} : memref<10112xf32, #tpu.memory_space<vmem>>[vector<16xi32>], vector<16xf32>,
      %get3A_858 = arith.index_cast %add3A_833 : i32 to index
      %get3A_859 = arith.constant 64 : index
      %get3A_860 = tpu.vector_load %arg8[%get3A_858, %get3A_859] {strides = array<i32>} : memref<157x128xi32, #tpu.memory_space<vmem>>, vector<16xi32>,
      tpu.vector_store_idx %arg13[%get3A_860], %broadcast_in_dim3A_15 {add = true} : memref<10112xf32, #tpu.memory_space<vmem>>[vector<16xi32>], vector<16xf32>,
      %get3A_861 = arith.index_cast %add3A_833 : i32 to index
      %get3A_862 = arith.constant 80 : index
      %get3A_863 = tpu.vector_load %arg8[%get3A_861, %get3A_862] {strides = array<i32>} : memref<157x128xi32, #tpu.memory_space<vmem>>, vector<16xi32>,
      tpu.vector_store_idx %arg13[%get3A_863], %broadcast_in_dim3A_15 {add = true} : memref<10112xf32, #tpu.memory_space<vmem>>[vector<16xi32>], vector<16xf32>,
      %get3A_864 = arith.index_cast %add3A_833 : i32 to index
      %get3A_865 = arith.constant 96 : index
      %get3A_866 = tpu.vector_load %arg8[%get3A_864, %get3A_865] {strides = array<i32>} : memref<157x128xi32, #tpu.memory_space<vmem>>, vector<16xi32>,
      tpu.vector_store_idx %arg13[%get3A_866], %broadcast_in_dim3A_15 {add = true} : memref<10112xf32, #tpu.memory_space<vmem>>[vector<16xi32>], vector<16xf32>,
      %get3A_867 = arith.index_cast %add3A_833 : i32 to index
      %get3A_868 = arith.constant 112 : index
      %get3A_869 = tpu.vector_load %arg8[%get3A_867, %get3A_868] {strides = array<i32>} : memref<157x128xi32, #tpu.memory_space<vmem>>, vector<16xi32>,
      tpu.vector_store_idx %arg13[%get3A_869], %broadcast_in_dim3A_15 {add = true} : memref<10112xf32, #tpu.memory_space<vmem>>[vector<16xi32>], vector<16xf32>,
      %sub3A_870 = arith.constant 1 : i32
      %sub3A_871 = arith.subi %add3A_833, %sub3A_870 : i32
      %dma_wait3A_872 = arith.constant 0 : i32
      %dma_wait3A_873 = tpu.memref_slice %arg8[%sub3A_871, %dma_wait3A_872] : memref<157x128xi32, #tpu.memory_space<vmem>> -> memref<1x128xi32, #tpu.memory_space<vmem>>
      %dma_wait3A_874 = tpu.memref_squeeze %dma_wait3A_873 : memref<1x128xi32, #tpu.memory_space<vmem>> -> memref<128xi32, #tpu.memory_space<vmem>>
      %dma_wait3A_875 = arith.constant 0 : i32
      %dma_wait3A_876 = arith.constant 0 : i32
      %dma_wait3A_877 = tpu.memref_slice %arg16[%dma_wait3A_875, %dma_wait3A_876] : memref<10112x64xf32, #tpu.memory_space<vmem_shared>> -> memref<10112x64xf32, #tpu.memory_space<vmem_shared>>
      tpu.wait_indirect_dma semaphore(%arg22 : memref<!tpu.dma_semaphore, #tpu.memory_space<semaphore_mem>>) src(%arg10 : memref<128x64xf32, #tpu.memory_space<vmem>>) dst(%dma_wait3A_877 : memref<10112x64xf32, #tpu.memory_space<vmem_shared>>)
      %add3A_878 = arith.constant 4 : i32
      %add3A_879 = arith.addi %add3A_833, %add3A_878 : i32
      %sub3A_880 = arith.constant 1 : i32
      %sub3A_881 = arith.subi %add3A_879, %sub3A_880 : i32
      %dma_start3A_882 = arith.constant 0 : i32
      %dma_start3A_883 = tpu.memref_slice %arg7[%sub3A_881, %dma_start3A_882] : memref<157x128xi32, #tpu.memory_space<vmem>> -> memref<1x128xi32, #tpu.memory_space<vmem>>
      %dma_start3A_884 = tpu.memref_squeeze %dma_start3A_883 : memref<1x128xi32, #tpu.memory_space<vmem>> -> memref<128xi32, #tpu.memory_space<vmem>>
      %dma_start3A_885 = arith.constant 0 : i32
      %dma_start3A_886 = arith.constant 0 : i32
      %dma_start3A_887 = tpu.memref_slice %arg2[%dma_start3A_885, %dma_start3A_886] : memref<100000x64xf32, #tpu.memory_space<hbm>> -> memref<100000x64xf32, #tpu.memory_space<hbm>>
      tpu.enqueue_indirect_dma source(%dma_start3A_887 : memref<100000x64xf32, #tpu.memory_space<hbm>>) target(%arg10 : memref<128x64xf32, #tpu.memory_space<vmem>>) offsets(%dma_start3A_884 : memref<128xi32, #tpu.memory_space<vmem>>) semaphore(%arg18 : memref<!tpu.dma_semaphore, #tpu.memory_space<semaphore_mem>>)
      %add3A_888 = arith.constant 3 : i32
      %add3A_889 = arith.addi %mul3A_720, %add3A_888 : i32
      %dma_wait3A_890 = arith.constant 0 : i32
      %dma_wait3A_891 = tpu.memref_slice %arg7[%add3A_889, %dma_wait3A_890] : memref<157x128xi32, #tpu.memory_space<vmem>> -> memref<1x128xi32, #tpu.memory_space<vmem>>
      %dma_wait3A_892 = tpu.memref_squeeze %dma_wait3A_891 : memref<1x128xi32, #tpu.memory_space<vmem>> -> memref<128xi32, #tpu.memory_space<vmem>>
      %dma_wait3A_893 = arith.constant 0 : i32
      %dma_wait3A_894 = arith.constant 0 : i32
      %dma_wait3A_895 = tpu.memref_slice %arg2[%dma_wait3A_893, %dma_wait3A_894] : memref<100000x64xf32, #tpu.memory_space<hbm>> -> memref<100000x64xf32, #tpu.memory_space<hbm>>
      tpu.wait_indirect_dma semaphore(%arg20 : memref<!tpu.dma_semaphore, #tpu.memory_space<semaphore_mem>>) src(%dma_wait3A_895 : memref<100000x64xf32, #tpu.memory_space<hbm>>) dst(%arg12 : memref<128x64xf32, #tpu.memory_space<vmem>>)
      %dma_start3A_896 = arith.constant 0 : i32
      %dma_start3A_897 = tpu.memref_slice %arg8[%add3A_889, %dma_start3A_896] : memref<157x128xi32, #tpu.memory_space<vmem>> -> memref<1x128xi32, #tpu.memory_space<vmem>>
      %dma_start3A_898 = tpu.memref_squeeze %dma_start3A_897 : memref<1x128xi32, #tpu.memory_space<vmem>> -> memref<128xi32, #tpu.memory_space<vmem>>
      %dma_start3A_899 = arith.constant 0 : i32
      %dma_start3A_900 = arith.constant 0 : i32
      %dma_start3A_901 = tpu.memref_slice %arg16[%dma_start3A_899, %dma_start3A_900] : memref<10112x64xf32, #tpu.memory_space<vmem_shared>> -> memref<10112x64xf32, #tpu.memory_space<vmem_shared>>
      tpu.enqueue_indirect_dma source(%arg12 : memref<128x64xf32, #tpu.memory_space<vmem>>) target(%dma_start3A_901 : memref<10112x64xf32, #tpu.memory_space<vmem_shared>>) offsets(%dma_start3A_898 : memref<128xi32, #tpu.memory_space<vmem>>) semaphore(%arg24 : memref<!tpu.dma_semaphore, #tpu.memory_space<semaphore_mem>>) {add = true}
      %get3A_902 = arith.index_cast %add3A_889 : i32 to index
      %get3A_903 = arith.constant 0 : index
      %get3A_904 = tpu.vector_load %arg8[%get3A_902, %get3A_903] {strides = array<i32>} : memref<157x128xi32, #tpu.memory_space<vmem>>, vector<16xi32>,
      tpu.vector_store_idx %arg13[%get3A_904], %broadcast_in_dim3A_15 {add = true} : memref<10112xf32, #tpu.memory_space<vmem>>[vector<16xi32>], vector<16xf32>,
      %get3A_905 = arith.index_cast %add3A_889 : i32 to index
      %get3A_906 = arith.constant 16 : index
      %get3A_907 = tpu.vector_load %arg8[%get3A_905, %get3A_906] {strides = array<i32>} : memref<157x128xi32, #tpu.memory_space<vmem>>, vector<16xi32>,
      tpu.vector_store_idx %arg13[%get3A_907], %broadcast_in_dim3A_15 {add = true} : memref<10112xf32, #tpu.memory_space<vmem>>[vector<16xi32>], vector<16xf32>,
      %get3A_908 = arith.index_cast %add3A_889 : i32 to index
      %get3A_909 = arith.constant 32 : index
      %get3A_910 = tpu.vector_load %arg8[%get3A_908, %get3A_909] {strides = array<i32>} : memref<157x128xi32, #tpu.memory_space<vmem>>, vector<16xi32>,
      tpu.vector_store_idx %arg13[%get3A_910], %broadcast_in_dim3A_15 {add = true} : memref<10112xf32, #tpu.memory_space<vmem>>[vector<16xi32>], vector<16xf32>,
      %get3A_911 = arith.index_cast %add3A_889 : i32 to index
      %get3A_912 = arith.constant 48 : index
      %get3A_913 = tpu.vector_load %arg8[%get3A_911, %get3A_912] {strides = array<i32>} : memref<157x128xi32, #tpu.memory_space<vmem>>, vector<16xi32>,
      tpu.vector_store_idx %arg13[%get3A_913], %broadcast_in_dim3A_15 {add = true} : memref<10112xf32, #tpu.memory_space<vmem>>[vector<16xi32>], vector<16xf32>,
      %get3A_914 = arith.index_cast %add3A_889 : i32 to index
      %get3A_915 = arith.constant 64 : index
      %get3A_916 = tpu.vector_load %arg8[%get3A_914, %get3A_915] {strides = array<i32>} : memref<157x128xi32, #tpu.memory_space<vmem>>, vector<16xi32>,
      tpu.vector_store_idx %arg13[%get3A_916], %broadcast_in_dim3A_15 {add = true} : memref<10112xf32, #tpu.memory_space<vmem>>[vector<16xi32>], vector<16xf32>,
      %get3A_917 = arith.index_cast %add3A_889 : i32 to index
      %get3A_918 = arith.constant 80 : index
      %get3A_919 = tpu.vector_load %arg8[%get3A_917, %get3A_918] {strides = array<i32>} : memref<157x128xi32, #tpu.memory_space<vmem>>, vector<16xi32>,
      tpu.vector_store_idx %arg13[%get3A_919], %broadcast_in_dim3A_15 {add = true} : memref<10112xf32, #tpu.memory_space<vmem>>[vector<16xi32>], vector<16xf32>,
      %get3A_920 = arith.index_cast %add3A_889 : i32 to index
      %get3A_921 = arith.constant 96 : index
      %get3A_922 = tpu.vector_load %arg8[%get3A_920, %get3A_921] {strides = array<i32>} : memref<157x128xi32, #tpu.memory_space<vmem>>, vector<16xi32>,
      tpu.vector_store_idx %arg13[%get3A_922], %broadcast_in_dim3A_15 {add = true} : memref<10112xf32, #tpu.memory_space<vmem>>[vector<16xi32>], vector<16xf32>,
      %get3A_923 = arith.index_cast %add3A_889 : i32 to index
      %get3A_924 = arith.constant 112 : index
      %get3A_925 = tpu.vector_load %arg8[%get3A_923, %get3A_924] {strides = array<i32>} : memref<157x128xi32, #tpu.memory_space<vmem>>, vector<16xi32>,
      tpu.vector_store_idx %arg13[%get3A_925], %broadcast_in_dim3A_15 {add = true} : memref<10112xf32, #tpu.memory_space<vmem>>[vector<16xi32>], vector<16xf32>,
      %sub3A_926 = arith.constant 1 : i32
      %sub3A_927 = arith.subi %add3A_889, %sub3A_926 : i32
      %dma_wait3A_928 = arith.constant 0 : i32
      %dma_wait3A_929 = tpu.memref_slice %arg8[%sub3A_927, %dma_wait3A_928] : memref<157x128xi32, #tpu.memory_space<vmem>> -> memref<1x128xi32, #tpu.memory_space<vmem>>
      %dma_wait3A_930 = tpu.memref_squeeze %dma_wait3A_929 : memref<1x128xi32, #tpu.memory_space<vmem>> -> memref<128xi32, #tpu.memory_space<vmem>>
      %dma_wait3A_931 = arith.constant 0 : i32
      %dma_wait3A_932 = arith.constant 0 : i32
      %dma_wait3A_933 = tpu.memref_slice %arg16[%dma_wait3A_931, %dma_wait3A_932] : memref<10112x64xf32, #tpu.memory_space<vmem_shared>> -> memref<10112x64xf32, #tpu.memory_space<vmem_shared>>
      tpu.wait_indirect_dma semaphore(%arg23 : memref<!tpu.dma_semaphore, #tpu.memory_space<semaphore_mem>>) src(%arg11 : memref<128x64xf32, #tpu.memory_space<vmem>>) dst(%dma_wait3A_933 : memref<10112x64xf32, #tpu.memory_space<vmem_shared>>)
      %add3A_934 = arith.constant 4 : i32
      %add3A_935 = arith.addi %add3A_889, %add3A_934 : i32
      %sub3A_936 = arith.constant 1 : i32
      %sub3A_937 = arith.subi %add3A_935, %sub3A_936 : i32
      %dma_start3A_938 = arith.constant 0 : i32
      %dma_start3A_939 = tpu.memref_slice %arg7[%sub3A_937, %dma_start3A_938] : memref<157x128xi32, #tpu.memory_space<vmem>> -> memref<1x128xi32, #tpu.memory_space<vmem>>
      %dma_start3A_940 = tpu.memref_squeeze %dma_start3A_939 : memref<1x128xi32, #tpu.memory_space<vmem>> -> memref<128xi32, #tpu.memory_space<vmem>>
      %dma_start3A_941 = arith.constant 0 : i32
      %dma_start3A_942 = arith.constant 0 : i32
      %dma_start3A_943 = tpu.memref_slice %arg2[%dma_start3A_941, %dma_start3A_942] : memref<100000x64xf32, #tpu.memory_space<hbm>> -> memref<100000x64xf32, #tpu.memory_space<hbm>>
      tpu.enqueue_indirect_dma source(%dma_start3A_943 : memref<100000x64xf32, #tpu.memory_space<hbm>>) target(%arg11 : memref<128x64xf32, #tpu.memory_space<vmem>>) offsets(%dma_start3A_940 : memref<128xi32, #tpu.memory_space<vmem>>) semaphore(%arg19 : memref<!tpu.dma_semaphore, #tpu.memory_space<semaphore_mem>>)
      %scan3A_944 = arith.constant 0 : i32
      scf.yield %scan3A_944 : i32
    }
    %scan3A_299 = arith.constant 37 : i32
    %dma_wait3A_300 = arith.constant 152 : i32
    %dma_wait3A_301 = arith.constant 0 : i32
    %dma_wait3A_302 = tpu.memref_slice %arg7[%dma_wait3A_300, %dma_wait3A_301] : memref<157x128xi32, #tpu.memory_space<vmem>> -> memref<1x128xi32, #tpu.memory_space<vmem>>
    %dma_wait3A_303 = tpu.memref_squeeze %dma_wait3A_302 : memref<1x128xi32, #tpu.memory_space<vmem>> -> memref<128xi32, #tpu.memory_space<vmem>>
    %dma_wait3A_304 = arith.constant 0 : i32
    %dma_wait3A_305 = arith.constant 0 : i32
    %dma_wait3A_306 = tpu.memref_slice %arg2[%dma_wait3A_304, %dma_wait3A_305] : memref<100000x64xf32, #tpu.memory_space<hbm>> -> memref<100000x64xf32, #tpu.memory_space<hbm>>
    tpu.wait_indirect_dma semaphore(%arg17 : memref<!tpu.dma_semaphore, #tpu.memory_space<semaphore_mem>>) src(%dma_wait3A_306 : memref<100000x64xf32, #tpu.memory_space<hbm>>) dst(%arg9 : memref<128x64xf32, #tpu.memory_space<vmem>>)
    %dma_start3A_307 = arith.constant 152 : i32
    %dma_start3A_308 = arith.constant 0 : i32
    %dma_start3A_309 = tpu.memref_slice %arg8[%dma_start3A_307, %dma_start3A_308] : memref<157x128xi32, #tpu.memory_space<vmem>> -> memref<1x128xi32, #tpu.memory_space<vmem>>
    %dma_start3A_310 = tpu.memref_squeeze %dma_start3A_309 : memref<1x128xi32, #tpu.memory_space<vmem>> -> memref<128xi32, #tpu.memory_space<vmem>>
    %dma_start3A_311 = arith.constant 0 : i32
    %dma_start3A_312 = arith.constant 0 : i32
    %dma_start3A_313 = tpu.memref_slice %arg16[%dma_start3A_311, %dma_start3A_312] : memref<10112x64xf32, #tpu.memory_space<vmem_shared>> -> memref<10112x64xf32, #tpu.memory_space<vmem_shared>>
    tpu.enqueue_indirect_dma source(%arg9 : memref<128x64xf32, #tpu.memory_space<vmem>>) target(%dma_start3A_313 : memref<10112x64xf32, #tpu.memory_space<vmem_shared>>) offsets(%dma_start3A_310 : memref<128xi32, #tpu.memory_space<vmem>>) semaphore(%arg21 : memref<!tpu.dma_semaphore, #tpu.memory_space<semaphore_mem>>) {add = true}
    %get3A_314 = arith.constant 152 : i32
    %get3A_315 = arith.index_cast %get3A_314 : i32 to index
    %get3A_316 = arith.constant 0 : index
    %get3A_317 = tpu.vector_load %arg8[%get3A_315, %get3A_316] {strides = array<i32>} : memref<157x128xi32, #tpu.memory_space<vmem>>, vector<16xi32>,
    tpu.vector_store_idx %arg13[%get3A_317], %broadcast_in_dim3A_15 {add = true} : memref<10112xf32, #tpu.memory_space<vmem>>[vector<16xi32>], vector<16xf32>,
    %get3A_318 = arith.constant 152 : i32
    %get3A_319 = arith.index_cast %get3A_318 : i32 to index
    %get3A_320 = arith.constant 16 : index
    %get3A_321 = tpu.vector_load %arg8[%get3A_319, %get3A_320] {strides = array<i32>} : memref<157x128xi32, #tpu.memory_space<vmem>>, vector<16xi32>,
    tpu.vector_store_idx %arg13[%get3A_321], %broadcast_in_dim3A_15 {add = true} : memref<10112xf32, #tpu.memory_space<vmem>>[vector<16xi32>], vector<16xf32>,
    %get3A_322 = arith.constant 152 : i32
    %get3A_323 = arith.index_cast %get3A_322 : i32 to index
    %get3A_324 = arith.constant 32 : index
    %get3A_325 = tpu.vector_load %arg8[%get3A_323, %get3A_324] {strides = array<i32>} : memref<157x128xi32, #tpu.memory_space<vmem>>, vector<16xi32>,
    tpu.vector_store_idx %arg13[%get3A_325], %broadcast_in_dim3A_15 {add = true} : memref<10112xf32, #tpu.memory_space<vmem>>[vector<16xi32>], vector<16xf32>,
    %get3A_326 = arith.constant 152 : i32
    %get3A_327 = arith.index_cast %get3A_326 : i32 to index
    %get3A_328 = arith.constant 48 : index
    %get3A_329 = tpu.vector_load %arg8[%get3A_327, %get3A_328] {strides = array<i32>} : memref<157x128xi32, #tpu.memory_space<vmem>>, vector<16xi32>,
    tpu.vector_store_idx %arg13[%get3A_329], %broadcast_in_dim3A_15 {add = true} : memref<10112xf32, #tpu.memory_space<vmem>>[vector<16xi32>], vector<16xf32>,
    %get3A_330 = arith.constant 152 : i32
    %get3A_331 = arith.index_cast %get3A_330 : i32 to index
    %get3A_332 = arith.constant 64 : index
    %get3A_333 = tpu.vector_load %arg8[%get3A_331, %get3A_332] {strides = array<i32>} : memref<157x128xi32, #tpu.memory_space<vmem>>, vector<16xi32>,
    tpu.vector_store_idx %arg13[%get3A_333], %broadcast_in_dim3A_15 {add = true} : memref<10112xf32, #tpu.memory_space<vmem>>[vector<16xi32>], vector<16xf32>,
    %get3A_334 = arith.constant 152 : i32
    %get3A_335 = arith.index_cast %get3A_334 : i32 to index
    %get3A_336 = arith.constant 80 : index
    %get3A_337 = tpu.vector_load %arg8[%get3A_335, %get3A_336] {strides = array<i32>} : memref<157x128xi32, #tpu.memory_space<vmem>>, vector<16xi32>,
    tpu.vector_store_idx %arg13[%get3A_337], %broadcast_in_dim3A_15 {add = true} : memref<10112xf32, #tpu.memory_space<vmem>>[vector<16xi32>], vector<16xf32>,
    %get3A_338 = arith.constant 152 : i32
    %get3A_339 = arith.index_cast %get3A_338 : i32 to index
    %get3A_340 = arith.constant 96 : index
    %get3A_341 = tpu.vector_load %arg8[%get3A_339, %get3A_340] {strides = array<i32>} : memref<157x128xi32, #tpu.memory_space<vmem>>, vector<16xi32>,
    tpu.vector_store_idx %arg13[%get3A_341], %broadcast_in_dim3A_15 {add = true} : memref<10112xf32, #tpu.memory_space<vmem>>[vector<16xi32>], vector<16xf32>,
    %get3A_342 = arith.constant 152 : i32
    %get3A_343 = arith.index_cast %get3A_342 : i32 to index
    %get3A_344 = arith.constant 112 : index
    %get3A_345 = tpu.vector_load %arg8[%get3A_343, %get3A_344] {strides = array<i32>} : memref<157x128xi32, #tpu.memory_space<vmem>>, vector<16xi32>,
    tpu.vector_store_idx %arg13[%get3A_345], %broadcast_in_dim3A_15 {add = true} : memref<10112xf32, #tpu.memory_space<vmem>>[vector<16xi32>], vector<16xf32>,
    %dma_wait3A_346 = arith.constant 151 : i32
    %dma_wait3A_347 = arith.constant 0 : i32
    %dma_wait3A_348 = tpu.memref_slice %arg8[%dma_wait3A_346, %dma_wait3A_347] : memref<157x128xi32, #tpu.memory_space<vmem>> -> memref<1x128xi32, #tpu.memory_space<vmem>>
    %dma_wait3A_349 = tpu.memref_squeeze %dma_wait3A_348 : memref<1x128xi32, #tpu.memory_space<vmem>> -> memref<128xi32, #tpu.memory_space<vmem>>
    %dma_wait3A_350 = arith.constant 0 : i32
    %dma_wait3A_351 = arith.constant 0 : i32
    %dma_wait3A_352 = tpu.memref_slice %arg16[%dma_wait3A_350, %dma_wait3A_351] : memref<10112x64xf32, #tpu.memory_space<vmem_shared>> -> memref<10112x64xf32, #tpu.memory_space<vmem_shared>>
    tpu.wait_indirect_dma semaphore(%arg24 : memref<!tpu.dma_semaphore, #tpu.memory_space<semaphore_mem>>) src(%arg12 : memref<128x64xf32, #tpu.memory_space<vmem>>) dst(%dma_wait3A_352 : memref<10112x64xf32, #tpu.memory_space<vmem_shared>>)
    %dma_start3A_353 = arith.constant 155 : i32
    %dma_start3A_354 = arith.constant 0 : i32
    %dma_start3A_355 = tpu.memref_slice %arg7[%dma_start3A_353, %dma_start3A_354] : memref<157x128xi32, #tpu.memory_space<vmem>> -> memref<1x128xi32, #tpu.memory_space<vmem>>
    %dma_start3A_356 = tpu.memref_squeeze %dma_start3A_355 : memref<1x128xi32, #tpu.memory_space<vmem>> -> memref<128xi32, #tpu.memory_space<vmem>>
    %dma_start3A_357 = arith.constant 0 : i32
    %dma_start3A_358 = arith.constant 0 : i32
    %dma_start3A_359 = tpu.memref_slice %arg2[%dma_start3A_357, %dma_start3A_358] : memref<100000x64xf32, #tpu.memory_space<hbm>> -> memref<100000x64xf32, #tpu.memory_space<hbm>>
    tpu.enqueue_indirect_dma source(%dma_start3A_359 : memref<100000x64xf32, #tpu.memory_space<hbm>>) target(%arg12 : memref<128x64xf32, #tpu.memory_space<vmem>>) offsets(%dma_start3A_356 : memref<128xi32, #tpu.memory_space<vmem>>) semaphore(%arg20 : memref<!tpu.dma_semaphore, #tpu.memory_space<semaphore_mem>>)
    %dma_wait3A_360 = arith.constant 153 : i32
    %dma_wait3A_361 = arith.constant 0 : i32
    %dma_wait3A_362 = tpu.memref_slice %arg7[%dma_wait3A_360, %dma_wait3A_361] : memref<157x128xi32, #tpu.memory_space<vmem>> -> memref<1x128xi32, #tpu.memory_space<vmem>>
    %dma_wait3A_363 = tpu.memref_squeeze %dma_wait3A_362 : memref<1x128xi32, #tpu.memory_space<vmem>> -> memref<128xi32, #tpu.memory_space<vmem>>
    %dma_wait3A_364 = arith.constant 0 : i32
    %dma_wait3A_365 = arith.constant 0 : i32
    %dma_wait3A_366 = tpu.memref_slice %arg2[%dma_wait3A_364, %dma_wait3A_365] : memref<100000x64xf32, #tpu.memory_space<hbm>> -> memref<100000x64xf32, #tpu.memory_space<hbm>>
    tpu.wait_indirect_dma semaphore(%arg18 : memref<!tpu.dma_semaphore, #tpu.memory_space<semaphore_mem>>) src(%dma_wait3A_366 : memref<100000x64xf32, #tpu.memory_space<hbm>>) dst(%arg10 : memref<128x64xf32, #tpu.memory_space<vmem>>)
    %dma_start3A_367 = arith.constant 153 : i32
    %dma_start3A_368 = arith.constant 0 : i32
    %dma_start3A_369 = tpu.memref_slice %arg8[%dma_start3A_367, %dma_start3A_368] : memref<157x128xi32, #tpu.memory_space<vmem>> -> memref<1x128xi32, #tpu.memory_space<vmem>>
    %dma_start3A_370 = tpu.memref_squeeze %dma_start3A_369 : memref<1x128xi32, #tpu.memory_space<vmem>> -> memref<128xi32, #tpu.memory_space<vmem>>
    %dma_start3A_371 = arith.constant 0 : i32
    %dma_start3A_372 = arith.constant 0 : i32
    %dma_start3A_373 = tpu.memref_slice %arg16[%dma_start3A_371, %dma_start3A_372] : memref<10112x64xf32, #tpu.memory_space<vmem_shared>> -> memref<10112x64xf32, #tpu.memory_space<vmem_shared>>
    tpu.enqueue_indirect_dma source(%arg10 : memref<128x64xf32, #tpu.memory_space<vmem>>) target(%dma_start3A_373 : memref<10112x64xf32, #tpu.memory_space<vmem_shared>>) offsets(%dma_start3A_370 : memref<128xi32, #tpu.memory_space<vmem>>) semaphore(%arg22 : memref<!tpu.dma_semaphore, #tpu.memory_space<semaphore_mem>>) {add = true}
    %get3A_374 = arith.constant 153 : i32
    %get3A_375 = arith.index_cast %get3A_374 : i32 to index
    %get3A_376 = arith.constant 0 : index
    %get3A_377 = tpu.vector_load %arg8[%get3A_375, %get3A_376] {strides = array<i32>} : memref<157x128xi32, #tpu.memory_space<vmem>>, vector<16xi32>,
    tpu.vector_store_idx %arg13[%get3A_377], %broadcast_in_dim3A_15 {add = true} : memref<10112xf32, #tpu.memory_space<vmem>>[vector<16xi32>], vector<16xf32>,
    %get3A_378 = arith.constant 153 : i32
    %get3A_379 = arith.index_cast %get3A_378 : i32 to index
    %get3A_380 = arith.constant 16 : index
    %get3A_381 = tpu.vector_load %arg8[%get3A_379, %get3A_380] {strides = array<i32>} : memref<157x128xi32, #tpu.memory_space<vmem>>, vector<16xi32>,
    tpu.vector_store_idx %arg13[%get3A_381], %broadcast_in_dim3A_15 {add = true} : memref<10112xf32, #tpu.memory_space<vmem>>[vector<16xi32>], vector<16xf32>,
    %get3A_382 = arith.constant 153 : i32
    %get3A_383 = arith.index_cast %get3A_382 : i32 to index
    %get3A_384 = arith.constant 32 : index
    %get3A_385 = tpu.vector_load %arg8[%get3A_383, %get3A_384] {strides = array<i32>} : memref<157x128xi32, #tpu.memory_space<vmem>>, vector<16xi32>,
    tpu.vector_store_idx %arg13[%get3A_385], %broadcast_in_dim3A_15 {add = true} : memref<10112xf32, #tpu.memory_space<vmem>>[vector<16xi32>], vector<16xf32>,
    %get3A_386 = arith.constant 153 : i32
    %get3A_387 = arith.index_cast %get3A_386 : i32 to index
    %get3A_388 = arith.constant 48 : index
    %get3A_389 = tpu.vector_load %arg8[%get3A_387, %get3A_388] {strides = array<i32>} : memref<157x128xi32, #tpu.memory_space<vmem>>, vector<16xi32>,
    tpu.vector_store_idx %arg13[%get3A_389], %broadcast_in_dim3A_15 {add = true} : memref<10112xf32, #tpu.memory_space<vmem>>[vector<16xi32>], vector<16xf32>,
    %get3A_390 = arith.constant 153 : i32
    %get3A_391 = arith.index_cast %get3A_390 : i32 to index
    %get3A_392 = arith.constant 64 : index
    %get3A_393 = tpu.vector_load %arg8[%get3A_391, %get3A_392] {strides = array<i32>} : memref<157x128xi32, #tpu.memory_space<vmem>>, vector<16xi32>,
    tpu.vector_store_idx %arg13[%get3A_393], %broadcast_in_dim3A_15 {add = true} : memref<10112xf32, #tpu.memory_space<vmem>>[vector<16xi32>], vector<16xf32>,
    %get3A_394 = arith.constant 153 : i32
    %get3A_395 = arith.index_cast %get3A_394 : i32 to index
    %get3A_396 = arith.constant 80 : index
    %get3A_397 = tpu.vector_load %arg8[%get3A_395, %get3A_396] {strides = array<i32>} : memref<157x128xi32, #tpu.memory_space<vmem>>, vector<16xi32>,
    tpu.vector_store_idx %arg13[%get3A_397], %broadcast_in_dim3A_15 {add = true} : memref<10112xf32, #tpu.memory_space<vmem>>[vector<16xi32>], vector<16xf32>,
    %get3A_398 = arith.constant 153 : i32
    %get3A_399 = arith.index_cast %get3A_398 : i32 to index
    %get3A_400 = arith.constant 96 : index
    %get3A_401 = tpu.vector_load %arg8[%get3A_399, %get3A_400] {strides = array<i32>} : memref<157x128xi32, #tpu.memory_space<vmem>>, vector<16xi32>,
    tpu.vector_store_idx %arg13[%get3A_401], %broadcast_in_dim3A_15 {add = true} : memref<10112xf32, #tpu.memory_space<vmem>>[vector<16xi32>], vector<16xf32>,
    %get3A_402 = arith.constant 153 : i32
    %get3A_403 = arith.index_cast %get3A_402 : i32 to index
    %get3A_404 = arith.constant 112 : index
    %get3A_405 = tpu.vector_load %arg8[%get3A_403, %get3A_404] {strides = array<i32>} : memref<157x128xi32, #tpu.memory_space<vmem>>, vector<16xi32>,
    tpu.vector_store_idx %arg13[%get3A_405], %broadcast_in_dim3A_15 {add = true} : memref<10112xf32, #tpu.memory_space<vmem>>[vector<16xi32>], vector<16xf32>,
    %dma_wait3A_406 = arith.constant 152 : i32
    %dma_wait3A_407 = arith.constant 0 : i32
    %dma_wait3A_408 = tpu.memref_slice %arg8[%dma_wait3A_406, %dma_wait3A_407] : memref<157x128xi32, #tpu.memory_space<vmem>> -> memref<1x128xi32, #tpu.memory_space<vmem>>
    %dma_wait3A_409 = tpu.memref_squeeze %dma_wait3A_408 : memref<1x128xi32, #tpu.memory_space<vmem>> -> memref<128xi32, #tpu.memory_space<vmem>>
    %dma_wait3A_410 = arith.constant 0 : i32
    %dma_wait3A_411 = arith.constant 0 : i32
    %dma_wait3A_412 = tpu.memref_slice %arg16[%dma_wait3A_410, %dma_wait3A_411] : memref<10112x64xf32, #tpu.memory_space<vmem_shared>> -> memref<10112x64xf32, #tpu.memory_space<vmem_shared>>
    tpu.wait_indirect_dma semaphore(%arg21 : memref<!tpu.dma_semaphore, #tpu.memory_space<semaphore_mem>>) src(%arg9 : memref<128x64xf32, #tpu.memory_space<vmem>>) dst(%dma_wait3A_412 : memref<10112x64xf32, #tpu.memory_space<vmem_shared>>)
    %dma_wait3A_413 = arith.constant 154 : i32
    %dma_wait3A_414 = arith.constant 0 : i32
    %dma_wait3A_415 = tpu.memref_slice %arg7[%dma_wait3A_413, %dma_wait3A_414] : memref<157x128xi32, #tpu.memory_space<vmem>> -> memref<1x128xi32, #tpu.memory_space<vmem>>
    %dma_wait3A_416 = tpu.memref_squeeze %dma_wait3A_415 : memref<1x128xi32, #tpu.memory_space<vmem>> -> memref<128xi32, #tpu.memory_space<vmem>>
    %dma_wait3A_417 = arith.constant 0 : i32
    %dma_wait3A_418 = arith.constant 0 : i32
    %dma_wait3A_419 = tpu.memref_slice %arg2[%dma_wait3A_417, %dma_wait3A_418] : memref<100000x64xf32, #tpu.memory_space<hbm>> -> memref<100000x64xf32, #tpu.memory_space<hbm>>
    tpu.wait_indirect_dma semaphore(%arg19 : memref<!tpu.dma_semaphore, #tpu.memory_space<semaphore_mem>>) src(%dma_wait3A_419 : memref<100000x64xf32, #tpu.memory_space<hbm>>) dst(%arg11 : memref<128x64xf32, #tpu.memory_space<vmem>>)
    %dma_start3A_420 = arith.constant 154 : i32
    %dma_start3A_421 = arith.constant 0 : i32
    %dma_start3A_422 = tpu.memref_slice %arg8[%dma_start3A_420, %dma_start3A_421] : memref<157x128xi32, #tpu.memory_space<vmem>> -> memref<1x128xi32, #tpu.memory_space<vmem>>
    %dma_start3A_423 = tpu.memref_squeeze %dma_start3A_422 : memref<1x128xi32, #tpu.memory_space<vmem>> -> memref<128xi32, #tpu.memory_space<vmem>>
    %dma_start3A_424 = arith.constant 0 : i32
    %dma_start3A_425 = arith.constant 0 : i32
    %dma_start3A_426 = tpu.memref_slice %arg16[%dma_start3A_424, %dma_start3A_425] : memref<10112x64xf32, #tpu.memory_space<vmem_shared>> -> memref<10112x64xf32, #tpu.memory_space<vmem_shared>>
    tpu.enqueue_indirect_dma source(%arg11 : memref<128x64xf32, #tpu.memory_space<vmem>>) target(%dma_start3A_426 : memref<10112x64xf32, #tpu.memory_space<vmem_shared>>) offsets(%dma_start3A_423 : memref<128xi32, #tpu.memory_space<vmem>>) semaphore(%arg23 : memref<!tpu.dma_semaphore, #tpu.memory_space<semaphore_mem>>) {add = true}
    %get3A_427 = arith.constant 154 : i32
    %get3A_428 = arith.index_cast %get3A_427 : i32 to index
    %get3A_429 = arith.constant 0 : index
    %get3A_430 = tpu.vector_load %arg8[%get3A_428, %get3A_429] {strides = array<i32>} : memref<157x128xi32, #tpu.memory_space<vmem>>, vector<16xi32>,
    tpu.vector_store_idx %arg13[%get3A_430], %broadcast_in_dim3A_15 {add = true} : memref<10112xf32, #tpu.memory_space<vmem>>[vector<16xi32>], vector<16xf32>,
    %get3A_431 = arith.constant 154 : i32
    %get3A_432 = arith.index_cast %get3A_431 : i32 to index
    %get3A_433 = arith.constant 16 : index
    %get3A_434 = tpu.vector_load %arg8[%get3A_432, %get3A_433] {strides = array<i32>} : memref<157x128xi32, #tpu.memory_space<vmem>>, vector<16xi32>,
    tpu.vector_store_idx %arg13[%get3A_434], %broadcast_in_dim3A_15 {add = true} : memref<10112xf32, #tpu.memory_space<vmem>>[vector<16xi32>], vector<16xf32>,
    %get3A_435 = arith.constant 154 : i32
    %get3A_436 = arith.index_cast %get3A_435 : i32 to index
    %get3A_437 = arith.constant 32 : index
    %get3A_438 = tpu.vector_load %arg8[%get3A_436, %get3A_437] {strides = array<i32>} : memref<157x128xi32, #tpu.memory_space<vmem>>, vector<16xi32>,
    tpu.vector_store_idx %arg13[%get3A_438], %broadcast_in_dim3A_15 {add = true} : memref<10112xf32, #tpu.memory_space<vmem>>[vector<16xi32>], vector<16xf32>,
    %get3A_439 = arith.constant 154 : i32
    %get3A_440 = arith.index_cast %get3A_439 : i32 to index
    %get3A_441 = arith.constant 48 : index
    %get3A_442 = tpu.vector_load %arg8[%get3A_440, %get3A_441] {strides = array<i32>} : memref<157x128xi32, #tpu.memory_space<vmem>>, vector<16xi32>,
    tpu.vector_store_idx %arg13[%get3A_442], %broadcast_in_dim3A_15 {add = true} : memref<10112xf32, #tpu.memory_space<vmem>>[vector<16xi32>], vector<16xf32>,
    %get3A_443 = arith.constant 154 : i32
    %get3A_444 = arith.index_cast %get3A_443 : i32 to index
    %get3A_445 = arith.constant 64 : index
    %get3A_446 = tpu.vector_load %arg8[%get3A_444, %get3A_445] {strides = array<i32>} : memref<157x128xi32, #tpu.memory_space<vmem>>, vector<16xi32>,
    tpu.vector_store_idx %arg13[%get3A_446], %broadcast_in_dim3A_15 {add = true} : memref<10112xf32, #tpu.memory_space<vmem>>[vector<16xi32>], vector<16xf32>,
    %get3A_447 = arith.constant 154 : i32
    %get3A_448 = arith.index_cast %get3A_447 : i32 to index
    %get3A_449 = arith.constant 80 : index
    %get3A_450 = tpu.vector_load %arg8[%get3A_448, %get3A_449] {strides = array<i32>} : memref<157x128xi32, #tpu.memory_space<vmem>>, vector<16xi32>,
    tpu.vector_store_idx %arg13[%get3A_450], %broadcast_in_dim3A_15 {add = true} : memref<10112xf32, #tpu.memory_space<vmem>>[vector<16xi32>], vector<16xf32>,
    %get3A_451 = arith.constant 154 : i32
    %get3A_452 = arith.index_cast %get3A_451 : i32 to index
    %get3A_453 = arith.constant 96 : index
    %get3A_454 = tpu.vector_load %arg8[%get3A_452, %get3A_453] {strides = array<i32>} : memref<157x128xi32, #tpu.memory_space<vmem>>, vector<16xi32>,
    tpu.vector_store_idx %arg13[%get3A_454], %broadcast_in_dim3A_15 {add = true} : memref<10112xf32, #tpu.memory_space<vmem>>[vector<16xi32>], vector<16xf32>,
    %get3A_455 = arith.constant 154 : i32
    %get3A_456 = arith.index_cast %get3A_455 : i32 to index
    %get3A_457 = arith.constant 112 : index
    %get3A_458 = tpu.vector_load %arg8[%get3A_456, %get3A_457] {strides = array<i32>} : memref<157x128xi32, #tpu.memory_space<vmem>>, vector<16xi32>,
    tpu.vector_store_idx %arg13[%get3A_458], %broadcast_in_dim3A_15 {add = true} : memref<10112xf32, #tpu.memory_space<vmem>>[vector<16xi32>], vector<16xf32>,
    %dma_wait3A_459 = arith.constant 153 : i32
    %dma_wait3A_460 = arith.constant 0 : i32
    %dma_wait3A_461 = tpu.memref_slice %arg8[%dma_wait3A_459, %dma_wait3A_460] : memref<157x128xi32, #tpu.memory_space<vmem>> -> memref<1x128xi32, #tpu.memory_space<vmem>>
    %dma_wait3A_462 = tpu.memref_squeeze %dma_wait3A_461 : memref<1x128xi32, #tpu.memory_space<vmem>> -> memref<128xi32, #tpu.memory_space<vmem>>
    %dma_wait3A_463 = arith.constant 0 : i32
    %dma_wait3A_464 = arith.constant 0 : i32
    %dma_wait3A_465 = tpu.memref_slice %arg16[%dma_wait3A_463, %dma_wait3A_464] : memref<10112x64xf32, #tpu.memory_space<vmem_shared>> -> memref<10112x64xf32, #tpu.memory_space<vmem_shared>>
    tpu.wait_indirect_dma semaphore(%arg22 : memref<!tpu.dma_semaphore, #tpu.memory_space<semaphore_mem>>) src(%arg10 : memref<128x64xf32, #tpu.memory_space<vmem>>) dst(%dma_wait3A_465 : memref<10112x64xf32, #tpu.memory_space<vmem_shared>>)
    %dma_wait3A_466 = arith.constant 155 : i32
    %dma_wait3A_467 = arith.constant 0 : i32
    %dma_wait3A_468 = tpu.memref_slice %arg7[%dma_wait3A_466, %dma_wait3A_467] : memref<157x128xi32, #tpu.memory_space<vmem>> -> memref<1x128xi32, #tpu.memory_space<vmem>>
    %dma_wait3A_469 = tpu.memref_squeeze %dma_wait3A_468 : memref<1x128xi32, #tpu.memory_space<vmem>> -> memref<128xi32, #tpu.memory_space<vmem>>
    %dma_wait3A_470 = arith.constant 0 : i32
    %dma_wait3A_471 = arith.constant 0 : i32
    %dma_wait3A_472 = tpu.memref_slice %arg2[%dma_wait3A_470, %dma_wait3A_471] : memref<100000x64xf32, #tpu.memory_space<hbm>> -> memref<100000x64xf32, #tpu.memory_space<hbm>>
    tpu.wait_indirect_dma semaphore(%arg20 : memref<!tpu.dma_semaphore, #tpu.memory_space<semaphore_mem>>) src(%dma_wait3A_472 : memref<100000x64xf32, #tpu.memory_space<hbm>>) dst(%arg12 : memref<128x64xf32, #tpu.memory_space<vmem>>)
    %dma_start3A_473 = arith.constant 155 : i32
    %dma_start3A_474 = arith.constant 0 : i32
    %dma_start3A_475 = tpu.memref_slice %arg8[%dma_start3A_473, %dma_start3A_474] : memref<157x128xi32, #tpu.memory_space<vmem>> -> memref<1x128xi32, #tpu.memory_space<vmem>>
    %dma_start3A_476 = tpu.memref_squeeze %dma_start3A_475 : memref<1x128xi32, #tpu.memory_space<vmem>> -> memref<128xi32, #tpu.memory_space<vmem>>
    %dma_start3A_477 = arith.constant 0 : i32
    %dma_start3A_478 = arith.constant 0 : i32
    %dma_start3A_479 = tpu.memref_slice %arg16[%dma_start3A_477, %dma_start3A_478] : memref<10112x64xf32, #tpu.memory_space<vmem_shared>> -> memref<10112x64xf32, #tpu.memory_space<vmem_shared>>
    tpu.enqueue_indirect_dma source(%arg12 : memref<128x64xf32, #tpu.memory_space<vmem>>) target(%dma_start3A_479 : memref<10112x64xf32, #tpu.memory_space<vmem_shared>>) offsets(%dma_start3A_476 : memref<128xi32, #tpu.memory_space<vmem>>) semaphore(%arg24 : memref<!tpu.dma_semaphore, #tpu.memory_space<semaphore_mem>>) {add = true}
    %get3A_480 = arith.constant 155 : i32
    %get3A_481 = arith.index_cast %get3A_480 : i32 to index
    %get3A_482 = arith.constant 0 : index
    %get3A_483 = tpu.vector_load %arg8[%get3A_481, %get3A_482] {strides = array<i32>} : memref<157x128xi32, #tpu.memory_space<vmem>>, vector<16xi32>,
    tpu.vector_store_idx %arg13[%get3A_483], %broadcast_in_dim3A_15 {add = true} : memref<10112xf32, #tpu.memory_space<vmem>>[vector<16xi32>], vector<16xf32>,
    %get3A_484 = arith.constant 155 : i32
    %get3A_485 = arith.index_cast %get3A_484 : i32 to index
    %get3A_486 = arith.constant 16 : index
    %get3A_487 = tpu.vector_load %arg8[%get3A_485, %get3A_486] {strides = array<i32>} : memref<157x128xi32, #tpu.memory_space<vmem>>, vector<16xi32>,
    tpu.vector_store_idx %arg13[%get3A_487], %broadcast_in_dim3A_15 {add = true} : memref<10112xf32, #tpu.memory_space<vmem>>[vector<16xi32>], vector<16xf32>,
    %get3A_488 = arith.constant 155 : i32
    %get3A_489 = arith.index_cast %get3A_488 : i32 to index
    %get3A_490 = arith.constant 32 : index
    %get3A_491 = tpu.vector_load %arg8[%get3A_489, %get3A_490] {strides = array<i32>} : memref<157x128xi32, #tpu.memory_space<vmem>>, vector<16xi32>,
    tpu.vector_store_idx %arg13[%get3A_491], %broadcast_in_dim3A_15 {add = true} : memref<10112xf32, #tpu.memory_space<vmem>>[vector<16xi32>], vector<16xf32>,
    %get3A_492 = arith.constant 155 : i32
    %get3A_493 = arith.index_cast %get3A_492 : i32 to index
    %get3A_494 = arith.constant 48 : index
    %get3A_495 = tpu.vector_load %arg8[%get3A_493, %get3A_494] {strides = array<i32>} : memref<157x128xi32, #tpu.memory_space<vmem>>, vector<16xi32>,
    tpu.vector_store_idx %arg13[%get3A_495], %broadcast_in_dim3A_15 {add = true} : memref<10112xf32, #tpu.memory_space<vmem>>[vector<16xi32>], vector<16xf32>,
    %get3A_496 = arith.constant 155 : i32
    %get3A_497 = arith.index_cast %get3A_496 : i32 to index
    %get3A_498 = arith.constant 64 : index
    %get3A_499 = tpu.vector_load %arg8[%get3A_497, %get3A_498] {strides = array<i32>} : memref<157x128xi32, #tpu.memory_space<vmem>>, vector<16xi32>,
    tpu.vector_store_idx %arg13[%get3A_499], %broadcast_in_dim3A_15 {add = true} : memref<10112xf32, #tpu.memory_space<vmem>>[vector<16xi32>], vector<16xf32>,
    %get3A_500 = arith.constant 155 : i32
    %get3A_501 = arith.index_cast %get3A_500 : i32 to index
    %get3A_502 = arith.constant 80 : index
    %get3A_503 = tpu.vector_load %arg8[%get3A_501, %get3A_502] {strides = array<i32>} : memref<157x128xi32, #tpu.memory_space<vmem>>, vector<16xi32>,
    tpu.vector_store_idx %arg13[%get3A_503], %broadcast_in_dim3A_15 {add = true} : memref<10112xf32, #tpu.memory_space<vmem>>[vector<16xi32>], vector<16xf32>,
    %get3A_504 = arith.constant 155 : i32
    %get3A_505 = arith.index_cast %get3A_504 : i32 to index
    %get3A_506 = arith.constant 96 : index
    %get3A_507 = tpu.vector_load %arg8[%get3A_505, %get3A_506] {strides = array<i32>} : memref<157x128xi32, #tpu.memory_space<vmem>>, vector<16xi32>,
    tpu.vector_store_idx %arg13[%get3A_507], %broadcast_in_dim3A_15 {add = true} : memref<10112xf32, #tpu.memory_space<vmem>>[vector<16xi32>], vector<16xf32>,
    %get3A_508 = arith.constant 155 : i32
    %get3A_509 = arith.index_cast %get3A_508 : i32 to index
    %get3A_510 = arith.constant 112 : index
    %get3A_511 = tpu.vector_load %arg8[%get3A_509, %get3A_510] {strides = array<i32>} : memref<157x128xi32, #tpu.memory_space<vmem>>, vector<16xi32>,
    tpu.vector_store_idx %arg13[%get3A_511], %broadcast_in_dim3A_15 {add = true} : memref<10112xf32, #tpu.memory_space<vmem>>[vector<16xi32>], vector<16xf32>,
    %dma_wait3A_512 = arith.constant 154 : i32
    %dma_wait3A_513 = arith.constant 0 : i32
    %dma_wait3A_514 = tpu.memref_slice %arg8[%dma_wait3A_512, %dma_wait3A_513] : memref<157x128xi32, #tpu.memory_space<vmem>> -> memref<1x128xi32, #tpu.memory_space<vmem>>
    %dma_wait3A_515 = tpu.memref_squeeze %dma_wait3A_514 : memref<1x128xi32, #tpu.memory_space<vmem>> -> memref<128xi32, #tpu.memory_space<vmem>>
    %dma_wait3A_516 = arith.constant 0 : i32
    %dma_wait3A_517 = arith.constant 0 : i32
    %dma_wait3A_518 = tpu.memref_slice %arg16[%dma_wait3A_516, %dma_wait3A_517] : memref<10112x64xf32, #tpu.memory_space<vmem_shared>> -> memref<10112x64xf32, #tpu.memory_space<vmem_shared>>
    tpu.wait_indirect_dma semaphore(%arg23 : memref<!tpu.dma_semaphore, #tpu.memory_space<semaphore_mem>>) src(%arg11 : memref<128x64xf32, #tpu.memory_space<vmem>>) dst(%dma_wait3A_518 : memref<10112x64xf32, #tpu.memory_space<vmem_shared>>)
    %dma_wait3A_519 = arith.constant 155 : i32
    %dma_wait3A_520 = arith.constant 0 : i32
    %dma_wait3A_521 = tpu.memref_slice %arg8[%dma_wait3A_519, %dma_wait3A_520] : memref<157x128xi32, #tpu.memory_space<vmem>> -> memref<1x128xi32, #tpu.memory_space<vmem>>
    %dma_wait3A_522 = tpu.memref_squeeze %dma_wait3A_521 : memref<1x128xi32, #tpu.memory_space<vmem>> -> memref<128xi32, #tpu.memory_space<vmem>>
    %dma_wait3A_523 = arith.constant 0 : i32
    %dma_wait3A_524 = arith.constant 0 : i32
    %dma_wait3A_525 = tpu.memref_slice %arg16[%dma_wait3A_523, %dma_wait3A_524] : memref<10112x64xf32, #tpu.memory_space<vmem_shared>> -> memref<10112x64xf32, #tpu.memory_space<vmem_shared>>
    tpu.wait_indirect_dma semaphore(%arg24 : memref<!tpu.dma_semaphore, #tpu.memory_space<semaphore_mem>>) src(%arg12 : memref<128x64xf32, #tpu.memory_space<vmem>>) dst(%dma_wait3A_525 : memref<10112x64xf32, #tpu.memory_space<vmem_shared>>)
    %convert_element_type3A_526 = arith.extui %lt3A_1 : i1 to i32
    %cond3A_527 = arith.constant 0 : i32
    %cond3A_528 = arith.cmpi ne, %convert_element_type3A_526, %cond3A_527 : i32
    scf.if %cond3A_528 {
      %dma_start3A_717 = arith.constant 156 : i32
      %dma_start3A_718 = arith.constant 0 : i32
      %dma_start3A_719 = tpu.memref_slice %arg7[%dma_start3A_717, %dma_start3A_718] : memref<157x128xi32, #tpu.memory_space<vmem>> -> memref<1x128xi32, #tpu.memory_space<vmem>>
      %dma_start3A_720 = tpu.memref_squeeze %dma_start3A_719 : memref<1x128xi32, #tpu.memory_space<vmem>> -> memref<128xi32, #tpu.memory_space<vmem>>
      %dma_start3A_721 = arith.constant 0 : i32
      %dma_start3A_722 = arith.constant 0 : i32
      %dma_start3A_723 = tpu.memref_slice %arg2[%dma_start3A_721, %dma_start3A_722] : memref<100000x64xf32, #tpu.memory_space<hbm>> -> memref<100000x64xf32, #tpu.memory_space<hbm>>
      tpu.enqueue_indirect_dma source(%dma_start3A_723 : memref<100000x64xf32, #tpu.memory_space<hbm>>) target(%arg9 : memref<128x64xf32, #tpu.memory_space<vmem>>) offsets(%dma_start3A_720 : memref<128xi32, #tpu.memory_space<vmem>>) semaphore(%arg17 : memref<!tpu.dma_semaphore, #tpu.memory_space<semaphore_mem>>)
      %dma_wait3A_724 = arith.constant 156 : i32
      %dma_wait3A_725 = arith.constant 0 : i32
      %dma_wait3A_726 = tpu.memref_slice %arg7[%dma_wait3A_724, %dma_wait3A_725] : memref<157x128xi32, #tpu.memory_space<vmem>> -> memref<1x128xi32, #tpu.memory_space<vmem>>
      %dma_wait3A_727 = tpu.memref_squeeze %dma_wait3A_726 : memref<1x128xi32, #tpu.memory_space<vmem>> -> memref<128xi32, #tpu.memory_space<vmem>>
      %dma_wait3A_728 = arith.constant 0 : i32
      %dma_wait3A_729 = arith.constant 0 : i32
      %dma_wait3A_730 = tpu.memref_slice %arg2[%dma_wait3A_728, %dma_wait3A_729] : memref<100000x64xf32, #tpu.memory_space<hbm>> -> memref<100000x64xf32, #tpu.memory_space<hbm>>
      tpu.wait_indirect_dma semaphore(%arg17 : memref<!tpu.dma_semaphore, #tpu.memory_space<semaphore_mem>>) src(%dma_wait3A_730 : memref<100000x64xf32, #tpu.memory_space<hbm>>) dst(%arg9 : memref<128x64xf32, #tpu.memory_space<vmem>>)
      %dma_start3A_731 = arith.constant 156 : i32
      %dma_start3A_732 = arith.constant 0 : i32
      %dma_start3A_733 = tpu.memref_slice %arg8[%dma_start3A_731, %dma_start3A_732] : memref<157x128xi32, #tpu.memory_space<vmem>> -> memref<1x128xi32, #tpu.memory_space<vmem>>
      %dma_start3A_734 = tpu.memref_squeeze %dma_start3A_733 : memref<1x128xi32, #tpu.memory_space<vmem>> -> memref<128xi32, #tpu.memory_space<vmem>>
      %dma_start3A_735 = arith.constant 0 : i32
      %dma_start3A_736 = arith.constant 0 : i32
      %dma_start3A_737 = tpu.memref_slice %arg16[%dma_start3A_735, %dma_start3A_736] : memref<10112x64xf32, #tpu.memory_space<vmem_shared>> -> memref<10112x64xf32, #tpu.memory_space<vmem_shared>>
      tpu.enqueue_indirect_dma source(%arg9 : memref<128x64xf32, #tpu.memory_space<vmem>>) target(%dma_start3A_737 : memref<10112x64xf32, #tpu.memory_space<vmem_shared>>) offsets(%dma_start3A_734 : memref<128xi32, #tpu.memory_space<vmem>>) semaphore(%arg21 : memref<!tpu.dma_semaphore, #tpu.memory_space<semaphore_mem>>) {add = true}
      %get3A_738 = arith.constant 156 : i32
      %get3A_739 = arith.index_cast %get3A_738 : i32 to index
      %get3A_740 = arith.constant 0 : index
      %get3A_741 = tpu.vector_load %arg8[%get3A_739, %get3A_740] {strides = array<i32>} : memref<157x128xi32, #tpu.memory_space<vmem>>, vector<16xi32>,
      tpu.vector_store_idx %arg13[%get3A_741], %broadcast_in_dim3A_15 {add = true} : memref<10112xf32, #tpu.memory_space<vmem>>[vector<16xi32>], vector<16xf32>,
      %get3A_742 = arith.constant 156 : i32
      %get3A_743 = arith.index_cast %get3A_742 : i32 to index
      %get3A_744 = arith.constant 16 : index
      %get3A_745 = tpu.vector_load %arg8[%get3A_743, %get3A_744] {strides = array<i32>} : memref<157x128xi32, #tpu.memory_space<vmem>>, vector<16xi32>,
      tpu.vector_store_idx %arg13[%get3A_745], %broadcast_in_dim3A_15 {add = true} : memref<10112xf32, #tpu.memory_space<vmem>>[vector<16xi32>], vector<16xf32>,
      %get3A_746 = arith.constant 156 : i32
      %get3A_747 = arith.index_cast %get3A_746 : i32 to index
      %get3A_748 = arith.constant 32 : index
      %get3A_749 = tpu.vector_load %arg8[%get3A_747, %get3A_748] {strides = array<i32>} : memref<157x128xi32, #tpu.memory_space<vmem>>, vector<16xi32>,
      tpu.vector_store_idx %arg13[%get3A_749], %broadcast_in_dim3A_15 {add = true} : memref<10112xf32, #tpu.memory_space<vmem>>[vector<16xi32>], vector<16xf32>,
      %get3A_750 = arith.constant 156 : i32
      %get3A_751 = arith.index_cast %get3A_750 : i32 to index
      %get3A_752 = arith.constant 48 : index
      %get3A_753 = tpu.vector_load %arg8[%get3A_751, %get3A_752] {strides = array<i32>} : memref<157x128xi32, #tpu.memory_space<vmem>>, vector<16xi32>,
      tpu.vector_store_idx %arg13[%get3A_753], %broadcast_in_dim3A_15 {add = true} : memref<10112xf32, #tpu.memory_space<vmem>>[vector<16xi32>], vector<16xf32>,
      %get3A_754 = arith.constant 156 : i32
      %get3A_755 = arith.index_cast %get3A_754 : i32 to index
      %get3A_756 = arith.constant 64 : index
      %get3A_757 = tpu.vector_load %arg8[%get3A_755, %get3A_756] {strides = array<i32>} : memref<157x128xi32, #tpu.memory_space<vmem>>, vector<16xi32>,
      tpu.vector_store_idx %arg13[%get3A_757], %broadcast_in_dim3A_15 {add = true} : memref<10112xf32, #tpu.memory_space<vmem>>[vector<16xi32>], vector<16xf32>,
      %get3A_758 = arith.constant 156 : i32
      %get3A_759 = arith.index_cast %get3A_758 : i32 to index
      %get3A_760 = arith.constant 80 : index
      %get3A_761 = tpu.vector_load %arg8[%get3A_759, %get3A_760] {strides = array<i32>} : memref<157x128xi32, #tpu.memory_space<vmem>>, vector<16xi32>,
      tpu.vector_store_idx %arg13[%get3A_761], %broadcast_in_dim3A_15 {add = true} : memref<10112xf32, #tpu.memory_space<vmem>>[vector<16xi32>], vector<16xf32>,
      %get3A_762 = arith.constant 156 : i32
      %get3A_763 = arith.index_cast %get3A_762 : i32 to index
      %get3A_764 = arith.constant 96 : index
      %get3A_765 = tpu.vector_load %arg8[%get3A_763, %get3A_764] {strides = array<i32>} : memref<157x128xi32, #tpu.memory_space<vmem>>, vector<16xi32>,
      tpu.vector_store_idx %arg13[%get3A_765], %broadcast_in_dim3A_15 {add = true} : memref<10112xf32, #tpu.memory_space<vmem>>[vector<16xi32>], vector<16xf32>,
      %get3A_766 = arith.constant 156 : i32
      %get3A_767 = arith.index_cast %get3A_766 : i32 to index
      %get3A_768 = arith.constant 112 : index
      %get3A_769 = tpu.vector_load %arg8[%get3A_767, %get3A_768] {strides = array<i32>} : memref<157x128xi32, #tpu.memory_space<vmem>>, vector<16xi32>,
      tpu.vector_store_idx %arg13[%get3A_769], %broadcast_in_dim3A_15 {add = true} : memref<10112xf32, #tpu.memory_space<vmem>>[vector<16xi32>], vector<16xf32>,
      %dma_wait3A_770 = arith.constant 156 : i32
      %dma_wait3A_771 = arith.constant 0 : i32
      %dma_wait3A_772 = tpu.memref_slice %arg8[%dma_wait3A_770, %dma_wait3A_771] : memref<157x128xi32, #tpu.memory_space<vmem>> -> memref<1x128xi32, #tpu.memory_space<vmem>>
      %dma_wait3A_773 = tpu.memref_squeeze %dma_wait3A_772 : memref<1x128xi32, #tpu.memory_space<vmem>> -> memref<128xi32, #tpu.memory_space<vmem>>
      %dma_wait3A_774 = arith.constant 0 : i32
      %dma_wait3A_775 = arith.constant 0 : i32
      %dma_wait3A_776 = tpu.memref_slice %arg16[%dma_wait3A_774, %dma_wait3A_775] : memref<10112x64xf32, #tpu.memory_space<vmem_shared>> -> memref<10112x64xf32, #tpu.memory_space<vmem_shared>>
      tpu.wait_indirect_dma semaphore(%arg21 : memref<!tpu.dma_semaphore, #tpu.memory_space<semaphore_mem>>) src(%arg9 : memref<128x64xf32, #tpu.memory_space<vmem>>) dst(%dma_wait3A_776 : memref<10112x64xf32, #tpu.memory_space<vmem_shared>>)
    } else {
    }
    "tpu.region"() ({
      %run_scoped3A = tpu.sem_alloc : memref<!tpu.dma_semaphore, #tpu.memory_space<semaphore_mem>>
      %dma_start3A_717 = arith.constant 0 : i32
      %dma_start3A_718 = tpu.memref_slice %arg6[%add3A, %dma_start3A_717] : memref<32x10112xf32, #tpu.memory_space<hbm>> -> memref<1x10112xf32, #tpu.memory_space<hbm>>
      %dma_start3A_719 = tpu.memref_squeeze %dma_start3A_718 : memref<1x10112xf32, #tpu.memory_space<hbm>> -> memref<10112xf32, #tpu.memory_space<hbm>>
      %dma_start3A_720 = arith.constant 0 : i32
      %dma_start3A_721 = tpu.memref_slice %arg6[%add3A, %dma_start3A_720] : memref<32x10112xf32, #tpu.memory_space<hbm>> -> memref<1x10112xf32, #tpu.memory_space<hbm>>
      %dma_start3A_722 = tpu.memref_squeeze %dma_start3A_721 : memref<1x10112xf32, #tpu.memory_space<hbm>> -> memref<10112xf32, #tpu.memory_space<hbm>>
      tpu.enqueue_dma source(%arg13 : memref<10112xf32, #tpu.memory_space<vmem>>) target(%dma_start3A_722 : memref<10112xf32, #tpu.memory_space<hbm>>) target_semaphore(%run_scoped3A : memref<!tpu.dma_semaphore, #tpu.memory_space<semaphore_mem>>)
      %dma_wait3A_723 = arith.constant 0 : i32
      %dma_wait3A_724 = tpu.memref_slice %arg6[%add3A, %dma_wait3A_723] : memref<32x10112xf32, #tpu.memory_space<hbm>> -> memref<1x10112xf32, #tpu.memory_space<hbm>>
      %dma_wait3A_725 = tpu.memref_squeeze %dma_wait3A_724 : memref<1x10112xf32, #tpu.memory_space<hbm>> -> memref<10112xf32, #tpu.memory_space<hbm>>
      %dma_wait3A_726 = arith.constant 0 : i32
      %dma_wait3A_727 = tpu.memref_slice %arg6[%add3A, %dma_wait3A_726] : memref<32x10112xf32, #tpu.memory_space<hbm>> -> memref<1x10112xf32, #tpu.memory_space<hbm>>
      %dma_wait3A_728 = tpu.memref_squeeze %dma_wait3A_727 : memref<1x10112xf32, #tpu.memory_space<hbm>> -> memref<10112xf32, #tpu.memory_space<hbm>>
      tpu.wait_dma2 semaphore(%run_scoped3A : memref<!tpu.dma_semaphore, #tpu.memory_space<semaphore_mem>>) src(%arg13 : memref<10112xf32, #tpu.memory_space<vmem>>) dst(%dma_wait3A_728 : memref<10112xf32, #tpu.memory_space<hbm>>)
      tpu.yield
    }) : () -> ()
    %barrier3A_529 = arith.constant 0 : index
    tpu.barrier barrier_id(%barrier3A_529)
    %scan3A_530 = arith.constant 0 : i32
    %scan3A_531 = arith.constant 0 : i32
    %scan3A_532 = arith.constant 41 : i32
    %scan3A_533 = arith.addi %scan3A_531, %scan3A_532 : i32
    %scan3A_534 = arith.constant 1 : i32
    %scan3A_535 = scf.for %scan3A_717 = %scan3A_531 to %scan3A_533 step %scan3A_534 iter_args(%scan3A_718 = %scan3A_530) -> (i32)  : i32 {
      %mul3A_719 = arith.constant 16 : i32
      %mul3A_720 = arith.muli %scan3A_717, %mul3A_719 : i32
      %swap3A = arith.index_cast %mul3A_720 : i32 to index
      %swap3A_721 = tpu.vector_load %arg15[%swap3A] {strides = array<i32>} : memref<656xf32, #tpu.memory_space<vmem>>, vector<16xf32>,
      tpu.vector_store %arg15[%swap3A], %broadcast_in_dim3A_13 {strides = array<i32>} : memref<656xf32, #tpu.memory_space<vmem>>, vector<16xf32>,
      %mul3A_722 = arith.constant 16 : i32
      %mul3A_723 = arith.muli %scan3A_717, %mul3A_722 : i32
      %swap3A_724 = arith.constant 0 : i32
      %swap3A_725 = arith.index_cast %swap3A_724 : i32 to index
      %swap3A_726 = arith.index_cast %mul3A_723 : i32 to index
      %swap3A_727 = tpu.vector_load %arg14[%swap3A_725, %swap3A_726] {strides = array<i32>} : memref<2x656xf32, #tpu.memory_space<vmem>>, vector<16xf32>,
      tpu.vector_store %arg14[%swap3A_725, %swap3A_726], %broadcast_in_dim3A_13 {strides = array<i32>} : memref<2x656xf32, #tpu.memory_space<vmem>>, vector<16xf32>,
      %mul3A_728 = arith.constant 16 : i32
      %mul3A_729 = arith.muli %scan3A_717, %mul3A_728 : i32
      %swap3A_730 = arith.constant 1 : i32
      %swap3A_731 = arith.index_cast %swap3A_730 : i32 to index
      %swap3A_732 = arith.index_cast %mul3A_729 : i32 to index
      %swap3A_733 = tpu.vector_load %arg14[%swap3A_731, %swap3A_732] {strides = array<i32>} : memref<2x656xf32, #tpu.memory_space<vmem>>, vector<16xf32>,
      tpu.vector_store %arg14[%swap3A_731, %swap3A_732], %broadcast_in_dim3A_13 {strides = array<i32>} : memref<2x656xf32, #tpu.memory_space<vmem>>, vector<16xf32>,
      %scan3A_734 = arith.constant 0 : i32
      scf.yield %scan3A_734 : i32
    }
    %scan3A_536 = arith.constant 41 : i32
    %mul3A_537 = arith.constant 16 : i32
    %mul3A_538 = arith.muli %arg0, %mul3A_537 : i32
    %add3A_539 = arith.constant 0 : i32
    %add3A_540 = arith.addi %mul3A_538, %add3A_539 : i32
    "tpu.region"() ({
      %run_scoped3A = tpu.sem_alloc : memref<!tpu.dma_semaphore, #tpu.memory_space<semaphore_mem>>
      %dma_start3A_717 = arith.constant 0 : i32
      %dma_start3A_718 = arith.constant 0 : i32
      %dma_start3A_719 = tpu.memref_slice %arg14[%dma_start3A_717, %dma_start3A_718] : memref<2x656xf32, #tpu.memory_space<vmem>> -> memref<2x632xf32, #tpu.memory_space<vmem>>
      %dma_start3A_720 = tpu.memref_slice %arg6[%add3A_540, %mul3A_31] : memref<32x10112xf32, #tpu.memory_space<hbm>> -> memref<2x632xf32, #tpu.memory_space<hbm>>
      %dma_start3A_721 = arith.constant 0 : i32
      %dma_start3A_722 = arith.constant 0 : i32
      %dma_start3A_723 = tpu.memref_slice %arg14[%dma_start3A_721, %dma_start3A_722] : memref<2x656xf32, #tpu.memory_space<vmem>> -> memref<2x632xf32, #tpu.memory_space<vmem>>
      %dma_start3A_724 = tpu.memref_slice %arg6[%add3A_540, %mul3A_31] : memref<32x10112xf32, #tpu.memory_space<hbm>> -> memref<2x632xf32, #tpu.memory_space<hbm>>
      tpu.enqueue_dma source(%dma_start3A_724 : memref<2x632xf32, #tpu.memory_space<hbm>>) target(%dma_start3A_723 : memref<2x632xf32, #tpu.memory_space<vmem>>) target_semaphore(%run_scoped3A : memref<!tpu.dma_semaphore, #tpu.memory_space<semaphore_mem>>)
      %dma_wait3A_725 = arith.constant 0 : i32
      %dma_wait3A_726 = arith.constant 0 : i32
      %dma_wait3A_727 = tpu.memref_slice %arg14[%dma_wait3A_725, %dma_wait3A_726] : memref<2x656xf32, #tpu.memory_space<vmem>> -> memref<2x632xf32, #tpu.memory_space<vmem>>
      %dma_wait3A_728 = tpu.memref_slice %arg6[%add3A_540, %mul3A_31] : memref<32x10112xf32, #tpu.memory_space<hbm>> -> memref<2x632xf32, #tpu.memory_space<hbm>>
      %dma_wait3A_729 = arith.constant 0 : i32
      %dma_wait3A_730 = arith.constant 0 : i32
      %dma_wait3A_731 = tpu.memref_slice %arg14[%dma_wait3A_729, %dma_wait3A_730] : memref<2x656xf32, #tpu.memory_space<vmem>> -> memref<2x632xf32, #tpu.memory_space<vmem>>
      %dma_wait3A_732 = tpu.memref_slice %arg6[%add3A_540, %mul3A_31] : memref<32x10112xf32, #tpu.memory_space<hbm>> -> memref<2x632xf32, #tpu.memory_space<hbm>>
      tpu.wait_dma2 semaphore(%run_scoped3A : memref<!tpu.dma_semaphore, #tpu.memory_space<semaphore_mem>>) src(%dma_wait3A_732 : memref<2x632xf32, #tpu.memory_space<hbm>>) dst(%dma_wait3A_731 : memref<2x632xf32, #tpu.memory_space<vmem>>)
      tpu.yield
    }) : () -> ()
    %scan3A_541 = arith.constant 0 : i32
    %scan3A_542 = arith.constant 0 : i32
    %scan3A_543 = arith.constant 41 : i32
    %scan3A_544 = arith.addi %scan3A_542, %scan3A_543 : i32
    %scan3A_545 = arith.constant 1 : i32
    %scan3A_546 = scf.for %scan3A_717 = %scan3A_542 to %scan3A_544 step %scan3A_545 iter_args(%scan3A_718 = %scan3A_541) -> (i32)  : i32 {
      %mul3A_719 = arith.constant 16 : i32
      %mul3A_720 = arith.muli %scan3A_717, %mul3A_719 : i32
      %get3A_721 = arith.index_cast %mul3A_720 : i32 to index
      %get3A_722 = tpu.vector_load %arg15[%get3A_721] {strides = array<i32>} : memref<656xf32, #tpu.memory_space<vmem>>, vector<16xf32>,
      %mul3A_723 = arith.constant 16 : i32
      %mul3A_724 = arith.muli %scan3A_717, %mul3A_723 : i32
      %get3A_725 = arith.constant 0 : i32
      %get3A_726 = arith.index_cast %get3A_725 : i32 to index
      %get3A_727 = arith.index_cast %mul3A_724 : i32 to index
      %get3A_728 = tpu.vector_load %arg14[%get3A_726, %get3A_727] {strides = array<i32>} : memref<2x656xf32, #tpu.memory_space<vmem>>, vector<16xf32>,
      %add3A_729 = arith.addf %get3A_722, %get3A_728 : vector<16xf32>
      %mul3A_730 = arith.constant 16 : i32
      %mul3A_731 = arith.muli %scan3A_717, %mul3A_730 : i32
      %get3A_732 = arith.constant 1 : i32
      %get3A_733 = arith.index_cast %get3A_732 : i32 to index
      %get3A_734 = arith.index_cast %mul3A_731 : i32 to index
      %get3A_735 = tpu.vector_load %arg14[%get3A_733, %get3A_734] {strides = array<i32>} : memref<2x656xf32, #tpu.memory_space<vmem>>, vector<16xf32>,
      %add3A_736 = arith.addf %add3A_729, %get3A_735 : vector<16xf32>
      %mul3A_737 = arith.constant 16 : i32
      %mul3A_738 = arith.muli %scan3A_717, %mul3A_737 : i32
      %swap3A = arith.index_cast %mul3A_738 : i32 to index
      %swap3A_739 = tpu.vector_load %arg15[%swap3A] {strides = array<i32>} : memref<656xf32, #tpu.memory_space<vmem>>, vector<16xf32>,
      tpu.vector_store %arg15[%swap3A], %add3A_736 {strides = array<i32>} : memref<656xf32, #tpu.memory_space<vmem>>, vector<16xf32>,
      %scan3A_740 = arith.constant 0 : i32
      scf.yield %scan3A_740 : i32
    }
    %scan3A_547 = arith.constant 41 : i32
    %mul3A_548 = arith.constant 16 : i32
    %mul3A_549 = arith.muli %arg0, %mul3A_548 : i32
    %add3A_550 = arith.constant 2 : i32
    %add3A_551 = arith.addi %mul3A_549, %add3A_550 : i32
    "tpu.region"() ({
      %run_scoped3A = tpu.sem_alloc : memref<!tpu.dma_semaphore, #tpu.memory_space<semaphore_mem>>
      %dma_start3A_717 = arith.constant 0 : i32
      %dma_start3A_718 = arith.constant 0 : i32
      %dma_start3A_719 = tpu.memref_slice %arg14[%dma_start3A_717, %dma_start3A_718] : memref<2x656xf32, #tpu.memory_space<vmem>> -> memref<2x632xf32, #tpu.memory_space<vmem>>
      %dma_start3A_720 = tpu.memref_slice %arg6[%add3A_551, %mul3A_31] : memref<32x10112xf32, #tpu.memory_space<hbm>> -> memref<2x632xf32, #tpu.memory_space<hbm>>
      %dma_start3A_721 = arith.constant 0 : i32
      %dma_start3A_722 = arith.constant 0 : i32
      %dma_start3A_723 = tpu.memref_slice %arg14[%dma_start3A_721, %dma_start3A_722] : memref<2x656xf32, #tpu.memory_space<vmem>> -> memref<2x632xf32, #tpu.memory_space<vmem>>
      %dma_start3A_724 = tpu.memref_slice %arg6[%add3A_551, %mul3A_31] : memref<32x10112xf32, #tpu.memory_space<hbm>> -> memref<2x632xf32, #tpu.memory_space<hbm>>
      tpu.enqueue_dma source(%dma_start3A_724 : memref<2x632xf32, #tpu.memory_space<hbm>>) target(%dma_start3A_723 : memref<2x632xf32, #tpu.memory_space<vmem>>) target_semaphore(%run_scoped3A : memref<!tpu.dma_semaphore, #tpu.memory_space<semaphore_mem>>)
      %dma_wait3A_725 = arith.constant 0 : i32
      %dma_wait3A_726 = arith.constant 0 : i32
      %dma_wait3A_727 = tpu.memref_slice %arg14[%dma_wait3A_725, %dma_wait3A_726] : memref<2x656xf32, #tpu.memory_space<vmem>> -> memref<2x632xf32, #tpu.memory_space<vmem>>
      %dma_wait3A_728 = tpu.memref_slice %arg6[%add3A_551, %mul3A_31] : memref<32x10112xf32, #tpu.memory_space<hbm>> -> memref<2x632xf32, #tpu.memory_space<hbm>>
      %dma_wait3A_729 = arith.constant 0 : i32
      %dma_wait3A_730 = arith.constant 0 : i32
      %dma_wait3A_731 = tpu.memref_slice %arg14[%dma_wait3A_729, %dma_wait3A_730] : memref<2x656xf32, #tpu.memory_space<vmem>> -> memref<2x632xf32, #tpu.memory_space<vmem>>
      %dma_wait3A_732 = tpu.memref_slice %arg6[%add3A_551, %mul3A_31] : memref<32x10112xf32, #tpu.memory_space<hbm>> -> memref<2x632xf32, #tpu.memory_space<hbm>>
      tpu.wait_dma2 semaphore(%run_scoped3A : memref<!tpu.dma_semaphore, #tpu.memory_space<semaphore_mem>>) src(%dma_wait3A_732 : memref<2x632xf32, #tpu.memory_space<hbm>>) dst(%dma_wait3A_731 : memref<2x632xf32, #tpu.memory_space<vmem>>)
      tpu.yield
    }) : () -> ()
    %scan3A_552 = arith.constant 0 : i32
    %scan3A_553 = arith.constant 0 : i32
    %scan3A_554 = arith.constant 41 : i32
    %scan3A_555 = arith.addi %scan3A_553, %scan3A_554 : i32
    %scan3A_556 = arith.constant 1 : i32
    %scan3A_557 = scf.for %scan3A_717 = %scan3A_553 to %scan3A_555 step %scan3A_556 iter_args(%scan3A_718 = %scan3A_552) -> (i32)  : i32 {
      %mul3A_719 = arith.constant 16 : i32
      %mul3A_720 = arith.muli %scan3A_717, %mul3A_719 : i32
      %get3A_721 = arith.index_cast %mul3A_720 : i32 to index
      %get3A_722 = tpu.vector_load %arg15[%get3A_721] {strides = array<i32>} : memref<656xf32, #tpu.memory_space<vmem>>, vector<16xf32>,
      %mul3A_723 = arith.constant 16 : i32
      %mul3A_724 = arith.muli %scan3A_717, %mul3A_723 : i32
      %get3A_725 = arith.constant 0 : i32
      %get3A_726 = arith.index_cast %get3A_725 : i32 to index
      %get3A_727 = arith.index_cast %mul3A_724 : i32 to index
      %get3A_728 = tpu.vector_load %arg14[%get3A_726, %get3A_727] {strides = array<i32>} : memref<2x656xf32, #tpu.memory_space<vmem>>, vector<16xf32>,
      %add3A_729 = arith.addf %get3A_722, %get3A_728 : vector<16xf32>
      %mul3A_730 = arith.constant 16 : i32
      %mul3A_731 = arith.muli %scan3A_717, %mul3A_730 : i32
      %get3A_732 = arith.constant 1 : i32
      %get3A_733 = arith.index_cast %get3A_732 : i32 to index
      %get3A_734 = arith.index_cast %mul3A_731 : i32 to index
      %get3A_735 = tpu.vector_load %arg14[%get3A_733, %get3A_734] {strides = array<i32>} : memref<2x656xf32, #tpu.memory_space<vmem>>, vector<16xf32>,
      %add3A_736 = arith.addf %add3A_729, %get3A_735 : vector<16xf32>
      %mul3A_737 = arith.constant 16 : i32
      %mul3A_738 = arith.muli %scan3A_717, %mul3A_737 : i32
      %swap3A = arith.index_cast %mul3A_738 : i32 to index
      %swap3A_739 = tpu.vector_load %arg15[%swap3A] {strides = array<i32>} : memref<656xf32, #tpu.memory_space<vmem>>, vector<16xf32>,
      tpu.vector_store %arg15[%swap3A], %add3A_736 {strides = array<i32>} : memref<656xf32, #tpu.memory_space<vmem>>, vector<16xf32>,
      %scan3A_740 = arith.constant 0 : i32
      scf.yield %scan3A_740 : i32
    }
    %scan3A_558 = arith.constant 41 : i32
    %mul3A_559 = arith.constant 16 : i32
    %mul3A_560 = arith.muli %arg0, %mul3A_559 : i32
    %add3A_561 = arith.constant 4 : i32
    %add3A_562 = arith.addi %mul3A_560, %add3A_561 : i32
    "tpu.region"() ({
      %run_scoped3A = tpu.sem_alloc : memref<!tpu.dma_semaphore, #tpu.memory_space<semaphore_mem>>
      %dma_start3A_717 = arith.constant 0 : i32
      %dma_start3A_718 = arith.constant 0 : i32
      %dma_start3A_719 = tpu.memref_slice %arg14[%dma_start3A_717, %dma_start3A_718] : memref<2x656xf32, #tpu.memory_space<vmem>> -> memref<2x632xf32, #tpu.memory_space<vmem>>
      %dma_start3A_720 = tpu.memref_slice %arg6[%add3A_562, %mul3A_31] : memref<32x10112xf32, #tpu.memory_space<hbm>> -> memref<2x632xf32, #tpu.memory_space<hbm>>
      %dma_start3A_721 = arith.constant 0 : i32
      %dma_start3A_722 = arith.constant 0 : i32
      %dma_start3A_723 = tpu.memref_slice %arg14[%dma_start3A_721, %dma_start3A_722] : memref<2x656xf32, #tpu.memory_space<vmem>> -> memref<2x632xf32, #tpu.memory_space<vmem>>
      %dma_start3A_724 = tpu.memref_slice %arg6[%add3A_562, %mul3A_31] : memref<32x10112xf32, #tpu.memory_space<hbm>> -> memref<2x632xf32, #tpu.memory_space<hbm>>
      tpu.enqueue_dma source(%dma_start3A_724 : memref<2x632xf32, #tpu.memory_space<hbm>>) target(%dma_start3A_723 : memref<2x632xf32, #tpu.memory_space<vmem>>) target_semaphore(%run_scoped3A : memref<!tpu.dma_semaphore, #tpu.memory_space<semaphore_mem>>)
      %dma_wait3A_725 = arith.constant 0 : i32
      %dma_wait3A_726 = arith.constant 0 : i32
      %dma_wait3A_727 = tpu.memref_slice %arg14[%dma_wait3A_725, %dma_wait3A_726] : memref<2x656xf32, #tpu.memory_space<vmem>> -> memref<2x632xf32, #tpu.memory_space<vmem>>
      %dma_wait3A_728 = tpu.memref_slice %arg6[%add3A_562, %mul3A_31] : memref<32x10112xf32, #tpu.memory_space<hbm>> -> memref<2x632xf32, #tpu.memory_space<hbm>>
      %dma_wait3A_729 = arith.constant 0 : i32
      %dma_wait3A_730 = arith.constant 0 : i32
      %dma_wait3A_731 = tpu.memref_slice %arg14[%dma_wait3A_729, %dma_wait3A_730] : memref<2x656xf32, #tpu.memory_space<vmem>> -> memref<2x632xf32, #tpu.memory_space<vmem>>
      %dma_wait3A_732 = tpu.memref_slice %arg6[%add3A_562, %mul3A_31] : memref<32x10112xf32, #tpu.memory_space<hbm>> -> memref<2x632xf32, #tpu.memory_space<hbm>>
      tpu.wait_dma2 semaphore(%run_scoped3A : memref<!tpu.dma_semaphore, #tpu.memory_space<semaphore_mem>>) src(%dma_wait3A_732 : memref<2x632xf32, #tpu.memory_space<hbm>>) dst(%dma_wait3A_731 : memref<2x632xf32, #tpu.memory_space<vmem>>)
      tpu.yield
    }) : () -> ()
    %scan3A_563 = arith.constant 0 : i32
    %scan3A_564 = arith.constant 0 : i32
    %scan3A_565 = arith.constant 41 : i32
    %scan3A_566 = arith.addi %scan3A_564, %scan3A_565 : i32
    %scan3A_567 = arith.constant 1 : i32
    %scan3A_568 = scf.for %scan3A_717 = %scan3A_564 to %scan3A_566 step %scan3A_567 iter_args(%scan3A_718 = %scan3A_563) -> (i32)  : i32 {
      %mul3A_719 = arith.constant 16 : i32
      %mul3A_720 = arith.muli %scan3A_717, %mul3A_719 : i32
      %get3A_721 = arith.index_cast %mul3A_720 : i32 to index
      %get3A_722 = tpu.vector_load %arg15[%get3A_721] {strides = array<i32>} : memref<656xf32, #tpu.memory_space<vmem>>, vector<16xf32>,
      %mul3A_723 = arith.constant 16 : i32
      %mul3A_724 = arith.muli %scan3A_717, %mul3A_723 : i32
      %get3A_725 = arith.constant 0 : i32
      %get3A_726 = arith.index_cast %get3A_725 : i32 to index
      %get3A_727 = arith.index_cast %mul3A_724 : i32 to index
      %get3A_728 = tpu.vector_load %arg14[%get3A_726, %get3A_727] {strides = array<i32>} : memref<2x656xf32, #tpu.memory_space<vmem>>, vector<16xf32>,
      %add3A_729 = arith.addf %get3A_722, %get3A_728 : vector<16xf32>
      %mul3A_730 = arith.constant 16 : i32
      %mul3A_731 = arith.muli %scan3A_717, %mul3A_730 : i32
      %get3A_732 = arith.constant 1 : i32
      %get3A_733 = arith.index_cast %get3A_732 : i32 to index
      %get3A_734 = arith.index_cast %mul3A_731 : i32 to index
      %get3A_735 = tpu.vector_load %arg14[%get3A_733, %get3A_734] {strides = array<i32>} : memref<2x656xf32, #tpu.memory_space<vmem>>, vector<16xf32>,
      %add3A_736 = arith.addf %add3A_729, %get3A_735 : vector<16xf32>
      %mul3A_737 = arith.constant 16 : i32
      %mul3A_738 = arith.muli %scan3A_717, %mul3A_737 : i32
      %swap3A = arith.index_cast %mul3A_738 : i32 to index
      %swap3A_739 = tpu.vector_load %arg15[%swap3A] {strides = array<i32>} : memref<656xf32, #tpu.memory_space<vmem>>, vector<16xf32>,
      tpu.vector_store %arg15[%swap3A], %add3A_736 {strides = array<i32>} : memref<656xf32, #tpu.memory_space<vmem>>, vector<16xf32>,
      %scan3A_740 = arith.constant 0 : i32
      scf.yield %scan3A_740 : i32
    }
    %scan3A_569 = arith.constant 41 : i32
    %mul3A_570 = arith.constant 16 : i32
    %mul3A_571 = arith.muli %arg0, %mul3A_570 : i32
    %add3A_572 = arith.constant 6 : i32
    %add3A_573 = arith.addi %mul3A_571, %add3A_572 : i32
    "tpu.region"() ({
      %run_scoped3A = tpu.sem_alloc : memref<!tpu.dma_semaphore, #tpu.memory_space<semaphore_mem>>
      %dma_start3A_717 = arith.constant 0 : i32
      %dma_start3A_718 = arith.constant 0 : i32
      %dma_start3A_719 = tpu.memref_slice %arg14[%dma_start3A_717, %dma_start3A_718] : memref<2x656xf32, #tpu.memory_space<vmem>> -> memref<2x632xf32, #tpu.memory_space<vmem>>
      %dma_start3A_720 = tpu.memref_slice %arg6[%add3A_573, %mul3A_31] : memref<32x10112xf32, #tpu.memory_space<hbm>> -> memref<2x632xf32, #tpu.memory_space<hbm>>
      %dma_start3A_721 = arith.constant 0 : i32
      %dma_start3A_722 = arith.constant 0 : i32
      %dma_start3A_723 = tpu.memref_slice %arg14[%dma_start3A_721, %dma_start3A_722] : memref<2x656xf32, #tpu.memory_space<vmem>> -> memref<2x632xf32, #tpu.memory_space<vmem>>
      %dma_start3A_724 = tpu.memref_slice %arg6[%add3A_573, %mul3A_31] : memref<32x10112xf32, #tpu.memory_space<hbm>> -> memref<2x632xf32, #tpu.memory_space<hbm>>
      tpu.enqueue_dma source(%dma_start3A_724 : memref<2x632xf32, #tpu.memory_space<hbm>>) target(%dma_start3A_723 : memref<2x632xf32, #tpu.memory_space<vmem>>) target_semaphore(%run_scoped3A : memref<!tpu.dma_semaphore, #tpu.memory_space<semaphore_mem>>)
      %dma_wait3A_725 = arith.constant 0 : i32
      %dma_wait3A_726 = arith.constant 0 : i32
      %dma_wait3A_727 = tpu.memref_slice %arg14[%dma_wait3A_725, %dma_wait3A_726] : memref<2x656xf32, #tpu.memory_space<vmem>> -> memref<2x632xf32, #tpu.memory_space<vmem>>
      %dma_wait3A_728 = tpu.memref_slice %arg6[%add3A_573, %mul3A_31] : memref<32x10112xf32, #tpu.memory_space<hbm>> -> memref<2x632xf32, #tpu.memory_space<hbm>>
      %dma_wait3A_729 = arith.constant 0 : i32
      %dma_wait3A_730 = arith.constant 0 : i32
      %dma_wait3A_731 = tpu.memref_slice %arg14[%dma_wait3A_729, %dma_wait3A_730] : memref<2x656xf32, #tpu.memory_space<vmem>> -> memref<2x632xf32, #tpu.memory_space<vmem>>
      %dma_wait3A_732 = tpu.memref_slice %arg6[%add3A_573, %mul3A_31] : memref<32x10112xf32, #tpu.memory_space<hbm>> -> memref<2x632xf32, #tpu.memory_space<hbm>>
      tpu.wait_dma2 semaphore(%run_scoped3A : memref<!tpu.dma_semaphore, #tpu.memory_space<semaphore_mem>>) src(%dma_wait3A_732 : memref<2x632xf32, #tpu.memory_space<hbm>>) dst(%dma_wait3A_731 : memref<2x632xf32, #tpu.memory_space<vmem>>)
      tpu.yield
    }) : () -> ()
    %scan3A_574 = arith.constant 0 : i32
    %scan3A_575 = arith.constant 0 : i32
    %scan3A_576 = arith.constant 41 : i32
    %scan3A_577 = arith.addi %scan3A_575, %scan3A_576 : i32
    %scan3A_578 = arith.constant 1 : i32
    %scan3A_579 = scf.for %scan3A_717 = %scan3A_575 to %scan3A_577 step %scan3A_578 iter_args(%scan3A_718 = %scan3A_574) -> (i32)  : i32 {
      %mul3A_719 = arith.constant 16 : i32
      %mul3A_720 = arith.muli %scan3A_717, %mul3A_719 : i32
      %get3A_721 = arith.index_cast %mul3A_720 : i32 to index
      %get3A_722 = tpu.vector_load %arg15[%get3A_721] {strides = array<i32>} : memref<656xf32, #tpu.memory_space<vmem>>, vector<16xf32>,
      %mul3A_723 = arith.constant 16 : i32
      %mul3A_724 = arith.muli %scan3A_717, %mul3A_723 : i32
      %get3A_725 = arith.constant 0 : i32
      %get3A_726 = arith.index_cast %get3A_725 : i32 to index
      %get3A_727 = arith.index_cast %mul3A_724 : i32 to index
      %get3A_728 = tpu.vector_load %arg14[%get3A_726, %get3A_727] {strides = array<i32>} : memref<2x656xf32, #tpu.memory_space<vmem>>, vector<16xf32>,
      %add3A_729 = arith.addf %get3A_722, %get3A_728 : vector<16xf32>
      %mul3A_730 = arith.constant 16 : i32
      %mul3A_731 = arith.muli %scan3A_717, %mul3A_730 : i32
      %get3A_732 = arith.constant 1 : i32
      %get3A_733 = arith.index_cast %get3A_732 : i32 to index
      %get3A_734 = arith.index_cast %mul3A_731 : i32 to index
      %get3A_735 = tpu.vector_load %arg14[%get3A_733, %get3A_734] {strides = array<i32>} : memref<2x656xf32, #tpu.memory_space<vmem>>, vector<16xf32>,
      %add3A_736 = arith.addf %add3A_729, %get3A_735 : vector<16xf32>
      %mul3A_737 = arith.constant 16 : i32
      %mul3A_738 = arith.muli %scan3A_717, %mul3A_737 : i32
      %swap3A = arith.index_cast %mul3A_738 : i32 to index
      %swap3A_739 = tpu.vector_load %arg15[%swap3A] {strides = array<i32>} : memref<656xf32, #tpu.memory_space<vmem>>, vector<16xf32>,
      tpu.vector_store %arg15[%swap3A], %add3A_736 {strides = array<i32>} : memref<656xf32, #tpu.memory_space<vmem>>, vector<16xf32>,
      %scan3A_740 = arith.constant 0 : i32
      scf.yield %scan3A_740 : i32
    }
    %scan3A_580 = arith.constant 41 : i32
    %mul3A_581 = arith.constant 16 : i32
    %mul3A_582 = arith.muli %arg0, %mul3A_581 : i32
    %add3A_583 = arith.constant 8 : i32
    %add3A_584 = arith.addi %mul3A_582, %add3A_583 : i32
    "tpu.region"() ({
      %run_scoped3A = tpu.sem_alloc : memref<!tpu.dma_semaphore, #tpu.memory_space<semaphore_mem>>
      %dma_start3A_717 = arith.constant 0 : i32
      %dma_start3A_718 = arith.constant 0 : i32
      %dma_start3A_719 = tpu.memref_slice %arg14[%dma_start3A_717, %dma_start3A_718] : memref<2x656xf32, #tpu.memory_space<vmem>> -> memref<2x632xf32, #tpu.memory_space<vmem>>
      %dma_start3A_720 = tpu.memref_slice %arg6[%add3A_584, %mul3A_31] : memref<32x10112xf32, #tpu.memory_space<hbm>> -> memref<2x632xf32, #tpu.memory_space<hbm>>
      %dma_start3A_721 = arith.constant 0 : i32
      %dma_start3A_722 = arith.constant 0 : i32
      %dma_start3A_723 = tpu.memref_slice %arg14[%dma_start3A_721, %dma_start3A_722] : memref<2x656xf32, #tpu.memory_space<vmem>> -> memref<2x632xf32, #tpu.memory_space<vmem>>
      %dma_start3A_724 = tpu.memref_slice %arg6[%add3A_584, %mul3A_31] : memref<32x10112xf32, #tpu.memory_space<hbm>> -> memref<2x632xf32, #tpu.memory_space<hbm>>
      tpu.enqueue_dma source(%dma_start3A_724 : memref<2x632xf32, #tpu.memory_space<hbm>>) target(%dma_start3A_723 : memref<2x632xf32, #tpu.memory_space<vmem>>) target_semaphore(%run_scoped3A : memref<!tpu.dma_semaphore, #tpu.memory_space<semaphore_mem>>)
      %dma_wait3A_725 = arith.constant 0 : i32
      %dma_wait3A_726 = arith.constant 0 : i32
      %dma_wait3A_727 = tpu.memref_slice %arg14[%dma_wait3A_725, %dma_wait3A_726] : memref<2x656xf32, #tpu.memory_space<vmem>> -> memref<2x632xf32, #tpu.memory_space<vmem>>
      %dma_wait3A_728 = tpu.memref_slice %arg6[%add3A_584, %mul3A_31] : memref<32x10112xf32, #tpu.memory_space<hbm>> -> memref<2x632xf32, #tpu.memory_space<hbm>>
      %dma_wait3A_729 = arith.constant 0 : i32
      %dma_wait3A_730 = arith.constant 0 : i32
      %dma_wait3A_731 = tpu.memref_slice %arg14[%dma_wait3A_729, %dma_wait3A_730] : memref<2x656xf32, #tpu.memory_space<vmem>> -> memref<2x632xf32, #tpu.memory_space<vmem>>
      %dma_wait3A_732 = tpu.memref_slice %arg6[%add3A_584, %mul3A_31] : memref<32x10112xf32, #tpu.memory_space<hbm>> -> memref<2x632xf32, #tpu.memory_space<hbm>>
      tpu.wait_dma2 semaphore(%run_scoped3A : memref<!tpu.dma_semaphore, #tpu.memory_space<semaphore_mem>>) src(%dma_wait3A_732 : memref<2x632xf32, #tpu.memory_space<hbm>>) dst(%dma_wait3A_731 : memref<2x632xf32, #tpu.memory_space<vmem>>)
      tpu.yield
    }) : () -> ()
    %scan3A_585 = arith.constant 0 : i32
    %scan3A_586 = arith.constant 0 : i32
    %scan3A_587 = arith.constant 41 : i32
    %scan3A_588 = arith.addi %scan3A_586, %scan3A_587 : i32
    %scan3A_589 = arith.constant 1 : i32
    %scan3A_590 = scf.for %scan3A_717 = %scan3A_586 to %scan3A_588 step %scan3A_589 iter_args(%scan3A_718 = %scan3A_585) -> (i32)  : i32 {
      %mul3A_719 = arith.constant 16 : i32
      %mul3A_720 = arith.muli %scan3A_717, %mul3A_719 : i32
      %get3A_721 = arith.index_cast %mul3A_720 : i32 to index
      %get3A_722 = tpu.vector_load %arg15[%get3A_721] {strides = array<i32>} : memref<656xf32, #tpu.memory_space<vmem>>, vector<16xf32>,
      %mul3A_723 = arith.constant 16 : i32
      %mul3A_724 = arith.muli %scan3A_717, %mul3A_723 : i32
      %get3A_725 = arith.constant 0 : i32
      %get3A_726 = arith.index_cast %get3A_725 : i32 to index
      %get3A_727 = arith.index_cast %mul3A_724 : i32 to index
      %get3A_728 = tpu.vector_load %arg14[%get3A_726, %get3A_727] {strides = array<i32>} : memref<2x656xf32, #tpu.memory_space<vmem>>, vector<16xf32>,
      %add3A_729 = arith.addf %get3A_722, %get3A_728 : vector<16xf32>
      %mul3A_730 = arith.constant 16 : i32
      %mul3A_731 = arith.muli %scan3A_717, %mul3A_730 : i32
      %get3A_732 = arith.constant 1 : i32
      %get3A_733 = arith.index_cast %get3A_732 : i32 to index
      %get3A_734 = arith.index_cast %mul3A_731 : i32 to index
      %get3A_735 = tpu.vector_load %arg14[%get3A_733, %get3A_734] {strides = array<i32>} : memref<2x656xf32, #tpu.memory_space<vmem>>, vector<16xf32>,
      %add3A_736 = arith.addf %add3A_729, %get3A_735 : vector<16xf32>
      %mul3A_737 = arith.constant 16 : i32
      %mul3A_738 = arith.muli %scan3A_717, %mul3A_737 : i32
      %swap3A = arith.index_cast %mul3A_738 : i32 to index
      %swap3A_739 = tpu.vector_load %arg15[%swap3A] {strides = array<i32>} : memref<656xf32, #tpu.memory_space<vmem>>, vector<16xf32>,
      tpu.vector_store %arg15[%swap3A], %add3A_736 {strides = array<i32>} : memref<656xf32, #tpu.memory_space<vmem>>, vector<16xf32>,
      %scan3A_740 = arith.constant 0 : i32
      scf.yield %scan3A_740 : i32
    }
    %scan3A_591 = arith.constant 41 : i32
    %mul3A_592 = arith.constant 16 : i32
    %mul3A_593 = arith.muli %arg0, %mul3A_592 : i32
    %add3A_594 = arith.constant 10 : i32
    %add3A_595 = arith.addi %mul3A_593, %add3A_594 : i32
    "tpu.region"() ({
      %run_scoped3A = tpu.sem_alloc : memref<!tpu.dma_semaphore, #tpu.memory_space<semaphore_mem>>
      %dma_start3A_717 = arith.constant 0 : i32
      %dma_start3A_718 = arith.constant 0 : i32
      %dma_start3A_719 = tpu.memref_slice %arg14[%dma_start3A_717, %dma_start3A_718] : memref<2x656xf32, #tpu.memory_space<vmem>> -> memref<2x632xf32, #tpu.memory_space<vmem>>
      %dma_start3A_720 = tpu.memref_slice %arg6[%add3A_595, %mul3A_31] : memref<32x10112xf32, #tpu.memory_space<hbm>> -> memref<2x632xf32, #tpu.memory_space<hbm>>
      %dma_start3A_721 = arith.constant 0 : i32
      %dma_start3A_722 = arith.constant 0 : i32
      %dma_start3A_723 = tpu.memref_slice %arg14[%dma_start3A_721, %dma_start3A_722] : memref<2x656xf32, #tpu.memory_space<vmem>> -> memref<2x632xf32, #tpu.memory_space<vmem>>
      %dma_start3A_724 = tpu.memref_slice %arg6[%add3A_595, %mul3A_31] : memref<32x10112xf32, #tpu.memory_space<hbm>> -> memref<2x632xf32, #tpu.memory_space<hbm>>
      tpu.enqueue_dma source(%dma_start3A_724 : memref<2x632xf32, #tpu.memory_space<hbm>>) target(%dma_start3A_723 : memref<2x632xf32, #tpu.memory_space<vmem>>) target_semaphore(%run_scoped3A : memref<!tpu.dma_semaphore, #tpu.memory_space<semaphore_mem>>)
      %dma_wait3A_725 = arith.constant 0 : i32
      %dma_wait3A_726 = arith.constant 0 : i32
      %dma_wait3A_727 = tpu.memref_slice %arg14[%dma_wait3A_725, %dma_wait3A_726] : memref<2x656xf32, #tpu.memory_space<vmem>> -> memref<2x632xf32, #tpu.memory_space<vmem>>
      %dma_wait3A_728 = tpu.memref_slice %arg6[%add3A_595, %mul3A_31] : memref<32x10112xf32, #tpu.memory_space<hbm>> -> memref<2x632xf32, #tpu.memory_space<hbm>>
      %dma_wait3A_729 = arith.constant 0 : i32
      %dma_wait3A_730 = arith.constant 0 : i32
      %dma_wait3A_731 = tpu.memref_slice %arg14[%dma_wait3A_729, %dma_wait3A_730] : memref<2x656xf32, #tpu.memory_space<vmem>> -> memref<2x632xf32, #tpu.memory_space<vmem>>
      %dma_wait3A_732 = tpu.memref_slice %arg6[%add3A_595, %mul3A_31] : memref<32x10112xf32, #tpu.memory_space<hbm>> -> memref<2x632xf32, #tpu.memory_space<hbm>>
      tpu.wait_dma2 semaphore(%run_scoped3A : memref<!tpu.dma_semaphore, #tpu.memory_space<semaphore_mem>>) src(%dma_wait3A_732 : memref<2x632xf32, #tpu.memory_space<hbm>>) dst(%dma_wait3A_731 : memref<2x632xf32, #tpu.memory_space<vmem>>)
      tpu.yield
    }) : () -> ()
    %scan3A_596 = arith.constant 0 : i32
    %scan3A_597 = arith.constant 0 : i32
    %scan3A_598 = arith.constant 41 : i32
    %scan3A_599 = arith.addi %scan3A_597, %scan3A_598 : i32
    %scan3A_600 = arith.constant 1 : i32
    %scan3A_601 = scf.for %scan3A_717 = %scan3A_597 to %scan3A_599 step %scan3A_600 iter_args(%scan3A_718 = %scan3A_596) -> (i32)  : i32 {
      %mul3A_719 = arith.constant 16 : i32
      %mul3A_720 = arith.muli %scan3A_717, %mul3A_719 : i32
      %get3A_721 = arith.index_cast %mul3A_720 : i32 to index
      %get3A_722 = tpu.vector_load %arg15[%get3A_721] {strides = array<i32>} : memref<656xf32, #tpu.memory_space<vmem>>, vector<16xf32>,
      %mul3A_723 = arith.constant 16 : i32
      %mul3A_724 = arith.muli %scan3A_717, %mul3A_723 : i32
      %get3A_725 = arith.constant 0 : i32
      %get3A_726 = arith.index_cast %get3A_725 : i32 to index
      %get3A_727 = arith.index_cast %mul3A_724 : i32 to index
      %get3A_728 = tpu.vector_load %arg14[%get3A_726, %get3A_727] {strides = array<i32>} : memref<2x656xf32, #tpu.memory_space<vmem>>, vector<16xf32>,
      %add3A_729 = arith.addf %get3A_722, %get3A_728 : vector<16xf32>
      %mul3A_730 = arith.constant 16 : i32
      %mul3A_731 = arith.muli %scan3A_717, %mul3A_730 : i32
      %get3A_732 = arith.constant 1 : i32
      %get3A_733 = arith.index_cast %get3A_732 : i32 to index
      %get3A_734 = arith.index_cast %mul3A_731 : i32 to index
      %get3A_735 = tpu.vector_load %arg14[%get3A_733, %get3A_734] {strides = array<i32>} : memref<2x656xf32, #tpu.memory_space<vmem>>, vector<16xf32>,
      %add3A_736 = arith.addf %add3A_729, %get3A_735 : vector<16xf32>
      %mul3A_737 = arith.constant 16 : i32
      %mul3A_738 = arith.muli %scan3A_717, %mul3A_737 : i32
      %swap3A = arith.index_cast %mul3A_738 : i32 to index
      %swap3A_739 = tpu.vector_load %arg15[%swap3A] {strides = array<i32>} : memref<656xf32, #tpu.memory_space<vmem>>, vector<16xf32>,
      tpu.vector_store %arg15[%swap3A], %add3A_736 {strides = array<i32>} : memref<656xf32, #tpu.memory_space<vmem>>, vector<16xf32>,
      %scan3A_740 = arith.constant 0 : i32
      scf.yield %scan3A_740 : i32
    }
    %scan3A_602 = arith.constant 41 : i32
    %mul3A_603 = arith.constant 16 : i32
    %mul3A_604 = arith.muli %arg0, %mul3A_603 : i32
    %add3A_605 = arith.constant 12 : i32
    %add3A_606 = arith.addi %mul3A_604, %add3A_605 : i32
    "tpu.region"() ({
      %run_scoped3A = tpu.sem_alloc : memref<!tpu.dma_semaphore, #tpu.memory_space<semaphore_mem>>
      %dma_start3A_717 = arith.constant 0 : i32
      %dma_start3A_718 = arith.constant 0 : i32
      %dma_start3A_719 = tpu.memref_slice %arg14[%dma_start3A_717, %dma_start3A_718] : memref<2x656xf32, #tpu.memory_space<vmem>> -> memref<2x632xf32, #tpu.memory_space<vmem>>
      %dma_start3A_720 = tpu.memref_slice %arg6[%add3A_606, %mul3A_31] : memref<32x10112xf32, #tpu.memory_space<hbm>> -> memref<2x632xf32, #tpu.memory_space<hbm>>
      %dma_start3A_721 = arith.constant 0 : i32
      %dma_start3A_722 = arith.constant 0 : i32
      %dma_start3A_723 = tpu.memref_slice %arg14[%dma_start3A_721, %dma_start3A_722] : memref<2x656xf32, #tpu.memory_space<vmem>> -> memref<2x632xf32, #tpu.memory_space<vmem>>
      %dma_start3A_724 = tpu.memref_slice %arg6[%add3A_606, %mul3A_31] : memref<32x10112xf32, #tpu.memory_space<hbm>> -> memref<2x632xf32, #tpu.memory_space<hbm>>
      tpu.enqueue_dma source(%dma_start3A_724 : memref<2x632xf32, #tpu.memory_space<hbm>>) target(%dma_start3A_723 : memref<2x632xf32, #tpu.memory_space<vmem>>) target_semaphore(%run_scoped3A : memref<!tpu.dma_semaphore, #tpu.memory_space<semaphore_mem>>)
      %dma_wait3A_725 = arith.constant 0 : i32
      %dma_wait3A_726 = arith.constant 0 : i32
      %dma_wait3A_727 = tpu.memref_slice %arg14[%dma_wait3A_725, %dma_wait3A_726] : memref<2x656xf32, #tpu.memory_space<vmem>> -> memref<2x632xf32, #tpu.memory_space<vmem>>
      %dma_wait3A_728 = tpu.memref_slice %arg6[%add3A_606, %mul3A_31] : memref<32x10112xf32, #tpu.memory_space<hbm>> -> memref<2x632xf32, #tpu.memory_space<hbm>>
      %dma_wait3A_729 = arith.constant 0 : i32
      %dma_wait3A_730 = arith.constant 0 : i32
      %dma_wait3A_731 = tpu.memref_slice %arg14[%dma_wait3A_729, %dma_wait3A_730] : memref<2x656xf32, #tpu.memory_space<vmem>> -> memref<2x632xf32, #tpu.memory_space<vmem>>
      %dma_wait3A_732 = tpu.memref_slice %arg6[%add3A_606, %mul3A_31] : memref<32x10112xf32, #tpu.memory_space<hbm>> -> memref<2x632xf32, #tpu.memory_space<hbm>>
      tpu.wait_dma2 semaphore(%run_scoped3A : memref<!tpu.dma_semaphore, #tpu.memory_space<semaphore_mem>>) src(%dma_wait3A_732 : memref<2x632xf32, #tpu.memory_space<hbm>>) dst(%dma_wait3A_731 : memref<2x632xf32, #tpu.memory_space<vmem>>)
      tpu.yield
    }) : () -> ()
    %scan3A_607 = arith.constant 0 : i32
    %scan3A_608 = arith.constant 0 : i32
    %scan3A_609 = arith.constant 41 : i32
    %scan3A_610 = arith.addi %scan3A_608, %scan3A_609 : i32
    %scan3A_611 = arith.constant 1 : i32
    %scan3A_612 = scf.for %scan3A_717 = %scan3A_608 to %scan3A_610 step %scan3A_611 iter_args(%scan3A_718 = %scan3A_607) -> (i32)  : i32 {
      %mul3A_719 = arith.constant 16 : i32
      %mul3A_720 = arith.muli %scan3A_717, %mul3A_719 : i32
      %get3A_721 = arith.index_cast %mul3A_720 : i32 to index
      %get3A_722 = tpu.vector_load %arg15[%get3A_721] {strides = array<i32>} : memref<656xf32, #tpu.memory_space<vmem>>, vector<16xf32>,
      %mul3A_723 = arith.constant 16 : i32
      %mul3A_724 = arith.muli %scan3A_717, %mul3A_723 : i32
      %get3A_725 = arith.constant 0 : i32
      %get3A_726 = arith.index_cast %get3A_725 : i32 to index
      %get3A_727 = arith.index_cast %mul3A_724 : i32 to index
      %get3A_728 = tpu.vector_load %arg14[%get3A_726, %get3A_727] {strides = array<i32>} : memref<2x656xf32, #tpu.memory_space<vmem>>, vector<16xf32>,
      %add3A_729 = arith.addf %get3A_722, %get3A_728 : vector<16xf32>
      %mul3A_730 = arith.constant 16 : i32
      %mul3A_731 = arith.muli %scan3A_717, %mul3A_730 : i32
      %get3A_732 = arith.constant 1 : i32
      %get3A_733 = arith.index_cast %get3A_732 : i32 to index
      %get3A_734 = arith.index_cast %mul3A_731 : i32 to index
      %get3A_735 = tpu.vector_load %arg14[%get3A_733, %get3A_734] {strides = array<i32>} : memref<2x656xf32, #tpu.memory_space<vmem>>, vector<16xf32>,
      %add3A_736 = arith.addf %add3A_729, %get3A_735 : vector<16xf32>
      %mul3A_737 = arith.constant 16 : i32
      %mul3A_738 = arith.muli %scan3A_717, %mul3A_737 : i32
      %swap3A = arith.index_cast %mul3A_738 : i32 to index
      %swap3A_739 = tpu.vector_load %arg15[%swap3A] {strides = array<i32>} : memref<656xf32, #tpu.memory_space<vmem>>, vector<16xf32>,
      tpu.vector_store %arg15[%swap3A], %add3A_736 {strides = array<i32>} : memref<656xf32, #tpu.memory_space<vmem>>, vector<16xf32>,
      %scan3A_740 = arith.constant 0 : i32
      scf.yield %scan3A_740 : i32
    }
    %scan3A_613 = arith.constant 41 : i32
    %mul3A_614 = arith.constant 16 : i32
    %mul3A_615 = arith.muli %arg0, %mul3A_614 : i32
    %add3A_616 = arith.constant 14 : i32
    %add3A_617 = arith.addi %mul3A_615, %add3A_616 : i32
    "tpu.region"() ({
      %run_scoped3A = tpu.sem_alloc : memref<!tpu.dma_semaphore, #tpu.memory_space<semaphore_mem>>
      %dma_start3A_717 = arith.constant 0 : i32
      %dma_start3A_718 = arith.constant 0 : i32
      %dma_start3A_719 = tpu.memref_slice %arg14[%dma_start3A_717, %dma_start3A_718] : memref<2x656xf32, #tpu.memory_space<vmem>> -> memref<2x632xf32, #tpu.memory_space<vmem>>
      %dma_start3A_720 = tpu.memref_slice %arg6[%add3A_617, %mul3A_31] : memref<32x10112xf32, #tpu.memory_space<hbm>> -> memref<2x632xf32, #tpu.memory_space<hbm>>
      %dma_start3A_721 = arith.constant 0 : i32
      %dma_start3A_722 = arith.constant 0 : i32
      %dma_start3A_723 = tpu.memref_slice %arg14[%dma_start3A_721, %dma_start3A_722] : memref<2x656xf32, #tpu.memory_space<vmem>> -> memref<2x632xf32, #tpu.memory_space<vmem>>
      %dma_start3A_724 = tpu.memref_slice %arg6[%add3A_617, %mul3A_31] : memref<32x10112xf32, #tpu.memory_space<hbm>> -> memref<2x632xf32, #tpu.memory_space<hbm>>
      tpu.enqueue_dma source(%dma_start3A_724 : memref<2x632xf32, #tpu.memory_space<hbm>>) target(%dma_start3A_723 : memref<2x632xf32, #tpu.memory_space<vmem>>) target_semaphore(%run_scoped3A : memref<!tpu.dma_semaphore, #tpu.memory_space<semaphore_mem>>)
      %dma_wait3A_725 = arith.constant 0 : i32
      %dma_wait3A_726 = arith.constant 0 : i32
      %dma_wait3A_727 = tpu.memref_slice %arg14[%dma_wait3A_725, %dma_wait3A_726] : memref<2x656xf32, #tpu.memory_space<vmem>> -> memref<2x632xf32, #tpu.memory_space<vmem>>
      %dma_wait3A_728 = tpu.memref_slice %arg6[%add3A_617, %mul3A_31] : memref<32x10112xf32, #tpu.memory_space<hbm>> -> memref<2x632xf32, #tpu.memory_space<hbm>>
      %dma_wait3A_729 = arith.constant 0 : i32
      %dma_wait3A_730 = arith.constant 0 : i32
      %dma_wait3A_731 = tpu.memref_slice %arg14[%dma_wait3A_729, %dma_wait3A_730] : memref<2x656xf32, #tpu.memory_space<vmem>> -> memref<2x632xf32, #tpu.memory_space<vmem>>
      %dma_wait3A_732 = tpu.memref_slice %arg6[%add3A_617, %mul3A_31] : memref<32x10112xf32, #tpu.memory_space<hbm>> -> memref<2x632xf32, #tpu.memory_space<hbm>>
      tpu.wait_dma2 semaphore(%run_scoped3A : memref<!tpu.dma_semaphore, #tpu.memory_space<semaphore_mem>>) src(%dma_wait3A_732 : memref<2x632xf32, #tpu.memory_space<hbm>>) dst(%dma_wait3A_731 : memref<2x632xf32, #tpu.memory_space<vmem>>)
      tpu.yield
    }) : () -> ()
    %scan3A_618 = arith.constant 0 : i32
    %scan3A_619 = arith.constant 0 : i32
    %scan3A_620 = arith.constant 41 : i32
    %scan3A_621 = arith.addi %scan3A_619, %scan3A_620 : i32
    %scan3A_622 = arith.constant 1 : i32
    %scan3A_623 = scf.for %scan3A_717 = %scan3A_619 to %scan3A_621 step %scan3A_622 iter_args(%scan3A_718 = %scan3A_618) -> (i32)  : i32 {
      %mul3A_719 = arith.constant 16 : i32
      %mul3A_720 = arith.muli %scan3A_717, %mul3A_719 : i32
      %get3A_721 = arith.index_cast %mul3A_720 : i32 to index
      %get3A_722 = tpu.vector_load %arg15[%get3A_721] {strides = array<i32>} : memref<656xf32, #tpu.memory_space<vmem>>, vector<16xf32>,
      %mul3A_723 = arith.constant 16 : i32
      %mul3A_724 = arith.muli %scan3A_717, %mul3A_723 : i32
      %get3A_725 = arith.constant 0 : i32
      %get3A_726 = arith.index_cast %get3A_725 : i32 to index
      %get3A_727 = arith.index_cast %mul3A_724 : i32 to index
      %get3A_728 = tpu.vector_load %arg14[%get3A_726, %get3A_727] {strides = array<i32>} : memref<2x656xf32, #tpu.memory_space<vmem>>, vector<16xf32>,
      %add3A_729 = arith.addf %get3A_722, %get3A_728 : vector<16xf32>
      %mul3A_730 = arith.constant 16 : i32
      %mul3A_731 = arith.muli %scan3A_717, %mul3A_730 : i32
      %get3A_732 = arith.constant 1 : i32
      %get3A_733 = arith.index_cast %get3A_732 : i32 to index
      %get3A_734 = arith.index_cast %mul3A_731 : i32 to index
      %get3A_735 = tpu.vector_load %arg14[%get3A_733, %get3A_734] {strides = array<i32>} : memref<2x656xf32, #tpu.memory_space<vmem>>, vector<16xf32>,
      %add3A_736 = arith.addf %add3A_729, %get3A_735 : vector<16xf32>
      %mul3A_737 = arith.constant 16 : i32
      %mul3A_738 = arith.muli %scan3A_717, %mul3A_737 : i32
      %swap3A = arith.index_cast %mul3A_738 : i32 to index
      %swap3A_739 = tpu.vector_load %arg15[%swap3A] {strides = array<i32>} : memref<656xf32, #tpu.memory_space<vmem>>, vector<16xf32>,
      tpu.vector_store %arg15[%swap3A], %add3A_736 {strides = array<i32>} : memref<656xf32, #tpu.memory_space<vmem>>, vector<16xf32>,
      %scan3A_740 = arith.constant 0 : i32
      scf.yield %scan3A_740 : i32
    }
    %scan3A_624 = arith.constant 41 : i32
    %scan3A_625 = arith.constant 0 : i32
    %scan3A_626 = arith.constant 0 : i32
    %scan3A_627 = arith.constant 41 : i32
    %scan3A_628 = arith.addi %scan3A_626, %scan3A_627 : i32
    %scan3A_629 = arith.constant 1 : i32
    %scan3A_630 = scf.for %scan3A_717 = %scan3A_626 to %scan3A_628 step %scan3A_629 iter_args(%scan3A_718 = %scan3A_625) -> (i32)  : i32 {
      %mul3A_719 = arith.constant 16 : i32
      %mul3A_720 = arith.muli %scan3A_717, %mul3A_719 : i32
      %get3A_721 = arith.index_cast %mul3A_720 : i32 to index
      %get3A_722 = tpu.vector_load %arg15[%get3A_721] {strides = array<i32>} : memref<656xf32, #tpu.memory_space<vmem>>, vector<16xf32>,
      %max3A = arith.constant 1.000000e+00 : f32
      %max3A_723 = vector.broadcast %max3A : f32 to vector<16xf32>
      %max3A_724 = arith.maximumf %get3A_722, %max3A_723 : vector<16xf32>
      %div3A = arith.constant 1.000000e+00 : f32
      %div3A_725 = vector.broadcast %div3A : f32 to vector<16xf32>
      %div3A_726 = arith.divf %div3A_725, %max3A_724 : vector<16xf32>
      %mul3A_727 = arith.constant 16 : i32
      %mul3A_728 = arith.muli %scan3A_717, %mul3A_727 : i32
      %swap3A = arith.index_cast %mul3A_728 : i32 to index
      %swap3A_729 = tpu.vector_load %arg15[%swap3A] {strides = array<i32>} : memref<656xf32, #tpu.memory_space<vmem>>, vector<16xf32>,
      tpu.vector_store %arg15[%swap3A], %div3A_726 {strides = array<i32>} : memref<656xf32, #tpu.memory_space<vmem>>, vector<16xf32>,
      %scan3A_730 = arith.constant 0 : i32
      scf.yield %scan3A_730 : i32
    }
    %scan3A_631 = arith.constant 41 : i32
    %add3A_632 = arith.constant 0 : i32
    %add3A_633 = arith.addi %mul3A_31, %add3A_632 : i32
    "tpu.region"() ({
      %run_scoped3A = tpu.sem_alloc : memref<!tpu.dma_semaphore, #tpu.memory_space<semaphore_mem>>
      %dma_start3A_717 = arith.constant 0 : i32
      %dma_start3A_718 = arith.constant 0 : i32
      %dma_start3A_719 = tpu.memref_slice %arg9[%dma_start3A_717, %dma_start3A_718] : memref<128x64xf32, #tpu.memory_space<vmem>> -> memref<128x64xf32, #tpu.memory_space<vmem>>
      %dma_start3A_720 = arith.constant 0 : i32
      %dma_start3A_721 = tpu.memref_slice %arg16[%add3A_633, %dma_start3A_720] : memref<10112x64xf32, #tpu.memory_space<vmem_shared>> -> memref<128x64xf32, #tpu.memory_space<vmem_shared>>
      %dma_start3A_722 = arith.constant 0 : i32
      %dma_start3A_723 = arith.constant 0 : i32
      %dma_start3A_724 = tpu.memref_slice %arg9[%dma_start3A_722, %dma_start3A_723] : memref<128x64xf32, #tpu.memory_space<vmem>> -> memref<128x64xf32, #tpu.memory_space<vmem>>
      %dma_start3A_725 = arith.constant 0 : i32
      %dma_start3A_726 = tpu.memref_slice %arg16[%add3A_633, %dma_start3A_725] : memref<10112x64xf32, #tpu.memory_space<vmem_shared>> -> memref<128x64xf32, #tpu.memory_space<vmem_shared>>
      tpu.enqueue_dma source(%dma_start3A_726 : memref<128x64xf32, #tpu.memory_space<vmem_shared>>) target(%dma_start3A_724 : memref<128x64xf32, #tpu.memory_space<vmem>>) target_semaphore(%run_scoped3A : memref<!tpu.dma_semaphore, #tpu.memory_space<semaphore_mem>>)
      %dma_wait3A_727 = arith.constant 0 : i32
      %dma_wait3A_728 = arith.constant 0 : i32
      %dma_wait3A_729 = tpu.memref_slice %arg9[%dma_wait3A_727, %dma_wait3A_728] : memref<128x64xf32, #tpu.memory_space<vmem>> -> memref<128x64xf32, #tpu.memory_space<vmem>>
      %dma_wait3A_730 = arith.constant 0 : i32
      %dma_wait3A_731 = tpu.memref_slice %arg16[%add3A_633, %dma_wait3A_730] : memref<10112x64xf32, #tpu.memory_space<vmem_shared>> -> memref<128x64xf32, #tpu.memory_space<vmem_shared>>
      %dma_wait3A_732 = arith.constant 0 : i32
      %dma_wait3A_733 = arith.constant 0 : i32
      %dma_wait3A_734 = tpu.memref_slice %arg9[%dma_wait3A_732, %dma_wait3A_733] : memref<128x64xf32, #tpu.memory_space<vmem>> -> memref<128x64xf32, #tpu.memory_space<vmem>>
      %dma_wait3A_735 = arith.constant 0 : i32
      %dma_wait3A_736 = tpu.memref_slice %arg16[%add3A_633, %dma_wait3A_735] : memref<10112x64xf32, #tpu.memory_space<vmem_shared>> -> memref<128x64xf32, #tpu.memory_space<vmem_shared>>
      tpu.wait_dma2 semaphore(%run_scoped3A : memref<!tpu.dma_semaphore, #tpu.memory_space<semaphore_mem>>) src(%dma_wait3A_736 : memref<128x64xf32, #tpu.memory_space<vmem_shared>>) dst(%dma_wait3A_734 : memref<128x64xf32, #tpu.memory_space<vmem>>)
      tpu.yield
    }) : () -> ()
    %scan3A_634 = arith.constant 0 : i32
    %scan3A_635 = arith.constant 0 : i32
    %scan3A_636 = arith.constant 128 : i32
    %scan3A_637 = arith.addi %scan3A_635, %scan3A_636 : i32
    %scan3A_638 = arith.constant 1 : i32
    %scan3A_639 = scf.for %scan3A_717 = %scan3A_635 to %scan3A_637 step %scan3A_638 iter_args(%scan3A_718 = %scan3A_634) -> (i32)  : i32 {
      %add3A_719 = arith.constant 0 : i32
      %add3A_720 = arith.addi %add3A_719, %scan3A_717 : i32
      %get3A_721 = arith.index_cast %add3A_720 : i32 to index
      %get3A_722 = tpu.vector_load %arg15[%get3A_721] {strides = array<i32>} : memref<656xf32, #tpu.memory_space<vmem>>, vector<16xf32>,
      %slice3A = vector.extract_strided_slice %get3A_722 {offsets = [0], sizes = [1], strides = [1]} : vector<16xf32> to vector<1xf32>
      %squeeze3A = vector.extract %slice3A[0] : f32 from vector<1xf32>
      %get3A_723 = arith.index_cast %scan3A_717 : i32 to index
      %get3A_724 = arith.constant 0 : index
      %get3A_725 = tpu.vector_load %arg9[%get3A_723, %get3A_724] {strides = array<i32>} : memref<128x64xf32, #tpu.memory_space<vmem>>, vector<16xf32>,
      %mul3A_726 = vector.broadcast %squeeze3A : f32 to vector<16xf32>
      %mul3A_727 = arith.mulf %get3A_725, %mul3A_726 : vector<16xf32>
      %swap3A = arith.index_cast %scan3A_717 : i32 to index
      %swap3A_728 = arith.constant 0 : index
      %swap3A_729 = tpu.vector_load %arg9[%swap3A, %swap3A_728] {strides = array<i32>} : memref<128x64xf32, #tpu.memory_space<vmem>>, vector<16xf32>,
      tpu.vector_store %arg9[%swap3A, %swap3A_728], %mul3A_727 {strides = array<i32>} : memref<128x64xf32, #tpu.memory_space<vmem>>, vector<16xf32>,
      %get3A_730 = arith.index_cast %scan3A_717 : i32 to index
      %get3A_731 = arith.constant 16 : index
      %get3A_732 = tpu.vector_load %arg9[%get3A_730, %get3A_731] {strides = array<i32>} : memref<128x64xf32, #tpu.memory_space<vmem>>, vector<16xf32>,
      %mul3A_733 = vector.broadcast %squeeze3A : f32 to vector<16xf32>
      %mul3A_734 = arith.mulf %get3A_732, %mul3A_733 : vector<16xf32>
      %swap3A_735 = arith.index_cast %scan3A_717 : i32 to index
      %swap3A_736 = arith.constant 16 : index
      %swap3A_737 = tpu.vector_load %arg9[%swap3A_735, %swap3A_736] {strides = array<i32>} : memref<128x64xf32, #tpu.memory_space<vmem>>, vector<16xf32>,
      tpu.vector_store %arg9[%swap3A_735, %swap3A_736], %mul3A_734 {strides = array<i32>} : memref<128x64xf32, #tpu.memory_space<vmem>>, vector<16xf32>,
      %get3A_738 = arith.index_cast %scan3A_717 : i32 to index
      %get3A_739 = arith.constant 32 : index
      %get3A_740 = tpu.vector_load %arg9[%get3A_738, %get3A_739] {strides = array<i32>} : memref<128x64xf32, #tpu.memory_space<vmem>>, vector<16xf32>,
      %mul3A_741 = vector.broadcast %squeeze3A : f32 to vector<16xf32>
      %mul3A_742 = arith.mulf %get3A_740, %mul3A_741 : vector<16xf32>
      %swap3A_743 = arith.index_cast %scan3A_717 : i32 to index
      %swap3A_744 = arith.constant 32 : index
      %swap3A_745 = tpu.vector_load %arg9[%swap3A_743, %swap3A_744] {strides = array<i32>} : memref<128x64xf32, #tpu.memory_space<vmem>>, vector<16xf32>,
      tpu.vector_store %arg9[%swap3A_743, %swap3A_744], %mul3A_742 {strides = array<i32>} : memref<128x64xf32, #tpu.memory_space<vmem>>, vector<16xf32>,
      %get3A_746 = arith.index_cast %scan3A_717 : i32 to index
      %get3A_747 = arith.constant 48 : index
      %get3A_748 = tpu.vector_load %arg9[%get3A_746, %get3A_747] {strides = array<i32>} : memref<128x64xf32, #tpu.memory_space<vmem>>, vector<16xf32>,
      %mul3A_749 = vector.broadcast %squeeze3A : f32 to vector<16xf32>
      %mul3A_750 = arith.mulf %get3A_748, %mul3A_749 : vector<16xf32>
      %swap3A_751 = arith.index_cast %scan3A_717 : i32 to index
      %swap3A_752 = arith.constant 48 : index
      %swap3A_753 = tpu.vector_load %arg9[%swap3A_751, %swap3A_752] {strides = array<i32>} : memref<128x64xf32, #tpu.memory_space<vmem>>, vector<16xf32>,
      tpu.vector_store %arg9[%swap3A_751, %swap3A_752], %mul3A_750 {strides = array<i32>} : memref<128x64xf32, #tpu.memory_space<vmem>>, vector<16xf32>,
      %scan3A_754 = arith.constant 0 : i32
      scf.yield %scan3A_754 : i32
    }
    %scan3A_640 = arith.constant 128 : i32
    %eq3A = arith.constant 0 : i32
    %eq3A_641 = arith.cmpi eq, %arg0, %eq3A : i32
    %convert_element_type3A_642 = arith.extui %eq3A_641 : i1 to i32
    %cond3A_643 = arith.constant 0 : i32
    %cond3A_644 = arith.cmpi ne, %convert_element_type3A_642, %cond3A_643 : i32
    scf.if %cond3A_644 {
      %add3A_717 = arith.constant 0 : i32
      %add3A_718 = arith.addi %mul3A_31, %add3A_717 : i32
      "tpu.region"() ({
        %run_scoped3A = tpu.sem_alloc : memref<!tpu.dma_semaphore, #tpu.memory_space<semaphore_mem>>
        %dma_start3A_719 = arith.constant 0 : i32
        %dma_start3A_720 = arith.constant 0 : i32
        %dma_start3A_721 = tpu.memref_slice %arg9[%dma_start3A_719, %dma_start3A_720] : memref<128x64xf32, #tpu.memory_space<vmem>> -> memref<128x64xf32, #tpu.memory_space<vmem>>
        %dma_start3A_722 = arith.constant 0 : i32
        %dma_start3A_723 = tpu.memref_slice %arg5[%add3A_718, %dma_start3A_722] : memref<10000x128xf32, #tpu.memory_space<hbm>> -> memref<128x64xf32, #tpu.memory_space<hbm>>
        %dma_start3A_724 = arith.constant 0 : i32
        %dma_start3A_725 = tpu.memref_slice %arg5[%add3A_718, %dma_start3A_724] : memref<10000x128xf32, #tpu.memory_space<hbm>> -> memref<128x64xf32, #tpu.memory_space<hbm>>
        %dma_start3A_726 = arith.constant 0 : i32
        %dma_start3A_727 = arith.constant 0 : i32
        %dma_start3A_728 = tpu.memref_slice %arg9[%dma_start3A_726, %dma_start3A_727] : memref<128x64xf32, #tpu.memory_space<vmem>> -> memref<128x64xf32, #tpu.memory_space<vmem>>
        tpu.enqueue_dma source(%dma_start3A_728 : memref<128x64xf32, #tpu.memory_space<vmem>>) target(%dma_start3A_725 : memref<128x64xf32, #tpu.memory_space<hbm>>) target_semaphore(%run_scoped3A : memref<!tpu.dma_semaphore, #tpu.memory_space<semaphore_mem>>)
        %dma_wait3A_729 = arith.constant 0 : i32
        %dma_wait3A_730 = arith.constant 0 : i32
        %dma_wait3A_731 = tpu.memref_slice %arg9[%dma_wait3A_729, %dma_wait3A_730] : memref<128x64xf32, #tpu.memory_space<vmem>> -> memref<128x64xf32, #tpu.memory_space<vmem>>
        %dma_wait3A_732 = arith.constant 0 : i32
        %dma_wait3A_733 = tpu.memref_slice %arg5[%add3A_718, %dma_wait3A_732] : memref<10000x128xf32, #tpu.memory_space<hbm>> -> memref<128x64xf32, #tpu.memory_space<hbm>>
        %dma_wait3A_734 = arith.constant 0 : i32
        %dma_wait3A_735 = tpu.memref_slice %arg5[%add3A_718, %dma_wait3A_734] : memref<10000x128xf32, #tpu.memory_space<hbm>> -> memref<128x64xf32, #tpu.memory_space<hbm>>
        %dma_wait3A_736 = arith.constant 0 : i32
        %dma_wait3A_737 = arith.constant 0 : i32
        %dma_wait3A_738 = tpu.memref_slice %arg9[%dma_wait3A_736, %dma_wait3A_737] : memref<128x64xf32, #tpu.memory_space<vmem>> -> memref<128x64xf32, #tpu.memory_space<vmem>>
        tpu.wait_dma2 semaphore(%run_scoped3A : memref<!tpu.dma_semaphore, #tpu.memory_space<semaphore_mem>>) src(%dma_wait3A_738 : memref<128x64xf32, #tpu.memory_space<vmem>>) dst(%dma_wait3A_735 : memref<128x64xf32, #tpu.memory_space<hbm>>)
        tpu.yield
      }) : () -> ()
    } else {
    }
    %eq3A_645 = arith.constant 1 : i32
    %eq3A_646 = arith.cmpi eq, %arg0, %eq3A_645 : i32
    %convert_element_type3A_647 = arith.extui %eq3A_646 : i1 to i32
    %cond3A_648 = arith.constant 0 : i32
    %cond3A_649 = arith.cmpi ne, %convert_element_type3A_647, %cond3A_648 : i32
    scf.if %cond3A_649 {
      %add3A_717 = arith.constant 0 : i32
      %add3A_718 = arith.addi %mul3A_31, %add3A_717 : i32
      "tpu.region"() ({
        %run_scoped3A = tpu.sem_alloc : memref<!tpu.dma_semaphore, #tpu.memory_space<semaphore_mem>>
        %dma_start3A_719 = arith.constant 0 : i32
        %dma_start3A_720 = arith.constant 0 : i32
        %dma_start3A_721 = tpu.memref_slice %arg9[%dma_start3A_719, %dma_start3A_720] : memref<128x64xf32, #tpu.memory_space<vmem>> -> memref<128x64xf32, #tpu.memory_space<vmem>>
        %dma_start3A_722 = arith.constant 64 : i32
        %dma_start3A_723 = tpu.memref_slice %arg5[%add3A_718, %dma_start3A_722] : memref<10000x128xf32, #tpu.memory_space<hbm>> -> memref<128x64xf32, #tpu.memory_space<hbm>>
        %dma_start3A_724 = arith.constant 64 : i32
        %dma_start3A_725 = tpu.memref_slice %arg5[%add3A_718, %dma_start3A_724] : memref<10000x128xf32, #tpu.memory_space<hbm>> -> memref<128x64xf32, #tpu.memory_space<hbm>>
        %dma_start3A_726 = arith.constant 0 : i32
        %dma_start3A_727 = arith.constant 0 : i32
        %dma_start3A_728 = tpu.memref_slice %arg9[%dma_start3A_726, %dma_start3A_727] : memref<128x64xf32, #tpu.memory_space<vmem>> -> memref<128x64xf32, #tpu.memory_space<vmem>>
        tpu.enqueue_dma source(%dma_start3A_728 : memref<128x64xf32, #tpu.memory_space<vmem>>) target(%dma_start3A_725 : memref<128x64xf32, #tpu.memory_space<hbm>>) target_semaphore(%run_scoped3A : memref<!tpu.dma_semaphore, #tpu.memory_space<semaphore_mem>>)
        %dma_wait3A_729 = arith.constant 0 : i32
        %dma_wait3A_730 = arith.constant 0 : i32
        %dma_wait3A_731 = tpu.memref_slice %arg9[%dma_wait3A_729, %dma_wait3A_730] : memref<128x64xf32, #tpu.memory_space<vmem>> -> memref<128x64xf32, #tpu.memory_space<vmem>>
        %dma_wait3A_732 = arith.constant 64 : i32
        %dma_wait3A_733 = tpu.memref_slice %arg5[%add3A_718, %dma_wait3A_732] : memref<10000x128xf32, #tpu.memory_space<hbm>> -> memref<128x64xf32, #tpu.memory_space<hbm>>
        %dma_wait3A_734 = arith.constant 64 : i32
        %dma_wait3A_735 = tpu.memref_slice %arg5[%add3A_718, %dma_wait3A_734] : memref<10000x128xf32, #tpu.memory_space<hbm>> -> memref<128x64xf32, #tpu.memory_space<hbm>>
        %dma_wait3A_736 = arith.constant 0 : i32
        %dma_wait3A_737 = arith.constant 0 : i32
        %dma_wait3A_738 = tpu.memref_slice %arg9[%dma_wait3A_736, %dma_wait3A_737] : memref<128x64xf32, #tpu.memory_space<vmem>> -> memref<128x64xf32, #tpu.memory_space<vmem>>
        tpu.wait_dma2 semaphore(%run_scoped3A : memref<!tpu.dma_semaphore, #tpu.memory_space<semaphore_mem>>) src(%dma_wait3A_738 : memref<128x64xf32, #tpu.memory_space<vmem>>) dst(%dma_wait3A_735 : memref<128x64xf32, #tpu.memory_space<hbm>>)
        tpu.yield
      }) : () -> ()
    } else {
    }
    %add3A_650 = arith.constant 128 : i32
    %add3A_651 = arith.addi %mul3A_31, %add3A_650 : i32
    "tpu.region"() ({
      %run_scoped3A = tpu.sem_alloc : memref<!tpu.dma_semaphore, #tpu.memory_space<semaphore_mem>>
      %dma_start3A_717 = arith.constant 0 : i32
      %dma_start3A_718 = arith.constant 0 : i32
      %dma_start3A_719 = tpu.memref_slice %arg9[%dma_start3A_717, %dma_start3A_718] : memref<128x64xf32, #tpu.memory_space<vmem>> -> memref<128x64xf32, #tpu.memory_space<vmem>>
      %dma_start3A_720 = arith.constant 0 : i32
      %dma_start3A_721 = tpu.memref_slice %arg16[%add3A_651, %dma_start3A_720] : memref<10112x64xf32, #tpu.memory_space<vmem_shared>> -> memref<128x64xf32, #tpu.memory_space<vmem_shared>>
      %dma_start3A_722 = arith.constant 0 : i32
      %dma_start3A_723 = arith.constant 0 : i32
      %dma_start3A_724 = tpu.memref_slice %arg9[%dma_start3A_722, %dma_start3A_723] : memref<128x64xf32, #tpu.memory_space<vmem>> -> memref<128x64xf32, #tpu.memory_space<vmem>>
      %dma_start3A_725 = arith.constant 0 : i32
      %dma_start3A_726 = tpu.memref_slice %arg16[%add3A_651, %dma_start3A_725] : memref<10112x64xf32, #tpu.memory_space<vmem_shared>> -> memref<128x64xf32, #tpu.memory_space<vmem_shared>>
      tpu.enqueue_dma source(%dma_start3A_726 : memref<128x64xf32, #tpu.memory_space<vmem_shared>>) target(%dma_start3A_724 : memref<128x64xf32, #tpu.memory_space<vmem>>) target_semaphore(%run_scoped3A : memref<!tpu.dma_semaphore, #tpu.memory_space<semaphore_mem>>)
      %dma_wait3A_727 = arith.constant 0 : i32
      %dma_wait3A_728 = arith.constant 0 : i32
      %dma_wait3A_729 = tpu.memref_slice %arg9[%dma_wait3A_727, %dma_wait3A_728] : memref<128x64xf32, #tpu.memory_space<vmem>> -> memref<128x64xf32, #tpu.memory_space<vmem>>
      %dma_wait3A_730 = arith.constant 0 : i32
      %dma_wait3A_731 = tpu.memref_slice %arg16[%add3A_651, %dma_wait3A_730] : memref<10112x64xf32, #tpu.memory_space<vmem_shared>> -> memref<128x64xf32, #tpu.memory_space<vmem_shared>>
      %dma_wait3A_732 = arith.constant 0 : i32
      %dma_wait3A_733 = arith.constant 0 : i32
      %dma_wait3A_734 = tpu.memref_slice %arg9[%dma_wait3A_732, %dma_wait3A_733] : memref<128x64xf32, #tpu.memory_space<vmem>> -> memref<128x64xf32, #tpu.memory_space<vmem>>
      %dma_wait3A_735 = arith.constant 0 : i32
      %dma_wait3A_736 = tpu.memref_slice %arg16[%add3A_651, %dma_wait3A_735] : memref<10112x64xf32, #tpu.memory_space<vmem_shared>> -> memref<128x64xf32, #tpu.memory_space<vmem_shared>>
      tpu.wait_dma2 semaphore(%run_scoped3A : memref<!tpu.dma_semaphore, #tpu.memory_space<semaphore_mem>>) src(%dma_wait3A_736 : memref<128x64xf32, #tpu.memory_space<vmem_shared>>) dst(%dma_wait3A_734 : memref<128x64xf32, #tpu.memory_space<vmem>>)
      tpu.yield
    }) : () -> ()
    %scan3A_652 = arith.constant 0 : i32
    %scan3A_653 = arith.constant 0 : i32
    %scan3A_654 = arith.constant 128 : i32
    %scan3A_655 = arith.addi %scan3A_653, %scan3A_654 : i32
    %scan3A_656 = arith.constant 1 : i32
    %scan3A_657 = scf.for %scan3A_717 = %scan3A_653 to %scan3A_655 step %scan3A_656 iter_args(%scan3A_718 = %scan3A_652) -> (i32)  : i32 {
      %add3A_719 = arith.constant 128 : i32
      %add3A_720 = arith.addi %add3A_719, %scan3A_717 : i32
      %get3A_721 = arith.index_cast %add3A_720 : i32 to index
      %get3A_722 = tpu.vector_load %arg15[%get3A_721] {strides = array<i32>} : memref<656xf32, #tpu.memory_space<vmem>>, vector<16xf32>,
      %slice3A = vector.extract_strided_slice %get3A_722 {offsets = [0], sizes = [1], strides = [1]} : vector<16xf32> to vector<1xf32>
      %squeeze3A = vector.extract %slice3A[0] : f32 from vector<1xf32>
      %get3A_723 = arith.index_cast %scan3A_717 : i32 to index
      %get3A_724 = arith.constant 0 : index
      %get3A_725 = tpu.vector_load %arg9[%get3A_723, %get3A_724] {strides = array<i32>} : memref<128x64xf32, #tpu.memory_space<vmem>>, vector<16xf32>,
      %mul3A_726 = vector.broadcast %squeeze3A : f32 to vector<16xf32>
      %mul3A_727 = arith.mulf %get3A_725, %mul3A_726 : vector<16xf32>
      %swap3A = arith.index_cast %scan3A_717 : i32 to index
      %swap3A_728 = arith.constant 0 : index
      %swap3A_729 = tpu.vector_load %arg9[%swap3A, %swap3A_728] {strides = array<i32>} : memref<128x64xf32, #tpu.memory_space<vmem>>, vector<16xf32>,
      tpu.vector_store %arg9[%swap3A, %swap3A_728], %mul3A_727 {strides = array<i32>} : memref<128x64xf32, #tpu.memory_space<vmem>>, vector<16xf32>,
      %get3A_730 = arith.index_cast %scan3A_717 : i32 to index
      %get3A_731 = arith.constant 16 : index
      %get3A_732 = tpu.vector_load %arg9[%get3A_730, %get3A_731] {strides = array<i32>} : memref<128x64xf32, #tpu.memory_space<vmem>>, vector<16xf32>,
      %mul3A_733 = vector.broadcast %squeeze3A : f32 to vector<16xf32>
      %mul3A_734 = arith.mulf %get3A_732, %mul3A_733 : vector<16xf32>
      %swap3A_735 = arith.index_cast %scan3A_717 : i32 to index
      %swap3A_736 = arith.constant 16 : index
      %swap3A_737 = tpu.vector_load %arg9[%swap3A_735, %swap3A_736] {strides = array<i32>} : memref<128x64xf32, #tpu.memory_space<vmem>>, vector<16xf32>,
      tpu.vector_store %arg9[%swap3A_735, %swap3A_736], %mul3A_734 {strides = array<i32>} : memref<128x64xf32, #tpu.memory_space<vmem>>, vector<16xf32>,
      %get3A_738 = arith.index_cast %scan3A_717 : i32 to index
      %get3A_739 = arith.constant 32 : index
      %get3A_740 = tpu.vector_load %arg9[%get3A_738, %get3A_739] {strides = array<i32>} : memref<128x64xf32, #tpu.memory_space<vmem>>, vector<16xf32>,
      %mul3A_741 = vector.broadcast %squeeze3A : f32 to vector<16xf32>
      %mul3A_742 = arith.mulf %get3A_740, %mul3A_741 : vector<16xf32>
      %swap3A_743 = arith.index_cast %scan3A_717 : i32 to index
      %swap3A_744 = arith.constant 32 : index
      %swap3A_745 = tpu.vector_load %arg9[%swap3A_743, %swap3A_744] {strides = array<i32>} : memref<128x64xf32, #tpu.memory_space<vmem>>, vector<16xf32>,
      tpu.vector_store %arg9[%swap3A_743, %swap3A_744], %mul3A_742 {strides = array<i32>} : memref<128x64xf32, #tpu.memory_space<vmem>>, vector<16xf32>,
      %get3A_746 = arith.index_cast %scan3A_717 : i32 to index
      %get3A_747 = arith.constant 48 : index
      %get3A_748 = tpu.vector_load %arg9[%get3A_746, %get3A_747] {strides = array<i32>} : memref<128x64xf32, #tpu.memory_space<vmem>>, vector<16xf32>,
      %mul3A_749 = vector.broadcast %squeeze3A : f32 to vector<16xf32>
      %mul3A_750 = arith.mulf %get3A_748, %mul3A_749 : vector<16xf32>
      %swap3A_751 = arith.index_cast %scan3A_717 : i32 to index
      %swap3A_752 = arith.constant 48 : index
      %swap3A_753 = tpu.vector_load %arg9[%swap3A_751, %swap3A_752] {strides = array<i32>} : memref<128x64xf32, #tpu.memory_space<vmem>>, vector<16xf32>,
      tpu.vector_store %arg9[%swap3A_751, %swap3A_752], %mul3A_750 {strides = array<i32>} : memref<128x64xf32, #tpu.memory_space<vmem>>, vector<16xf32>,
      %scan3A_754 = arith.constant 0 : i32
      scf.yield %scan3A_754 : i32
    }
    %scan3A_658 = arith.constant 128 : i32
    %eq3A_659 = arith.constant 0 : i32
    %eq3A_660 = arith.cmpi eq, %arg0, %eq3A_659 : i32
    %convert_element_type3A_661 = arith.extui %eq3A_660 : i1 to i32
    %cond3A_662 = arith.constant 0 : i32
    %cond3A_663 = arith.cmpi ne, %convert_element_type3A_661, %cond3A_662 : i32
    scf.if %cond3A_663 {
      %add3A_717 = arith.constant 128 : i32
      %add3A_718 = arith.addi %mul3A_31, %add3A_717 : i32
      "tpu.region"() ({
        %run_scoped3A = tpu.sem_alloc : memref<!tpu.dma_semaphore, #tpu.memory_space<semaphore_mem>>
        %dma_start3A_719 = arith.constant 0 : i32
        %dma_start3A_720 = arith.constant 0 : i32
        %dma_start3A_721 = tpu.memref_slice %arg9[%dma_start3A_719, %dma_start3A_720] : memref<128x64xf32, #tpu.memory_space<vmem>> -> memref<128x64xf32, #tpu.memory_space<vmem>>
        %dma_start3A_722 = arith.constant 0 : i32
        %dma_start3A_723 = tpu.memref_slice %arg5[%add3A_718, %dma_start3A_722] : memref<10000x128xf32, #tpu.memory_space<hbm>> -> memref<128x64xf32, #tpu.memory_space<hbm>>
        %dma_start3A_724 = arith.constant 0 : i32
        %dma_start3A_725 = tpu.memref_slice %arg5[%add3A_718, %dma_start3A_724] : memref<10000x128xf32, #tpu.memory_space<hbm>> -> memref<128x64xf32, #tpu.memory_space<hbm>>
        %dma_start3A_726 = arith.constant 0 : i32
        %dma_start3A_727 = arith.constant 0 : i32
        %dma_start3A_728 = tpu.memref_slice %arg9[%dma_start3A_726, %dma_start3A_727] : memref<128x64xf32, #tpu.memory_space<vmem>> -> memref<128x64xf32, #tpu.memory_space<vmem>>
        tpu.enqueue_dma source(%dma_start3A_728 : memref<128x64xf32, #tpu.memory_space<vmem>>) target(%dma_start3A_725 : memref<128x64xf32, #tpu.memory_space<hbm>>) target_semaphore(%run_scoped3A : memref<!tpu.dma_semaphore, #tpu.memory_space<semaphore_mem>>)
        %dma_wait3A_729 = arith.constant 0 : i32
        %dma_wait3A_730 = arith.constant 0 : i32
        %dma_wait3A_731 = tpu.memref_slice %arg9[%dma_wait3A_729, %dma_wait3A_730] : memref<128x64xf32, #tpu.memory_space<vmem>> -> memref<128x64xf32, #tpu.memory_space<vmem>>
        %dma_wait3A_732 = arith.constant 0 : i32
        %dma_wait3A_733 = tpu.memref_slice %arg5[%add3A_718, %dma_wait3A_732] : memref<10000x128xf32, #tpu.memory_space<hbm>> -> memref<128x64xf32, #tpu.memory_space<hbm>>
        %dma_wait3A_734 = arith.constant 0 : i32
        %dma_wait3A_735 = tpu.memref_slice %arg5[%add3A_718, %dma_wait3A_734] : memref<10000x128xf32, #tpu.memory_space<hbm>> -> memref<128x64xf32, #tpu.memory_space<hbm>>
        %dma_wait3A_736 = arith.constant 0 : i32
        %dma_wait3A_737 = arith.constant 0 : i32
        %dma_wait3A_738 = tpu.memref_slice %arg9[%dma_wait3A_736, %dma_wait3A_737] : memref<128x64xf32, #tpu.memory_space<vmem>> -> memref<128x64xf32, #tpu.memory_space<vmem>>
        tpu.wait_dma2 semaphore(%run_scoped3A : memref<!tpu.dma_semaphore, #tpu.memory_space<semaphore_mem>>) src(%dma_wait3A_738 : memref<128x64xf32, #tpu.memory_space<vmem>>) dst(%dma_wait3A_735 : memref<128x64xf32, #tpu.memory_space<hbm>>)
        tpu.yield
      }) : () -> ()
    } else {
    }
    %eq3A_664 = arith.constant 1 : i32
    %eq3A_665 = arith.cmpi eq, %arg0, %eq3A_664 : i32
    %convert_element_type3A_666 = arith.extui %eq3A_665 : i1 to i32
    %cond3A_667 = arith.constant 0 : i32
    %cond3A_668 = arith.cmpi ne, %convert_element_type3A_666, %cond3A_667 : i32
    scf.if %cond3A_668 {
      %add3A_717 = arith.constant 128 : i32
      %add3A_718 = arith.addi %mul3A_31, %add3A_717 : i32
      "tpu.region"() ({
        %run_scoped3A = tpu.sem_alloc : memref<!tpu.dma_semaphore, #tpu.memory_space<semaphore_mem>>
        %dma_start3A_719 = arith.constant 0 : i32
        %dma_start3A_720 = arith.constant 0 : i32
        %dma_start3A_721 = tpu.memref_slice %arg9[%dma_start3A_719, %dma_start3A_720] : memref<128x64xf32, #tpu.memory_space<vmem>> -> memref<128x64xf32, #tpu.memory_space<vmem>>
        %dma_start3A_722 = arith.constant 64 : i32
        %dma_start3A_723 = tpu.memref_slice %arg5[%add3A_718, %dma_start3A_722] : memref<10000x128xf32, #tpu.memory_space<hbm>> -> memref<128x64xf32, #tpu.memory_space<hbm>>
        %dma_start3A_724 = arith.constant 64 : i32
        %dma_start3A_725 = tpu.memref_slice %arg5[%add3A_718, %dma_start3A_724] : memref<10000x128xf32, #tpu.memory_space<hbm>> -> memref<128x64xf32, #tpu.memory_space<hbm>>
        %dma_start3A_726 = arith.constant 0 : i32
        %dma_start3A_727 = arith.constant 0 : i32
        %dma_start3A_728 = tpu.memref_slice %arg9[%dma_start3A_726, %dma_start3A_727] : memref<128x64xf32, #tpu.memory_space<vmem>> -> memref<128x64xf32, #tpu.memory_space<vmem>>
        tpu.enqueue_dma source(%dma_start3A_728 : memref<128x64xf32, #tpu.memory_space<vmem>>) target(%dma_start3A_725 : memref<128x64xf32, #tpu.memory_space<hbm>>) target_semaphore(%run_scoped3A : memref<!tpu.dma_semaphore, #tpu.memory_space<semaphore_mem>>)
        %dma_wait3A_729 = arith.constant 0 : i32
        %dma_wait3A_730 = arith.constant 0 : i32
        %dma_wait3A_731 = tpu.memref_slice %arg9[%dma_wait3A_729, %dma_wait3A_730] : memref<128x64xf32, #tpu.memory_space<vmem>> -> memref<128x64xf32, #tpu.memory_space<vmem>>
        %dma_wait3A_732 = arith.constant 64 : i32
        %dma_wait3A_733 = tpu.memref_slice %arg5[%add3A_718, %dma_wait3A_732] : memref<10000x128xf32, #tpu.memory_space<hbm>> -> memref<128x64xf32, #tpu.memory_space<hbm>>
        %dma_wait3A_734 = arith.constant 64 : i32
        %dma_wait3A_735 = tpu.memref_slice %arg5[%add3A_718, %dma_wait3A_734] : memref<10000x128xf32, #tpu.memory_space<hbm>> -> memref<128x64xf32, #tpu.memory_space<hbm>>
        %dma_wait3A_736 = arith.constant 0 : i32
        %dma_wait3A_737 = arith.constant 0 : i32
        %dma_wait3A_738 = tpu.memref_slice %arg9[%dma_wait3A_736, %dma_wait3A_737] : memref<128x64xf32, #tpu.memory_space<vmem>> -> memref<128x64xf32, #tpu.memory_space<vmem>>
        tpu.wait_dma2 semaphore(%run_scoped3A : memref<!tpu.dma_semaphore, #tpu.memory_space<semaphore_mem>>) src(%dma_wait3A_738 : memref<128x64xf32, #tpu.memory_space<vmem>>) dst(%dma_wait3A_735 : memref<128x64xf32, #tpu.memory_space<hbm>>)
        tpu.yield
      }) : () -> ()
    } else {
    }
    %add3A_669 = arith.constant 256 : i32
    %add3A_670 = arith.addi %mul3A_31, %add3A_669 : i32
    "tpu.region"() ({
      %run_scoped3A = tpu.sem_alloc : memref<!tpu.dma_semaphore, #tpu.memory_space<semaphore_mem>>
      %dma_start3A_717 = arith.constant 0 : i32
      %dma_start3A_718 = arith.constant 0 : i32
      %dma_start3A_719 = tpu.memref_slice %arg9[%dma_start3A_717, %dma_start3A_718] : memref<128x64xf32, #tpu.memory_space<vmem>> -> memref<128x64xf32, #tpu.memory_space<vmem>>
      %dma_start3A_720 = arith.constant 0 : i32
      %dma_start3A_721 = tpu.memref_slice %arg16[%add3A_670, %dma_start3A_720] : memref<10112x64xf32, #tpu.memory_space<vmem_shared>> -> memref<128x64xf32, #tpu.memory_space<vmem_shared>>
      %dma_start3A_722 = arith.constant 0 : i32
      %dma_start3A_723 = arith.constant 0 : i32
      %dma_start3A_724 = tpu.memref_slice %arg9[%dma_start3A_722, %dma_start3A_723] : memref<128x64xf32, #tpu.memory_space<vmem>> -> memref<128x64xf32, #tpu.memory_space<vmem>>
      %dma_start3A_725 = arith.constant 0 : i32
      %dma_start3A_726 = tpu.memref_slice %arg16[%add3A_670, %dma_start3A_725] : memref<10112x64xf32, #tpu.memory_space<vmem_shared>> -> memref<128x64xf32, #tpu.memory_space<vmem_shared>>
      tpu.enqueue_dma source(%dma_start3A_726 : memref<128x64xf32, #tpu.memory_space<vmem_shared>>) target(%dma_start3A_724 : memref<128x64xf32, #tpu.memory_space<vmem>>) target_semaphore(%run_scoped3A : memref<!tpu.dma_semaphore, #tpu.memory_space<semaphore_mem>>)
      %dma_wait3A_727 = arith.constant 0 : i32
      %dma_wait3A_728 = arith.constant 0 : i32
      %dma_wait3A_729 = tpu.memref_slice %arg9[%dma_wait3A_727, %dma_wait3A_728] : memref<128x64xf32, #tpu.memory_space<vmem>> -> memref<128x64xf32, #tpu.memory_space<vmem>>
      %dma_wait3A_730 = arith.constant 0 : i32
      %dma_wait3A_731 = tpu.memref_slice %arg16[%add3A_670, %dma_wait3A_730] : memref<10112x64xf32, #tpu.memory_space<vmem_shared>> -> memref<128x64xf32, #tpu.memory_space<vmem_shared>>
      %dma_wait3A_732 = arith.constant 0 : i32
      %dma_wait3A_733 = arith.constant 0 : i32
      %dma_wait3A_734 = tpu.memref_slice %arg9[%dma_wait3A_732, %dma_wait3A_733] : memref<128x64xf32, #tpu.memory_space<vmem>> -> memref<128x64xf32, #tpu.memory_space<vmem>>
      %dma_wait3A_735 = arith.constant 0 : i32
      %dma_wait3A_736 = tpu.memref_slice %arg16[%add3A_670, %dma_wait3A_735] : memref<10112x64xf32, #tpu.memory_space<vmem_shared>> -> memref<128x64xf32, #tpu.memory_space<vmem_shared>>
      tpu.wait_dma2 semaphore(%run_scoped3A : memref<!tpu.dma_semaphore, #tpu.memory_space<semaphore_mem>>) src(%dma_wait3A_736 : memref<128x64xf32, #tpu.memory_space<vmem_shared>>) dst(%dma_wait3A_734 : memref<128x64xf32, #tpu.memory_space<vmem>>)
      tpu.yield
    }) : () -> ()
    %scan3A_671 = arith.constant 0 : i32
    %scan3A_672 = arith.constant 0 : i32
    %scan3A_673 = arith.constant 128 : i32
    %scan3A_674 = arith.addi %scan3A_672, %scan3A_673 : i32
    %scan3A_675 = arith.constant 1 : i32
    %scan3A_676 = scf.for %scan3A_717 = %scan3A_672 to %scan3A_674 step %scan3A_675 iter_args(%scan3A_718 = %scan3A_671) -> (i32)  : i32 {
      %add3A_719 = arith.constant 256 : i32
      %add3A_720 = arith.addi %add3A_719, %scan3A_717 : i32
      %get3A_721 = arith.index_cast %add3A_720 : i32 to index
      %get3A_722 = tpu.vector_load %arg15[%get3A_721] {strides = array<i32>} : memref<656xf32, #tpu.memory_space<vmem>>, vector<16xf32>,
      %slice3A = vector.extract_strided_slice %get3A_722 {offsets = [0], sizes = [1], strides = [1]} : vector<16xf32> to vector<1xf32>
      %squeeze3A = vector.extract %slice3A[0] : f32 from vector<1xf32>
      %get3A_723 = arith.index_cast %scan3A_717 : i32 to index
      %get3A_724 = arith.constant 0 : index
      %get3A_725 = tpu.vector_load %arg9[%get3A_723, %get3A_724] {strides = array<i32>} : memref<128x64xf32, #tpu.memory_space<vmem>>, vector<16xf32>,
      %mul3A_726 = vector.broadcast %squeeze3A : f32 to vector<16xf32>
      %mul3A_727 = arith.mulf %get3A_725, %mul3A_726 : vector<16xf32>
      %swap3A = arith.index_cast %scan3A_717 : i32 to index
      %swap3A_728 = arith.constant 0 : index
      %swap3A_729 = tpu.vector_load %arg9[%swap3A, %swap3A_728] {strides = array<i32>} : memref<128x64xf32, #tpu.memory_space<vmem>>, vector<16xf32>,
      tpu.vector_store %arg9[%swap3A, %swap3A_728], %mul3A_727 {strides = array<i32>} : memref<128x64xf32, #tpu.memory_space<vmem>>, vector<16xf32>,
      %get3A_730 = arith.index_cast %scan3A_717 : i32 to index
      %get3A_731 = arith.constant 16 : index
      %get3A_732 = tpu.vector_load %arg9[%get3A_730, %get3A_731] {strides = array<i32>} : memref<128x64xf32, #tpu.memory_space<vmem>>, vector<16xf32>,
      %mul3A_733 = vector.broadcast %squeeze3A : f32 to vector<16xf32>
      %mul3A_734 = arith.mulf %get3A_732, %mul3A_733 : vector<16xf32>
      %swap3A_735 = arith.index_cast %scan3A_717 : i32 to index
      %swap3A_736 = arith.constant 16 : index
      %swap3A_737 = tpu.vector_load %arg9[%swap3A_735, %swap3A_736] {strides = array<i32>} : memref<128x64xf32, #tpu.memory_space<vmem>>, vector<16xf32>,
      tpu.vector_store %arg9[%swap3A_735, %swap3A_736], %mul3A_734 {strides = array<i32>} : memref<128x64xf32, #tpu.memory_space<vmem>>, vector<16xf32>,
      %get3A_738 = arith.index_cast %scan3A_717 : i32 to index
      %get3A_739 = arith.constant 32 : index
      %get3A_740 = tpu.vector_load %arg9[%get3A_738, %get3A_739] {strides = array<i32>} : memref<128x64xf32, #tpu.memory_space<vmem>>, vector<16xf32>,
      %mul3A_741 = vector.broadcast %squeeze3A : f32 to vector<16xf32>
      %mul3A_742 = arith.mulf %get3A_740, %mul3A_741 : vector<16xf32>
      %swap3A_743 = arith.index_cast %scan3A_717 : i32 to index
      %swap3A_744 = arith.constant 32 : index
      %swap3A_745 = tpu.vector_load %arg9[%swap3A_743, %swap3A_744] {strides = array<i32>} : memref<128x64xf32, #tpu.memory_space<vmem>>, vector<16xf32>,
      tpu.vector_store %arg9[%swap3A_743, %swap3A_744], %mul3A_742 {strides = array<i32>} : memref<128x64xf32, #tpu.memory_space<vmem>>, vector<16xf32>,
      %get3A_746 = arith.index_cast %scan3A_717 : i32 to index
      %get3A_747 = arith.constant 48 : index
      %get3A_748 = tpu.vector_load %arg9[%get3A_746, %get3A_747] {strides = array<i32>} : memref<128x64xf32, #tpu.memory_space<vmem>>, vector<16xf32>,
      %mul3A_749 = vector.broadcast %squeeze3A : f32 to vector<16xf32>
      %mul3A_750 = arith.mulf %get3A_748, %mul3A_749 : vector<16xf32>
      %swap3A_751 = arith.index_cast %scan3A_717 : i32 to index
      %swap3A_752 = arith.constant 48 : index
      %swap3A_753 = tpu.vector_load %arg9[%swap3A_751, %swap3A_752] {strides = array<i32>} : memref<128x64xf32, #tpu.memory_space<vmem>>, vector<16xf32>,
      tpu.vector_store %arg9[%swap3A_751, %swap3A_752], %mul3A_750 {strides = array<i32>} : memref<128x64xf32, #tpu.memory_space<vmem>>, vector<16xf32>,
      %scan3A_754 = arith.constant 0 : i32
      scf.yield %scan3A_754 : i32
    }
    %scan3A_677 = arith.constant 128 : i32
    %eq3A_678 = arith.constant 0 : i32
    %eq3A_679 = arith.cmpi eq, %arg0, %eq3A_678 : i32
    %convert_element_type3A_680 = arith.extui %eq3A_679 : i1 to i32
    %cond3A_681 = arith.constant 0 : i32
    %cond3A_682 = arith.cmpi ne, %convert_element_type3A_680, %cond3A_681 : i32
    scf.if %cond3A_682 {
      %add3A_717 = arith.constant 256 : i32
      %add3A_718 = arith.addi %mul3A_31, %add3A_717 : i32
      "tpu.region"() ({
        %run_scoped3A = tpu.sem_alloc : memref<!tpu.dma_semaphore, #tpu.memory_space<semaphore_mem>>
        %dma_start3A_719 = arith.constant 0 : i32
        %dma_start3A_720 = arith.constant 0 : i32
        %dma_start3A_721 = tpu.memref_slice %arg9[%dma_start3A_719, %dma_start3A_720] : memref<128x64xf32, #tpu.memory_space<vmem>> -> memref<128x64xf32, #tpu.memory_space<vmem>>
        %dma_start3A_722 = arith.constant 0 : i32
        %dma_start3A_723 = tpu.memref_slice %arg5[%add3A_718, %dma_start3A_722] : memref<10000x128xf32, #tpu.memory_space<hbm>> -> memref<128x64xf32, #tpu.memory_space<hbm>>
        %dma_start3A_724 = arith.constant 0 : i32
        %dma_start3A_725 = tpu.memref_slice %arg5[%add3A_718, %dma_start3A_724] : memref<10000x128xf32, #tpu.memory_space<hbm>> -> memref<128x64xf32, #tpu.memory_space<hbm>>
        %dma_start3A_726 = arith.constant 0 : i32
        %dma_start3A_727 = arith.constant 0 : i32
        %dma_start3A_728 = tpu.memref_slice %arg9[%dma_start3A_726, %dma_start3A_727] : memref<128x64xf32, #tpu.memory_space<vmem>> -> memref<128x64xf32, #tpu.memory_space<vmem>>
        tpu.enqueue_dma source(%dma_start3A_728 : memref<128x64xf32, #tpu.memory_space<vmem>>) target(%dma_start3A_725 : memref<128x64xf32, #tpu.memory_space<hbm>>) target_semaphore(%run_scoped3A : memref<!tpu.dma_semaphore, #tpu.memory_space<semaphore_mem>>)
        %dma_wait3A_729 = arith.constant 0 : i32
        %dma_wait3A_730 = arith.constant 0 : i32
        %dma_wait3A_731 = tpu.memref_slice %arg9[%dma_wait3A_729, %dma_wait3A_730] : memref<128x64xf32, #tpu.memory_space<vmem>> -> memref<128x64xf32, #tpu.memory_space<vmem>>
        %dma_wait3A_732 = arith.constant 0 : i32
        %dma_wait3A_733 = tpu.memref_slice %arg5[%add3A_718, %dma_wait3A_732] : memref<10000x128xf32, #tpu.memory_space<hbm>> -> memref<128x64xf32, #tpu.memory_space<hbm>>
        %dma_wait3A_734 = arith.constant 0 : i32
        %dma_wait3A_735 = tpu.memref_slice %arg5[%add3A_718, %dma_wait3A_734] : memref<10000x128xf32, #tpu.memory_space<hbm>> -> memref<128x64xf32, #tpu.memory_space<hbm>>
        %dma_wait3A_736 = arith.constant 0 : i32
        %dma_wait3A_737 = arith.constant 0 : i32
        %dma_wait3A_738 = tpu.memref_slice %arg9[%dma_wait3A_736, %dma_wait3A_737] : memref<128x64xf32, #tpu.memory_space<vmem>> -> memref<128x64xf32, #tpu.memory_space<vmem>>
        tpu.wait_dma2 semaphore(%run_scoped3A : memref<!tpu.dma_semaphore, #tpu.memory_space<semaphore_mem>>) src(%dma_wait3A_738 : memref<128x64xf32, #tpu.memory_space<vmem>>) dst(%dma_wait3A_735 : memref<128x64xf32, #tpu.memory_space<hbm>>)
        tpu.yield
      }) : () -> ()
    } else {
    }
    %eq3A_683 = arith.constant 1 : i32
    %eq3A_684 = arith.cmpi eq, %arg0, %eq3A_683 : i32
    %convert_element_type3A_685 = arith.extui %eq3A_684 : i1 to i32
    %cond3A_686 = arith.constant 0 : i32
    %cond3A_687 = arith.cmpi ne, %convert_element_type3A_685, %cond3A_686 : i32
    scf.if %cond3A_687 {
      %add3A_717 = arith.constant 256 : i32
      %add3A_718 = arith.addi %mul3A_31, %add3A_717 : i32
      "tpu.region"() ({
        %run_scoped3A = tpu.sem_alloc : memref<!tpu.dma_semaphore, #tpu.memory_space<semaphore_mem>>
        %dma_start3A_719 = arith.constant 0 : i32
        %dma_start3A_720 = arith.constant 0 : i32
        %dma_start3A_721 = tpu.memref_slice %arg9[%dma_start3A_719, %dma_start3A_720] : memref<128x64xf32, #tpu.memory_space<vmem>> -> memref<128x64xf32, #tpu.memory_space<vmem>>
        %dma_start3A_722 = arith.constant 64 : i32
        %dma_start3A_723 = tpu.memref_slice %arg5[%add3A_718, %dma_start3A_722] : memref<10000x128xf32, #tpu.memory_space<hbm>> -> memref<128x64xf32, #tpu.memory_space<hbm>>
        %dma_start3A_724 = arith.constant 64 : i32
        %dma_start3A_725 = tpu.memref_slice %arg5[%add3A_718, %dma_start3A_724] : memref<10000x128xf32, #tpu.memory_space<hbm>> -> memref<128x64xf32, #tpu.memory_space<hbm>>
        %dma_start3A_726 = arith.constant 0 : i32
        %dma_start3A_727 = arith.constant 0 : i32
        %dma_start3A_728 = tpu.memref_slice %arg9[%dma_start3A_726, %dma_start3A_727] : memref<128x64xf32, #tpu.memory_space<vmem>> -> memref<128x64xf32, #tpu.memory_space<vmem>>
        tpu.enqueue_dma source(%dma_start3A_728 : memref<128x64xf32, #tpu.memory_space<vmem>>) target(%dma_start3A_725 : memref<128x64xf32, #tpu.memory_space<hbm>>) target_semaphore(%run_scoped3A : memref<!tpu.dma_semaphore, #tpu.memory_space<semaphore_mem>>)
        %dma_wait3A_729 = arith.constant 0 : i32
        %dma_wait3A_730 = arith.constant 0 : i32
        %dma_wait3A_731 = tpu.memref_slice %arg9[%dma_wait3A_729, %dma_wait3A_730] : memref<128x64xf32, #tpu.memory_space<vmem>> -> memref<128x64xf32, #tpu.memory_space<vmem>>
        %dma_wait3A_732 = arith.constant 64 : i32
        %dma_wait3A_733 = tpu.memref_slice %arg5[%add3A_718, %dma_wait3A_732] : memref<10000x128xf32, #tpu.memory_space<hbm>> -> memref<128x64xf32, #tpu.memory_space<hbm>>
        %dma_wait3A_734 = arith.constant 64 : i32
        %dma_wait3A_735 = tpu.memref_slice %arg5[%add3A_718, %dma_wait3A_734] : memref<10000x128xf32, #tpu.memory_space<hbm>> -> memref<128x64xf32, #tpu.memory_space<hbm>>
        %dma_wait3A_736 = arith.constant 0 : i32
        %dma_wait3A_737 = arith.constant 0 : i32
        %dma_wait3A_738 = tpu.memref_slice %arg9[%dma_wait3A_736, %dma_wait3A_737] : memref<128x64xf32, #tpu.memory_space<vmem>> -> memref<128x64xf32, #tpu.memory_space<vmem>>
        tpu.wait_dma2 semaphore(%run_scoped3A : memref<!tpu.dma_semaphore, #tpu.memory_space<semaphore_mem>>) src(%dma_wait3A_738 : memref<128x64xf32, #tpu.memory_space<vmem>>) dst(%dma_wait3A_735 : memref<128x64xf32, #tpu.memory_space<hbm>>)
        tpu.yield
      }) : () -> ()
    } else {
    }
    %add3A_688 = arith.constant 384 : i32
    %add3A_689 = arith.addi %mul3A_31, %add3A_688 : i32
    "tpu.region"() ({
      %run_scoped3A = tpu.sem_alloc : memref<!tpu.dma_semaphore, #tpu.memory_space<semaphore_mem>>
      %dma_start3A_717 = arith.constant 0 : i32
      %dma_start3A_718 = arith.constant 0 : i32
      %dma_start3A_719 = tpu.memref_slice %arg9[%dma_start3A_717, %dma_start3A_718] : memref<128x64xf32, #tpu.memory_space<vmem>> -> memref<128x64xf32, #tpu.memory_space<vmem>>
      %dma_start3A_720 = arith.constant 0 : i32
      %dma_start3A_721 = tpu.memref_slice %arg16[%add3A_689, %dma_start3A_720] : memref<10112x64xf32, #tpu.memory_space<vmem_shared>> -> memref<128x64xf32, #tpu.memory_space<vmem_shared>>
      %dma_start3A_722 = arith.constant 0 : i32
      %dma_start3A_723 = arith.constant 0 : i32
      %dma_start3A_724 = tpu.memref_slice %arg9[%dma_start3A_722, %dma_start3A_723] : memref<128x64xf32, #tpu.memory_space<vmem>> -> memref<128x64xf32, #tpu.memory_space<vmem>>
      %dma_start3A_725 = arith.constant 0 : i32
      %dma_start3A_726 = tpu.memref_slice %arg16[%add3A_689, %dma_start3A_725] : memref<10112x64xf32, #tpu.memory_space<vmem_shared>> -> memref<128x64xf32, #tpu.memory_space<vmem_shared>>
      tpu.enqueue_dma source(%dma_start3A_726 : memref<128x64xf32, #tpu.memory_space<vmem_shared>>) target(%dma_start3A_724 : memref<128x64xf32, #tpu.memory_space<vmem>>) target_semaphore(%run_scoped3A : memref<!tpu.dma_semaphore, #tpu.memory_space<semaphore_mem>>)
      %dma_wait3A_727 = arith.constant 0 : i32
      %dma_wait3A_728 = arith.constant 0 : i32
      %dma_wait3A_729 = tpu.memref_slice %arg9[%dma_wait3A_727, %dma_wait3A_728] : memref<128x64xf32, #tpu.memory_space<vmem>> -> memref<128x64xf32, #tpu.memory_space<vmem>>
      %dma_wait3A_730 = arith.constant 0 : i32
      %dma_wait3A_731 = tpu.memref_slice %arg16[%add3A_689, %dma_wait3A_730] : memref<10112x64xf32, #tpu.memory_space<vmem_shared>> -> memref<128x64xf32, #tpu.memory_space<vmem_shared>>
      %dma_wait3A_732 = arith.constant 0 : i32
      %dma_wait3A_733 = arith.constant 0 : i32
      %dma_wait3A_734 = tpu.memref_slice %arg9[%dma_wait3A_732, %dma_wait3A_733] : memref<128x64xf32, #tpu.memory_space<vmem>> -> memref<128x64xf32, #tpu.memory_space<vmem>>
      %dma_wait3A_735 = arith.constant 0 : i32
      %dma_wait3A_736 = tpu.memref_slice %arg16[%add3A_689, %dma_wait3A_735] : memref<10112x64xf32, #tpu.memory_space<vmem_shared>> -> memref<128x64xf32, #tpu.memory_space<vmem_shared>>
      tpu.wait_dma2 semaphore(%run_scoped3A : memref<!tpu.dma_semaphore, #tpu.memory_space<semaphore_mem>>) src(%dma_wait3A_736 : memref<128x64xf32, #tpu.memory_space<vmem_shared>>) dst(%dma_wait3A_734 : memref<128x64xf32, #tpu.memory_space<vmem>>)
      tpu.yield
    }) : () -> ()
    %scan3A_690 = arith.constant 0 : i32
    %scan3A_691 = arith.constant 0 : i32
    %scan3A_692 = arith.constant 128 : i32
    %scan3A_693 = arith.addi %scan3A_691, %scan3A_692 : i32
    %scan3A_694 = arith.constant 1 : i32
    %scan3A_695 = scf.for %scan3A_717 = %scan3A_691 to %scan3A_693 step %scan3A_694 iter_args(%scan3A_718 = %scan3A_690) -> (i32)  : i32 {
      %add3A_719 = arith.constant 384 : i32
      %add3A_720 = arith.addi %add3A_719, %scan3A_717 : i32
      %get3A_721 = arith.index_cast %add3A_720 : i32 to index
      %get3A_722 = tpu.vector_load %arg15[%get3A_721] {strides = array<i32>} : memref<656xf32, #tpu.memory_space<vmem>>, vector<16xf32>,
      %slice3A = vector.extract_strided_slice %get3A_722 {offsets = [0], sizes = [1], strides = [1]} : vector<16xf32> to vector<1xf32>
      %squeeze3A = vector.extract %slice3A[0] : f32 from vector<1xf32>
      %get3A_723 = arith.index_cast %scan3A_717 : i32 to index
      %get3A_724 = arith.constant 0 : index
      %get3A_725 = tpu.vector_load %arg9[%get3A_723, %get3A_724] {strides = array<i32>} : memref<128x64xf32, #tpu.memory_space<vmem>>, vector<16xf32>,
      %mul3A_726 = vector.broadcast %squeeze3A : f32 to vector<16xf32>
      %mul3A_727 = arith.mulf %get3A_725, %mul3A_726 : vector<16xf32>
      %swap3A = arith.index_cast %scan3A_717 : i32 to index
      %swap3A_728 = arith.constant 0 : index
      %swap3A_729 = tpu.vector_load %arg9[%swap3A, %swap3A_728] {strides = array<i32>} : memref<128x64xf32, #tpu.memory_space<vmem>>, vector<16xf32>,
      tpu.vector_store %arg9[%swap3A, %swap3A_728], %mul3A_727 {strides = array<i32>} : memref<128x64xf32, #tpu.memory_space<vmem>>, vector<16xf32>,
      %get3A_730 = arith.index_cast %scan3A_717 : i32 to index
      %get3A_731 = arith.constant 16 : index
      %get3A_732 = tpu.vector_load %arg9[%get3A_730, %get3A_731] {strides = array<i32>} : memref<128x64xf32, #tpu.memory_space<vmem>>, vector<16xf32>,
      %mul3A_733 = vector.broadcast %squeeze3A : f32 to vector<16xf32>
      %mul3A_734 = arith.mulf %get3A_732, %mul3A_733 : vector<16xf32>
      %swap3A_735 = arith.index_cast %scan3A_717 : i32 to index
      %swap3A_736 = arith.constant 16 : index
      %swap3A_737 = tpu.vector_load %arg9[%swap3A_735, %swap3A_736] {strides = array<i32>} : memref<128x64xf32, #tpu.memory_space<vmem>>, vector<16xf32>,
      tpu.vector_store %arg9[%swap3A_735, %swap3A_736], %mul3A_734 {strides = array<i32>} : memref<128x64xf32, #tpu.memory_space<vmem>>, vector<16xf32>,
      %get3A_738 = arith.index_cast %scan3A_717 : i32 to index
      %get3A_739 = arith.constant 32 : index
      %get3A_740 = tpu.vector_load %arg9[%get3A_738, %get3A_739] {strides = array<i32>} : memref<128x64xf32, #tpu.memory_space<vmem>>, vector<16xf32>,
      %mul3A_741 = vector.broadcast %squeeze3A : f32 to vector<16xf32>
      %mul3A_742 = arith.mulf %get3A_740, %mul3A_741 : vector<16xf32>
      %swap3A_743 = arith.index_cast %scan3A_717 : i32 to index
      %swap3A_744 = arith.constant 32 : index
      %swap3A_745 = tpu.vector_load %arg9[%swap3A_743, %swap3A_744] {strides = array<i32>} : memref<128x64xf32, #tpu.memory_space<vmem>>, vector<16xf32>,
      tpu.vector_store %arg9[%swap3A_743, %swap3A_744], %mul3A_742 {strides = array<i32>} : memref<128x64xf32, #tpu.memory_space<vmem>>, vector<16xf32>,
      %get3A_746 = arith.index_cast %scan3A_717 : i32 to index
      %get3A_747 = arith.constant 48 : index
      %get3A_748 = tpu.vector_load %arg9[%get3A_746, %get3A_747] {strides = array<i32>} : memref<128x64xf32, #tpu.memory_space<vmem>>, vector<16xf32>,
      %mul3A_749 = vector.broadcast %squeeze3A : f32 to vector<16xf32>
      %mul3A_750 = arith.mulf %get3A_748, %mul3A_749 : vector<16xf32>
      %swap3A_751 = arith.index_cast %scan3A_717 : i32 to index
      %swap3A_752 = arith.constant 48 : index
      %swap3A_753 = tpu.vector_load %arg9[%swap3A_751, %swap3A_752] {strides = array<i32>} : memref<128x64xf32, #tpu.memory_space<vmem>>, vector<16xf32>,
      tpu.vector_store %arg9[%swap3A_751, %swap3A_752], %mul3A_750 {strides = array<i32>} : memref<128x64xf32, #tpu.memory_space<vmem>>, vector<16xf32>,
      %scan3A_754 = arith.constant 0 : i32
      scf.yield %scan3A_754 : i32
    }
    %scan3A_696 = arith.constant 128 : i32
    %eq3A_697 = arith.constant 0 : i32
    %eq3A_698 = arith.cmpi eq, %arg0, %eq3A_697 : i32
    %convert_element_type3A_699 = arith.extui %eq3A_698 : i1 to i32
    %cond3A_700 = arith.constant 0 : i32
    %cond3A_701 = arith.cmpi ne, %convert_element_type3A_699, %cond3A_700 : i32
    scf.if %cond3A_701 {
      %add3A_717 = arith.constant 384 : i32
      %add3A_718 = arith.addi %mul3A_31, %add3A_717 : i32
      "tpu.region"() ({
        %run_scoped3A = tpu.sem_alloc : memref<!tpu.dma_semaphore, #tpu.memory_space<semaphore_mem>>
        %dma_start3A_719 = arith.constant 0 : i32
        %dma_start3A_720 = arith.constant 0 : i32
        %dma_start3A_721 = tpu.memref_slice %arg9[%dma_start3A_719, %dma_start3A_720] : memref<128x64xf32, #tpu.memory_space<vmem>> -> memref<128x64xf32, #tpu.memory_space<vmem>>
        %dma_start3A_722 = arith.constant 0 : i32
        %dma_start3A_723 = tpu.memref_slice %arg5[%add3A_718, %dma_start3A_722] : memref<10000x128xf32, #tpu.memory_space<hbm>> -> memref<128x64xf32, #tpu.memory_space<hbm>>
        %dma_start3A_724 = arith.constant 0 : i32
        %dma_start3A_725 = tpu.memref_slice %arg5[%add3A_718, %dma_start3A_724] : memref<10000x128xf32, #tpu.memory_space<hbm>> -> memref<128x64xf32, #tpu.memory_space<hbm>>
        %dma_start3A_726 = arith.constant 0 : i32
        %dma_start3A_727 = arith.constant 0 : i32
        %dma_start3A_728 = tpu.memref_slice %arg9[%dma_start3A_726, %dma_start3A_727] : memref<128x64xf32, #tpu.memory_space<vmem>> -> memref<128x64xf32, #tpu.memory_space<vmem>>
        tpu.enqueue_dma source(%dma_start3A_728 : memref<128x64xf32, #tpu.memory_space<vmem>>) target(%dma_start3A_725 : memref<128x64xf32, #tpu.memory_space<hbm>>) target_semaphore(%run_scoped3A : memref<!tpu.dma_semaphore, #tpu.memory_space<semaphore_mem>>)
        %dma_wait3A_729 = arith.constant 0 : i32
        %dma_wait3A_730 = arith.constant 0 : i32
        %dma_wait3A_731 = tpu.memref_slice %arg9[%dma_wait3A_729, %dma_wait3A_730] : memref<128x64xf32, #tpu.memory_space<vmem>> -> memref<128x64xf32, #tpu.memory_space<vmem>>
        %dma_wait3A_732 = arith.constant 0 : i32
        %dma_wait3A_733 = tpu.memref_slice %arg5[%add3A_718, %dma_wait3A_732] : memref<10000x128xf32, #tpu.memory_space<hbm>> -> memref<128x64xf32, #tpu.memory_space<hbm>>
        %dma_wait3A_734 = arith.constant 0 : i32
        %dma_wait3A_735 = tpu.memref_slice %arg5[%add3A_718, %dma_wait3A_734] : memref<10000x128xf32, #tpu.memory_space<hbm>> -> memref<128x64xf32, #tpu.memory_space<hbm>>
        %dma_wait3A_736 = arith.constant 0 : i32
        %dma_wait3A_737 = arith.constant 0 : i32
        %dma_wait3A_738 = tpu.memref_slice %arg9[%dma_wait3A_736, %dma_wait3A_737] : memref<128x64xf32, #tpu.memory_space<vmem>> -> memref<128x64xf32, #tpu.memory_space<vmem>>
        tpu.wait_dma2 semaphore(%run_scoped3A : memref<!tpu.dma_semaphore, #tpu.memory_space<semaphore_mem>>) src(%dma_wait3A_738 : memref<128x64xf32, #tpu.memory_space<vmem>>) dst(%dma_wait3A_735 : memref<128x64xf32, #tpu.memory_space<hbm>>)
        tpu.yield
      }) : () -> ()
    } else {
    }
    %eq3A_702 = arith.constant 1 : i32
    %eq3A_703 = arith.cmpi eq, %arg0, %eq3A_702 : i32
    %convert_element_type3A_704 = arith.extui %eq3A_703 : i1 to i32
    %cond3A_705 = arith.constant 0 : i32
    %cond3A_706 = arith.cmpi ne, %convert_element_type3A_704, %cond3A_705 : i32
    scf.if %cond3A_706 {
      %add3A_717 = arith.constant 384 : i32
      %add3A_718 = arith.addi %mul3A_31, %add3A_717 : i32
      "tpu.region"() ({
        %run_scoped3A = tpu.sem_alloc : memref<!tpu.dma_semaphore, #tpu.memory_space<semaphore_mem>>
        %dma_start3A_719 = arith.constant 0 : i32
        %dma_start3A_720 = arith.constant 0 : i32
        %dma_start3A_721 = tpu.memref_slice %arg9[%dma_start3A_719, %dma_start3A_720] : memref<128x64xf32, #tpu.memory_space<vmem>> -> memref<128x64xf32, #tpu.memory_space<vmem>>
        %dma_start3A_722 = arith.constant 64 : i32
        %dma_start3A_723 = tpu.memref_slice %arg5[%add3A_718, %dma_start3A_722] : memref<10000x128xf32, #tpu.memory_space<hbm>> -> memref<128x64xf32, #tpu.memory_space<hbm>>
        %dma_start3A_724 = arith.constant 64 : i32
        %dma_start3A_725 = tpu.memref_slice %arg5[%add3A_718, %dma_start3A_724] : memref<10000x128xf32, #tpu.memory_space<hbm>> -> memref<128x64xf32, #tpu.memory_space<hbm>>
        %dma_start3A_726 = arith.constant 0 : i32
        %dma_start3A_727 = arith.constant 0 : i32
        %dma_start3A_728 = tpu.memref_slice %arg9[%dma_start3A_726, %dma_start3A_727] : memref<128x64xf32, #tpu.memory_space<vmem>> -> memref<128x64xf32, #tpu.memory_space<vmem>>
        tpu.enqueue_dma source(%dma_start3A_728 : memref<128x64xf32, #tpu.memory_space<vmem>>) target(%dma_start3A_725 : memref<128x64xf32, #tpu.memory_space<hbm>>) target_semaphore(%run_scoped3A : memref<!tpu.dma_semaphore, #tpu.memory_space<semaphore_mem>>)
        %dma_wait3A_729 = arith.constant 0 : i32
        %dma_wait3A_730 = arith.constant 0 : i32
        %dma_wait3A_731 = tpu.memref_slice %arg9[%dma_wait3A_729, %dma_wait3A_730] : memref<128x64xf32, #tpu.memory_space<vmem>> -> memref<128x64xf32, #tpu.memory_space<vmem>>
        %dma_wait3A_732 = arith.constant 64 : i32
        %dma_wait3A_733 = tpu.memref_slice %arg5[%add3A_718, %dma_wait3A_732] : memref<10000x128xf32, #tpu.memory_space<hbm>> -> memref<128x64xf32, #tpu.memory_space<hbm>>
        %dma_wait3A_734 = arith.constant 64 : i32
        %dma_wait3A_735 = tpu.memref_slice %arg5[%add3A_718, %dma_wait3A_734] : memref<10000x128xf32, #tpu.memory_space<hbm>> -> memref<128x64xf32, #tpu.memory_space<hbm>>
        %dma_wait3A_736 = arith.constant 0 : i32
        %dma_wait3A_737 = arith.constant 0 : i32
        %dma_wait3A_738 = tpu.memref_slice %arg9[%dma_wait3A_736, %dma_wait3A_737] : memref<128x64xf32, #tpu.memory_space<vmem>> -> memref<128x64xf32, #tpu.memory_space<vmem>>
        tpu.wait_dma2 semaphore(%run_scoped3A : memref<!tpu.dma_semaphore, #tpu.memory_space<semaphore_mem>>) src(%dma_wait3A_738 : memref<128x64xf32, #tpu.memory_space<vmem>>) dst(%dma_wait3A_735 : memref<128x64xf32, #tpu.memory_space<hbm>>)
        tpu.yield
      }) : () -> ()
    } else {
    }
    %lt3A_707 = arith.constant 15 : i32
    %lt3A_708 = arith.cmpi slt, %arg1, %lt3A_707 : i32
    %convert_element_type3A_709 = arith.extui %lt3A_708 : i1 to i32
    %cond3A_710 = arith.constant 0 : i32
    %cond3A_711 = arith.cmpi ne, %convert_element_type3A_709, %cond3A_710 : i32
    scf.if %cond3A_711 {
      %add3A_717 = arith.constant 512 : i32
      %add3A_718 = arith.addi %mul3A_31, %add3A_717 : i32
      "tpu.region"() ({
        %run_scoped3A = tpu.sem_alloc : memref<!tpu.dma_semaphore, #tpu.memory_space<semaphore_mem>>
        %dma_start3A_736 = arith.constant 0 : i32
        %dma_start3A_737 = arith.constant 0 : i32
        %dma_start3A_738 = tpu.memref_slice %arg9[%dma_start3A_736, %dma_start3A_737] : memref<128x64xf32, #tpu.memory_space<vmem>> -> memref<120x64xf32, #tpu.memory_space<vmem>>
        %dma_start3A_739 = arith.constant 0 : i32
        %dma_start3A_740 = tpu.memref_slice %arg16[%add3A_718, %dma_start3A_739] : memref<10112x64xf32, #tpu.memory_space<vmem_shared>> -> memref<120x64xf32, #tpu.memory_space<vmem_shared>>
        %dma_start3A_741 = arith.constant 0 : i32
        %dma_start3A_742 = arith.constant 0 : i32
        %dma_start3A_743 = tpu.memref_slice %arg9[%dma_start3A_741, %dma_start3A_742] : memref<128x64xf32, #tpu.memory_space<vmem>> -> memref<120x64xf32, #tpu.memory_space<vmem>>
        %dma_start3A_744 = arith.constant 0 : i32
        %dma_start3A_745 = tpu.memref_slice %arg16[%add3A_718, %dma_start3A_744] : memref<10112x64xf32, #tpu.memory_space<vmem_shared>> -> memref<120x64xf32, #tpu.memory_space<vmem_shared>>
        tpu.enqueue_dma source(%dma_start3A_745 : memref<120x64xf32, #tpu.memory_space<vmem_shared>>) target(%dma_start3A_743 : memref<120x64xf32, #tpu.memory_space<vmem>>) target_semaphore(%run_scoped3A : memref<!tpu.dma_semaphore, #tpu.memory_space<semaphore_mem>>)
        %dma_wait3A_746 = arith.constant 0 : i32
        %dma_wait3A_747 = arith.constant 0 : i32
        %dma_wait3A_748 = tpu.memref_slice %arg9[%dma_wait3A_746, %dma_wait3A_747] : memref<128x64xf32, #tpu.memory_space<vmem>> -> memref<120x64xf32, #tpu.memory_space<vmem>>
        %dma_wait3A_749 = arith.constant 0 : i32
        %dma_wait3A_750 = tpu.memref_slice %arg16[%add3A_718, %dma_wait3A_749] : memref<10112x64xf32, #tpu.memory_space<vmem_shared>> -> memref<120x64xf32, #tpu.memory_space<vmem_shared>>
        %dma_wait3A_751 = arith.constant 0 : i32
        %dma_wait3A_752 = arith.constant 0 : i32
        %dma_wait3A_753 = tpu.memref_slice %arg9[%dma_wait3A_751, %dma_wait3A_752] : memref<128x64xf32, #tpu.memory_space<vmem>> -> memref<120x64xf32, #tpu.memory_space<vmem>>
        %dma_wait3A_754 = arith.constant 0 : i32
        %dma_wait3A_755 = tpu.memref_slice %arg16[%add3A_718, %dma_wait3A_754] : memref<10112x64xf32, #tpu.memory_space<vmem_shared>> -> memref<120x64xf32, #tpu.memory_space<vmem_shared>>
        tpu.wait_dma2 semaphore(%run_scoped3A : memref<!tpu.dma_semaphore, #tpu.memory_space<semaphore_mem>>) src(%dma_wait3A_755 : memref<120x64xf32, #tpu.memory_space<vmem_shared>>) dst(%dma_wait3A_753 : memref<120x64xf32, #tpu.memory_space<vmem>>)
        tpu.yield
      }) : () -> ()
      %scan3A_719 = arith.constant 0 : i32
      %scan3A_720 = arith.constant 0 : i32
      %scan3A_721 = arith.constant 120 : i32
      %scan3A_722 = arith.addi %scan3A_720, %scan3A_721 : i32
      %scan3A_723 = arith.constant 1 : i32
      %scan3A_724 = scf.for %scan3A_736 = %scan3A_720 to %scan3A_722 step %scan3A_723 iter_args(%scan3A_737 = %scan3A_719) -> (i32)  : i32 {
        %add3A_738 = arith.constant 512 : i32
        %add3A_739 = arith.addi %add3A_738, %scan3A_736 : i32
        %get3A_740 = arith.index_cast %add3A_739 : i32 to index
        %get3A_741 = tpu.vector_load %arg15[%get3A_740] {strides = array<i32>} : memref<656xf32, #tpu.memory_space<vmem>>, vector<16xf32>,
        %slice3A = vector.extract_strided_slice %get3A_741 {offsets = [0], sizes = [1], strides = [1]} : vector<16xf32> to vector<1xf32>
        %squeeze3A = vector.extract %slice3A[0] : f32 from vector<1xf32>
        %get3A_742 = arith.index_cast %scan3A_736 : i32 to index
        %get3A_743 = arith.constant 0 : index
        %get3A_744 = tpu.vector_load %arg9[%get3A_742, %get3A_743] {strides = array<i32>} : memref<128x64xf32, #tpu.memory_space<vmem>>, vector<16xf32>,
        %mul3A_745 = vector.broadcast %squeeze3A : f32 to vector<16xf32>
        %mul3A_746 = arith.mulf %get3A_744, %mul3A_745 : vector<16xf32>
        %swap3A = arith.index_cast %scan3A_736 : i32 to index
        %swap3A_747 = arith.constant 0 : index
        %swap3A_748 = tpu.vector_load %arg9[%swap3A, %swap3A_747] {strides = array<i32>} : memref<128x64xf32, #tpu.memory_space<vmem>>, vector<16xf32>,
        tpu.vector_store %arg9[%swap3A, %swap3A_747], %mul3A_746 {strides = array<i32>} : memref<128x64xf32, #tpu.memory_space<vmem>>, vector<16xf32>,
        %get3A_749 = arith.index_cast %scan3A_736 : i32 to index
        %get3A_750 = arith.constant 16 : index
        %get3A_751 = tpu.vector_load %arg9[%get3A_749, %get3A_750] {strides = array<i32>} : memref<128x64xf32, #tpu.memory_space<vmem>>, vector<16xf32>,
        %mul3A_752 = vector.broadcast %squeeze3A : f32 to vector<16xf32>
        %mul3A_753 = arith.mulf %get3A_751, %mul3A_752 : vector<16xf32>
        %swap3A_754 = arith.index_cast %scan3A_736 : i32 to index
        %swap3A_755 = arith.constant 16 : index
        %swap3A_756 = tpu.vector_load %arg9[%swap3A_754, %swap3A_755] {strides = array<i32>} : memref<128x64xf32, #tpu.memory_space<vmem>>, vector<16xf32>,
        tpu.vector_store %arg9[%swap3A_754, %swap3A_755], %mul3A_753 {strides = array<i32>} : memref<128x64xf32, #tpu.memory_space<vmem>>, vector<16xf32>,
        %get3A_757 = arith.index_cast %scan3A_736 : i32 to index
        %get3A_758 = arith.constant 32 : index
        %get3A_759 = tpu.vector_load %arg9[%get3A_757, %get3A_758] {strides = array<i32>} : memref<128x64xf32, #tpu.memory_space<vmem>>, vector<16xf32>,
        %mul3A_760 = vector.broadcast %squeeze3A : f32 to vector<16xf32>
        %mul3A_761 = arith.mulf %get3A_759, %mul3A_760 : vector<16xf32>
        %swap3A_762 = arith.index_cast %scan3A_736 : i32 to index
        %swap3A_763 = arith.constant 32 : index
        %swap3A_764 = tpu.vector_load %arg9[%swap3A_762, %swap3A_763] {strides = array<i32>} : memref<128x64xf32, #tpu.memory_space<vmem>>, vector<16xf32>,
        tpu.vector_store %arg9[%swap3A_762, %swap3A_763], %mul3A_761 {strides = array<i32>} : memref<128x64xf32, #tpu.memory_space<vmem>>, vector<16xf32>,
        %get3A_765 = arith.index_cast %scan3A_736 : i32 to index
        %get3A_766 = arith.constant 48 : index
        %get3A_767 = tpu.vector_load %arg9[%get3A_765, %get3A_766] {strides = array<i32>} : memref<128x64xf32, #tpu.memory_space<vmem>>, vector<16xf32>,
        %mul3A_768 = vector.broadcast %squeeze3A : f32 to vector<16xf32>
        %mul3A_769 = arith.mulf %get3A_767, %mul3A_768 : vector<16xf32>
        %swap3A_770 = arith.index_cast %scan3A_736 : i32 to index
        %swap3A_771 = arith.constant 48 : index
        %swap3A_772 = tpu.vector_load %arg9[%swap3A_770, %swap3A_771] {strides = array<i32>} : memref<128x64xf32, #tpu.memory_space<vmem>>, vector<16xf32>,
        tpu.vector_store %arg9[%swap3A_770, %swap3A_771], %mul3A_769 {strides = array<i32>} : memref<128x64xf32, #tpu.memory_space<vmem>>, vector<16xf32>,
        %scan3A_773 = arith.constant 0 : i32
        scf.yield %scan3A_773 : i32
      }
      %scan3A_725 = arith.constant 120 : i32
      %eq3A_726 = arith.constant 0 : i32
      %eq3A_727 = arith.cmpi eq, %arg0, %eq3A_726 : i32
      %convert_element_type3A_728 = arith.extui %eq3A_727 : i1 to i32
      %cond3A_729 = arith.constant 0 : i32
      %cond3A_730 = arith.cmpi ne, %convert_element_type3A_728, %cond3A_729 : i32
      scf.if %cond3A_730 {
        %add3A_736 = arith.constant 512 : i32
        %add3A_737 = arith.addi %mul3A_31, %add3A_736 : i32
        "tpu.region"() ({
          %run_scoped3A = tpu.sem_alloc : memref<!tpu.dma_semaphore, #tpu.memory_space<semaphore_mem>>
          %dma_start3A_738 = arith.constant 0 : i32
          %dma_start3A_739 = arith.constant 0 : i32
          %dma_start3A_740 = tpu.memref_slice %arg9[%dma_start3A_738, %dma_start3A_739] : memref<128x64xf32, #tpu.memory_space<vmem>> -> memref<120x64xf32, #tpu.memory_space<vmem>>
          %dma_start3A_741 = arith.constant 0 : i32
          %dma_start3A_742 = tpu.memref_slice %arg5[%add3A_737, %dma_start3A_741] : memref<10000x128xf32, #tpu.memory_space<hbm>> -> memref<120x64xf32, #tpu.memory_space<hbm>>
          %dma_start3A_743 = arith.constant 0 : i32
          %dma_start3A_744 = tpu.memref_slice %arg5[%add3A_737, %dma_start3A_743] : memref<10000x128xf32, #tpu.memory_space<hbm>> -> memref<120x64xf32, #tpu.memory_space<hbm>>
          %dma_start3A_745 = arith.constant 0 : i32
          %dma_start3A_746 = arith.constant 0 : i32
          %dma_start3A_747 = tpu.memref_slice %arg9[%dma_start3A_745, %dma_start3A_746] : memref<128x64xf32, #tpu.memory_space<vmem>> -> memref<120x64xf32, #tpu.memory_space<vmem>>
          tpu.enqueue_dma source(%dma_start3A_747 : memref<120x64xf32, #tpu.memory_space<vmem>>) target(%dma_start3A_744 : memref<120x64xf32, #tpu.memory_space<hbm>>) target_semaphore(%run_scoped3A : memref<!tpu.dma_semaphore, #tpu.memory_space<semaphore_mem>>)
          %dma_wait3A_748 = arith.constant 0 : i32
          %dma_wait3A_749 = arith.constant 0 : i32
          %dma_wait3A_750 = tpu.memref_slice %arg9[%dma_wait3A_748, %dma_wait3A_749] : memref<128x64xf32, #tpu.memory_space<vmem>> -> memref<120x64xf32, #tpu.memory_space<vmem>>
          %dma_wait3A_751 = arith.constant 0 : i32
          %dma_wait3A_752 = tpu.memref_slice %arg5[%add3A_737, %dma_wait3A_751] : memref<10000x128xf32, #tpu.memory_space<hbm>> -> memref<120x64xf32, #tpu.memory_space<hbm>>
          %dma_wait3A_753 = arith.constant 0 : i32
          %dma_wait3A_754 = tpu.memref_slice %arg5[%add3A_737, %dma_wait3A_753] : memref<10000x128xf32, #tpu.memory_space<hbm>> -> memref<120x64xf32, #tpu.memory_space<hbm>>
          %dma_wait3A_755 = arith.constant 0 : i32
          %dma_wait3A_756 = arith.constant 0 : i32
          %dma_wait3A_757 = tpu.memref_slice %arg9[%dma_wait3A_755, %dma_wait3A_756] : memref<128x64xf32, #tpu.memory_space<vmem>> -> memref<120x64xf32, #tpu.memory_space<vmem>>
          tpu.wait_dma2 semaphore(%run_scoped3A : memref<!tpu.dma_semaphore, #tpu.memory_space<semaphore_mem>>) src(%dma_wait3A_757 : memref<120x64xf32, #tpu.memory_space<vmem>>) dst(%dma_wait3A_754 : memref<120x64xf32, #tpu.memory_space<hbm>>)
          tpu.yield
        }) : () -> ()
      } else {
      }
      %eq3A_731 = arith.constant 1 : i32
      %eq3A_732 = arith.cmpi eq, %arg0, %eq3A_731 : i32
      %convert_element_type3A_733 = arith.extui %eq3A_732 : i1 to i32
      %cond3A_734 = arith.constant 0 : i32
      %cond3A_735 = arith.cmpi ne, %convert_element_type3A_733, %cond3A_734 : i32
      scf.if %cond3A_735 {
        %add3A_736 = arith.constant 512 : i32
        %add3A_737 = arith.addi %mul3A_31, %add3A_736 : i32
        "tpu.region"() ({
          %run_scoped3A = tpu.sem_alloc : memref<!tpu.dma_semaphore, #tpu.memory_space<semaphore_mem>>
          %dma_start3A_738 = arith.constant 0 : i32
          %dma_start3A_739 = arith.constant 0 : i32
          %dma_start3A_740 = tpu.memref_slice %arg9[%dma_start3A_738, %dma_start3A_739] : memref<128x64xf32, #tpu.memory_space<vmem>> -> memref<120x64xf32, #tpu.memory_space<vmem>>
          %dma_start3A_741 = arith.constant 64 : i32
          %dma_start3A_742 = tpu.memref_slice %arg5[%add3A_737, %dma_start3A_741] : memref<10000x128xf32, #tpu.memory_space<hbm>> -> memref<120x64xf32, #tpu.memory_space<hbm>>
          %dma_start3A_743 = arith.constant 64 : i32
          %dma_start3A_744 = tpu.memref_slice %arg5[%add3A_737, %dma_start3A_743] : memref<10000x128xf32, #tpu.memory_space<hbm>> -> memref<120x64xf32, #tpu.memory_space<hbm>>
          %dma_start3A_745 = arith.constant 0 : i32
          %dma_start3A_746 = arith.constant 0 : i32
          %dma_start3A_747 = tpu.memref_slice %arg9[%dma_start3A_745, %dma_start3A_746] : memref<128x64xf32, #tpu.memory_space<vmem>> -> memref<120x64xf32, #tpu.memory_space<vmem>>
          tpu.enqueue_dma source(%dma_start3A_747 : memref<120x64xf32, #tpu.memory_space<vmem>>) target(%dma_start3A_744 : memref<120x64xf32, #tpu.memory_space<hbm>>) target_semaphore(%run_scoped3A : memref<!tpu.dma_semaphore, #tpu.memory_space<semaphore_mem>>)
          %dma_wait3A_748 = arith.constant 0 : i32
          %dma_wait3A_749 = arith.constant 0 : i32
          %dma_wait3A_750 = tpu.memref_slice %arg9[%dma_wait3A_748, %dma_wait3A_749] : memref<128x64xf32, #tpu.memory_space<vmem>> -> memref<120x64xf32, #tpu.memory_space<vmem>>
          %dma_wait3A_751 = arith.constant 64 : i32
          %dma_wait3A_752 = tpu.memref_slice %arg5[%add3A_737, %dma_wait3A_751] : memref<10000x128xf32, #tpu.memory_space<hbm>> -> memref<120x64xf32, #tpu.memory_space<hbm>>
          %dma_wait3A_753 = arith.constant 64 : i32
          %dma_wait3A_754 = tpu.memref_slice %arg5[%add3A_737, %dma_wait3A_753] : memref<10000x128xf32, #tpu.memory_space<hbm>> -> memref<120x64xf32, #tpu.memory_space<hbm>>
          %dma_wait3A_755 = arith.constant 0 : i32
          %dma_wait3A_756 = arith.constant 0 : i32
          %dma_wait3A_757 = tpu.memref_slice %arg9[%dma_wait3A_755, %dma_wait3A_756] : memref<128x64xf32, #tpu.memory_space<vmem>> -> memref<120x64xf32, #tpu.memory_space<vmem>>
          tpu.wait_dma2 semaphore(%run_scoped3A : memref<!tpu.dma_semaphore, #tpu.memory_space<semaphore_mem>>) src(%dma_wait3A_757 : memref<120x64xf32, #tpu.memory_space<vmem>>) dst(%dma_wait3A_754 : memref<120x64xf32, #tpu.memory_space<hbm>>)
          tpu.yield
        }) : () -> ()
      } else {
      }
    } else {
    }
    %eq3A_712 = arith.constant 15 : i32
    %eq3A_713 = arith.cmpi eq, %arg1, %eq3A_712 : i32
    %convert_element_type3A_714 = arith.extui %eq3A_713 : i1 to i32
    %cond3A_715 = arith.constant 0 : i32
    %cond3A_716 = arith.cmpi ne, %convert_element_type3A_714, %cond3A_715 : i32
    scf.if %cond3A_716 {
      %add3A_717 = arith.constant 512 : i32
      %add3A_718 = arith.addi %mul3A_31, %add3A_717 : i32
      "tpu.region"() ({
        %run_scoped3A = tpu.sem_alloc : memref<!tpu.dma_semaphore, #tpu.memory_space<semaphore_mem>>
        %dma_start3A_736 = arith.constant 0 : i32
        %dma_start3A_737 = arith.constant 0 : i32
        %dma_start3A_738 = tpu.memref_slice %arg9[%dma_start3A_736, %dma_start3A_737] : memref<128x64xf32, #tpu.memory_space<vmem>> -> memref<8x64xf32, #tpu.memory_space<vmem>>
        %dma_start3A_739 = arith.constant 0 : i32
        %dma_start3A_740 = tpu.memref_slice %arg16[%add3A_718, %dma_start3A_739] : memref<10112x64xf32, #tpu.memory_space<vmem_shared>> -> memref<8x64xf32, #tpu.memory_space<vmem_shared>>
        %dma_start3A_741 = arith.constant 0 : i32
        %dma_start3A_742 = arith.constant 0 : i32
        %dma_start3A_743 = tpu.memref_slice %arg9[%dma_start3A_741, %dma_start3A_742] : memref<128x64xf32, #tpu.memory_space<vmem>> -> memref<8x64xf32, #tpu.memory_space<vmem>>
        %dma_start3A_744 = arith.constant 0 : i32
        %dma_start3A_745 = tpu.memref_slice %arg16[%add3A_718, %dma_start3A_744] : memref<10112x64xf32, #tpu.memory_space<vmem_shared>> -> memref<8x64xf32, #tpu.memory_space<vmem_shared>>
        tpu.enqueue_dma source(%dma_start3A_745 : memref<8x64xf32, #tpu.memory_space<vmem_shared>>) target(%dma_start3A_743 : memref<8x64xf32, #tpu.memory_space<vmem>>) target_semaphore(%run_scoped3A : memref<!tpu.dma_semaphore, #tpu.memory_space<semaphore_mem>>)
        %dma_wait3A_746 = arith.constant 0 : i32
        %dma_wait3A_747 = arith.constant 0 : i32
        %dma_wait3A_748 = tpu.memref_slice %arg9[%dma_wait3A_746, %dma_wait3A_747] : memref<128x64xf32, #tpu.memory_space<vmem>> -> memref<8x64xf32, #tpu.memory_space<vmem>>
        %dma_wait3A_749 = arith.constant 0 : i32
        %dma_wait3A_750 = tpu.memref_slice %arg16[%add3A_718, %dma_wait3A_749] : memref<10112x64xf32, #tpu.memory_space<vmem_shared>> -> memref<8x64xf32, #tpu.memory_space<vmem_shared>>
        %dma_wait3A_751 = arith.constant 0 : i32
        %dma_wait3A_752 = arith.constant 0 : i32
        %dma_wait3A_753 = tpu.memref_slice %arg9[%dma_wait3A_751, %dma_wait3A_752] : memref<128x64xf32, #tpu.memory_space<vmem>> -> memref<8x64xf32, #tpu.memory_space<vmem>>
        %dma_wait3A_754 = arith.constant 0 : i32
        %dma_wait3A_755 = tpu.memref_slice %arg16[%add3A_718, %dma_wait3A_754] : memref<10112x64xf32, #tpu.memory_space<vmem_shared>> -> memref<8x64xf32, #tpu.memory_space<vmem_shared>>
        tpu.wait_dma2 semaphore(%run_scoped3A : memref<!tpu.dma_semaphore, #tpu.memory_space<semaphore_mem>>) src(%dma_wait3A_755 : memref<8x64xf32, #tpu.memory_space<vmem_shared>>) dst(%dma_wait3A_753 : memref<8x64xf32, #tpu.memory_space<vmem>>)
        tpu.yield
      }) : () -> ()
      %scan3A_719 = arith.constant 0 : i32
      %scan3A_720 = arith.constant 0 : i32
      %scan3A_721 = arith.constant 8 : i32
      %scan3A_722 = arith.addi %scan3A_720, %scan3A_721 : i32
      %scan3A_723 = arith.constant 1 : i32
      %scan3A_724 = scf.for %scan3A_736 = %scan3A_720 to %scan3A_722 step %scan3A_723 iter_args(%scan3A_737 = %scan3A_719) -> (i32)  : i32 {
        %add3A_738 = arith.constant 512 : i32
        %add3A_739 = arith.addi %add3A_738, %scan3A_736 : i32
        %get3A_740 = arith.index_cast %add3A_739 : i32 to index
        %get3A_741 = tpu.vector_load %arg15[%get3A_740] {strides = array<i32>} : memref<656xf32, #tpu.memory_space<vmem>>, vector<16xf32>,
        %slice3A = vector.extract_strided_slice %get3A_741 {offsets = [0], sizes = [1], strides = [1]} : vector<16xf32> to vector<1xf32>
        %squeeze3A = vector.extract %slice3A[0] : f32 from vector<1xf32>
        %get3A_742 = arith.index_cast %scan3A_736 : i32 to index
        %get3A_743 = arith.constant 0 : index
        %get3A_744 = tpu.vector_load %arg9[%get3A_742, %get3A_743] {strides = array<i32>} : memref<128x64xf32, #tpu.memory_space<vmem>>, vector<16xf32>,
        %mul3A_745 = vector.broadcast %squeeze3A : f32 to vector<16xf32>
        %mul3A_746 = arith.mulf %get3A_744, %mul3A_745 : vector<16xf32>
        %swap3A = arith.index_cast %scan3A_736 : i32 to index
        %swap3A_747 = arith.constant 0 : index
        %swap3A_748 = tpu.vector_load %arg9[%swap3A, %swap3A_747] {strides = array<i32>} : memref<128x64xf32, #tpu.memory_space<vmem>>, vector<16xf32>,
        tpu.vector_store %arg9[%swap3A, %swap3A_747], %mul3A_746 {strides = array<i32>} : memref<128x64xf32, #tpu.memory_space<vmem>>, vector<16xf32>,
        %get3A_749 = arith.index_cast %scan3A_736 : i32 to index
        %get3A_750 = arith.constant 16 : index
        %get3A_751 = tpu.vector_load %arg9[%get3A_749, %get3A_750] {strides = array<i32>} : memref<128x64xf32, #tpu.memory_space<vmem>>, vector<16xf32>,
        %mul3A_752 = vector.broadcast %squeeze3A : f32 to vector<16xf32>
        %mul3A_753 = arith.mulf %get3A_751, %mul3A_752 : vector<16xf32>
        %swap3A_754 = arith.index_cast %scan3A_736 : i32 to index
        %swap3A_755 = arith.constant 16 : index
        %swap3A_756 = tpu.vector_load %arg9[%swap3A_754, %swap3A_755] {strides = array<i32>} : memref<128x64xf32, #tpu.memory_space<vmem>>, vector<16xf32>,
        tpu.vector_store %arg9[%swap3A_754, %swap3A_755], %mul3A_753 {strides = array<i32>} : memref<128x64xf32, #tpu.memory_space<vmem>>, vector<16xf32>,
        %get3A_757 = arith.index_cast %scan3A_736 : i32 to index
        %get3A_758 = arith.constant 32 : index
        %get3A_759 = tpu.vector_load %arg9[%get3A_757, %get3A_758] {strides = array<i32>} : memref<128x64xf32, #tpu.memory_space<vmem>>, vector<16xf32>,
        %mul3A_760 = vector.broadcast %squeeze3A : f32 to vector<16xf32>
        %mul3A_761 = arith.mulf %get3A_759, %mul3A_760 : vector<16xf32>
        %swap3A_762 = arith.index_cast %scan3A_736 : i32 to index
        %swap3A_763 = arith.constant 32 : index
        %swap3A_764 = tpu.vector_load %arg9[%swap3A_762, %swap3A_763] {strides = array<i32>} : memref<128x64xf32, #tpu.memory_space<vmem>>, vector<16xf32>,
        tpu.vector_store %arg9[%swap3A_762, %swap3A_763], %mul3A_761 {strides = array<i32>} : memref<128x64xf32, #tpu.memory_space<vmem>>, vector<16xf32>,
        %get3A_765 = arith.index_cast %scan3A_736 : i32 to index
        %get3A_766 = arith.constant 48 : index
        %get3A_767 = tpu.vector_load %arg9[%get3A_765, %get3A_766] {strides = array<i32>} : memref<128x64xf32, #tpu.memory_space<vmem>>, vector<16xf32>,
        %mul3A_768 = vector.broadcast %squeeze3A : f32 to vector<16xf32>
        %mul3A_769 = arith.mulf %get3A_767, %mul3A_768 : vector<16xf32>
        %swap3A_770 = arith.index_cast %scan3A_736 : i32 to index
        %swap3A_771 = arith.constant 48 : index
        %swap3A_772 = tpu.vector_load %arg9[%swap3A_770, %swap3A_771] {strides = array<i32>} : memref<128x64xf32, #tpu.memory_space<vmem>>, vector<16xf32>,
        tpu.vector_store %arg9[%swap3A_770, %swap3A_771], %mul3A_769 {strides = array<i32>} : memref<128x64xf32, #tpu.memory_space<vmem>>, vector<16xf32>,
        %scan3A_773 = arith.constant 0 : i32
        scf.yield %scan3A_773 : i32
      }
      %scan3A_725 = arith.constant 8 : i32
      %eq3A_726 = arith.constant 0 : i32
      %eq3A_727 = arith.cmpi eq, %arg0, %eq3A_726 : i32
      %convert_element_type3A_728 = arith.extui %eq3A_727 : i1 to i32
      %cond3A_729 = arith.constant 0 : i32
      %cond3A_730 = arith.cmpi ne, %convert_element_type3A_728, %cond3A_729 : i32
      scf.if %cond3A_730 {
        %add3A_736 = arith.constant 512 : i32
        %add3A_737 = arith.addi %mul3A_31, %add3A_736 : i32
        "tpu.region"() ({
          %run_scoped3A = tpu.sem_alloc : memref<!tpu.dma_semaphore, #tpu.memory_space<semaphore_mem>>
          %dma_start3A_738 = arith.constant 0 : i32
          %dma_start3A_739 = arith.constant 0 : i32
          %dma_start3A_740 = tpu.memref_slice %arg9[%dma_start3A_738, %dma_start3A_739] : memref<128x64xf32, #tpu.memory_space<vmem>> -> memref<8x64xf32, #tpu.memory_space<vmem>>
          %dma_start3A_741 = arith.constant 0 : i32
          %dma_start3A_742 = tpu.memref_slice %arg5[%add3A_737, %dma_start3A_741] : memref<10000x128xf32, #tpu.memory_space<hbm>> -> memref<8x64xf32, #tpu.memory_space<hbm>>
          %dma_start3A_743 = arith.constant 0 : i32
          %dma_start3A_744 = tpu.memref_slice %arg5[%add3A_737, %dma_start3A_743] : memref<10000x128xf32, #tpu.memory_space<hbm>> -> memref<8x64xf32, #tpu.memory_space<hbm>>
          %dma_start3A_745 = arith.constant 0 : i32
          %dma_start3A_746 = arith.constant 0 : i32
          %dma_start3A_747 = tpu.memref_slice %arg9[%dma_start3A_745, %dma_start3A_746] : memref<128x64xf32, #tpu.memory_space<vmem>> -> memref<8x64xf32, #tpu.memory_space<vmem>>
          tpu.enqueue_dma source(%dma_start3A_747 : memref<8x64xf32, #tpu.memory_space<vmem>>) target(%dma_start3A_744 : memref<8x64xf32, #tpu.memory_space<hbm>>) target_semaphore(%run_scoped3A : memref<!tpu.dma_semaphore, #tpu.memory_space<semaphore_mem>>)
          %dma_wait3A_748 = arith.constant 0 : i32
          %dma_wait3A_749 = arith.constant 0 : i32
          %dma_wait3A_750 = tpu.memref_slice %arg9[%dma_wait3A_748, %dma_wait3A_749] : memref<128x64xf32, #tpu.memory_space<vmem>> -> memref<8x64xf32, #tpu.memory_space<vmem>>
          %dma_wait3A_751 = arith.constant 0 : i32
          %dma_wait3A_752 = tpu.memref_slice %arg5[%add3A_737, %dma_wait3A_751] : memref<10000x128xf32, #tpu.memory_space<hbm>> -> memref<8x64xf32, #tpu.memory_space<hbm>>
          %dma_wait3A_753 = arith.constant 0 : i32
          %dma_wait3A_754 = tpu.memref_slice %arg5[%add3A_737, %dma_wait3A_753] : memref<10000x128xf32, #tpu.memory_space<hbm>> -> memref<8x64xf32, #tpu.memory_space<hbm>>
          %dma_wait3A_755 = arith.constant 0 : i32
          %dma_wait3A_756 = arith.constant 0 : i32
          %dma_wait3A_757 = tpu.memref_slice %arg9[%dma_wait3A_755, %dma_wait3A_756] : memref<128x64xf32, #tpu.memory_space<vmem>> -> memref<8x64xf32, #tpu.memory_space<vmem>>
          tpu.wait_dma2 semaphore(%run_scoped3A : memref<!tpu.dma_semaphore, #tpu.memory_space<semaphore_mem>>) src(%dma_wait3A_757 : memref<8x64xf32, #tpu.memory_space<vmem>>) dst(%dma_wait3A_754 : memref<8x64xf32, #tpu.memory_space<hbm>>)
          tpu.yield
        }) : () -> ()
      } else {
      }
      %eq3A_731 = arith.constant 1 : i32
      %eq3A_732 = arith.cmpi eq, %arg0, %eq3A_731 : i32
      %convert_element_type3A_733 = arith.extui %eq3A_732 : i1 to i32
      %cond3A_734 = arith.constant 0 : i32
      %cond3A_735 = arith.cmpi ne, %convert_element_type3A_733, %cond3A_734 : i32
      scf.if %cond3A_735 {
        %add3A_736 = arith.constant 512 : i32
        %add3A_737 = arith.addi %mul3A_31, %add3A_736 : i32
        "tpu.region"() ({
          %run_scoped3A = tpu.sem_alloc : memref<!tpu.dma_semaphore, #tpu.memory_space<semaphore_mem>>
          %dma_start3A_738 = arith.constant 0 : i32
          %dma_start3A_739 = arith.constant 0 : i32
          %dma_start3A_740 = tpu.memref_slice %arg9[%dma_start3A_738, %dma_start3A_739] : memref<128x64xf32, #tpu.memory_space<vmem>> -> memref<8x64xf32, #tpu.memory_space<vmem>>
          %dma_start3A_741 = arith.constant 64 : i32
          %dma_start3A_742 = tpu.memref_slice %arg5[%add3A_737, %dma_start3A_741] : memref<10000x128xf32, #tpu.memory_space<hbm>> -> memref<8x64xf32, #tpu.memory_space<hbm>>
          %dma_start3A_743 = arith.constant 64 : i32
          %dma_start3A_744 = tpu.memref_slice %arg5[%add3A_737, %dma_start3A_743] : memref<10000x128xf32, #tpu.memory_space<hbm>> -> memref<8x64xf32, #tpu.memory_space<hbm>>
          %dma_start3A_745 = arith.constant 0 : i32
          %dma_start3A_746 = arith.constant 0 : i32
          %dma_start3A_747 = tpu.memref_slice %arg9[%dma_start3A_745, %dma_start3A_746] : memref<128x64xf32, #tpu.memory_space<vmem>> -> memref<8x64xf32, #tpu.memory_space<vmem>>
          tpu.enqueue_dma source(%dma_start3A_747 : memref<8x64xf32, #tpu.memory_space<vmem>>) target(%dma_start3A_744 : memref<8x64xf32, #tpu.memory_space<hbm>>) target_semaphore(%run_scoped3A : memref<!tpu.dma_semaphore, #tpu.memory_space<semaphore_mem>>)
          %dma_wait3A_748 = arith.constant 0 : i32
          %dma_wait3A_749 = arith.constant 0 : i32
          %dma_wait3A_750 = tpu.memref_slice %arg9[%dma_wait3A_748, %dma_wait3A_749] : memref<128x64xf32, #tpu.memory_space<vmem>> -> memref<8x64xf32, #tpu.memory_space<vmem>>
          %dma_wait3A_751 = arith.constant 64 : i32
          %dma_wait3A_752 = tpu.memref_slice %arg5[%add3A_737, %dma_wait3A_751] : memref<10000x128xf32, #tpu.memory_space<hbm>> -> memref<8x64xf32, #tpu.memory_space<hbm>>
          %dma_wait3A_753 = arith.constant 64 : i32
          %dma_wait3A_754 = tpu.memref_slice %arg5[%add3A_737, %dma_wait3A_753] : memref<10000x128xf32, #tpu.memory_space<hbm>> -> memref<8x64xf32, #tpu.memory_space<hbm>>
          %dma_wait3A_755 = arith.constant 0 : i32
          %dma_wait3A_756 = arith.constant 0 : i32
          %dma_wait3A_757 = tpu.memref_slice %arg9[%dma_wait3A_755, %dma_wait3A_756] : memref<128x64xf32, #tpu.memory_space<vmem>> -> memref<8x64xf32, #tpu.memory_space<vmem>>
          tpu.wait_dma2 semaphore(%run_scoped3A : memref<!tpu.dma_semaphore, #tpu.memory_space<semaphore_mem>>) src(%dma_wait3A_757 : memref<8x64xf32, #tpu.memory_space<vmem>>) dst(%dma_wait3A_754 : memref<8x64xf32, #tpu.memory_space<hbm>>)
          tpu.yield
        }) : () -> ()
      } else {
      }
    } else {
    }
    return
  }
}

</mosaic_0001>

<sc_bundles>
// kernel: kernel.3.cloned.1.call-start
scs
__scs_entry_jumppad:
0x0: {  	(pc) =	sbr.rel $0x88, $3  }
0x1: {  	(tag) =	ssettag $0x0;
	lr =	simm.s32 $0x1  }
0x2: {  	[smem:$0x3F9E] =	sst lr;
	_ =	strace $0xD0000000  }
0x3: {  	_ = 	snop  }
0x4: {  	_ = 	snop  }
0x5: {  	_ = 	snop  }
0x6: {  	_ = 	snop  }
0x7: {  	_ = 	snop  }
__scs_overlays_trampoline_lowered:
0x8: {  	[smem:$0x3FAD] =	sst s0  }
0x9: {  	[smem:$0x3FAE] =	sst s1  }
0xa: {  	[smem:$0x3FAF] =	sst s2  }
0xb: {  	[smem:$0x3FB0] =	sst s3  }
0xc: {  	[smem:$0x3FB1] =	sst s4  }
0xd: {  	[smem:$0x3FB2] =	sst s5  }
0xe: {  	[smem:$0x3FB3] =	sst s6  }
0xf: {  	[smem:$0x3FB4] =	sst s7  }
0x10: {  	[smem:$0x3FB5] =	sst s8  }
0x11: {  	[smem:$0x3FB6] =	sst s9;
	s0 =	simm.s32 @!p0 $0x0  }
0x12: {  	s1 =	sld [smem:$0x3F9C];
	s0 =	simm.s32 @p0 $0x1  }
0x13: {  	[smem:$0x3FB7] =	sst s0;
	s0 =	simm.s32 @!p1 $0x0  }
0x14: {  	s2 =	sld [smem:$0x3F9B];
	s0 =	simm.s32 @p1 $0x1  }
0x15: {  	[smem:$0x3FB8] =	sst s0;
	s0 =	simm.s32 @!p2 $0x0  }
0x16: {  	s3 =	sld [smem:$0x3FDB];
	s0 =	simm.s32 @p2 $0x1  }
0x17: {  	s4 =	simm.s32 $0x1BF5;
	[smem:$0x3FBA] =	sst s0  }
0x18: {  	s0 =	sld [smem:$0x3F9D];
	_ =	swait.ge [sflag:s4], $0x0  }
0x19: {  	s7 =	sld [smem:$0x3F9E]  }
0x1a: {  	s8 =	sadd.s32 $0xFFFFE003, lr  }
0x1b: {  	s9 =	sadd.s32 $0xFFFFFEF7, lr;
	s5 =	simm.s32 $0xFFFFFFFF;
	p2 =	slt.u32 s8, $0xFFFFF086  }
0x1c: {  	p1 =	slt.u32 s9, $0xF7A;
	s5 =	simm.s32 @!p2 $0x0  }
0x1d: {  	s5 =	simm.s32 @p1 $0x1;
	p0 =	seq.s32 s7, s2  }
0x1e: {  	s7 =	smul.u32 @!p0 $0xF7A, s2;
	p2 =	seq.s32 @!p0 s5, $0x0  }
0x1f: {  	s9 =	smul.u32 $0xF7A, s1;
	s8 =	simm.s32 @!p0 $0x1BF5;
	p2 =	por !p2, p0  }
0x20: {  	[sflag:s8] =	ssyncset.s32 @!p0 $0xFFFFF086;
	s6 =	sadd.s32 @!p0 s3, s7;
	s7 =	simm.s32 @!p0 $0x108  }
0x21: {  	s3 =	sadd.s32 s3, s9;
	s6 =	sadd.s32 @!p0 $0x88, s6;
	s7 =	simm.s32 @p2 $0x1082  }
0x22: {  	[simem:s7], [sflag:s8] =	dma.local @!p0 [hbm:s6], $0xF7A  }
0x23: {  	s9 =	sor.u32 $0xD0000000, s2;
	s6 =	simm.s32 $0x108;
	_ =	swait.ge @!p0 [sflag:s8], $0x0  }
0x24: {  	s3 =	sadd.s32 $0x88, s3;
	s6 =	simm.s32 @!p1 $0x1082;
	[sflag:s4] =	ssyncset.s32 $0xFFFFF086  }
0x25: {  	[simem:s6], [sflag:s4] =	dma.local [hbm:s3], $0xF7A  }
0x26: {  	[smem:$0x3F9E] =	sst s1;
	(tag) =	ssettag s2;
	_ =	strace s9  }
0x27: {  	s1 =	sld [smem:$0x3FAE]  }
0x28: {  	s2 =	sld [smem:$0x3FAF]  }
0x29: {  	s4 =	sld [smem:$0x3FB1]  }
0x2a: {  	p0 =	seq.s32 s5, $0x0;
	s5 =	sld [smem:$0x3FB2]  }
0x2b: {  	s6 =	sld [smem:$0x3FB3]  }
0x2c: {  	s7 =	sld [smem:$0x3FB4]  }
0x2d: {  	s3 =	simm.s32 $0x108;
	s8 =	sld [smem:$0x3FB5]  }
0x2e: {  	s3 =	simm.s32 @!p0 $0x1082;
	s9 =	sld [smem:$0x3FB6]  }
0x2f: {  	lr =	sadd.s32 s0, s3;
	s0 =	sld [smem:$0x3FAD]  }
0x30: {  	s3 =	sld [smem:$0x3FB0]  }
0x31: {  	[smem:$0x3FB9] =	sst s10  }
0x32: {  	s10 =	sld [smem:$0x3FB7];
	_ =	sdelay $0x3  }
0x33: {  	p0 =	seq.s32 s10, $0x1;
	s10 =	sld [smem:$0x3FB9];
	_ =	sdelay $0x3  }
0x34: {  	[smem:$0x3FB9] =	sst s10  }
0x35: {  	s10 =	sld [smem:$0x3FB8];
	_ =	sdelay $0x3  }
0x36: {  	p1 =	seq.s32 s10, $0x1;
	s10 =	sld [smem:$0x3FB9];
	_ =	sdelay $0x3  }
0x37: {  	[smem:$0x3FB9] =	sst s10  }
0x38: {  	s10 =	sld [smem:$0x3FBA]  }
0x39: {  	_ = 	snop;
	(pc) =	sbr.ind lr, $3  }
0x3a: {  	_ = 	snop  }
0x3b: {  	_ = 	snop  }
0x3c: {  	p2 =	seq.s32 s10, $0x1;
	s10 =	sld [smem:$0x3FB9]  }
0x3d: {  	_ =	shalt  }
0x3e: {  	_ =	shalt  }
0x3f: {  	_ =	shalt  }
0x40: {  	_ =	shalt  }
0x41: {  	_ =	shalt  }
0x42: {  	_ =	shalt  }
0x43: {  	_ =	shalt  }
0x44: {  	_ =	shalt  }
0x45: {  	_ =	shalt  }
0x46: {  	_ =	shalt  }
0x47: {  	_ =	shalt  }
0x48: {  	_ =	shalt  }
0x49: {  	_ =	shalt  }
0x4a: {  	_ =	shalt  }
0x4b: {  	_ =	shalt  }
0x4c: {  	_ =	shalt  }
0x4d: {  	_ =	shalt  }
0x4e: {  	_ =	shalt  }
0x4f: {  	_ =	shalt  }
0x50: {  	_ =	shalt  }
0x51: {  	_ =	shalt  }
0x52: {  	_ =	shalt  }
0x53: {  	_ =	shalt  }
0x54: {  	_ =	shalt  }
0x55: {  	_ =	shalt  }
0x56: {  	_ =	shalt  }
0x57: {  	_ =	shalt  }
0x58: {  	_ =	shalt  }
0x59: {  	_ =	shalt  }
0x5a: {  	_ =	shalt  }
0x5b: {  	_ =	shalt  }
0x5c: {  	_ =	shalt  }
0x5d: {  	_ =	shalt  }
0x5e: {  	_ =	shalt  }
0x5f: {  	_ =	shalt  }
0x60: {  	_ =	shalt  }
0x61: {  	_ =	shalt  }
0x62: {  	_ =	shalt  }
0x63: {  	_ =	shalt  }
0x64: {  	_ =	shalt  }
0x65: {  	_ =	shalt  }
0x66: {  	_ =	shalt  }
0x67: {  	_ =	shalt  }
0x68: {  	_ =	shalt  }
0x69: {  	_ =	shalt  }
0x6a: {  	_ =	shalt  }
0x6b: {  	_ =	shalt  }
0x6c: {  	_ =	shalt  }
0x6d: {  	_ =	shalt  }
0x6e: {  	_ =	shalt  }
0x6f: {  	_ =	shalt  }
0x70: {  	_ =	shalt  }
0x71: {  	_ =	shalt  }
0x72: {  	_ =	shalt  }
0x73: {  	_ =	shalt  }
0x74: {  	_ =	shalt  }
0x75: {  	_ =	shalt  }
0x76: {  	_ =	shalt  }
0x77: {  	_ =	shalt  }
0x78: {  	_ =	shalt  }
0x79: {  	_ =	shalt  }
0x7a: {  	_ =	shalt  }
0x7b: {  	_ =	shalt  }
0x7c: {  	_ =	shalt  }
0x7d: {  	_ =	shalt  }
0x7e: {  	_ =	shalt  }
0x7f: {  	_ =	shalt  }
0x80: {  	_ =	shalt  }
0x81: {  	_ =	shalt  }
0x82: {  	_ =	shalt  }
0x83: {  	_ =	shalt  }
0x84: {  	_ =	shalt  }
0x85: {  	_ =	shalt  }
0x86: {  	_ =	shalt  }
0x87: {  	_ =	shalt  }
.Lfunc_end0:
.L_simem_size_0:
called_computation_lowered:
.L_overlay_start_0:
0x88: {  	s2 =	sld [smem:$0x3FD9]  }
0x89: {  	s3 =	sld [smem:$0x3FFE];
	_ =	sdelay $0x1  }
0x8a: {  	s1 =	srdreg.scid  }
0x8b: {  	s0 =	sand.u32 $0x1, s1  }
0x8c: {  	s17 =	sshll.u32 s0, $0xA;
	s2 =	sadd.s32 s3, s2  }
0x8d: {  	s2 =	sadd.s32 s2, s17  }
0x8e: {  	[smem:$0x3FC5] =	sst s2  }
0x8f: {  	_ = 	snop  }
0x90: {  	s2 =	sld [smem:$0x3FC9]  }
0x91: {  	s18 =	sld [smem:$0x3FC8]  }
0x92: {  	s4 =	sld [smem:$0x3FC7]  }
0x93: {  	s5 =	sld [smem:$0x3FD0];
	(tm) =	ssettm $0x1  }
0x94: {  	s6 =	sld [smem:$0x3FFB];
	_ =	sdelay $0x3  }
0x95: {  	_ =	strace s6  }
0x96: {  	s6 =	sld [smem:$0x3FFC];
	_ =	sdelay $0x3  }
0x97: {  	_ =	strace s6  }
0x98: {  	s6 =	sld [smem:$0x3FFD];
	_ =	sdelay $0x3  }
0x99: {  	_ =	strace s6  }
0x9a: {  	_ =	strace $0x8FFFFFFF  }
0x9b: {  	s19 =	sld [smem:$0x3FDB];
	_ =	sdelay $0x1  }
0x9c: {  	s7 =	simm.s32 $_scs_section_size  }
0x9d: {  	s8 =	simm.s32 $_size__tile_overlayer_lowered;
	s9 =	simm.s32 $_tile_overlayer_lowered  }
0x9e: {  	s22 =	simm.s32 $0x1BFF;
	s21 =	sshll.u32 s9, $0x1;
	s6 =	sadd.s32 s7, s19  }
0x9f: {  	s10 =	simm.s32 $0x0;
	s20 =	sshll.u32 s8, $0x1;
	s8 =	sadd.s32 s21, s6  }
0xa0: {  	[timem:s10], [sflag:s22] =	dma.local [hbm:s8], s20  }
0xa1: {  	_ =	swait.ge [sflag:s22], s20  }
0xa2: {  	s7 =	ssub.s32 $0x0, s20;
	[sflag:s22] =	ssyncset.done $0x0  }
0xa3: {  	[sflag:s22] =	ssyncadd.s32 s7;
	_ =	sdelay $0x1  }
0xa4: {  	s23 =	simm.s32 $0x1B8B  }
0xa5: {  	_ =	swait.ge [sflag:s23], $0x1  }
0xa6: {  	[sflag:s23] =	ssyncset.done $0x0  }
0xa7: {  	s25 =	simm.s32 $0x1B8E;
	s24 =	sld [smem:$0x3FFE];
	[sflag:s23] =	ssyncadd.s32 $0xFFFFFFFF  }
0xa8: {  	s26 =	simm.s32 $execute0_lowered;
	[smem:$0x3FD2] =	sst s25  }
0xa9: {  	s8 =	sshll.u32 s26, $0x1;
	_ =	strace $0x80000046;
	[dreg:$0x1] =	wrdreg $0xFFFFFFFF  }
0xaa: {  	s28 =	simm.s32 $_size_execute0_lowered;
	s6 =	sadd.s32 s6, s8;
	[dreg:$0x0] =	wrdreg $0x0  }
0xab: {  	s8 =	sshll.u32 s28, $0x1;
	[dreg:$0x2] =	wrdreg s6  }
0xac: {  	[dreg:$0x3] =	wrdreg s8  }
0xad: {  	[dreg:$0x4] =	wrdreg $0xC0  }
0xae: {  	_ =	task [dreg:s10], $0x5FFFF  }
0xaf: {  	[dreg:$0x1] =	wrdreg $0xFFFFFFFF  }
0xb0: {  	[dreg:$0x0] =	wrdreg $0x60  }
0xb1: {  	[dreg:$0x2] =	wrdreg s2  }
0xb2: {  	[dreg:$0x3] =	wrdreg s18  }
0xb3: {  	[dreg:$0x4] =	wrdreg s4  }
0xb4: {  	[dreg:$0x5] =	wrdreg s5  }
0xb5: {  	[dreg:$0x6] =	wrdreg s24  }
0xb6: {  	[dreg:$0x7] =	wrdreg $0x14C300  }
0xb7: {  	[dreg:$0x8] =	wrdreg $0x9  }
0xb8: {  	_ =	task.clear_ibuf [dreg:s10], $0x9FFFF;
	_ =	strace $0x90000046  }
0xb9: {  	s29 =	simm.s32 $0x9;
	_ =	strace $0x80000048  }
0xba: {  	_ =	swait.ge [sflag:s29], $0x1  }
0xbb: {  	[sflag:s29] =	ssyncadd.s32 $0xFFFFFFFF  }
0xbc: {  	_ =	strace $0x90000048  }
0xbd: {  	_ =	sfence  }
0xbe: {  	s30 =	sld [smem:$0x0];
	_ =	sdelay $0x2  }
0xbf: {  	s31 =	sshll.u32 s1, $0xD;
	s1 =	sshrl.u32 s1, $0x2  }
0xc0: {  	s3 =	sand.u32 $0x4000, s31;
	s1 =	sadd.s32 s1, s30  }
0xc1: {  	s0 =	sor.u32 s3, s0;
	s1 =	sshll.u32 s1, $0x11  }
0xc2: {  	s0 =	sor.u32 s1, s0  }
0xc3: {  	s0 =	sadd.s32 $0x8F2B, s0  }
0xc4: {  	[sflag:s0] =	ssyncadd.remote.s32 $0x1  }
0xc5: {  	_ =	sfence.sel $0xFFFF  }
0xc6: {  	[dreg:$0x0] =	wrdreg $0xFFFFFFFF;
	(pc) =	sbr.abs _section_cstart, $3  }
0xc7: {  	[dreg:$0x1] =	wrdreg $0xFFFFFFFF  }
0xc8: {  	_ =	task.clear_ibuf [dreg:s10], $0x2FFFF;
	_ =	strace $0x9FFFFFFF  }
0xc9: {  	(tm) =	ssettm $0x7FFFFFFF  }
tec
execute0_lowered:
.L_overlay_start_1:
0x0: {  	(tag) =	ssettag $0x1  }
0x1: {  	s0 =	rddreg [dreg:$0x0]  }
0x2: {  	s1 =	rddreg [dreg:$0x1]  }
0x3: {  	s3 =	rddreg [dreg:$0x2]  }
0x4: {  	s4 =	rddreg [dreg:$0x3]  }
0x5: {  	s5 =	rddreg [dreg:$0x4]  }
0x6: {  	s2 =	rddreg [dreg:$0x5];
	s14 =	stileid.u32  }
0x7: {  	s6 =	srdreg.scid;
	s7 =	simm.s32 $0x0;
	s26 =	smul.u32 $0x9C0, s14  }
0x8: {  	s9 =	sand.u32 $0x1, s6;
	[smem:$0x7FF] =	sst s7;
	s11 =	smul.u32 $0x278, s14  }
0x9: {  	s5 =	sadd.s32 $0x800, s5;
	s10 =	sshll.u32 s14, $0x4;
	s12 =	smul.u32 $0x27800, s14  }
0xa: {  	s18 =	smul.u32 $0x2780, s14;
	p1 =	seq.s32 s14, $0xF;
	s6 =	ssub.s32 $0x2, s9  }
0xb: {  	_ =	strace $0x80000047;
	s8 =	sshll.u32 s9, $0x4;
	s10 =	sor.u32 $0x9C00, s10  }
0xc: {  	s23 =	smul.u32 $0x27800, s9;
	p0 =	seq.s32 s9, $0x0;
	p2 =	sne.s32 s9, $0x0  }
0xd: {  	v0 =	vmov s9;
	s9 =	simm.s32 $0x14710;
	s25 =	sshrl.u32 s6, $0x1;
	s8 =	sor.u32 s14, s8  }
0xe: {  	s13 =	sadd.s32 s1, s26;
	s7 =	sadd.s32 s3, s26;
	s1 =	sadd.s32 s1, s10  }
0xf: {  	s20 =	sadd.s32 $0x100, s11;
	s22 =	sadd.s32 $0x180, s11;
	[dreg:$0x7] =	wrdreg s13  }
0x10: {  	s26 =	sadd.s32 $0x200, s11;
	s6 =	ssub.s32 s6, s25;
	[dreg:$0x8] =	wrdreg s7  }
0x11: {  	[dreg:$0x9] =	wrdreg s1;
	s7 =	sadd.s32 s3, s10;
	s10 =	sshrl.u32 s12, $0x2  }
0x12: {  	s12 =	sadd.s32 $0x80, s11;
	s21 =	sshll.u32 s20, $0x6;
	s25 =	sshll.u32 s22, $0x6  }
0x13: {  	s8 =	smul.u32 $0x4F0, s8;
	s11 =	sadd.s32 s11, s23;
	s15 =	sshll.u32 s26, $0x6  }
0x14: {  	s17 =	sshll.u32 s26, $0x4;
	s23 =	sadd.s32 $0x27080, s4;
	[dreg:$0xa] =	wrdreg s7  }
0x15: {  	s1 =	sadd.s32 s10, s2;
	s19 =	sshll.u32 s12, $0x6;
	s24 =	sadd.s32 s21, s2  }
0x16: {  	s11 =	sshrl.u32 s11, $0x3;
	s3 =	sshll.u32 s12, $0x4;
	[dreg:$0x18] =	wrdreg s23  }
0x17: {  	s7 =	sshll.u32 s20, $0x4;
	s23 =	simm.s32 $0xBD00;
	[dreg:$0xb] =	wrdreg s1  }
0x18: {  	s1 =	sadd.s32 s19, s2;
	[dreg:$0xd] =	wrdreg s24;
	s16 =	sadd.s32 s5, s8  }
0x19: {  	s19 =	sshll.u32 s22, $0x4;
	s22 =	sadd.s32 $0x27088, s4;
	[dreg:$0xc] =	wrdreg s1  }
0x1a: {  	s24 =	smax.u32 s6, $0x1;
	s6 =	simm.s32 $0x11D00;
	[dreg:$0x10] =	wrdreg s16  }
0x1b: {  	s8 =	simm.s32 $0x2;
	s1 =	sadd.s32 s25, s2;
	[dreg:$0x17] =	wrdreg s22  }
0x1c: {  	[dreg:$0x19] =	wrdreg s24;
	s22 =	simm.s32 $0x80;
	s16 =	simm.s32 $0x3  }
0x1d: {  	s24 =	simm.s32 $0x14480;
	[dreg:$0xe] =	wrdreg s1;
	s1 =	sadd.s32 s15, s2  }
0x1e: {  	s15 =	sadd.s32 s5, s11;
	s5 =	sadd.s32 s4, s17;
	[dreg:$0xf] =	wrdreg s1  }
0x1f: {  	s11 =	simm.s32 $0x0;
	s1 =	sadd.s32 $0x8, s4;
	[dreg:$0x12] =	wrdreg s5  }
0x20: {  	s25 =	sadd.s32 $0x9E0, s15;
	s26 =	sadd.s32 $0x13C0, s15;
	s28 =	sadd.s32 $0x1DA0, s15  }
0x21: {  	s29 =	sadd.s32 $0x2780, s15;
	s30 =	sadd.s32 $0x3160, s15;
	s31 =	sadd.s32 $0x3B40, s15  }
0x22: {  	s5 =	simm.s32 $0x1;
	s10 =	sadd.s32 s17, s1;
	[dreg:$0x1a] =	wrdreg s25  }
0x23: {  	s1 =	smov.u32 @p0 s4;
	p0 =	sgt.u32 s14, $0x3;
	[dreg:$0x1b] =	wrdreg s26  }
0x24: {  	s4 =	simm.s32 $0x9;
	s17 =	simm.s32 $0x9D00;
	s14 =	simm.s32 $0x5  }
0x25: {  	[dreg:$0x11] =	wrdreg s10;
	s20 =	sadd.s32 s1, s18;
	s3 =	sadd.s32 s1, s3  }
.Ltmp0:
0x26: {  	s21 =	sadd.s32 s1, s7;
	[dreg:$0x13] =	wrdreg s20;
	(pc) =	sbr.rel .LBB2_1-.Ltmp0, $4  }
0x27: {  	s1 =	sadd.s32 s1, s19;
	s7 =	simm.s32 $0xFD00;
	[dreg:$0x14] =	wrdreg s3  }
0x28: {  	s18 =	simm.s32 $0x6;
	s19 =	simm.s32 $0x4;
	[dreg:$0x15] =	wrdreg s21  }
0x29: {  	s10 =	simm.s32 $0x40;
	[dreg:$0x16] =	wrdreg s1;
	s1 =	sadd.s32 $0x4520, s15  }
0x2a: {  	v1 =	vimm.f32 $0.0e+00;
	v2 =	vimm.f32 $1.000000000e+00;
	s3 =	simm.s32 $0xDD00;
	s20 =	simm.s32 $0x7;
	s21 =	simm.s32 $0x8  }
.LBB2_40:
0x2b: {  	[tilespmem:s12+$0x10] =	vst v6  }
0x2c: {  	[tilespmem:s12+$0xFFFFFFE0] =	vst v4  }
0x2d: {  	[tilespmem:s12+$0xFFFFFFF0] =	vst v5  }
0x2e: {  	[tilespmem:s12+$0x0] =	vst v3;
	s12 =	simm.s32 @p2 $0x40  }
0x2f: {  	s13 =	simm.s32 @p2 $0x80;
	s25 =	simm.s32 @p2 $0x9D00;
	s26 =	rddreg [dreg:$0x11]  }
0x30: {  	[hbm4b:s26+s12] =	stream.strided.scatter @p2 [tilespmem:s25], [sflag:$0x9], $0x1E00, s13, s12, $0x38;
	[tilespmem:$0x1EA30] =	vst v63  }
0x31: {  	s12 =	simm.s32 @p2 $0x9  }
0x32: {  	_ =	swait.ge @p2 [sflag:s12], $0x1E00  }
0x33: {  	s13 =	simm.s32 @!p2 $0x80;
	s25 =	simm.s32 @!p2 $0x9D00;
	[sflag:s12] =	ssyncset.done @p2 $0x0  }
0x34: {  	s26 =	rddreg [dreg:$0x12];
	[sflag:s12] =	ssyncadd.s32 @p2 $0xFFFFE200;
	s12 =	simm.s32 @!p2 $0x40  }
0x35: {  	[hbm4b:s26+s12] =	stream.strided.scatter @!p2 [tilespmem:s25], [sflag:$0x9], $0x1E00, s13, s12, $0x38;
	[tilespmem:$0x1EA30] =	vst v63  }
0x36: {  	s12 =	simm.s32 @!p2 $0x9  }
0x37: {  	_ =	swait.ge @!p2 [sflag:s12], $0x1E00  }
0x38: {  	[sflag:s12] =	ssyncset.done @!p2 $0x0  }
0x39: {  	[sflag:s12] =	ssyncadd.s32 @!p2 $0xFFFFE200  }
.LBB2_44:
0x3a: {  	s11 =	sadd.s32 $0x1, s11;
	s12 =	rddreg [dreg:$0x19]  }
0x3b: {  	p3 =	sne.s32 s11, s12  }
.Ltmp1:
0x3c: {  	_ = 	snop;
	(pc) =	sbr.rel @!p3 .LBB2_45-.Ltmp1, $1  }
0x3d: {  	_ =	sdelay $0x3  }
.LBB2_1:
0x3e: {  	s12 =	simm.s32 $0x0;
	s13 =	rddreg [dreg:$0x7]  }
0x3f: {  	[tilespmem:s12], [sflag:$0x9] =	stream.linear.gather [hbm4b:s13+s12], $0x4E00, $0x38;
	[tilespmem:$0x1EA30] =	vst v63  }
0x40: {  	_ =	swait.ge [sflag:s4], $0x4E00  }
0x41: {  	[sflag:s4] =	ssyncset.done $0x0  }
0x42: {  	s25 =	simm.s32 $0x4E80;
	s26 =	rddreg [dreg:$0x8];
	[sflag:s4] =	ssyncadd.s32 $0xFFFFB200  }
0x43: {  	[tilespmem:s25], [sflag:$0x9] =	stream.linear.gather [hbm4b:s26+s12], $0x4E00, $0x38;
	[tilespmem:$0x1EA30] =	vst v63  }
0x44: {  	_ =	swait.ge [sflag:s4], $0x4E00  }
0x45: {  	s13 =	simm.s32 @!p0 $0x4E00;
	[sflag:s4] =	ssyncset.done $0x0  }
0x46: {  	s12 =	simm.s32 @!p0 $0x0;
	s25 =	rddreg [dreg:$0x9];
	[sflag:s4] =	ssyncadd.s32 $0xFFFFB200  }
0x47: {  	[tilespmem:s13], [sflag:$0x9] =	stream.linear.gather @!p0 [hbm4b:s25+s12], $0x80, $0x38;
	[tilespmem:$0x1EA30] =	vst v63  }
0x48: {  	s13 =	simm.s32 @!p0 $0x9  }
0x49: {  	_ =	swait.ge @!p0 [sflag:s13], $0x80  }
0x4a: {  	[sflag:s13] =	ssyncset.done @!p0 $0x0  }
0x4b: {  	s25 =	simm.s32 @!p0 $0x9C80;
	s26 =	rddreg [dreg:$0xa];
	[sflag:s13] =	ssyncadd.s32 @!p0 $0xFFFFFF80  }
0x4c: {  	[tilespmem:s25], [sflag:$0x9] =	stream.linear.gather @!p0 [hbm4b:s26+s12], $0x80, $0x38;
	[tilespmem:$0x1EA30] =	vst v63  }
0x4d: {  	_ =	swait.ge @!p0 [sflag:s13], $0x80  }
0x4e: {  	[sflag:s13] =	ssyncset.done @!p0 $0x0  }
0x4f: {  	s12 =	simm.s32 $0x0;
	[sflag:s13] =	ssyncadd.s32 @!p0 $0xFFFFFF80  }
0x50: {  	v4 =	vld [tilespmem:s12+$0x0]  }
0x51: {  	v5 =	vld [tilespmem:s12+$0x10]  }
0x52: {  	v7 =	vld [tilespmem:s12+$0x20]  }
0x53: {  	v6 =	vld [tilespmem:s12+$0x30]  }
0x54: {  	v3 =	vld [tilespmem:s12+$0x40]  }
0x55: {  	v8 =	vshll.u32 v4, $0x1;
	v4 =	vld [tilespmem:s12+$0x50]  }
0x56: {  	s13 =	simm.s32 $0x200;
	v9 =	vshll.u32 v5, $0x1;
	v5 =	vld [tilespmem:s12+$0x60];
	v8 =	vor.u32 v0, v8  }
.LBB2_2:
0x57: {  	s25 =	sshra.s32 s13, $0x2;
	p3 =	sne.s32 s13, $0x13800;
	[tilespmem:s12+$0x0] =	vst v8;
	v8 =	vor.u32 v0, v9;
	v7 =	vshll.u32 v7, $0x1;
	v9 =	vld [tilespmem:s12+$0x70]  }
0x58: {  	v10 =	vld [tilespmem:s25+$0x0];
	[tilespmem:s12+$0x10] =	vst v8;
	v7 =	vor.u32 v0, v7;
	v6 =	vshll.u32 v6, $0x1  }
0x59: {  	v11 =	vld [tilespmem:s25+$0x10];
	[tilespmem:s12+$0x20] =	vst v7;
	v6 =	vor.u32 v0, v6;
	v3 =	vshll.u32 v3, $0x1  }
.Ltmp2:
0x5a: {  	v7 =	vld [tilespmem:s25+$0x20];
	[tilespmem:s12+$0x30] =	vst v6;
	v3 =	vor.u32 v0, v3;
	v4 =	vshll.u32 v4, $0x1;
	(pc) =	sbr.rel @p3 .LBB2_2-.Ltmp2, $4  }
0x5b: {  	v6 =	vld [tilespmem:s25+$0x30];
	[tilespmem:s12+$0x40] =	vst v3;
	v4 =	vor.u32 v0, v4;
	v5 =	vshll.u32 v5, $0x1  }
0x5c: {  	v3 =	vld [tilespmem:s25+$0x40];
	[tilespmem:s12+$0x50] =	vst v4;
	v5 =	vor.u32 v0, v5;
	v8 =	vshll.u32 v9, $0x1  }
0x5d: {  	v9 =	vshll.u32 v10, $0x1;
	v4 =	vld [tilespmem:s25+$0x50];
	[tilespmem:s12+$0x60] =	vst v5;
	v10 =	vor.u32 v0, v8  }
0x5e: {  	s13 =	sadd.s32 $0x200, s13;
	v8 =	vor.u32 v0, v9;
	v9 =	vshll.u32 v11, $0x1;
	v5 =	vld [tilespmem:s25+$0x60];
	[tilespmem:s12+$0x70] =	vst v10;
	s12 =	smov.u32 s25  }
0x5f: {  	[tilespmem:s12+$0x0] =	vst v8;
	v60 =	vor.u32 v0, v9;
	v7 =	vshll.u32 v7, $0x1;
	v61 =	vld [tilespmem:s12+$0x70]  }
0x60: {  	[tilespmem:s12+$0x10] =	vst v60;
	v7 =	vor.u32 v0, v7;
	v6 =	vshll.u32 v6, $0x1  }
0x61: {  	[tilespmem:s12+$0x20] =	vst v7;
	v6 =	vor.u32 v0, v6;
	v3 =	vshll.u32 v3, $0x1  }
0x62: {  	[tilespmem:s12+$0x30] =	vst v6;
	v3 =	vor.u32 v0, v3;
	v4 =	vshll.u32 v4, $0x1  }
0x63: {  	[tilespmem:s12+$0x40] =	vst v3;
	v3 =	vor.u32 v0, v4;
	v62 =	vshll.u32 v5, $0x1  }
0x64: {  	[tilespmem:s12+$0x50] =	vst v3;
	v3 =	vor.u32 v0, v62;
	v63 =	vshll.u32 v61, $0x1  }
0x65: {  	[tilespmem:s12+$0x60] =	vst v3;
	v3 =	vor.u32 v0, v63  }
0x66: {  	s13 =	simm.s32 $0x100;
	[tilespmem:s12+$0x70] =	vst v3;
	s12 =	simm.s32 $0x0  }
.LBB2_4:
0x67: {  	p3 =	sne.s32 s13, $0x7F00;
	[tilespmem:s12+$0x9D30] =	vst v1;
	s25 =	smov.u32 s13;
	s13 =	sadd.s32 $0x100, s13  }
.Ltmp3:
0x68: {  	[tilespmem:s12+$0x9D20] =	vst v1;
	(pc) =	sbr.rel @p3 .LBB2_4-.Ltmp3, $3  }
0x69: {  	[tilespmem:s12+$0x9D00] =	vst v1  }
0x6a: {  	[tilespmem:s12+$0x9D10] =	vst v1;
	_ =	sdelay $0x1  }
0x6b: {  	s12 =	sshra.s32 s25, $0x2  }
0x6c: {  	[tilespmem:s12+$0x9D30] =	vst v1  }
0x6d: {  	[tilespmem:s12+$0x9D20] =	vst v1  }
0x6e: {  	[tilespmem:s12+$0x9D00] =	vst v1  }
0x6f: {  	[tilespmem:s12+$0x9D10] =	vst v1;
	s12 =	simm.s32 $0x40;
	s13 =	simm.s32 $0x0  }
.LBB2_6:
0x70: {  	p3 =	sne.s32 s12, $0x9DC0;
	[tilespmem:s13+$0x11D00] =	vst v1;
	s13 =	smov.u32 s12;
	s12 =	sadd.s32 $0x40, s12  }
.Ltmp4:
0x71: {  	(pc) =	sbr.rel @p3 .LBB2_6-.Ltmp4, $2  }
0x72: {  	_ =	sdelay $0x2  }
0x73: {  	s13 =	sshra.s32 s13, $0x2  }
0x74: {  	[tilespmem:s13+$0x11D00] =	vst v1;
	s12 =	rddreg [dreg:$0xb]  }
0x75: {  	[spmem:s12] =	stream.linear.scatter [tilespmem:s17], [sflag:$0x9], $0x2000, $0x38;
	[tilespmem:$0x1EA30] =	vst v63  }
0x76: {  	_ =	swait.ge [sflag:s4], $0x2000  }
0x77: {  	[sflag:s4] =	ssyncset.done $0x0  }
0x78: {  	s25 =	rddreg [dreg:$0xc];
	[sflag:s4] =	ssyncadd.s32 $0xFFFFE000  }
0x79: {  	[spmem:s25] =	stream.linear.scatter [tilespmem:s17], [sflag:$0x9], $0x2000, $0x38;
	[tilespmem:$0x1EA30] =	vst v63  }
0x7a: {  	_ =	swait.ge [sflag:s4], $0x2000  }
0x7b: {  	[sflag:s4] =	ssyncset.done $0x0  }
0x7c: {  	s26 =	rddreg [dreg:$0xd];
	[sflag:s4] =	ssyncadd.s32 $0xFFFFE000  }
0x7d: {  	[spmem:s26] =	stream.linear.scatter [tilespmem:s17], [sflag:$0x9], $0x2000, $0x38;
	[tilespmem:$0x1EA30] =	vst v63  }
0x7e: {  	_ =	swait.ge [sflag:s4], $0x2000  }
0x7f: {  	[sflag:s4] =	ssyncset.done $0x0  }
0x80: {  	s13 =	rddreg [dreg:$0xe];
	[sflag:s4] =	ssyncadd.s32 $0xFFFFE000  }
0x81: {  	[spmem:s13] =	stream.linear.scatter [tilespmem:s17], [sflag:$0x9], $0x2000, $0x38;
	[tilespmem:$0x1EA30] =	vst v63  }
0x82: {  	_ =	swait.ge [sflag:s4], $0x2000  }
0x83: {  	[sflag:s4] =	ssyncset.done $0x0  }
0x84: {  	s25 =	rddreg [dreg:$0xf];
	[sflag:s4] =	ssyncadd.s32 $0xFFFFE000  }
0x85: {  	[spmem:s25] =	stream.linear.scatter [tilespmem:s17], [sflag:$0x9], $0x1E00, $0x38;
	[tilespmem:$0x1EA30] =	vst v63  }
0x86: {  	_ =	swait.ge [sflag:s4], $0x1E00  }
0x87: {  	[sflag:s4] =	ssyncset.done $0x0  }
0x88: {  	[sflag:s4] =	ssyncadd.s32 $0xFFFFE200  }
0x89: {  	s12 =	simm.s32 $0x0;
	[bflag:$0x0] =	sbarrier.arrive $0xFFFF  }
0x8a: {  	[tilespmem:s17], [sflag:$0x1] =	stream.indirect.gather [hbm4b:s0+s22], $0x40, s12, s22, $0xb8;
	[tilespmem:$0x1EA30] =	vst v63  }
0x8b: {  	_ = 	snop  }
0x8c: {  	[tilespmem:s23], [sflag:$0x2] =	stream.indirect.gather [hbm4b:s0+s22], $0x40, s22, s22, $0xb8;
	[tilespmem:$0x1EA30] =	vst v63  }
0x8d: {  	s26 =	simm.s32 $0x100  }
0x8e: {  	[tilespmem:s3], [sflag:$0x3] =	stream.indirect.gather [hbm4b:s0+s22], $0x40, s26, s22, $0xb8;
	[tilespmem:$0x1EA30] =	vst v63  }
0x8f: {  	_ =	swait.ge [sflag:s5], $0x2000  }
0x90: {  	[sflag:s5] =	ssyncset.done $0x0  }
0x91: {  	s25 =	simm.s32 $0x4E80;
	[sflag:s5] =	ssyncadd.s32 $0xFFFFE000  }
0x92: {  	[spmem:s2] =	stream.indirect.scatter.add.f32 [tilespmem:s17], [sflag:$0x5], $0x40, s25, s22, $0xb8;
	[tilespmem:$0x1EA30] =	vst v63  }
0x93: {  	v3 =	vld [tilespmem:$0x4E80];
	_ =	sdelay $0x7  }
0x94: {  	[tilespmem:v3+s6+$0x0] =	vst.idx.add.f32.msk $0xffff, v2  }
0x95: {  	v3 =	vld [tilespmem:$0x4E90];
	_ =	sdelay $0x7  }
0x96: {  	[tilespmem:v3+s6+$0x0] =	vst.idx.add.f32.msk $0xffff, v2  }
0x97: {  	v3 =	vld [tilespmem:$0x4EA0];
	_ =	sdelay $0x7  }
0x98: {  	[tilespmem:v3+s6+$0x0] =	vst.idx.add.f32.msk $0xffff, v2  }
0x99: {  	v3 =	vld [tilespmem:$0x4EB0];
	_ =	sdelay $0x7  }
0x9a: {  	[tilespmem:v3+s6+$0x0] =	vst.idx.add.f32.msk $0xffff, v2  }
0x9b: {  	v3 =	vld [tilespmem:$0x4EC0];
	_ =	sdelay $0x7  }
0x9c: {  	[tilespmem:v3+s6+$0x0] =	vst.idx.add.f32.msk $0xffff, v2  }
0x9d: {  	v3 =	vld [tilespmem:$0x4ED0];
	_ =	sdelay $0x7  }
0x9e: {  	[tilespmem:v3+s6+$0x0] =	vst.idx.add.f32.msk $0xffff, v2  }
0x9f: {  	v3 =	vld [tilespmem:$0x4EE0];
	_ =	sdelay $0x7  }
0xa0: {  	[tilespmem:v3+s6+$0x0] =	vst.idx.add.f32.msk $0xffff, v2  }
0xa1: {  	v3 =	vld [tilespmem:$0x4EF0];
	_ =	sdelay $0x7  }
0xa2: {  	s26 =	simm.s32 $0x180;
	[tilespmem:v3+s6+$0x0] =	vst.idx.add.f32.msk $0xffff, v2  }
0xa3: {  	[tilespmem:s7], [sflag:$0x4] =	stream.indirect.gather [hbm4b:s0+s22], $0x40, s26, s22, $0xb8;
	[tilespmem:$0x1EA30] =	vst v63  }
0xa4: {  	_ =	swait.ge [sflag:s8], $0x2000  }
0xa5: {  	[sflag:s8] =	ssyncset.done $0x0  }
0xa6: {  	s25 =	simm.s32 $0x4F00;
	[sflag:s8] =	ssyncadd.s32 $0xFFFFE000  }
0xa7: {  	[spmem:s2] =	stream.indirect.scatter.add.f32 [tilespmem:s23], [sflag:$0x6], $0x40, s25, s22, $0xb8;
	[tilespmem:$0x1EA30] =	vst v63  }
0xa8: {  	v3 =	vld [tilespmem:$0x4F00];
	_ =	sdelay $0x7  }
0xa9: {  	[tilespmem:v3+s6+$0x0] =	vst.idx.add.f32.msk $0xffff, v2  }
0xaa: {  	v3 =	vld [tilespmem:$0x4F10];
	_ =	sdelay $0x7  }
0xab: {  	[tilespmem:v3+s6+$0x0] =	vst.idx.add.f32.msk $0xffff, v2  }
0xac: {  	v3 =	vld [tilespmem:$0x4F20];
	_ =	sdelay $0x7  }
0xad: {  	[tilespmem:v3+s6+$0x0] =	vst.idx.add.f32.msk $0xffff, v2  }
0xae: {  	v3 =	vld [tilespmem:$0x4F30];
	_ =	sdelay $0x7  }
0xaf: {  	[tilespmem:v3+s6+$0x0] =	vst.idx.add.f32.msk $0xffff, v2  }
0xb0: {  	v3 =	vld [tilespmem:$0x4F40];
	_ =	sdelay $0x7  }
0xb1: {  	[tilespmem:v3+s6+$0x0] =	vst.idx.add.f32.msk $0xffff, v2  }
0xb2: {  	v3 =	vld [tilespmem:$0x4F50];
	_ =	sdelay $0x7  }
0xb3: {  	[tilespmem:v3+s6+$0x0] =	vst.idx.add.f32.msk $0xffff, v2  }
0xb4: {  	v3 =	vld [tilespmem:$0x4F60];
	_ =	sdelay $0x7  }
0xb5: {  	[tilespmem:v3+s6+$0x0] =	vst.idx.add.f32.msk $0xffff, v2  }
0xb6: {  	v3 =	vld [tilespmem:$0x4F70];
	_ =	sdelay $0x7  }
0xb7: {  	[tilespmem:v3+s6+$0x0] =	vst.idx.add.f32.msk $0xffff, v2  }
0xb8: {  	_ =	swait.ge [sflag:s14], $0x2000  }
0xb9: {  	[sflag:s14] =	ssyncset.done $0x0  }
0xba: {  	s26 =	simm.s32 $0x200;
	[sflag:s14] =	ssyncadd.s32 $0xFFFFE000  }
0xbb: {  	[tilespmem:s17], [sflag:$0x1] =	stream.indirect.gather [hbm4b:s0+s22], $0x40, s26, s22, $0xb8;
	[tilespmem:$0x1EA30] =	vst v63  }
0xbc: {  	_ =	swait.ge [sflag:s16], $0x2000  }
0xbd: {  	[sflag:s16] =	ssyncset.done $0x0  }
0xbe: {  	s25 =	simm.s32 $0x4F80;
	[sflag:s16] =	ssyncadd.s32 $0xFFFFE000  }
0xbf: {  	[spmem:s2] =	stream.indirect.scatter.add.f32 [tilespmem:s3], [sflag:$0x7], $0x40, s25, s22, $0xb8;
	[tilespmem:$0x1EA30] =	vst v63  }
0xc0: {  	v3 =	vld [tilespmem:$0x4F80];
	_ =	sdelay $0x7  }
0xc1: {  	[tilespmem:v3+s6+$0x0] =	vst.idx.add.f32.msk $0xffff, v2  }
0xc2: {  	v3 =	vld [tilespmem:$0x4F90];
	_ =	sdelay $0x7  }
0xc3: {  	[tilespmem:v3+s6+$0x0] =	vst.idx.add.f32.msk $0xffff, v2  }
0xc4: {  	v3 =	vld [tilespmem:$0x4FA0];
	_ =	sdelay $0x7  }
0xc5: {  	[tilespmem:v3+s6+$0x0] =	vst.idx.add.f32.msk $0xffff, v2  }
0xc6: {  	v3 =	vld [tilespmem:$0x4FB0];
	_ =	sdelay $0x7  }
0xc7: {  	[tilespmem:v3+s6+$0x0] =	vst.idx.add.f32.msk $0xffff, v2  }
0xc8: {  	v3 =	vld [tilespmem:$0x4FC0];
	_ =	sdelay $0x7  }
0xc9: {  	[tilespmem:v3+s6+$0x0] =	vst.idx.add.f32.msk $0xffff, v2  }
0xca: {  	v3 =	vld [tilespmem:$0x4FD0];
	_ =	sdelay $0x7  }
0xcb: {  	[tilespmem:v3+s6+$0x0] =	vst.idx.add.f32.msk $0xffff, v2  }
0xcc: {  	v3 =	vld [tilespmem:$0x4FE0];
	_ =	sdelay $0x7  }
0xcd: {  	[tilespmem:v3+s6+$0x0] =	vst.idx.add.f32.msk $0xffff, v2  }
0xce: {  	v3 =	vld [tilespmem:$0x4FF0];
	_ =	sdelay $0x7  }
0xcf: {  	[tilespmem:v3+s6+$0x0] =	vst.idx.add.f32.msk $0xffff, v2  }
0xd0: {  	_ =	swait.ge [sflag:s18], $0x2000  }
0xd1: {  	[sflag:s18] =	ssyncset.done $0x0  }
0xd2: {  	s26 =	simm.s32 $0x280;
	[sflag:s18] =	ssyncadd.s32 $0xFFFFE000  }
0xd3: {  	[tilespmem:s23], [sflag:$0x2] =	stream.indirect.gather [hbm4b:s0+s22], $0x40, s26, s22, $0xb8;
	[tilespmem:$0x1EA30] =	vst v63  }
0xd4: {  	_ =	swait.ge [sflag:s19], $0x2000  }
0xd5: {  	[sflag:s19] =	ssyncset.done $0x0  }
0xd6: {  	s25 =	simm.s32 $0x5000;
	[sflag:s19] =	ssyncadd.s32 $0xFFFFE000  }
0xd7: {  	[spmem:s2] =	stream.indirect.scatter.add.f32 [tilespmem:s7], [sflag:$0x8], $0x40, s25, s22, $0xb8;
	[tilespmem:$0x1EA30] =	vst v63  }
0xd8: {  	v3 =	vld [tilespmem:$0x5000];
	_ =	sdelay $0x7  }
0xd9: {  	[tilespmem:v3+s6+$0x0] =	vst.idx.add.f32.msk $0xffff, v2  }
0xda: {  	v3 =	vld [tilespmem:$0x5010];
	_ =	sdelay $0x7  }
0xdb: {  	[tilespmem:v3+s6+$0x0] =	vst.idx.add.f32.msk $0xffff, v2  }
0xdc: {  	v3 =	vld [tilespmem:$0x5020];
	_ =	sdelay $0x7  }
0xdd: {  	[tilespmem:v3+s6+$0x0] =	vst.idx.add.f32.msk $0xffff, v2  }
0xde: {  	v3 =	vld [tilespmem:$0x5030];
	_ =	sdelay $0x7  }
0xdf: {  	[tilespmem:v3+s6+$0x0] =	vst.idx.add.f32.msk $0xffff, v2  }
0xe0: {  	v3 =	vld [tilespmem:$0x5040];
	_ =	sdelay $0x7  }
0xe1: {  	[tilespmem:v3+s6+$0x0] =	vst.idx.add.f32.msk $0xffff, v2  }
0xe2: {  	v3 =	vld [tilespmem:$0x5050];
	_ =	sdelay $0x7  }
0xe3: {  	[tilespmem:v3+s6+$0x0] =	vst.idx.add.f32.msk $0xffff, v2  }
0xe4: {  	v3 =	vld [tilespmem:$0x5060];
	_ =	sdelay $0x7  }
0xe5: {  	[tilespmem:v3+s6+$0x0] =	vst.idx.add.f32.msk $0xffff, v2  }
0xe6: {  	v3 =	vld [tilespmem:$0x5070];
	_ =	sdelay $0x7  }
0xe7: {  	[tilespmem:v3+s6+$0x0] =	vst.idx.add.f32.msk $0xffff, v2  }
0xe8: {  	_ =	swait.ge [sflag:s20], $0x2000  }
0xe9: {  	[sflag:s20] =	ssyncset.done $0x0  }
0xea: {  	s26 =	simm.s32 $0x300;
	[sflag:s20] =	ssyncadd.s32 $0xFFFFE000  }
0xeb: {  	[tilespmem:s3], [sflag:$0x3] =	stream.indirect.gather [hbm4b:s0+s22], $0x40, s26, s22, $0xb8;
	[tilespmem:$0x1EA30] =	vst v63  }
.LBB2_8:
0xec: {  	_ =	swait.ge [sflag:s5], $0x2000  }
0xed: {  	s13 =	sshra.s32 s12, $0x2;
	[sflag:s5] =	ssyncset.done $0x0  }
0xee: {  	s25 =	sadd.s32 $0x5080, s13;
	[sflag:s5] =	ssyncadd.s32 $0xFFFFE000  }
0xef: {  	[spmem:s2] =	stream.indirect.scatter.add.f32 [tilespmem:s17], [sflag:$0x5], $0x40, s25, s22, $0xb8;
	[tilespmem:$0x1EA30] =	vst v63  }
0xf0: {  	v3 =	vld [tilespmem:s13+$0x5080];
	_ =	sdelay $0x7  }
0xf1: {  	[tilespmem:v3+s6+$0x0] =	vst.idx.add.f32.msk $0xffff, v2  }
0xf2: {  	v3 =	vld [tilespmem:s13+$0x5090];
	_ =	sdelay $0x7  }
0xf3: {  	[tilespmem:v3+s6+$0x0] =	vst.idx.add.f32.msk $0xffff, v2  }
0xf4: {  	v3 =	vld [tilespmem:s13+$0x50A0];
	_ =	sdelay $0x7  }
0xf5: {  	[tilespmem:v3+s6+$0x0] =	vst.idx.add.f32.msk $0xffff, v2  }
0xf6: {  	v3 =	vld [tilespmem:s13+$0x50B0];
	_ =	sdelay $0x7  }
0xf7: {  	[tilespmem:v3+s6+$0x0] =	vst.idx.add.f32.msk $0xffff, v2  }
0xf8: {  	v3 =	vld [tilespmem:s13+$0x50C0];
	_ =	sdelay $0x7  }
0xf9: {  	[tilespmem:v3+s6+$0x0] =	vst.idx.add.f32.msk $0xffff, v2  }
0xfa: {  	v3 =	vld [tilespmem:s13+$0x50D0];
	_ =	sdelay $0x7  }
0xfb: {  	[tilespmem:v3+s6+$0x0] =	vst.idx.add.f32.msk $0xffff, v2  }
0xfc: {  	v3 =	vld [tilespmem:s13+$0x50E0];
	_ =	sdelay $0x7  }
0xfd: {  	[tilespmem:v3+s6+$0x0] =	vst.idx.add.f32.msk $0xffff, v2  }
0xfe: {  	v3 =	vld [tilespmem:s13+$0x50F0];
	_ =	sdelay $0x7  }
0xff: {  	[tilespmem:v3+s6+$0x0] =	vst.idx.add.f32.msk $0xffff, v2  }
0x100: {  	_ =	swait.ge [sflag:s21], $0x2000  }
0x101: {  	[sflag:s21] =	ssyncset.done $0x0  }
0x102: {  	s26 =	sadd.s32 $0x380, s13;
	[sflag:s21] =	ssyncadd.s32 $0xFFFFE000  }
0x103: {  	[tilespmem:s7], [sflag:$0x4] =	stream.indirect.gather [hbm4b:s0+s22], $0x40, s26, s22, $0xb8;
	[tilespmem:$0x1EA30] =	vst v63  }
0x104: {  	_ =	swait.ge [sflag:s8], $0x2000  }
0x105: {  	[sflag:s8] =	ssyncset.done $0x0  }
0x106: {  	s26 =	sadd.s32 $0x5100, s13;
	[sflag:s8] =	ssyncadd.s32 $0xFFFFE000  }
0x107: {  	[spmem:s2] =	stream.indirect.scatter.add.f32 [tilespmem:s23], [sflag:$0x6], $0x40, s26, s22, $0xb8;
	[tilespmem:$0x1EA30] =	vst v63  }
0x108: {  	v3 =	vld [tilespmem:s13+$0x5100];
	_ =	sdelay $0x7  }
0x109: {  	[tilespmem:v3+s6+$0x0] =	vst.idx.add.f32.msk $0xffff, v2  }
0x10a: {  	v3 =	vld [tilespmem:s13+$0x5110];
	_ =	sdelay $0x7  }
0x10b: {  	[tilespmem:v3+s6+$0x0] =	vst.idx.add.f32.msk $0xffff, v2  }
0x10c: {  	v3 =	vld [tilespmem:s13+$0x5120];
	_ =	sdelay $0x7  }
0x10d: {  	[tilespmem:v3+s6+$0x0] =	vst.idx.add.f32.msk $0xffff, v2  }
0x10e: {  	v3 =	vld [tilespmem:s13+$0x5130];
	_ =	sdelay $0x7  }
0x10f: {  	[tilespmem:v3+s6+$0x0] =	vst.idx.add.f32.msk $0xffff, v2  }
0x110: {  	v3 =	vld [tilespmem:s13+$0x5140];
	_ =	sdelay $0x7  }
0x111: {  	[tilespmem:v3+s6+$0x0] =	vst.idx.add.f32.msk $0xffff, v2  }
0x112: {  	v3 =	vld [tilespmem:s13+$0x5150];
	_ =	sdelay $0x7  }
0x113: {  	[tilespmem:v3+s6+$0x0] =	vst.idx.add.f32.msk $0xffff, v2  }
0x114: {  	v3 =	vld [tilespmem:s13+$0x5160];
	_ =	sdelay $0x7  }
0x115: {  	[tilespmem:v3+s6+$0x0] =	vst.idx.add.f32.msk $0xffff, v2  }
0x116: {  	v3 =	vld [tilespmem:s13+$0x5170];
	_ =	sdelay $0x7  }
0x117: {  	[tilespmem:v3+s6+$0x0] =	vst.idx.add.f32.msk $0xffff, v2  }
0x118: {  	_ =	swait.ge [sflag:s14], $0x2000  }
0x119: {  	[sflag:s14] =	ssyncset.done $0x0  }
0x11a: {  	s26 =	sadd.s32 $0x400, s13;
	[sflag:s14] =	ssyncadd.s32 $0xFFFFE000  }
0x11b: {  	[tilespmem:s17], [sflag:$0x1] =	stream.indirect.gather [hbm4b:s0+s22], $0x40, s26, s22, $0xb8;
	[tilespmem:$0x1EA30] =	vst v63  }
0x11c: {  	_ =	swait.ge [sflag:s16], $0x2000  }
0x11d: {  	[sflag:s16] =	ssyncset.done $0x0  }
0x11e: {  	s26 =	sadd.s32 $0x5180, s13;
	[sflag:s16] =	ssyncadd.s32 $0xFFFFE000  }
0x11f: {  	[spmem:s2] =	stream.indirect.scatter.add.f32 [tilespmem:s3], [sflag:$0x7], $0x40, s26, s22, $0xb8;
	[tilespmem:$0x1EA30] =	vst v63  }
0x120: {  	v3 =	vld [tilespmem:s13+$0x5180];
	_ =	sdelay $0x7  }
0x121: {  	[tilespmem:v3+s6+$0x0] =	vst.idx.add.f32.msk $0xffff, v2  }
0x122: {  	v3 =	vld [tilespmem:s13+$0x5190];
	_ =	sdelay $0x7  }
0x123: {  	[tilespmem:v3+s6+$0x0] =	vst.idx.add.f32.msk $0xffff, v2  }
0x124: {  	v3 =	vld [tilespmem:s13+$0x51A0];
	_ =	sdelay $0x7  }
0x125: {  	[tilespmem:v3+s6+$0x0] =	vst.idx.add.f32.msk $0xffff, v2  }
0x126: {  	v3 =	vld [tilespmem:s13+$0x51B0];
	_ =	sdelay $0x7  }
0x127: {  	[tilespmem:v3+s6+$0x0] =	vst.idx.add.f32.msk $0xffff, v2  }
0x128: {  	v3 =	vld [tilespmem:s13+$0x51C0];
	_ =	sdelay $0x7  }
0x129: {  	[tilespmem:v3+s6+$0x0] =	vst.idx.add.f32.msk $0xffff, v2  }
0x12a: {  	v3 =	vld [tilespmem:s13+$0x51D0];
	_ =	sdelay $0x7  }
0x12b: {  	[tilespmem:v3+s6+$0x0] =	vst.idx.add.f32.msk $0xffff, v2  }
0x12c: {  	v3 =	vld [tilespmem:s13+$0x51E0];
	_ =	sdelay $0x7  }
0x12d: {  	[tilespmem:v3+s6+$0x0] =	vst.idx.add.f32.msk $0xffff, v2  }
0x12e: {  	v3 =	vld [tilespmem:s13+$0x51F0];
	_ =	sdelay $0x7  }
0x12f: {  	[tilespmem:v3+s6+$0x0] =	vst.idx.add.f32.msk $0xffff, v2  }
0x130: {  	_ =	swait.ge [sflag:s18], $0x2000  }
0x131: {  	[sflag:s18] =	ssyncset.done $0x0  }
0x132: {  	s26 =	sadd.s32 $0x480, s13;
	[sflag:s18] =	ssyncadd.s32 $0xFFFFE000  }
0x133: {  	[tilespmem:s23], [sflag:$0x2] =	stream.indirect.gather [hbm4b:s0+s22], $0x40, s26, s22, $0xb8;
	[tilespmem:$0x1EA30] =	vst v63  }
0x134: {  	_ =	swait.ge [sflag:s19], $0x2000  }
0x135: {  	[sflag:s19] =	ssyncset.done $0x0  }
0x136: {  	s26 =	sadd.s32 $0x5200, s13;
	[sflag:s19] =	ssyncadd.s32 $0xFFFFE000  }
0x137: {  	[spmem:s2] =	stream.indirect.scatter.add.f32 [tilespmem:s7], [sflag:$0x8], $0x40, s26, s22, $0xb8;
	[tilespmem:$0x1EA30] =	vst v63  }
0x138: {  	v3 =	vld [tilespmem:s13+$0x5200];
	_ =	sdelay $0x7  }
0x139: {  	[tilespmem:v3+s6+$0x0] =	vst.idx.add.f32.msk $0xffff, v2  }
0x13a: {  	v3 =	vld [tilespmem:s13+$0x5210];
	_ =	sdelay $0x7  }
0x13b: {  	[tilespmem:v3+s6+$0x0] =	vst.idx.add.f32.msk $0xffff, v2  }
0x13c: {  	v3 =	vld [tilespmem:s13+$0x5220];
	_ =	sdelay $0x7  }
0x13d: {  	[tilespmem:v3+s6+$0x0] =	vst.idx.add.f32.msk $0xffff, v2  }
0x13e: {  	v3 =	vld [tilespmem:s13+$0x5230];
	_ =	sdelay $0x7  }
0x13f: {  	[tilespmem:v3+s6+$0x0] =	vst.idx.add.f32.msk $0xffff, v2  }
0x140: {  	v3 =	vld [tilespmem:s13+$0x5240];
	_ =	sdelay $0x7  }
0x141: {  	[tilespmem:v3+s6+$0x0] =	vst.idx.add.f32.msk $0xffff, v2  }
0x142: {  	v3 =	vld [tilespmem:s13+$0x5250];
	_ =	sdelay $0x7  }
0x143: {  	[tilespmem:v3+s6+$0x0] =	vst.idx.add.f32.msk $0xffff, v2  }
0x144: {  	v3 =	vld [tilespmem:s13+$0x5260];
	_ =	sdelay $0x7  }
0x145: {  	[tilespmem:v3+s6+$0x0] =	vst.idx.add.f32.msk $0xffff, v2  }
0x146: {  	v3 =	vld [tilespmem:s13+$0x5270];
	_ =	sdelay $0x6  }
0x147: {  	p3 =	sne.s32 s12, $0x12000  }
.Ltmp5:
0x148: {  	[tilespmem:v3+s6+$0x0] =	vst.idx.add.f32.msk $0xffff, v2;
	(pc) =	sbr.rel @p3 .LBB2_8-.Ltmp5, $4  }
0x149: {  	_ =	swait.ge [sflag:s20], $0x2000  }
0x14a: {  	[sflag:s20] =	ssyncset.done $0x0  }
0x14b: {  	s12 =	sadd.s32 $0x800, s12;
	s13 =	sadd.s32 $0x500, s13;
	[sflag:s20] =	ssyncadd.s32 $0xFFFFE000  }
0x14c: {  	[tilespmem:s3], [sflag:$0x3] =	stream.indirect.gather [hbm4b:s0+s22], $0x40, s13, s22, $0xb8;
	[tilespmem:$0x1EA30] =	vst v63  }
0x14d: {  	_ =	swait.ge [sflag:s5], $0x2000  }
0x14e: {  	[sflag:s5] =	ssyncset.done $0x0  }
0x14f: {  	s12 =	simm.s32 $0x9A80;
	[sflag:s5] =	ssyncadd.s32 $0xFFFFE000  }
0x150: {  	[spmem:s2] =	stream.indirect.scatter.add.f32 [tilespmem:s17], [sflag:$0x5], $0x40, s12, s22, $0xb8;
	[tilespmem:$0x1EA30] =	vst v63  }
0x151: {  	v3 =	vld [tilespmem:$0x9A80];
	_ =	sdelay $0x7  }
0x152: {  	[tilespmem:v3+s6+$0x0] =	vst.idx.add.f32.msk $0xffff, v2  }
0x153: {  	v3 =	vld [tilespmem:$0x9A90];
	_ =	sdelay $0x7  }
0x154: {  	[tilespmem:v3+s6+$0x0] =	vst.idx.add.f32.msk $0xffff, v2  }
0x155: {  	v3 =	vld [tilespmem:$0x9AA0];
	_ =	sdelay $0x7  }
0x156: {  	[tilespmem:v3+s6+$0x0] =	vst.idx.add.f32.msk $0xffff, v2  }
0x157: {  	v3 =	vld [tilespmem:$0x9AB0];
	_ =	sdelay $0x7  }
0x158: {  	[tilespmem:v3+s6+$0x0] =	vst.idx.add.f32.msk $0xffff, v2  }
0x159: {  	v3 =	vld [tilespmem:$0x9AC0];
	_ =	sdelay $0x7  }
0x15a: {  	[tilespmem:v3+s6+$0x0] =	vst.idx.add.f32.msk $0xffff, v2  }
0x15b: {  	v3 =	vld [tilespmem:$0x9AD0];
	_ =	sdelay $0x7  }
0x15c: {  	[tilespmem:v3+s6+$0x0] =	vst.idx.add.f32.msk $0xffff, v2  }
0x15d: {  	v3 =	vld [tilespmem:$0x9AE0];
	_ =	sdelay $0x7  }
0x15e: {  	[tilespmem:v3+s6+$0x0] =	vst.idx.add.f32.msk $0xffff, v2  }
0x15f: {  	v3 =	vld [tilespmem:$0x9AF0];
	_ =	sdelay $0x7  }
0x160: {  	[tilespmem:v3+s6+$0x0] =	vst.idx.add.f32.msk $0xffff, v2  }
0x161: {  	_ =	swait.ge [sflag:s21], $0x2000  }
0x162: {  	[sflag:s21] =	ssyncset.done $0x0  }
0x163: {  	s13 =	simm.s32 $0x4D80;
	[sflag:s21] =	ssyncadd.s32 $0xFFFFE000  }
0x164: {  	[tilespmem:s7], [sflag:$0x4] =	stream.indirect.gather [hbm4b:s0+s22], $0x40, s13, s22, $0xb8;
	[tilespmem:$0x1EA30] =	vst v63  }
0x165: {  	_ =	swait.ge [sflag:s8], $0x2000  }
0x166: {  	[sflag:s8] =	ssyncset.done $0x0  }
0x167: {  	s25 =	simm.s32 $0x9B00;
	[sflag:s8] =	ssyncadd.s32 $0xFFFFE000  }
0x168: {  	[spmem:s2] =	stream.indirect.scatter.add.f32 [tilespmem:s23], [sflag:$0x6], $0x40, s25, s22, $0xb8;
	[tilespmem:$0x1EA30] =	vst v63  }
0x169: {  	v3 =	vld [tilespmem:$0x9B00];
	_ =	sdelay $0x7  }
0x16a: {  	[tilespmem:v3+s6+$0x0] =	vst.idx.add.f32.msk $0xffff, v2  }
0x16b: {  	v3 =	vld [tilespmem:$0x9B10];
	_ =	sdelay $0x7  }
0x16c: {  	[tilespmem:v3+s6+$0x0] =	vst.idx.add.f32.msk $0xffff, v2  }
0x16d: {  	v3 =	vld [tilespmem:$0x9B20];
	_ =	sdelay $0x7  }
0x16e: {  	[tilespmem:v3+s6+$0x0] =	vst.idx.add.f32.msk $0xffff, v2  }
0x16f: {  	v3 =	vld [tilespmem:$0x9B30];
	_ =	sdelay $0x7  }
0x170: {  	[tilespmem:v3+s6+$0x0] =	vst.idx.add.f32.msk $0xffff, v2  }
0x171: {  	v3 =	vld [tilespmem:$0x9B40];
	_ =	sdelay $0x7  }
0x172: {  	[tilespmem:v3+s6+$0x0] =	vst.idx.add.f32.msk $0xffff, v2  }
0x173: {  	v3 =	vld [tilespmem:$0x9B50];
	_ =	sdelay $0x7  }
0x174: {  	[tilespmem:v3+s6+$0x0] =	vst.idx.add.f32.msk $0xffff, v2  }
0x175: {  	v3 =	vld [tilespmem:$0x9B60];
	_ =	sdelay $0x7  }
0x176: {  	[tilespmem:v3+s6+$0x0] =	vst.idx.add.f32.msk $0xffff, v2  }
0x177: {  	v3 =	vld [tilespmem:$0x9B70];
	_ =	sdelay $0x7  }
0x178: {  	[tilespmem:v3+s6+$0x0] =	vst.idx.add.f32.msk $0xffff, v2  }
0x179: {  	_ =	swait.ge [sflag:s14], $0x2000  }
0x17a: {  	[sflag:s14] =	ssyncset.done $0x0  }
0x17b: {  	[sflag:s14] =	ssyncadd.s32 $0xFFFFE000  }
0x17c: {  	_ =	swait.ge [sflag:s16], $0x2000  }
0x17d: {  	[sflag:s16] =	ssyncset.done $0x0  }
0x17e: {  	s26 =	simm.s32 $0x9B80;
	[sflag:s16] =	ssyncadd.s32 $0xFFFFE000  }
0x17f: {  	[spmem:s2] =	stream.indirect.scatter.add.f32 [tilespmem:s3], [sflag:$0x7], $0x40, s26, s22, $0xb8;
	[tilespmem:$0x1EA30] =	vst v63  }
0x180: {  	v3 =	vld [tilespmem:$0x9B80];
	_ =	sdelay $0x7  }
0x181: {  	[tilespmem:v3+s6+$0x0] =	vst.idx.add.f32.msk $0xffff, v2  }
0x182: {  	v3 =	vld [tilespmem:$0x9B90];
	_ =	sdelay $0x7  }
0x183: {  	[tilespmem:v3+s6+$0x0] =	vst.idx.add.f32.msk $0xffff, v2  }
0x184: {  	v3 =	vld [tilespmem:$0x9BA0];
	_ =	sdelay $0x7  }
0x185: {  	[tilespmem:v3+s6+$0x0] =	vst.idx.add.f32.msk $0xffff, v2  }
0x186: {  	v3 =	vld [tilespmem:$0x9BB0];
	_ =	sdelay $0x7  }
0x187: {  	[tilespmem:v3+s6+$0x0] =	vst.idx.add.f32.msk $0xffff, v2  }
0x188: {  	v3 =	vld [tilespmem:$0x9BC0];
	_ =	sdelay $0x7  }
0x189: {  	[tilespmem:v3+s6+$0x0] =	vst.idx.add.f32.msk $0xffff, v2  }
0x18a: {  	v3 =	vld [tilespmem:$0x9BD0];
	_ =	sdelay $0x7  }
0x18b: {  	[tilespmem:v3+s6+$0x0] =	vst.idx.add.f32.msk $0xffff, v2  }
0x18c: {  	v3 =	vld [tilespmem:$0x9BE0];
	_ =	sdelay $0x7  }
0x18d: {  	[tilespmem:v3+s6+$0x0] =	vst.idx.add.f32.msk $0xffff, v2  }
0x18e: {  	v3 =	vld [tilespmem:$0x9BF0];
	_ =	sdelay $0x7  }
0x18f: {  	[tilespmem:v3+s6+$0x0] =	vst.idx.add.f32.msk $0xffff, v2  }
0x190: {  	_ =	swait.ge [sflag:s18], $0x2000  }
0x191: {  	[sflag:s18] =	ssyncset.done $0x0  }
0x192: {  	[sflag:s18] =	ssyncadd.s32 $0xFFFFE000  }
0x193: {  	_ =	swait.ge [sflag:s19], $0x2000  }
0x194: {  	[sflag:s19] =	ssyncset.done $0x0  }
0x195: {  	s13 =	simm.s32 $0x9C00;
	[sflag:s19] =	ssyncadd.s32 $0xFFFFE000  }
0x196: {  	[spmem:s2] =	stream.indirect.scatter.add.f32 [tilespmem:s7], [sflag:$0x8], $0x40, s13, s22, $0xb8;
	[tilespmem:$0x1EA30] =	vst v63  }
0x197: {  	v3 =	vld [tilespmem:$0x9C00];
	_ =	sdelay $0x7  }
0x198: {  	[tilespmem:v3+s6+$0x0] =	vst.idx.add.f32.msk $0xffff, v2  }
0x199: {  	v3 =	vld [tilespmem:$0x9C10];
	_ =	sdelay $0x7  }
0x19a: {  	[tilespmem:v3+s6+$0x0] =	vst.idx.add.f32.msk $0xffff, v2  }
0x19b: {  	v3 =	vld [tilespmem:$0x9C20];
	_ =	sdelay $0x7  }
0x19c: {  	[tilespmem:v3+s6+$0x0] =	vst.idx.add.f32.msk $0xffff, v2  }
0x19d: {  	v3 =	vld [tilespmem:$0x9C30];
	_ =	sdelay $0x7  }
0x19e: {  	[tilespmem:v3+s6+$0x0] =	vst.idx.add.f32.msk $0xffff, v2  }
0x19f: {  	v3 =	vld [tilespmem:$0x9C40];
	_ =	sdelay $0x7  }
0x1a0: {  	[tilespmem:v3+s6+$0x0] =	vst.idx.add.f32.msk $0xffff, v2  }
0x1a1: {  	v3 =	vld [tilespmem:$0x9C50];
	_ =	sdelay $0x7  }
0x1a2: {  	[tilespmem:v3+s6+$0x0] =	vst.idx.add.f32.msk $0xffff, v2  }
0x1a3: {  	v3 =	vld [tilespmem:$0x9C60];
	_ =	sdelay $0x7  }
0x1a4: {  	[tilespmem:v3+s6+$0x0] =	vst.idx.add.f32.msk $0xffff, v2  }
0x1a5: {  	v3 =	vld [tilespmem:$0x9C70];
	_ =	sdelay $0x7  }
0x1a6: {  	[tilespmem:v3+s6+$0x0] =	vst.idx.add.f32.msk $0xffff, v2  }
0x1a7: {  	_ =	swait.ge [sflag:s20], $0x2000  }
0x1a8: {  	[sflag:s20] =	ssyncset.done $0x0  }
0x1a9: {  	[sflag:s20] =	ssyncadd.s32 $0xFFFFE000  }
0x1aa: {  	_ =	swait.ge [sflag:s21], $0x2000  }
0x1ab: {  	s12 =	simm.s32 @!p0 $0x80;
	[sflag:s21] =	ssyncset.done $0x0  }
0x1ac: {  	s25 =	simm.s32 @!p0 $0x9D00;
	s13 =	simm.s32 @!p0 $0x4E00;
	[sflag:s21] =	ssyncadd.s32 $0xFFFFE000  }
0x1ad: {  	[tilespmem:s25], [sflag:$0x1] =	stream.indirect.gather @!p0 [hbm4b:s0+s12], $0x40, s13, s12, $0xb8;
	[tilespmem:$0x1EA30] =	vst v63  }
0x1ae: {  	s13 =	simm.s32 @!p0 $0x1  }
0x1af: {  	_ =	swait.ge @!p0 [sflag:s13], $0x2000  }
0x1b0: {  	[sflag:s13] =	ssyncset.done @!p0 $0x0  }
0x1b1: {  	[sflag:s13] =	ssyncadd.s32 @!p0 $0xFFFFE000;
	s13 =	simm.s32 @!p0 $0x9C80  }
0x1b2: {  	[spmem:s2] =	stream.indirect.scatter.add.f32 @!p0 [tilespmem:s25], [sflag:$0x5], $0x40, s13, s12, $0xb8;
	[tilespmem:$0x1EA30] =	vst v63  }
0x1b3: {  	v3 =	vld @!p0 [tilespmem:$0x9C80];
	_ =	sdelay $0x6  }
0x1b4: {  	v4 =	vimm.f32 @!p0 $1.000000000e+00;
	s12 =	simm.s32 @!p0 $0x11D00  }
0x1b5: {  	[tilespmem:v3+s12+$0x0] =	vst.idx.add.f32.msk @!p0 $0xffff, v4  }
0x1b6: {  	v3 =	vld @!p0 [tilespmem:$0x9C90];
	_ =	sdelay $0x7  }
0x1b7: {  	[tilespmem:v3+s12+$0x0] =	vst.idx.add.f32.msk @!p0 $0xffff, v4  }
0x1b8: {  	v3 =	vld @!p0 [tilespmem:$0x9CA0];
	_ =	sdelay $0x7  }
0x1b9: {  	[tilespmem:v3+s12+$0x0] =	vst.idx.add.f32.msk @!p0 $0xffff, v4  }
0x1ba: {  	v3 =	vld @!p0 [tilespmem:$0x9CB0];
	_ =	sdelay $0x7  }
0x1bb: {  	[tilespmem:v3+s12+$0x0] =	vst.idx.add.f32.msk @!p0 $0xffff, v4  }
0x1bc: {  	v3 =	vld @!p0 [tilespmem:$0x9CC0];
	_ =	sdelay $0x7  }
0x1bd: {  	[tilespmem:v3+s12+$0x0] =	vst.idx.add.f32.msk @!p0 $0xffff, v4  }
0x1be: {  	v3 =	vld @!p0 [tilespmem:$0x9CD0];
	_ =	sdelay $0x7  }
0x1bf: {  	[tilespmem:v3+s12+$0x0] =	vst.idx.add.f32.msk @!p0 $0xffff, v4  }
0x1c0: {  	v3 =	vld @!p0 [tilespmem:$0x9CE0];
	_ =	sdelay $0x7  }
0x1c1: {  	[tilespmem:v3+s12+$0x0] =	vst.idx.add.f32.msk @!p0 $0xffff, v4  }
0x1c2: {  	v3 =	vld @!p0 [tilespmem:$0x9CF0];
	_ =	sdelay $0x7  }
0x1c3: {  	[tilespmem:v3+s12+$0x0] =	vst.idx.add.f32.msk @!p0 $0xffff, v4;
	s12 =	simm.s32 @!p0 $0x5  }
0x1c4: {  	_ =	swait.ge @!p0 [sflag:s12], $0x2000  }
0x1c5: {  	[sflag:s12] =	ssyncset.done @!p0 $0x0  }
0x1c6: {  	s25 =	simm.s32 $0x0;
	s26 =	rddreg [dreg:$0x10];
	[sflag:s12] =	ssyncadd.s32 @!p0 $0xFFFFE000  }
0x1c7: {  	[hbm4b:s26+s25] =	stream.linear.scatter [tilespmem:s6], [sflag:$0x9], $0x2780, $0x38;
	[tilespmem:$0x1EA30] =	vst v63  }
0x1c8: {  	_ =	swait.ge [sflag:s4], $0x2780  }
0x1c9: {  	[sflag:s4] =	ssyncset.done $0x0  }
0x1ca: {  	[sflag:s4] =	ssyncadd.s32 $0xFFFFD880  }
0x1cb: {  	s13 =	simm.s32 $0x0;
	s12 =	simm.s32 $0x40;
	[bflag:$0x0] =	sbarrier.arrive $0xFFFF  }
.LBB2_10:
0x1cc: {  	p3 =	sne.s32 s12, $0xA00;
	[tilespmem:s13+$0x14710] =	vst v1;
	s25 =	smov.u32 s12;
	s12 =	sadd.s32 $0x40, s12  }
.Ltmp6:
0x1cd: {  	[tilespmem:s13+$0x149A0] =	vst v1;
	(pc) =	sbr.rel @p3 .LBB2_10-.Ltmp6, $2  }
0x1ce: {  	[tilespmem:s13+$0x14480] =	vst v1;
	_ =	sdelay $0x2  }
0x1cf: {  	s13 =	sshra.s32 s25, $0x2  }
0x1d0: {  	[tilespmem:s13+$0x14710] =	vst v1  }
0x1d1: {  	[tilespmem:s13+$0x149A0] =	vst v1  }
0x1d2: {  	[tilespmem:s13+$0x14480] =	vst v1;
	s12 =	simm.s32 $0x0  }
0x1d3: {  	[tilespmem:s24], [sflag:$0x9] =	stream.linear.gather [hbm4b:s15+s12], $0x278, $0x38;
	[tilespmem:$0x1EA30] =	vst v63  }
0x1d4: {  	s26 =	sadd.s32 $0x4F0, s15  }
0x1d5: {  	[tilespmem:s9], [sflag:$0x9] =	stream.linear.gather [hbm4b:s26+s12], $0x278, $0x38;
	[tilespmem:$0x1EA30] =	vst v63  }
0x1d6: {  	_ =	swait.ge [sflag:s4], $0x4F0  }
0x1d7: {  	[sflag:s4] =	ssyncset.done $0x0  }
0x1d8: {  	s12 =	simm.s32 $0x0;
	[sflag:s4] =	ssyncadd.s32 $0xFFFFFB10  }
0x1d9: {  	s13 =	simm.s32 $0x40;
	v3 =	vld [tilespmem:s12+$0x14480]  }
.LBB2_12:
0x1da: {  	p3 =	sne.s32 s13, $0xA00;
	v4 =	vld [tilespmem:s12+$0x149A0];
	_ =	sdelay $0x1  }
0x1db: {  	v5 =	vld [tilespmem:s12+$0x14710];
	_ =	sdelay $0x2  }
.Ltmp7:
0x1dc: {  	v3 =	vadd.f32 v3, v4;
	(pc) =	sbr.rel @p3 .LBB2_12-.Ltmp7, $4  }
0x1dd: {  	_ = 	snop  }
0x1de: {  	v4 =	vadd.f32 v5, v3  }
0x1df: {  	s25 =	sshra.s32 s13, $0x2  }
0x1e0: {  	s13 =	sadd.s32 $0x40, s13;
	v3 =	vld [tilespmem:s25+$0x14480];
	[tilespmem:s12+$0x149A0] =	vst v4;
	s12 =	smov.u32 s25  }
0x1e1: {  	v4 =	vld [tilespmem:s12+$0x149A0];
	_ =	sdelay $0x1  }
0x1e2: {  	v5 =	vld [tilespmem:s12+$0x14710];
	_ =	sdelay $0x2  }
0x1e3: {  	v3 =	vadd.f32 v3, v4;
	_ =	sdelay $0x1  }
0x1e4: {  	v3 =	vadd.f32 v5, v3;
	_ =	sdelay $0x1  }
0x1e5: {  	s26 =	simm.s32 $0x0;
	s13 =	rddreg [dreg:$0x1a];
	[tilespmem:s12+$0x149A0] =	vst v3  }
0x1e6: {  	[tilespmem:s24], [sflag:$0x9] =	stream.linear.gather [hbm4b:s13+s26], $0x278, $0x38;
	[tilespmem:$0x1EA30] =	vst v63  }
0x1e7: {  	s13 =	sadd.s32 $0x4F0, s13  }
0x1e8: {  	[tilespmem:s9], [sflag:$0x9] =	stream.linear.gather [hbm4b:s13+s26], $0x278, $0x38;
	[tilespmem:$0x1EA30] =	vst v63  }
0x1e9: {  	_ =	swait.ge [sflag:s4], $0x4F0  }
0x1ea: {  	[sflag:s4] =	ssyncset.done $0x0  }
0x1eb: {  	s12 =	simm.s32 $0x0;
	[sflag:s4] =	ssyncadd.s32 $0xFFFFFB10  }
0x1ec: {  	s13 =	simm.s32 $0x40;
	v3 =	vld [tilespmem:s12+$0x14480]  }
.LBB2_14:
0x1ed: {  	p3 =	sne.s32 s13, $0xA00;
	v4 =	vld [tilespmem:s12+$0x149A0];
	_ =	sdelay $0x1  }
0x1ee: {  	v5 =	vld [tilespmem:s12+$0x14710];
	_ =	sdelay $0x2  }
.Ltmp8:
0x1ef: {  	v3 =	vadd.f32 v3, v4;
	(pc) =	sbr.rel @p3 .LBB2_14-.Ltmp8, $4  }
0x1f0: {  	_ = 	snop  }
0x1f1: {  	v4 =	vadd.f32 v5, v3  }
0x1f2: {  	s25 =	sshra.s32 s13, $0x2  }
0x1f3: {  	s13 =	sadd.s32 $0x40, s13;
	v3 =	vld [tilespmem:s25+$0x14480];
	[tilespmem:s12+$0x149A0] =	vst v4;
	s12 =	smov.u32 s25  }
0x1f4: {  	v4 =	vld [tilespmem:s12+$0x149A0];
	_ =	sdelay $0x1  }
0x1f5: {  	v5 =	vld [tilespmem:s12+$0x14710];
	_ =	sdelay $0x2  }
0x1f6: {  	v3 =	vadd.f32 v3, v4;
	_ =	sdelay $0x1  }
0x1f7: {  	v3 =	vadd.f32 v5, v3;
	_ =	sdelay $0x1  }
0x1f8: {  	s26 =	simm.s32 $0x0;
	s13 =	rddreg [dreg:$0x1b];
	[tilespmem:s12+$0x149A0] =	vst v3  }
0x1f9: {  	[tilespmem:s24], [sflag:$0x9] =	stream.linear.gather [hbm4b:s13+s26], $0x278, $0x38;
	[tilespmem:$0x1EA30] =	vst v63  }
0x1fa: {  	s13 =	sadd.s32 $0x4F0, s13  }
0x1fb: {  	[tilespmem:s9], [sflag:$0x9] =	stream.linear.gather [hbm4b:s13+s26], $0x278, $0x38;
	[tilespmem:$0x1EA30] =	vst v63  }
0x1fc: {  	_ =	swait.ge [sflag:s4], $0x4F0  }
0x1fd: {  	[sflag:s4] =	ssyncset.done $0x0  }
0x1fe: {  	s12 =	simm.s32 $0x0;
	[sflag:s4] =	ssyncadd.s32 $0xFFFFFB10  }
0x1ff: {  	s13 =	simm.s32 $0x40;
	v3 =	vld [tilespmem:s12+$0x14480]  }
.LBB2_16:
0x200: {  	p3 =	sne.s32 s13, $0xA00;
	v4 =	vld [tilespmem:s12+$0x149A0];
	_ =	sdelay $0x1  }
0x201: {  	v5 =	vld [tilespmem:s12+$0x14710];
	_ =	sdelay $0x2  }
.Ltmp9:
0x202: {  	v3 =	vadd.f32 v3, v4;
	(pc) =	sbr.rel @p3 .LBB2_16-.Ltmp9, $4  }
0x203: {  	_ = 	snop  }
0x204: {  	v4 =	vadd.f32 v5, v3  }
0x205: {  	s25 =	sshra.s32 s13, $0x2  }
0x206: {  	s13 =	sadd.s32 $0x40, s13;
	v3 =	vld [tilespmem:s25+$0x14480];
	[tilespmem:s12+$0x149A0] =	vst v4;
	s12 =	smov.u32 s25  }
0x207: {  	v4 =	vld [tilespmem:s12+$0x149A0];
	_ =	sdelay $0x1  }
0x208: {  	v5 =	vld [tilespmem:s12+$0x14710];
	_ =	sdelay $0x2  }
0x209: {  	v3 =	vadd.f32 v3, v4;
	_ =	sdelay $0x1  }
0x20a: {  	v3 =	vadd.f32 v5, v3;
	_ =	sdelay $0x1  }
0x20b: {  	s26 =	simm.s32 $0x0;
	[tilespmem:s12+$0x149A0] =	vst v3  }
0x20c: {  	[tilespmem:s24], [sflag:$0x9] =	stream.linear.gather [hbm4b:s28+s26], $0x278, $0x38;
	[tilespmem:$0x1EA30] =	vst v63  }
0x20d: {  	s13 =	sadd.s32 $0x4F0, s28  }
0x20e: {  	[tilespmem:s9], [sflag:$0x9] =	stream.linear.gather [hbm4b:s13+s26], $0x278, $0x38;
	[tilespmem:$0x1EA30] =	vst v63  }
0x20f: {  	_ =	swait.ge [sflag:s4], $0x4F0  }
0x210: {  	[sflag:s4] =	ssyncset.done $0x0  }
0x211: {  	s12 =	simm.s32 $0x0;
	[sflag:s4] =	ssyncadd.s32 $0xFFFFFB10  }
0x212: {  	s13 =	simm.s32 $0x40;
	v3 =	vld [tilespmem:s12+$0x14480]  }
.LBB2_18:
0x213: {  	p3 =	sne.s32 s13, $0xA00;
	v4 =	vld [tilespmem:s12+$0x149A0];
	_ =	sdelay $0x1  }
0x214: {  	v5 =	vld [tilespmem:s12+$0x14710];
	_ =	sdelay $0x2  }
.Ltmp10:
0x215: {  	v3 =	vadd.f32 v3, v4;
	(pc) =	sbr.rel @p3 .LBB2_18-.Ltmp10, $4  }
0x216: {  	_ = 	snop  }
0x217: {  	v4 =	vadd.f32 v5, v3  }
0x218: {  	s25 =	sshra.s32 s13, $0x2  }
0x219: {  	s13 =	sadd.s32 $0x40, s13;
	v3 =	vld [tilespmem:s25+$0x14480];
	[tilespmem:s12+$0x149A0] =	vst v4;
	s12 =	smov.u32 s25  }
0x21a: {  	v4 =	vld [tilespmem:s12+$0x149A0];
	_ =	sdelay $0x1  }
0x21b: {  	v5 =	vld [tilespmem:s12+$0x14710];
	_ =	sdelay $0x2  }
0x21c: {  	v3 =	vadd.f32 v3, v4;
	_ =	sdelay $0x1  }
0x21d: {  	v3 =	vadd.f32 v5, v3;
	_ =	sdelay $0x1  }
0x21e: {  	s26 =	simm.s32 $0x0;
	[tilespmem:s12+$0x149A0] =	vst v3  }
0x21f: {  	[tilespmem:s24], [sflag:$0x9] =	stream.linear.gather [hbm4b:s29+s26], $0x278, $0x38;
	[tilespmem:$0x1EA30] =	vst v63  }
0x220: {  	s13 =	sadd.s32 $0x4F0, s29  }
0x221: {  	[tilespmem:s9], [sflag:$0x9] =	stream.linear.gather [hbm4b:s13+s26], $0x278, $0x38;
	[tilespmem:$0x1EA30] =	vst v63  }
0x222: {  	_ =	swait.ge [sflag:s4], $0x4F0  }
0x223: {  	[sflag:s4] =	ssyncset.done $0x0  }
0x224: {  	s12 =	simm.s32 $0x0;
	[sflag:s4] =	ssyncadd.s32 $0xFFFFFB10  }
0x225: {  	s13 =	simm.s32 $0x40;
	v3 =	vld [tilespmem:s12+$0x14480]  }
.LBB2_20:
0x226: {  	p3 =	sne.s32 s13, $0xA00;
	v4 =	vld [tilespmem:s12+$0x149A0];
	_ =	sdelay $0x1  }
0x227: {  	v5 =	vld [tilespmem:s12+$0x14710];
	_ =	sdelay $0x2  }
.Ltmp11:
0x228: {  	v3 =	vadd.f32 v3, v4;
	(pc) =	sbr.rel @p3 .LBB2_20-.Ltmp11, $4  }
0x229: {  	_ = 	snop  }
0x22a: {  	v4 =	vadd.f32 v5, v3  }
0x22b: {  	s25 =	sshra.s32 s13, $0x2  }
0x22c: {  	s13 =	sadd.s32 $0x40, s13;
	v3 =	vld [tilespmem:s25+$0x14480];
	[tilespmem:s12+$0x149A0] =	vst v4;
	s12 =	smov.u32 s25  }
0x22d: {  	v4 =	vld [tilespmem:s12+$0x149A0];
	_ =	sdelay $0x1  }
0x22e: {  	v5 =	vld [tilespmem:s12+$0x14710];
	_ =	sdelay $0x2  }
0x22f: {  	v3 =	vadd.f32 v3, v4;
	_ =	sdelay $0x1  }
0x230: {  	v3 =	vadd.f32 v5, v3;
	_ =	sdelay $0x1  }
0x231: {  	s26 =	simm.s32 $0x0;
	[tilespmem:s12+$0x149A0] =	vst v3  }
0x232: {  	[tilespmem:s24], [sflag:$0x9] =	stream.linear.gather [hbm4b:s30+s26], $0x278, $0x38;
	[tilespmem:$0x1EA30] =	vst v63  }
0x233: {  	s13 =	sadd.s32 $0x4F0, s30  }
0x234: {  	[tilespmem:s9], [sflag:$0x9] =	stream.linear.gather [hbm4b:s13+s26], $0x278, $0x38;
	[tilespmem:$0x1EA30] =	vst v63  }
0x235: {  	_ =	swait.ge [sflag:s4], $0x4F0  }
0x236: {  	[sflag:s4] =	ssyncset.done $0x0  }
0x237: {  	s12 =	simm.s32 $0x0;
	[sflag:s4] =	ssyncadd.s32 $0xFFFFFB10  }
0x238: {  	s13 =	simm.s32 $0x40;
	v3 =	vld [tilespmem:s12+$0x14480]  }
.LBB2_22:
0x239: {  	p3 =	sne.s32 s13, $0xA00;
	v4 =	vld [tilespmem:s12+$0x149A0];
	_ =	sdelay $0x1  }
0x23a: {  	v5 =	vld [tilespmem:s12+$0x14710];
	_ =	sdelay $0x2  }
.Ltmp12:
0x23b: {  	v3 =	vadd.f32 v3, v4;
	(pc) =	sbr.rel @p3 .LBB2_22-.Ltmp12, $4  }
0x23c: {  	_ = 	snop  }
0x23d: {  	v4 =	vadd.f32 v5, v3  }
0x23e: {  	s25 =	sshra.s32 s13, $0x2  }
0x23f: {  	s13 =	sadd.s32 $0x40, s13;
	v3 =	vld [tilespmem:s25+$0x14480];
	[tilespmem:s12+$0x149A0] =	vst v4;
	s12 =	smov.u32 s25  }
0x240: {  	v4 =	vld [tilespmem:s12+$0x149A0];
	_ =	sdelay $0x1  }
0x241: {  	v5 =	vld [tilespmem:s12+$0x14710];
	_ =	sdelay $0x2  }
0x242: {  	v3 =	vadd.f32 v3, v4;
	_ =	sdelay $0x1  }
0x243: {  	v3 =	vadd.f32 v5, v3;
	_ =	sdelay $0x1  }
0x244: {  	s26 =	simm.s32 $0x0;
	[tilespmem:s12+$0x149A0] =	vst v3  }
0x245: {  	[tilespmem:s24], [sflag:$0x9] =	stream.linear.gather [hbm4b:s31+s26], $0x278, $0x38;
	[tilespmem:$0x1EA30] =	vst v63  }
0x246: {  	s13 =	sadd.s32 $0x4F0, s31  }
0x247: {  	[tilespmem:s9], [sflag:$0x9] =	stream.linear.gather [hbm4b:s13+s26], $0x278, $0x38;
	[tilespmem:$0x1EA30] =	vst v63  }
0x248: {  	_ =	swait.ge [sflag:s4], $0x4F0  }
0x249: {  	[sflag:s4] =	ssyncset.done $0x0  }
0x24a: {  	s12 =	simm.s32 $0x0;
	[sflag:s4] =	ssyncadd.s32 $0xFFFFFB10  }
0x24b: {  	s13 =	simm.s32 $0x40;
	v3 =	vld [tilespmem:s12+$0x14480]  }
.LBB2_24:
0x24c: {  	p3 =	sne.s32 s13, $0xA00;
	v4 =	vld [tilespmem:s12+$0x149A0];
	_ =	sdelay $0x1  }
0x24d: {  	v5 =	vld [tilespmem:s12+$0x14710];
	_ =	sdelay $0x2  }
.Ltmp13:
0x24e: {  	v3 =	vadd.f32 v3, v4;
	(pc) =	sbr.rel @p3 .LBB2_24-.Ltmp13, $4  }
0x24f: {  	_ = 	snop  }
0x250: {  	v4 =	vadd.f32 v5, v3  }
0x251: {  	s25 =	sshra.s32 s13, $0x2  }
0x252: {  	s13 =	sadd.s32 $0x40, s13;
	v3 =	vld [tilespmem:s25+$0x14480];
	[tilespmem:s12+$0x149A0] =	vst v4;
	s12 =	smov.u32 s25  }
0x253: {  	v4 =	vld [tilespmem:s12+$0x149A0];
	_ =	sdelay $0x1  }
0x254: {  	v5 =	vld [tilespmem:s12+$0x14710];
	_ =	sdelay $0x2  }
0x255: {  	v3 =	vadd.f32 v3, v4;
	_ =	sdelay $0x1  }
0x256: {  	v3 =	vadd.f32 v5, v3;
	_ =	sdelay $0x1  }
0x257: {  	s26 =	simm.s32 $0x0;
	[tilespmem:s12+$0x149A0] =	vst v3  }
0x258: {  	[tilespmem:s24], [sflag:$0x9] =	stream.linear.gather [hbm4b:s1+s26], $0x278, $0x38;
	[tilespmem:$0x1EA30] =	vst v63  }
0x259: {  	s13 =	sadd.s32 $0x4F0, s1  }
0x25a: {  	[tilespmem:s9], [sflag:$0x9] =	stream.linear.gather [hbm4b:s13+s26], $0x278, $0x38;
	[tilespmem:$0x1EA30] =	vst v63  }
0x25b: {  	_ =	swait.ge [sflag:s4], $0x4F0  }
0x25c: {  	[sflag:s4] =	ssyncset.done $0x0  }
0x25d: {  	s12 =	simm.s32 $0x0;
	[sflag:s4] =	ssyncadd.s32 $0xFFFFFB10  }
0x25e: {  	s25 =	simm.s32 $0x40;
	s13 =	simm.s32 $0x0;
	v3 =	vld [tilespmem:s12+$0x14480]  }
.LBB2_26:
0x25f: {  	p3 =	sne.s32 s25, $0xA00;
	v4 =	vld [tilespmem:s13+$0x149A0];
	_ =	sdelay $0x1  }
0x260: {  	v5 =	vld [tilespmem:s13+$0x14710];
	_ =	sdelay $0x2  }
.Ltmp14:
0x261: {  	v3 =	vadd.f32 v3, v4;
	(pc) =	sbr.rel @p3 .LBB2_26-.Ltmp14, $4  }
0x262: {  	_ = 	snop  }
0x263: {  	v4 =	vadd.f32 v5, v3  }
0x264: {  	s26 =	sshra.s32 s25, $0x2  }
0x265: {  	s25 =	sadd.s32 $0x40, s25;
	v3 =	vld [tilespmem:s26+$0x14480];
	[tilespmem:s13+$0x149A0] =	vst v4;
	s13 =	smov.u32 s26  }
0x266: {  	v4 =	vld [tilespmem:s13+$0x149A0];
	_ =	sdelay $0x1  }
0x267: {  	v5 =	vld [tilespmem:s13+$0x14710];
	_ =	sdelay $0x2  }
0x268: {  	v3 =	vadd.f32 v3, v4;
	_ =	sdelay $0x1  }
0x269: {  	v3 =	vadd.f32 v5, v3;
	_ =	sdelay $0x1  }
0x26a: {  	[tilespmem:s13+$0x149A0] =	vst v3;
	s13 =	simm.s32 $0x40  }
.LBB2_28:
0x26b: {  	p3 =	sne.s32 s13, $0xA00;
	v3 =	vld [tilespmem:s12+$0x149A0];
	_ =	sdelay $0x4  }
0x26c: {  	v3 =	vmax.f32 v3, $1.000000000e+00  }
0x26d: {  	(erf) = vrcp.f32 v3;
	_ =	sdelay $0x5  }
.Ltmp15:
0x26e: {  	(pc) =	sbr.rel @p3 .LBB2_28-.Ltmp15, $3  }
0x26f: {  	_ =	sdelay $0x1  }
0x270: {  	v3 =	vpop (erf)  }
0x271: {  	[tilespmem:s12+$0x149A0] =	vst v3;
	s12 =	sshra.s32 s13, $0x2;
	s13 =	sadd.s32 $0x40, s13  }
0x272: {  	v3 =	vld [tilespmem:s12+$0x149A0];
	_ =	sdelay $0x4  }
0x273: {  	v3 =	vmax.f32 v3, $1.000000000e+00  }
0x274: {  	(erf) = vrcp.f32 v3;
	_ =	sdelay $0x8  }
0x275: {  	v3 =	vpop (erf)  }
0x276: {  	s26 =	rddreg [dreg:$0xb];
	[tilespmem:s12+$0x149A0] =	vst v3  }
0x277: {  	[tilespmem:s17], [sflag:$0x9] =	stream.linear.gather [spmem:s26], $0x2000, $0x38;
	[tilespmem:$0x1EA30] =	vst v63  }
0x278: {  	_ =	swait.ge [sflag:s4], $0x2000  }
0x279: {  	[sflag:s4] =	ssyncset.done $0x0  }
0x27a: {  	s12 =	simm.s32 $0x9D20;
	[sflag:s4] =	ssyncadd.s32 $0xFFFFE000  }
0x27b: {  	v3 =	vld [tilespmem:s12+$0xFFFFFFF0]  }
0x27c: {  	s13 =	simm.s32 $0x0;
	v5 =	vld [tilespmem:s12+$0x10]  }
0x27d: {  	v7 =	vld.msk [tilespmem:s13+$0x149A0 ss:$0x0], $0xffff  }
0x27e: {  	v4 =	vld [tilespmem:s12+$0xFFFFFFE0]  }
0x27f: {  	v8 =	vld [tilespmem:s12+$0x0];
	_ =	sdelay $0x3  }
0x280: {  	v4 =	vmul.f32 v7, v4;
	v6 =	vmul.f32 v5, v7  }
0x281: {  	s25 =	simm.s32 $0x9D20;
	s13 =	simm.s32 $0x4;
	v5 =	vmul.f32 v3, v7;
	v3 =	vmul.f32 v8, v7  }
.LBB2_30:
0x282: {  	p3 =	sne.s32 s13, $0x1FC  }
0x283: {  	[tilespmem:s12+$0x10] =	vst v6;
	s25 =	sadd.s32 $0x40, s25;
	s26 =	smov.u32 s13;
	s13 =	sadd.s32 $0x4, s13  }
0x284: {  	[tilespmem:s12+$0xFFFFFFE0] =	vst v4  }
0x285: {  	v7 =	vld [tilespmem:s25+$0xFFFFFFF0];
	[tilespmem:s12+$0xFFFFFFF0] =	vst v5  }
0x286: {  	s26 =	sshra.s32 s26, $0x2;
	v5 =	vld [tilespmem:s25+$0x10];
	[tilespmem:s12+$0x0] =	vst v3;
	s12 =	smov.u32 s25  }
0x287: {  	v3 =	vld.msk [tilespmem:s26+$0x149A0 ss:$0x0], $0xffff  }
0x288: {  	v4 =	vld [tilespmem:s25+$0xFFFFFFE0]  }
0x289: {  	v8 =	vld [tilespmem:s25+$0x0]  }
.Ltmp16:
0x28a: {  	(pc) =	sbr.rel @p3 .LBB2_30-.Ltmp16, $3  }
0x28b: {  	_ =	sdelay $0x1  }
0x28c: {  	v6 =	vmul.f32 v5, v3;
	v4 =	vmul.f32 v3, v4  }
0x28d: {  	v5 =	vmul.f32 v7, v3;
	v3 =	vmul.f32 v8, v3  }
0x28e: {  	[tilespmem:s12+$0x10] =	vst v6  }
0x28f: {  	[tilespmem:s12+$0xFFFFFFE0] =	vst v4  }
0x290: {  	[tilespmem:s12+$0xFFFFFFF0] =	vst v5  }
0x291: {  	s25 =	rddreg [dreg:$0x13];
	[tilespmem:s12+$0x0] =	vst v3  }
0x292: {  	[hbm4b:s25+s10] =	stream.strided.scatter [tilespmem:s17], [sflag:$0x9], $0x2000, s22, s10, $0x38;
	[tilespmem:$0x1EA30] =	vst v63  }
0x293: {  	_ =	swait.ge [sflag:s4], $0x2000  }
0x294: {  	[sflag:s4] =	ssyncset.done $0x0  }
0x295: {  	s26 =	rddreg [dreg:$0xc];
	[sflag:s4] =	ssyncadd.s32 $0xFFFFE000  }
0x296: {  	[tilespmem:s17], [sflag:$0x9] =	stream.linear.gather [spmem:s26], $0x2000, $0x38;
	[tilespmem:$0x1EA30] =	vst v63  }
0x297: {  	_ =	swait.ge [sflag:s4], $0x2000  }
0x298: {  	[sflag:s4] =	ssyncset.done $0x0  }
0x299: {  	s12 =	simm.s32 $0x9D20;
	[sflag:s4] =	ssyncadd.s32 $0xFFFFE000  }
0x29a: {  	s13 =	simm.s32 $0x0;
	v3 =	vld [tilespmem:s12+$0xFFFFFFF0]  }
0x29b: {  	s13 =	sand.u32 $0x7F, s13;
	v5 =	vld [tilespmem:s12+$0x10]  }
0x29c: {  	v7 =	vld.msk [tilespmem:s13+$0x14A20 ss:$0x0], $0xffff  }
0x29d: {  	v4 =	vld [tilespmem:s12+$0xFFFFFFE0]  }
0x29e: {  	v8 =	vld [tilespmem:s12+$0x0];
	_ =	sdelay $0x3  }
0x29f: {  	v4 =	vmul.f32 v7, v4;
	v6 =	vmul.f32 v5, v7  }
0x2a0: {  	s25 =	simm.s32 $0x9D20;
	s13 =	simm.s32 $0x1;
	v5 =	vmul.f32 v3, v7;
	v3 =	vmul.f32 v8, v7  }
.LBB2_32:
0x2a1: {  	p3 =	sne.s32 s13, $0x7F  }
0x2a2: {  	[tilespmem:s12+$0x10] =	vst v6;
	s25 =	sadd.s32 $0x40, s25;
	s26 =	smov.u32 s13;
	s13 =	sadd.s32 $0x1, s13  }
0x2a3: {  	[tilespmem:s12+$0xFFFFFFE0] =	vst v4  }
0x2a4: {  	v7 =	vld [tilespmem:s25+$0xFFFFFFF0];
	[tilespmem:s12+$0xFFFFFFF0] =	vst v5  }
0x2a5: {  	s26 =	sand.u32 $0x7F, s26;
	v5 =	vld [tilespmem:s25+$0x10];
	[tilespmem:s12+$0x0] =	vst v3;
	s12 =	smov.u32 s25  }
0x2a6: {  	v3 =	vld.msk [tilespmem:s26+$0x14A20 ss:$0x0], $0xffff  }
0x2a7: {  	v4 =	vld [tilespmem:s25+$0xFFFFFFE0]  }
0x2a8: {  	v8 =	vld [tilespmem:s25+$0x0]  }
.Ltmp17:
0x2a9: {  	(pc) =	sbr.rel @p3 .LBB2_32-.Ltmp17, $3  }
0x2aa: {  	_ =	sdelay $0x1  }
0x2ab: {  	v6 =	vmul.f32 v5, v3;
	v4 =	vmul.f32 v3, v4  }
0x2ac: {  	v5 =	vmul.f32 v7, v3;
	v3 =	vmul.f32 v8, v3  }
0x2ad: {  	[tilespmem:s12+$0x10] =	vst v6  }
0x2ae: {  	[tilespmem:s12+$0xFFFFFFE0] =	vst v4  }
0x2af: {  	[tilespmem:s12+$0xFFFFFFF0] =	vst v5  }
0x2b0: {  	s25 =	rddreg [dreg:$0x14];
	[tilespmem:s12+$0x0] =	vst v3  }
0x2b1: {  	[hbm4b:s25+s10] =	stream.strided.scatter [tilespmem:s17], [sflag:$0x9], $0x2000, s22, s10, $0x38;
	[tilespmem:$0x1EA30] =	vst v63  }
0x2b2: {  	_ =	swait.ge [sflag:s4], $0x2000  }
0x2b3: {  	[sflag:s4] =	ssyncset.done $0x0  }
0x2b4: {  	s26 =	rddreg [dreg:$0xd];
	[sflag:s4] =	ssyncadd.s32 $0xFFFFE000  }
0x2b5: {  	[tilespmem:s17], [sflag:$0x9] =	stream.linear.gather [spmem:s26], $0x2000, $0x38;
	[tilespmem:$0x1EA30] =	vst v63  }
0x2b6: {  	_ =	swait.ge [sflag:s4], $0x2000  }
0x2b7: {  	[sflag:s4] =	ssyncset.done $0x0  }
0x2b8: {  	s12 =	simm.s32 $0x9D20;
	[sflag:s4] =	ssyncadd.s32 $0xFFFFE000  }
0x2b9: {  	s13 =	simm.s32 $0x0;
	v3 =	vld [tilespmem:s12+$0xFFFFFFF0]  }
0x2ba: {  	s13 =	sand.u32 $0x7F, s13;
	v5 =	vld [tilespmem:s12+$0x10]  }
0x2bb: {  	v7 =	vld.msk [tilespmem:s13+$0x14AA0 ss:$0x0], $0xffff  }
0x2bc: {  	v4 =	vld [tilespmem:s12+$0xFFFFFFE0]  }
0x2bd: {  	v8 =	vld [tilespmem:s12+$0x0];
	_ =	sdelay $0x3  }
0x2be: {  	v4 =	vmul.f32 v7, v4;
	v6 =	vmul.f32 v5, v7  }
0x2bf: {  	s25 =	simm.s32 $0x9D20;
	s13 =	simm.s32 $0x1;
	v5 =	vmul.f32 v3, v7;
	v3 =	vmul.f32 v8, v7  }
.LBB2_34:
0x2c0: {  	p3 =	sne.s32 s13, $0x7F  }
0x2c1: {  	[tilespmem:s12+$0x10] =	vst v6;
	s25 =	sadd.s32 $0x40, s25;
	s26 =	smov.u32 s13;
	s13 =	sadd.s32 $0x1, s13  }
0x2c2: {  	[tilespmem:s12+$0xFFFFFFE0] =	vst v4  }
0x2c3: {  	v7 =	vld [tilespmem:s25+$0xFFFFFFF0];
	[tilespmem:s12+$0xFFFFFFF0] =	vst v5  }
0x2c4: {  	s26 =	sand.u32 $0x7F, s26;
	v5 =	vld [tilespmem:s25+$0x10];
	[tilespmem:s12+$0x0] =	vst v3;
	s12 =	smov.u32 s25  }
0x2c5: {  	v3 =	vld.msk [tilespmem:s26+$0x14AA0 ss:$0x0], $0xffff  }
0x2c6: {  	v4 =	vld [tilespmem:s25+$0xFFFFFFE0]  }
0x2c7: {  	v8 =	vld [tilespmem:s25+$0x0]  }
.Ltmp18:
0x2c8: {  	(pc) =	sbr.rel @p3 .LBB2_34-.Ltmp18, $3  }
0x2c9: {  	_ =	sdelay $0x1  }
0x2ca: {  	v6 =	vmul.f32 v5, v3;
	v4 =	vmul.f32 v3, v4  }
0x2cb: {  	v5 =	vmul.f32 v7, v3;
	v3 =	vmul.f32 v8, v3  }
0x2cc: {  	[tilespmem:s12+$0x10] =	vst v6  }
0x2cd: {  	[tilespmem:s12+$0xFFFFFFE0] =	vst v4  }
0x2ce: {  	[tilespmem:s12+$0xFFFFFFF0] =	vst v5  }
0x2cf: {  	s25 =	rddreg [dreg:$0x15];
	[tilespmem:s12+$0x0] =	vst v3  }
0x2d0: {  	[hbm4b:s25+s10] =	stream.strided.scatter [tilespmem:s17], [sflag:$0x9], $0x2000, s22, s10, $0x38;
	[tilespmem:$0x1EA30] =	vst v63  }
0x2d1: {  	_ =	swait.ge [sflag:s4], $0x2000  }
0x2d2: {  	[sflag:s4] =	ssyncset.done $0x0  }
0x2d3: {  	s26 =	rddreg [dreg:$0xe];
	[sflag:s4] =	ssyncadd.s32 $0xFFFFE000  }
0x2d4: {  	[tilespmem:s17], [sflag:$0x9] =	stream.linear.gather [spmem:s26], $0x2000, $0x38;
	[tilespmem:$0x1EA30] =	vst v63  }
0x2d5: {  	_ =	swait.ge [sflag:s4], $0x2000  }
0x2d6: {  	[sflag:s4] =	ssyncset.done $0x0  }
0x2d7: {  	s12 =	simm.s32 $0x9D20;
	[sflag:s4] =	ssyncadd.s32 $0xFFFFE000  }
0x2d8: {  	s13 =	simm.s32 $0x0;
	v3 =	vld [tilespmem:s12+$0xFFFFFFF0]  }
0x2d9: {  	s13 =	sand.u32 $0x7F, s13;
	v5 =	vld [tilespmem:s12+$0x10]  }
0x2da: {  	v7 =	vld.msk [tilespmem:s13+$0x14B20 ss:$0x0], $0xffff  }
0x2db: {  	v4 =	vld [tilespmem:s12+$0xFFFFFFE0]  }
0x2dc: {  	v8 =	vld [tilespmem:s12+$0x0];
	_ =	sdelay $0x3  }
0x2dd: {  	v4 =	vmul.f32 v7, v4;
	v6 =	vmul.f32 v5, v7  }
0x2de: {  	s25 =	simm.s32 $0x9D20;
	s13 =	simm.s32 $0x1;
	v5 =	vmul.f32 v3, v7;
	v3 =	vmul.f32 v8, v7  }
.LBB2_36:
0x2df: {  	p3 =	sne.s32 s13, $0x7F  }
0x2e0: {  	[tilespmem:s12+$0x10] =	vst v6;
	s25 =	sadd.s32 $0x40, s25;
	s26 =	smov.u32 s13;
	s13 =	sadd.s32 $0x1, s13  }
0x2e1: {  	[tilespmem:s12+$0xFFFFFFE0] =	vst v4  }
0x2e2: {  	v7 =	vld [tilespmem:s25+$0xFFFFFFF0];
	[tilespmem:s12+$0xFFFFFFF0] =	vst v5  }
0x2e3: {  	s26 =	sand.u32 $0x7F, s26;
	v5 =	vld [tilespmem:s25+$0x10];
	[tilespmem:s12+$0x0] =	vst v3;
	s12 =	smov.u32 s25  }
0x2e4: {  	v3 =	vld.msk [tilespmem:s26+$0x14B20 ss:$0x0], $0xffff  }
0x2e5: {  	v4 =	vld [tilespmem:s25+$0xFFFFFFE0]  }
0x2e6: {  	v8 =	vld [tilespmem:s25+$0x0]  }
.Ltmp19:
0x2e7: {  	(pc) =	sbr.rel @p3 .LBB2_36-.Ltmp19, $3  }
0x2e8: {  	_ =	sdelay $0x1  }
0x2e9: {  	v6 =	vmul.f32 v5, v3;
	v4 =	vmul.f32 v3, v4  }
0x2ea: {  	v5 =	vmul.f32 v7, v3;
	v3 =	vmul.f32 v8, v3  }
0x2eb: {  	[tilespmem:s12+$0x10] =	vst v6  }
0x2ec: {  	[tilespmem:s12+$0xFFFFFFE0] =	vst v4  }
0x2ed: {  	[tilespmem:s12+$0xFFFFFFF0] =	vst v5  }
.Ltmp20:
0x2ee: {  	s26 =	rddreg [dreg:$0x16];
	[tilespmem:s12+$0x0] =	vst v3;
	(pc) =	sbr.rel @!p1 .LBB2_38-.Ltmp20, $4  }
0x2ef: {  	[hbm4b:s26+s10] =	stream.strided.scatter [tilespmem:s17], [sflag:$0x9], $0x2000, s22, s10, $0x38;
	[tilespmem:$0x1EA30] =	vst v63  }
0x2f0: {  	_ =	swait.ge [sflag:s4], $0x2000  }
0x2f1: {  	[sflag:s4] =	ssyncset.done $0x0  }
0x2f2: {  	[sflag:s4] =	ssyncadd.s32 $0xFFFFE000  }
0x2f3: {  	s12 =	rddreg [dreg:$0xf]  }
0x2f4: {  	[tilespmem:s17], [sflag:$0x9] =	stream.linear.gather [spmem:s12], $0x200, $0x38;
	[tilespmem:$0x1EA30] =	vst v63  }
0x2f5: {  	_ =	swait.ge [sflag:s4], $0x200  }
0x2f6: {  	[sflag:s4] =	ssyncset.done $0x0  }
0x2f7: {  	s12 =	simm.s32 $0x9D20;
	[sflag:s4] =	ssyncadd.s32 $0xFFFFFE00  }
0x2f8: {  	v3 =	vld [tilespmem:s12+$0xFFFFFFF0]  }
0x2f9: {  	s13 =	simm.s32 $0x0;
	v5 =	vld [tilespmem:s12+$0x10]  }
0x2fa: {  	v7 =	vld.msk [tilespmem:s13+$0x14BA0 ss:$0x0], $0xffff  }
0x2fb: {  	v4 =	vld [tilespmem:s12+$0xFFFFFFE0]  }
0x2fc: {  	v8 =	vld [tilespmem:s12+$0x0];
	_ =	sdelay $0x3  }
0x2fd: {  	v4 =	vmul.f32 v7, v4;
	v6 =	vmul.f32 v5, v7  }
0x2fe: {  	s25 =	simm.s32 $0x9D20;
	s13 =	simm.s32 $0x4;
	v5 =	vmul.f32 v3, v7;
	v3 =	vmul.f32 v8, v7  }
.LBB2_42:
0x2ff: {  	p3 =	sne.s32 s13, $0x1C  }
0x300: {  	[tilespmem:s12+$0x10] =	vst v6;
	s25 =	sadd.s32 $0x40, s25;
	s26 =	smov.u32 s13;
	s13 =	sadd.s32 $0x4, s13  }
0x301: {  	[tilespmem:s12+$0xFFFFFFE0] =	vst v4  }
0x302: {  	v7 =	vld [tilespmem:s25+$0xFFFFFFF0];
	[tilespmem:s12+$0xFFFFFFF0] =	vst v5  }
0x303: {  	s26 =	sshra.s32 s26, $0x2;
	v5 =	vld [tilespmem:s25+$0x10];
	[tilespmem:s12+$0x0] =	vst v3;
	s12 =	smov.u32 s25  }
0x304: {  	v3 =	vld.msk [tilespmem:s26+$0x14BA0 ss:$0x0], $0xffff  }
0x305: {  	v4 =	vld [tilespmem:s25+$0xFFFFFFE0]  }
0x306: {  	v8 =	vld [tilespmem:s25+$0x0]  }
.Ltmp21:
0x307: {  	(pc) =	sbr.rel @p3 .LBB2_42-.Ltmp21, $3  }
0x308: {  	_ =	sdelay $0x1  }
0x309: {  	v6 =	vmul.f32 v5, v3;
	v4 =	vmul.f32 v3, v4  }
0x30a: {  	v5 =	vmul.f32 v7, v3;
	v3 =	vmul.f32 v8, v3  }
0x30b: {  	[tilespmem:s12+$0x10] =	vst v6  }
0x30c: {  	[tilespmem:s12+$0xFFFFFFE0] =	vst v4  }
0x30d: {  	s13 =	simm.s32 @p2 $0x80;
	[tilespmem:s12+$0xFFFFFFF0] =	vst v5  }
0x30e: {  	s25 =	simm.s32 @p2 $0x9D00;
	s26 =	rddreg [dreg:$0x17];
	[tilespmem:s12+$0x0] =	vst v3;
	s12 =	simm.s32 @p2 $0x40  }
0x30f: {  	[hbm4b:s26+s12] =	stream.strided.scatter @p2 [tilespmem:s25], [sflag:$0x9], $0x200, s13, s12, $0x38;
	[tilespmem:$0x1EA30] =	vst v63  }
0x310: {  	s12 =	simm.s32 @p2 $0x9  }
0x311: {  	_ =	swait.ge @p2 [sflag:s12], $0x200  }
0x312: {  	s13 =	simm.s32 @!p2 $0x80;
	s25 =	simm.s32 @!p2 $0x9D00;
	[sflag:s12] =	ssyncset.done @p2 $0x0  }
0x313: {  	s26 =	rddreg [dreg:$0x18];
	[sflag:s12] =	ssyncadd.s32 @p2 $0xFFFFFE00;
	s12 =	simm.s32 @!p2 $0x40  }
0x314: {  	[hbm4b:s26+s12] =	stream.strided.scatter @!p2 [tilespmem:s25], [sflag:$0x9], $0x200, s13, s12, $0x38;
	[tilespmem:$0x1EA30] =	vst v63  }
.Ltmp22:
0x315: {  	_ = 	snop;
	(pc) =	sbr.rel .LBB2_44-.Ltmp22, $4  }
0x316: {  	s12 =	simm.s32 @!p2 $0x9  }
0x317: {  	_ =	swait.ge @!p2 [sflag:s12], $0x200  }
0x318: {  	[sflag:s12] =	ssyncset.done @!p2 $0x0  }
0x319: {  	[sflag:s12] =	ssyncadd.s32 @!p2 $0xFFFFFE00  }
.LBB2_38:
0x31a: {  	s12 =	rddreg [dreg:$0xf]  }
0x31b: {  	[tilespmem:s17], [sflag:$0x9] =	stream.linear.gather [spmem:s12], $0x1E00, $0x38;
	[tilespmem:$0x1EA30] =	vst v63  }
0x31c: {  	_ =	swait.ge [sflag:s4], $0x1E00  }
0x31d: {  	[sflag:s4] =	ssyncset.done $0x0  }
0x31e: {  	s12 =	simm.s32 $0x9D20;
	[sflag:s4] =	ssyncadd.s32 $0xFFFFE200  }
0x31f: {  	s13 =	simm.s32 $0x0;
	v3 =	vld [tilespmem:s12+$0xFFFFFFF0]  }
0x320: {  	s13 =	sand.u32 $0x7F, s13;
	v5 =	vld [tilespmem:s12+$0x10]  }
0x321: {  	v7 =	vld.msk [tilespmem:s13+$0x14BA0 ss:$0x0], $0xffff  }
0x322: {  	v4 =	vld [tilespmem:s12+$0xFFFFFFE0]  }
0x323: {  	v8 =	vld [tilespmem:s12+$0x0];
	_ =	sdelay $0x3  }
0x324: {  	v4 =	vmul.f32 v7, v4;
	v6 =	vmul.f32 v5, v7  }
0x325: {  	s25 =	simm.s32 $0x9D20;
	s13 =	simm.s32 $0x1;
	v5 =	vmul.f32 v3, v7;
	v3 =	vmul.f32 v8, v7  }
.LBB2_39:
0x326: {  	p3 =	sne.s32 s13, $0x77  }
0x327: {  	[tilespmem:s12+$0x10] =	vst v6;
	s25 =	sadd.s32 $0x40, s25;
	s26 =	smov.u32 s13;
	s13 =	sadd.s32 $0x1, s13  }
0x328: {  	[tilespmem:s12+$0xFFFFFFE0] =	vst v4  }
0x329: {  	v7 =	vld [tilespmem:s25+$0xFFFFFFF0];
	[tilespmem:s12+$0xFFFFFFF0] =	vst v5  }
0x32a: {  	s26 =	sand.u32 $0x7F, s26;
	v5 =	vld [tilespmem:s25+$0x10];
	[tilespmem:s12+$0x0] =	vst v3;
	s12 =	smov.u32 s25  }
0x32b: {  	v3 =	vld.msk [tilespmem:s26+$0x14BA0 ss:$0x0], $0xffff  }
0x32c: {  	v4 =	vld [tilespmem:s25+$0xFFFFFFE0]  }
0x32d: {  	v8 =	vld [tilespmem:s25+$0x0]  }
.Ltmp23:
0x32e: {  	(pc) =	sbr.rel @p3 .LBB2_39-.Ltmp23, $3  }
0x32f: {  	_ =	sdelay $0x1  }
0x330: {  	v6 =	vmul.f32 v5, v3;
	v4 =	vmul.f32 v3, v4  }
0x331: {  	v5 =	vmul.f32 v7, v3;
	v3 =	vmul.f32 v8, v3  }
.Ltmp24:
0x332: {  	_ = 	snop;
	(pc) =	sbr.rel .LBB2_40-.Ltmp24, $1  }
0x333: {  	_ =	sdelay $0x3  }
.LBB2_45:
0x334: {  	_ =	sfence.sel $0x180000  }
0x335: {  	[bflag:$0x0] =	sbarrier.arrive $0xFFFF  }
0x336: {  	_ =	strace $0x90000047  }
0x337: {  	s0 =	stileid.u32;
	[bflag:$0x2] =	sbarrier.arrive $0xFFFF  }
0x338: {  	p0 =	sne.s32 s0, $0x0;
	s0 =	rddreg [dreg:$0x6]  }
0x339: {  	s0 =	sadd.s32 @!p0 $0x100000, s0  }
0x33a: {  	[sflag:s0] =	ssyncadd.tile.s32 @!p0 $0x1;
	_ =	shalt  }
.Lfunc_end2:
_tile_overlayer_lowered:
.L_overlay_start_2:
0x33b: {  	(tag) =	ssettag $0x2  }
0x33c: {  	s0 =	rddreg [dreg:$0x0];
	s2 =	stileid.u32  }
0x33d: {  	s1 =	rddreg [dreg:$0x1];
	p0 =	sne.s32 s2, $0x0  }
0x33e: {  	s3 =	rddreg [dreg:$0x2];
	[bflag:$0x3] =	sbarrier.arrive $0xFFFF;
	s2 =	simm.s32 @!p0 $0x1C09  }
0x33f: {  	[timem:s3], [sflag:s2] =	dma.local @!p0 [hbm:s0], s1  }
0x340: {  	s0 =	simm.s32 @!p0 $0x9  }
0x341: {  	_ =	swait.ge @!p0 [sflag:s0], s1  }
0x342: {  	s1 =	ssub.s32 @!p0 $0x0, s1;
	[sflag:s0] =	ssyncset.done @!p0 $0x0  }
0x343: {  	[sflag:s0] =	ssyncadd.s32 @!p0 s1  }
0x344: {  	[bflag:$0x3] =	sbarrier.arrive $0xFFFF  }
0x345: {  	_ =	shalt  }

</sc_bundles>
